<compile_context>
chip_gen: v7x
topology: tpu7x:2x2x1
jax: 0.10.2.dev20260603
libtpu: 0.0.44.dev20260713+nightly
codegen_flags: <defaults>
</compile_context>

<pallas_src>
import functools

import jax
import jax.numpy as jnp
from jax import lax
from jax.experimental import pallas as pl
from jax.experimental.pallas import tpu as pltpu
from jax.experimental.pallas import tpu_sc as plsc

B = 16384
HIST = 200
V_ID = 1000000
D = 32
D_CAT = 16

NC = 2
NS = 16
NW = NC * NS
BPW = B // NW
CS = 8
NCHUNK = BPW // CS

def _sc_body(uh_ref, pcat_ref, hist_tab, pcat_tab,
             hist_out, p2_out,
             hidx_a, hidx_b, hrows_a, hrows_b, accbuf,
             sidx, srows16, sem_a, sem_b, sem_s):
    wid = lax.axis_index("s") * NC + lax.axis_index("c")
    base = wid * BPW

    def fire(hidx, hrows, sem):
        for s in range(CS):
            pltpu.async_copy(hist_tab.at[hidx.at[s]],
                             hrows.at[pl.ds(s * HIST, HIST)], sem)

    def drain(hrows, sem):
        pltpu.make_async_copy(hist_tab.at[pl.ds(0, CS * HIST)], hrows,
                              sem).wait()

    def reduce(g, hrows):
        for s in range(CS):
            rbase = s * HIST

            def acc_body(k, carry2):
                a0, a1 = carry2
                for u in range(8):
                    r = rbase + k * 8 + u
                    a0 = a0 + hrows[r, pl.ds(0, 16)]
                    a1 = a1 + hrows[r, pl.ds(16, 16)]
                return a0, a1

            z = jnp.zeros((16,), jnp.float32)
            a0, a1 = lax.fori_loop(0, HIST // 8, acc_body, (z, z))
            accbuf[s, pl.ds(0, 16)] = a0
            accbuf[s, pl.ds(16, 16)] = a1
        pltpu.sync_copy(accbuf, hist_out.at[pl.ds(base + g * CS, CS)])

    pltpu.sync_copy(uh_ref.at[pl.ds(base, CS)], hidx_a)
    fire(hidx_a, hrows_a, sem_a)

    def pair(k, carry):
        g0 = 2 * k
        pltpu.sync_copy(uh_ref.at[pl.ds(base + (g0 + 1) * CS, CS)], hidx_b)
        fire(hidx_b, hrows_b, sem_b)
        drain(hrows_a, sem_a)
        reduce(g0, hrows_a)

        @pl.when(k < NCHUNK // 2 - 1)
        def _():
            pltpu.sync_copy(uh_ref.at[pl.ds(base + (g0 + 2) * CS, CS)],
                            hidx_a)
            fire(hidx_a, hrows_a, sem_a)

        drain(hrows_b, sem_b)
        reduce(g0 + 1, hrows_b)
        return carry

    lax.fori_loop(0, NCHUNK // 2, pair, 0)

    for h in range(2):
        pltpu.sync_copy(pcat_ref.at[pl.ds(base + h * (BPW // 2), BPW // 2)],
                        sidx)
        pltpu.async_copy(pcat_tab.at[sidx], srows16, sem_s).wait()
        pltpu.sync_copy(srows16,
                        p2_out.at[pl.ds(base + h * (BPW // 2), BPW // 2)])


def _sc_small_body(uid_ref, pid_ref, uid_tab, pid_tab,
                   u1_out, p1_out, sidx_u, sidx_p, rows_u, rows_p, sem):
    wid = lax.axis_index("s") * NC + lax.axis_index("c")
    base = wid * BPW
    pltpu.sync_copy(uid_ref.at[pl.ds(base, BPW)], sidx_u)
    pltpu.sync_copy(pid_ref.at[pl.ds(base, BPW)], sidx_p)
    h1 = pltpu.async_copy(uid_tab.at[sidx_u], rows_u, sem)
    h2 = pltpu.async_copy(pid_tab.at[sidx_p], rows_p, sem)
    h1.wait()
    h2.wait()
    pltpu.sync_copy(rows_u, u1_out.at[pl.ds(base, BPW)])
    pltpu.sync_copy(rows_p, p1_out.at[pl.ds(base, BPW)])


def _dense_mm(x_ref, w_ref, b_ref, o_ref):
    o_ref[...] = (jnp.dot(x_ref[...], w_ref[...],
                          preferred_element_type=jnp.float32) + b_ref[...])


def kernel(user_id, user_history, user_dense, product_id, product_category,
           product_dense, user_id_table, user_hist_table, product_id_table,
           product_cat_table, W_dense, b_dense):
    mesh = plsc.VectorSubcoreMesh(core_axis_name="c", subcore_axis_name="s")
    sc = functools.partial(
        pl.kernel, mesh=mesh,
        compiler_params=pltpu.CompilerParams(use_tc_tiling_on_sc=False),
        out_type=[
            jax.ShapeDtypeStruct((B, D), jnp.float32),
            jax.ShapeDtypeStruct((B, D_CAT), jnp.float32),
        ],
        scratch_types=[
            pltpu.VMEM((CS, HIST), jnp.int32),
            pltpu.VMEM((CS, HIST), jnp.int32),
            pltpu.VMEM((CS * HIST, D), jnp.float32),
            pltpu.VMEM((CS * HIST, D), jnp.float32),
            pltpu.VMEM((CS, D), jnp.float32),
            pltpu.VMEM((BPW // 2,), jnp.int32),
            pltpu.VMEM((BPW // 2, D_CAT), jnp.float32),
            pltpu.SemaphoreType.DMA,
            pltpu.SemaphoreType.DMA,
            pltpu.SemaphoreType.DMA,
        ],
    )(_sc_body)
    hist_sum, p2 = sc(user_history, product_category,
                      user_hist_table, product_cat_table)

    sc_lk = functools.partial(
        pl.kernel, mesh=mesh,
        compiler_params=pltpu.CompilerParams(use_tc_tiling_on_sc=False),
        out_type=[
            jax.ShapeDtypeStruct((B, D), jnp.float32),
            jax.ShapeDtypeStruct((B, D), jnp.float32),
        ],
        scratch_types=[
            pltpu.VMEM((BPW,), jnp.int32),
            pltpu.VMEM((BPW,), jnp.int32),
            pltpu.VMEM((BPW, D), jnp.float32),
            pltpu.VMEM((BPW, D), jnp.float32),
            pltpu.SemaphoreType.DMA,
        ],
    )(_sc_small_body)
    u1, p1 = sc_lk(user_id, product_id, user_id_table, product_id_table)

    p3 = pl.pallas_call(
        _dense_mm,
        grid=(8,),
        in_specs=[
            pl.BlockSpec((B // 8, 64), lambda i: (i, 0)),
            pl.BlockSpec((64, D), lambda i: (0, 0)),
            pl.BlockSpec((1, D), lambda i: (0, 0)),
        ],
        out_specs=pl.BlockSpec((B // 8, D), lambda i: (i, 0)),
        out_shape=jax.ShapeDtypeStruct((B, D), jnp.float32),
    )(product_dense, W_dense, b_dense.reshape(1, D))

    user_out = jnp.concatenate([u1, hist_sum, user_dense], axis=-1)
    product_out = jnp.concatenate([p1, p2, p3], axis=-1)
    return (user_out, product_out)

# --- scband reference (transcript-rebuilt; emitter-appended) ---
"""Pipeline reference for scband-feature-embedder-42580305773261 (READ-ONLY COPY).

The authoritative reference and input builder live on the scoring server;
editing this copy changes nothing except your own understanding.
"""

import jax, jax.numpy as jnp
import numpy as np

B = 16384
HIST = 200
V_ID = 1000000
V_CAT = 1000
D = 32
D_CAT = 16
D_DENSE_IN = 64
D_USER_DENSE = 16


def setup_inputs(seed: int = 0) -> dict:
    key = jax.random.key(seed)
    ks = jax.random.split(key, 12)
    return {
        "user_id": jax.random.randint(ks[0], (B,), 0, V_ID),
        "user_history": jax.random.randint(ks[1], (B, HIST), 0, V_ID),
        "user_dense": jax.random.normal(ks[2], (B, D_USER_DENSE), dtype=jnp.float32),
        "product_id": jax.random.randint(ks[3], (B,), 0, V_ID),
        "product_category": jax.random.randint(ks[4], (B,), 0, V_CAT),
        "product_dense": jax.random.normal(ks[5], (B, D_DENSE_IN), dtype=jnp.float32),
        "user_id_table": jax.random.normal(ks[6], (V_ID, D), dtype=jnp.float32) * 0.02,
        "user_hist_table": jax.random.normal(ks[7], (V_ID, D), dtype=jnp.float32) * 0.02,
        "product_id_table": jax.random.normal(ks[8], (V_ID, D), dtype=jnp.float32) * 0.02,
        "product_cat_table": jax.random.normal(ks[9], (V_CAT, D_CAT), dtype=jnp.float32) * 0.02,
        "W_dense": jax.random.normal(ks[10], (D_DENSE_IN, D), dtype=jnp.float32) * 0.05,
        "b_dense": jnp.zeros((D,), dtype=jnp.float32),
    }


def reference(user_id, user_history, user_dense, product_id, product_category,
              product_dense, user_id_table, user_hist_table, product_id_table,
              product_cat_table, W_dense, b_dense):
    # user_config:
    #   user_id      -> EnumEmbedding(1000000, 32)
    #   user_history -> BatchedEnumEmbedding(1000000, 32, collapse_dims=-1, collapse_method='add')
    #                   collapse_dims == target_dims so no movedim/flatten; embed then sum over dim=-2
    #   user_dense   -> IdentityEmbedding (passed through unchanged)
    u1 = jnp.take(user_id_table, user_id, axis=0)                      # [B, 32]
    u2 = jnp.take(user_hist_table, user_history, axis=0).sum(axis=-2)  # [B, HIST, 32] -> [B, 32]
    user_out = jnp.concatenate([u1, u2, user_dense], axis=-1)          # [B, 80]
    # product_config:
    #   product_id       -> EnumEmbedding(1000000, 32)
    #   product_category -> EnumEmbedding(1000, 16)
    #   product_dense    -> LinearEmbedding(64, 32, bias=True)
    p1 = jnp.take(product_id_table, product_id, axis=0)                # [B, 32]
    p2 = jnp.take(product_cat_table, product_category, axis=0)         # [B, 16]
    p3 = product_dense @ W_dense + b_dense                             # [B, 32]
    product_out = jnp.concatenate([p1, p2, p3], axis=-1)               # [B, 80]
    return (user_out, product_out)

if __name__ == "__main__":
    import jax
    _d = setup_inputs()
    print(jax.jit(kernel)(*tuple(_d.values())))

</pallas_src>

<mosaic_0001>
#map = affine_map<(d0, d1) -> (0, 0)>
#map1 = affine_map<(d0, d1) -> (0)>
module attributes {stable_mosaic.version = 14 : i64} {
  func.func @_sc_body(%arg0: i32, %arg1: i32, %arg2: memref<16384x200xi32, #tpu.memory_space<hbm>>, %arg3: memref<16384xi32, #tpu.memory_space<hbm>>, %arg4: memref<1000000x32xf32, #tpu.memory_space<hbm>>, %arg5: memref<1000x16xf32, #tpu.memory_space<hbm>>, %arg6: memref<16384x32xf32, #tpu.memory_space<hbm>>, %arg7: memref<16384x16xf32, #tpu.memory_space<hbm>>, %arg8: memref<8x200xi32, #tpu.memory_space<vmem>>, %arg9: memref<8x200xi32, #tpu.memory_space<vmem>>, %arg10: memref<1600x32xf32, #tpu.memory_space<vmem>>, %arg11: memref<1600x32xf32, #tpu.memory_space<vmem>>, %arg12: memref<8x32xf32, #tpu.memory_space<vmem>>, %arg13: memref<256xi32, #tpu.memory_space<vmem>>, %arg14: memref<256x16xf32, #tpu.memory_space<vmem>>, %arg15: memref<!tpu.dma_semaphore, #tpu.memory_space<semaphore_mem>>, %arg16: memref<!tpu.dma_semaphore, #tpu.memory_space<semaphore_mem>>, %arg17: memref<!tpu.dma_semaphore, #tpu.memory_space<semaphore_mem>>) attributes {dimension_semantics = [#tpu.dimension_semantics<core_parallel>, #tpu.dimension_semantics<subcore_parallel>], iteration_bounds = array<i64: 2, 16>, scalar_prefetch = 0 : i64, scratch_operands = 10 : i64, tpu.core_type = #tpu.core_type<sc_vector_subcore>, window_params = [{transform_indices = #map}, {transform_indices = #map1}, {transform_indices = #map}, {transform_indices = #map}, {transform_indices = #map}, {transform_indices = #map}]} {
    %mul3A = arith.constant 2 : i32
    %mul3A_0 = arith.muli %arg1, %mul3A : i32
    %add3A = arith.addi %mul3A_0, %arg0 : i32
    %mul3A_1 = arith.constant 512 : i32
    %mul3A_2 = arith.muli %add3A, %mul3A_1 : i32
    "tpu.region"() ({
      %run_scoped3A = tpu.sem_alloc : memref<!tpu.dma_semaphore, #tpu.memory_space<semaphore_mem>>
      %dma_start3A_106 = arith.constant 0 : i32
      %dma_start3A_107 = tpu.memref_slice %arg2[%mul3A_2, %dma_start3A_106] : memref<16384x200xi32, #tpu.memory_space<hbm>> -> memref<8x200xi32, #tpu.memory_space<hbm>>
      %dma_start3A_108 = arith.constant 0 : i32
      %dma_start3A_109 = tpu.memref_slice %arg2[%mul3A_2, %dma_start3A_108] : memref<16384x200xi32, #tpu.memory_space<hbm>> -> memref<8x200xi32, #tpu.memory_space<hbm>>
      tpu.enqueue_dma source(%dma_start3A_109 : memref<8x200xi32, #tpu.memory_space<hbm>>) target(%arg8 : memref<8x200xi32, #tpu.memory_space<vmem>>) target_semaphore(%run_scoped3A : memref<!tpu.dma_semaphore, #tpu.memory_space<semaphore_mem>>)
      %dma_wait3A_110 = arith.constant 0 : i32
      %dma_wait3A_111 = tpu.memref_slice %arg2[%mul3A_2, %dma_wait3A_110] : memref<16384x200xi32, #tpu.memory_space<hbm>> -> memref<8x200xi32, #tpu.memory_space<hbm>>
      %dma_wait3A_112 = arith.constant 0 : i32
      %dma_wait3A_113 = tpu.memref_slice %arg2[%mul3A_2, %dma_wait3A_112] : memref<16384x200xi32, #tpu.memory_space<hbm>> -> memref<8x200xi32, #tpu.memory_space<hbm>>
      tpu.wait_dma2 semaphore(%run_scoped3A : memref<!tpu.dma_semaphore, #tpu.memory_space<semaphore_mem>>) src(%dma_wait3A_113 : memref<8x200xi32, #tpu.memory_space<hbm>>) dst(%arg8 : memref<8x200xi32, #tpu.memory_space<vmem>>)
      tpu.yield
    }) : () -> ()
    %dma_start3A = arith.constant 0 : i32
    %dma_start3A_3 = arith.constant 0 : i32
    %dma_start3A_4 = arith.constant 0 : i32
    %dma_start3A_5 = tpu.memref_slice %arg10[%dma_start3A_3, %dma_start3A_4] : memref<1600x32xf32, #tpu.memory_space<vmem>> -> memref<200x32xf32, #tpu.memory_space<vmem>>
    %dma_start3A_6 = arith.constant 0 : i32
    %dma_start3A_7 = tpu.memref_slice %arg8[%dma_start3A, %dma_start3A_6] : memref<8x200xi32, #tpu.memory_space<vmem>> -> memref<1x200xi32, #tpu.memory_space<vmem>>
    %dma_start3A_8 = tpu.memref_squeeze %dma_start3A_7 : memref<1x200xi32, #tpu.memory_space<vmem>> -> memref<200xi32, #tpu.memory_space<vmem>>
    %dma_start3A_9 = arith.constant 0 : i32
    %dma_start3A_10 = arith.constant 0 : i32
    %dma_start3A_11 = tpu.memref_slice %arg4[%dma_start3A_9, %dma_start3A_10] : memref<1000000x32xf32, #tpu.memory_space<hbm>> -> memref<1000000x32xf32, #tpu.memory_space<hbm>>
    tpu.enqueue_indirect_dma source(%dma_start3A_11 : memref<1000000x32xf32, #tpu.memory_space<hbm>>) target(%dma_start3A_5 : memref<200x32xf32, #tpu.memory_space<vmem>>) offsets(%dma_start3A_8 : memref<200xi32, #tpu.memory_space<vmem>>) semaphore(%arg15 : memref<!tpu.dma_semaphore, #tpu.memory_space<semaphore_mem>>)
    %dma_start3A_12 = arith.constant 1 : i32
    %dma_start3A_13 = arith.constant 200 : i32
    %dma_start3A_14 = arith.constant 0 : i32
    %dma_start3A_15 = tpu.memref_slice %arg10[%dma_start3A_13, %dma_start3A_14] : memref<1600x32xf32, #tpu.memory_space<vmem>> -> memref<200x32xf32, #tpu.memory_space<vmem>>
    %dma_start3A_16 = arith.constant 0 : i32
    %dma_start3A_17 = tpu.memref_slice %arg8[%dma_start3A_12, %dma_start3A_16] : memref<8x200xi32, #tpu.memory_space<vmem>> -> memref<1x200xi32, #tpu.memory_space<vmem>>
    %dma_start3A_18 = tpu.memref_squeeze %dma_start3A_17 : memref<1x200xi32, #tpu.memory_space<vmem>> -> memref<200xi32, #tpu.memory_space<vmem>>
    %dma_start3A_19 = arith.constant 0 : i32
    %dma_start3A_20 = arith.constant 0 : i32
    %dma_start3A_21 = tpu.memref_slice %arg4[%dma_start3A_19, %dma_start3A_20] : memref<1000000x32xf32, #tpu.memory_space<hbm>> -> memref<1000000x32xf32, #tpu.memory_space<hbm>>
    tpu.enqueue_indirect_dma source(%dma_start3A_21 : memref<1000000x32xf32, #tpu.memory_space<hbm>>) target(%dma_start3A_15 : memref<200x32xf32, #tpu.memory_space<vmem>>) offsets(%dma_start3A_18 : memref<200xi32, #tpu.memory_space<vmem>>) semaphore(%arg15 : memref<!tpu.dma_semaphore, #tpu.memory_space<semaphore_mem>>)
    %dma_start3A_22 = arith.constant 2 : i32
    %dma_start3A_23 = arith.constant 400 : i32
    %dma_start3A_24 = arith.constant 0 : i32
    %dma_start3A_25 = tpu.memref_slice %arg10[%dma_start3A_23, %dma_start3A_24] : memref<1600x32xf32, #tpu.memory_space<vmem>> -> memref<200x32xf32, #tpu.memory_space<vmem>>
    %dma_start3A_26 = arith.constant 0 : i32
    %dma_start3A_27 = tpu.memref_slice %arg8[%dma_start3A_22, %dma_start3A_26] : memref<8x200xi32, #tpu.memory_space<vmem>> -> memref<1x200xi32, #tpu.memory_space<vmem>>
    %dma_start3A_28 = tpu.memref_squeeze %dma_start3A_27 : memref<1x200xi32, #tpu.memory_space<vmem>> -> memref<200xi32, #tpu.memory_space<vmem>>
    %dma_start3A_29 = arith.constant 0 : i32
    %dma_start3A_30 = arith.constant 0 : i32
    %dma_start3A_31 = tpu.memref_slice %arg4[%dma_start3A_29, %dma_start3A_30] : memref<1000000x32xf32, #tpu.memory_space<hbm>> -> memref<1000000x32xf32, #tpu.memory_space<hbm>>
    tpu.enqueue_indirect_dma source(%dma_start3A_31 : memref<1000000x32xf32, #tpu.memory_space<hbm>>) target(%dma_start3A_25 : memref<200x32xf32, #tpu.memory_space<vmem>>) offsets(%dma_start3A_28 : memref<200xi32, #tpu.memory_space<vmem>>) semaphore(%arg15 : memref<!tpu.dma_semaphore, #tpu.memory_space<semaphore_mem>>)
    %dma_start3A_32 = arith.constant 3 : i32
    %dma_start3A_33 = arith.constant 600 : i32
    %dma_start3A_34 = arith.constant 0 : i32
    %dma_start3A_35 = tpu.memref_slice %arg10[%dma_start3A_33, %dma_start3A_34] : memref<1600x32xf32, #tpu.memory_space<vmem>> -> memref<200x32xf32, #tpu.memory_space<vmem>>
    %dma_start3A_36 = arith.constant 0 : i32
    %dma_start3A_37 = tpu.memref_slice %arg8[%dma_start3A_32, %dma_start3A_36] : memref<8x200xi32, #tpu.memory_space<vmem>> -> memref<1x200xi32, #tpu.memory_space<vmem>>
    %dma_start3A_38 = tpu.memref_squeeze %dma_start3A_37 : memref<1x200xi32, #tpu.memory_space<vmem>> -> memref<200xi32, #tpu.memory_space<vmem>>
    %dma_start3A_39 = arith.constant 0 : i32
    %dma_start3A_40 = arith.constant 0 : i32
    %dma_start3A_41 = tpu.memref_slice %arg4[%dma_start3A_39, %dma_start3A_40] : memref<1000000x32xf32, #tpu.memory_space<hbm>> -> memref<1000000x32xf32, #tpu.memory_space<hbm>>
    tpu.enqueue_indirect_dma source(%dma_start3A_41 : memref<1000000x32xf32, #tpu.memory_space<hbm>>) target(%dma_start3A_35 : memref<200x32xf32, #tpu.memory_space<vmem>>) offsets(%dma_start3A_38 : memref<200xi32, #tpu.memory_space<vmem>>) semaphore(%arg15 : memref<!tpu.dma_semaphore, #tpu.memory_space<semaphore_mem>>)
    %dma_start3A_42 = arith.constant 4 : i32
    %dma_start3A_43 = arith.constant 800 : i32
    %dma_start3A_44 = arith.constant 0 : i32
    %dma_start3A_45 = tpu.memref_slice %arg10[%dma_start3A_43, %dma_start3A_44] : memref<1600x32xf32, #tpu.memory_space<vmem>> -> memref<200x32xf32, #tpu.memory_space<vmem>>
    %dma_start3A_46 = arith.constant 0 : i32
    %dma_start3A_47 = tpu.memref_slice %arg8[%dma_start3A_42, %dma_start3A_46] : memref<8x200xi32, #tpu.memory_space<vmem>> -> memref<1x200xi32, #tpu.memory_space<vmem>>
    %dma_start3A_48 = tpu.memref_squeeze %dma_start3A_47 : memref<1x200xi32, #tpu.memory_space<vmem>> -> memref<200xi32, #tpu.memory_space<vmem>>
    %dma_start3A_49 = arith.constant 0 : i32
    %dma_start3A_50 = arith.constant 0 : i32
    %dma_start3A_51 = tpu.memref_slice %arg4[%dma_start3A_49, %dma_start3A_50] : memref<1000000x32xf32, #tpu.memory_space<hbm>> -> memref<1000000x32xf32, #tpu.memory_space<hbm>>
    tpu.enqueue_indirect_dma source(%dma_start3A_51 : memref<1000000x32xf32, #tpu.memory_space<hbm>>) target(%dma_start3A_45 : memref<200x32xf32, #tpu.memory_space<vmem>>) offsets(%dma_start3A_48 : memref<200xi32, #tpu.memory_space<vmem>>) semaphore(%arg15 : memref<!tpu.dma_semaphore, #tpu.memory_space<semaphore_mem>>)
    %dma_start3A_52 = arith.constant 5 : i32
    %dma_start3A_53 = arith.constant 1000 : i32
    %dma_start3A_54 = arith.constant 0 : i32
    %dma_start3A_55 = tpu.memref_slice %arg10[%dma_start3A_53, %dma_start3A_54] : memref<1600x32xf32, #tpu.memory_space<vmem>> -> memref<200x32xf32, #tpu.memory_space<vmem>>
    %dma_start3A_56 = arith.constant 0 : i32
    %dma_start3A_57 = tpu.memref_slice %arg8[%dma_start3A_52, %dma_start3A_56] : memref<8x200xi32, #tpu.memory_space<vmem>> -> memref<1x200xi32, #tpu.memory_space<vmem>>
    %dma_start3A_58 = tpu.memref_squeeze %dma_start3A_57 : memref<1x200xi32, #tpu.memory_space<vmem>> -> memref<200xi32, #tpu.memory_space<vmem>>
    %dma_start3A_59 = arith.constant 0 : i32
    %dma_start3A_60 = arith.constant 0 : i32
    %dma_start3A_61 = tpu.memref_slice %arg4[%dma_start3A_59, %dma_start3A_60] : memref<1000000x32xf32, #tpu.memory_space<hbm>> -> memref<1000000x32xf32, #tpu.memory_space<hbm>>
    tpu.enqueue_indirect_dma source(%dma_start3A_61 : memref<1000000x32xf32, #tpu.memory_space<hbm>>) target(%dma_start3A_55 : memref<200x32xf32, #tpu.memory_space<vmem>>) offsets(%dma_start3A_58 : memref<200xi32, #tpu.memory_space<vmem>>) semaphore(%arg15 : memref<!tpu.dma_semaphore, #tpu.memory_space<semaphore_mem>>)
    %dma_start3A_62 = arith.constant 6 : i32
    %dma_start3A_63 = arith.constant 1200 : i32
    %dma_start3A_64 = arith.constant 0 : i32
    %dma_start3A_65 = tpu.memref_slice %arg10[%dma_start3A_63, %dma_start3A_64] : memref<1600x32xf32, #tpu.memory_space<vmem>> -> memref<200x32xf32, #tpu.memory_space<vmem>>
    %dma_start3A_66 = arith.constant 0 : i32
    %dma_start3A_67 = tpu.memref_slice %arg8[%dma_start3A_62, %dma_start3A_66] : memref<8x200xi32, #tpu.memory_space<vmem>> -> memref<1x200xi32, #tpu.memory_space<vmem>>
    %dma_start3A_68 = tpu.memref_squeeze %dma_start3A_67 : memref<1x200xi32, #tpu.memory_space<vmem>> -> memref<200xi32, #tpu.memory_space<vmem>>
    %dma_start3A_69 = arith.constant 0 : i32
    %dma_start3A_70 = arith.constant 0 : i32
    %dma_start3A_71 = tpu.memref_slice %arg4[%dma_start3A_69, %dma_start3A_70] : memref<1000000x32xf32, #tpu.memory_space<hbm>> -> memref<1000000x32xf32, #tpu.memory_space<hbm>>
    tpu.enqueue_indirect_dma source(%dma_start3A_71 : memref<1000000x32xf32, #tpu.memory_space<hbm>>) target(%dma_start3A_65 : memref<200x32xf32, #tpu.memory_space<vmem>>) offsets(%dma_start3A_68 : memref<200xi32, #tpu.memory_space<vmem>>) semaphore(%arg15 : memref<!tpu.dma_semaphore, #tpu.memory_space<semaphore_mem>>)
    %dma_start3A_72 = arith.constant 7 : i32
    %dma_start3A_73 = arith.constant 1400 : i32
    %dma_start3A_74 = arith.constant 0 : i32
    %dma_start3A_75 = tpu.memref_slice %arg10[%dma_start3A_73, %dma_start3A_74] : memref<1600x32xf32, #tpu.memory_space<vmem>> -> memref<200x32xf32, #tpu.memory_space<vmem>>
    %dma_start3A_76 = arith.constant 0 : i32
    %dma_start3A_77 = tpu.memref_slice %arg8[%dma_start3A_72, %dma_start3A_76] : memref<8x200xi32, #tpu.memory_space<vmem>> -> memref<1x200xi32, #tpu.memory_space<vmem>>
    %dma_start3A_78 = tpu.memref_squeeze %dma_start3A_77 : memref<1x200xi32, #tpu.memory_space<vmem>> -> memref<200xi32, #tpu.memory_space<vmem>>
    %dma_start3A_79 = arith.constant 0 : i32
    %dma_start3A_80 = arith.constant 0 : i32
    %dma_start3A_81 = tpu.memref_slice %arg4[%dma_start3A_79, %dma_start3A_80] : memref<1000000x32xf32, #tpu.memory_space<hbm>> -> memref<1000000x32xf32, #tpu.memory_space<hbm>>
    tpu.enqueue_indirect_dma source(%dma_start3A_81 : memref<1000000x32xf32, #tpu.memory_space<hbm>>) target(%dma_start3A_75 : memref<200x32xf32, #tpu.memory_space<vmem>>) offsets(%dma_start3A_78 : memref<200xi32, #tpu.memory_space<vmem>>) semaphore(%arg15 : memref<!tpu.dma_semaphore, #tpu.memory_space<semaphore_mem>>)
    %scan3A = arith.constant 0 : i32
    %scan3A_82 = arith.constant 0 : i32
    %scan3A_83 = arith.constant 32 : i32
    %scan3A_84 = arith.addi %scan3A_82, %scan3A_83 : i32
    %scan3A_85 = arith.constant 1 : i32
    scf.for %scan3A_106 = %scan3A_82 to %scan3A_84 step %scan3A_85  : i32 {
      %mul3A_107 = arith.constant 2 : i32
      %mul3A_108 = arith.muli %mul3A_107, %scan3A_106 : i32
      %add3A_109 = arith.constant 1 : i32
      %add3A_110 = arith.addi %mul3A_108, %add3A_109 : i32
      %mul3A_111 = arith.constant 8 : i32
      %mul3A_112 = arith.muli %add3A_110, %mul3A_111 : i32
      %add3A_113 = arith.addi %mul3A_2, %mul3A_112 : i32
      "tpu.region"() ({
        %run_scoped3A = tpu.sem_alloc : memref<!tpu.dma_semaphore, #tpu.memory_space<semaphore_mem>>
        %dma_start3A_534 = arith.constant 0 : i32
        %dma_start3A_535 = tpu.memref_slice %arg2[%add3A_113, %dma_start3A_534] : memref<16384x200xi32, #tpu.memory_space<hbm>> -> memref<8x200xi32, #tpu.memory_space<hbm>>
        %dma_start3A_536 = arith.constant 0 : i32
        %dma_start3A_537 = tpu.memref_slice %arg2[%add3A_113, %dma_start3A_536] : memref<16384x200xi32, #tpu.memory_space<hbm>> -> memref<8x200xi32, #tpu.memory_space<hbm>>
        tpu.enqueue_dma source(%dma_start3A_537 : memref<8x200xi32, #tpu.memory_space<hbm>>) target(%arg9 : memref<8x200xi32, #tpu.memory_space<vmem>>) target_semaphore(%run_scoped3A : memref<!tpu.dma_semaphore, #tpu.memory_space<semaphore_mem>>)
        %dma_wait3A_538 = arith.constant 0 : i32
        %dma_wait3A_539 = tpu.memref_slice %arg2[%add3A_113, %dma_wait3A_538] : memref<16384x200xi32, #tpu.memory_space<hbm>> -> memref<8x200xi32, #tpu.memory_space<hbm>>
        %dma_wait3A_540 = arith.constant 0 : i32
        %dma_wait3A_541 = tpu.memref_slice %arg2[%add3A_113, %dma_wait3A_540] : memref<16384x200xi32, #tpu.memory_space<hbm>> -> memref<8x200xi32, #tpu.memory_space<hbm>>
        tpu.wait_dma2 semaphore(%run_scoped3A : memref<!tpu.dma_semaphore, #tpu.memory_space<semaphore_mem>>) src(%dma_wait3A_541 : memref<8x200xi32, #tpu.memory_space<hbm>>) dst(%arg9 : memref<8x200xi32, #tpu.memory_space<vmem>>)
        tpu.yield
      }) : () -> ()
      %dma_start3A_114 = arith.constant 0 : i32
      %dma_start3A_115 = arith.constant 0 : i32
      %dma_start3A_116 = arith.constant 0 : i32
      %dma_start3A_117 = tpu.memref_slice %arg11[%dma_start3A_115, %dma_start3A_116] : memref<1600x32xf32, #tpu.memory_space<vmem>> -> memref<200x32xf32, #tpu.memory_space<vmem>>
      %dma_start3A_118 = arith.constant 0 : i32
      %dma_start3A_119 = tpu.memref_slice %arg9[%dma_start3A_114, %dma_start3A_118] : memref<8x200xi32, #tpu.memory_space<vmem>> -> memref<1x200xi32, #tpu.memory_space<vmem>>
      %dma_start3A_120 = tpu.memref_squeeze %dma_start3A_119 : memref<1x200xi32, #tpu.memory_space<vmem>> -> memref<200xi32, #tpu.memory_space<vmem>>
      %dma_start3A_121 = arith.constant 0 : i32
      %dma_start3A_122 = arith.constant 0 : i32
      %dma_start3A_123 = tpu.memref_slice %arg4[%dma_start3A_121, %dma_start3A_122] : memref<1000000x32xf32, #tpu.memory_space<hbm>> -> memref<1000000x32xf32, #tpu.memory_space<hbm>>
      tpu.enqueue_indirect_dma source(%dma_start3A_123 : memref<1000000x32xf32, #tpu.memory_space<hbm>>) target(%dma_start3A_117 : memref<200x32xf32, #tpu.memory_space<vmem>>) offsets(%dma_start3A_120 : memref<200xi32, #tpu.memory_space<vmem>>) semaphore(%arg16 : memref<!tpu.dma_semaphore, #tpu.memory_space<semaphore_mem>>)
      %dma_start3A_124 = arith.constant 1 : i32
      %dma_start3A_125 = arith.constant 200 : i32
      %dma_start3A_126 = arith.constant 0 : i32
      %dma_start3A_127 = tpu.memref_slice %arg11[%dma_start3A_125, %dma_start3A_126] : memref<1600x32xf32, #tpu.memory_space<vmem>> -> memref<200x32xf32, #tpu.memory_space<vmem>>
      %dma_start3A_128 = arith.constant 0 : i32
      %dma_start3A_129 = tpu.memref_slice %arg9[%dma_start3A_124, %dma_start3A_128] : memref<8x200xi32, #tpu.memory_space<vmem>> -> memref<1x200xi32, #tpu.memory_space<vmem>>
      %dma_start3A_130 = tpu.memref_squeeze %dma_start3A_129 : memref<1x200xi32, #tpu.memory_space<vmem>> -> memref<200xi32, #tpu.memory_space<vmem>>
      %dma_start3A_131 = arith.constant 0 : i32
      %dma_start3A_132 = arith.constant 0 : i32
      %dma_start3A_133 = tpu.memref_slice %arg4[%dma_start3A_131, %dma_start3A_132] : memref<1000000x32xf32, #tpu.memory_space<hbm>> -> memref<1000000x32xf32, #tpu.memory_space<hbm>>
      tpu.enqueue_indirect_dma source(%dma_start3A_133 : memref<1000000x32xf32, #tpu.memory_space<hbm>>) target(%dma_start3A_127 : memref<200x32xf32, #tpu.memory_space<vmem>>) offsets(%dma_start3A_130 : memref<200xi32, #tpu.memory_space<vmem>>) semaphore(%arg16 : memref<!tpu.dma_semaphore, #tpu.memory_space<semaphore_mem>>)
      %dma_start3A_134 = arith.constant 2 : i32
      %dma_start3A_135 = arith.constant 400 : i32
      %dma_start3A_136 = arith.constant 0 : i32
      %dma_start3A_137 = tpu.memref_slice %arg11[%dma_start3A_135, %dma_start3A_136] : memref<1600x32xf32, #tpu.memory_space<vmem>> -> memref<200x32xf32, #tpu.memory_space<vmem>>
      %dma_start3A_138 = arith.constant 0 : i32
      %dma_start3A_139 = tpu.memref_slice %arg9[%dma_start3A_134, %dma_start3A_138] : memref<8x200xi32, #tpu.memory_space<vmem>> -> memref<1x200xi32, #tpu.memory_space<vmem>>
      %dma_start3A_140 = tpu.memref_squeeze %dma_start3A_139 : memref<1x200xi32, #tpu.memory_space<vmem>> -> memref<200xi32, #tpu.memory_space<vmem>>
      %dma_start3A_141 = arith.constant 0 : i32
      %dma_start3A_142 = arith.constant 0 : i32
      %dma_start3A_143 = tpu.memref_slice %arg4[%dma_start3A_141, %dma_start3A_142] : memref<1000000x32xf32, #tpu.memory_space<hbm>> -> memref<1000000x32xf32, #tpu.memory_space<hbm>>
      tpu.enqueue_indirect_dma source(%dma_start3A_143 : memref<1000000x32xf32, #tpu.memory_space<hbm>>) target(%dma_start3A_137 : memref<200x32xf32, #tpu.memory_space<vmem>>) offsets(%dma_start3A_140 : memref<200xi32, #tpu.memory_space<vmem>>) semaphore(%arg16 : memref<!tpu.dma_semaphore, #tpu.memory_space<semaphore_mem>>)
      %dma_start3A_144 = arith.constant 3 : i32
      %dma_start3A_145 = arith.constant 600 : i32
      %dma_start3A_146 = arith.constant 0 : i32
      %dma_start3A_147 = tpu.memref_slice %arg11[%dma_start3A_145, %dma_start3A_146] : memref<1600x32xf32, #tpu.memory_space<vmem>> -> memref<200x32xf32, #tpu.memory_space<vmem>>
      %dma_start3A_148 = arith.constant 0 : i32
      %dma_start3A_149 = tpu.memref_slice %arg9[%dma_start3A_144, %dma_start3A_148] : memref<8x200xi32, #tpu.memory_space<vmem>> -> memref<1x200xi32, #tpu.memory_space<vmem>>
      %dma_start3A_150 = tpu.memref_squeeze %dma_start3A_149 : memref<1x200xi32, #tpu.memory_space<vmem>> -> memref<200xi32, #tpu.memory_space<vmem>>
      %dma_start3A_151 = arith.constant 0 : i32
      %dma_start3A_152 = arith.constant 0 : i32
      %dma_start3A_153 = tpu.memref_slice %arg4[%dma_start3A_151, %dma_start3A_152] : memref<1000000x32xf32, #tpu.memory_space<hbm>> -> memref<1000000x32xf32, #tpu.memory_space<hbm>>
      tpu.enqueue_indirect_dma source(%dma_start3A_153 : memref<1000000x32xf32, #tpu.memory_space<hbm>>) target(%dma_start3A_147 : memref<200x32xf32, #tpu.memory_space<vmem>>) offsets(%dma_start3A_150 : memref<200xi32, #tpu.memory_space<vmem>>) semaphore(%arg16 : memref<!tpu.dma_semaphore, #tpu.memory_space<semaphore_mem>>)
      %dma_start3A_154 = arith.constant 4 : i32
      %dma_start3A_155 = arith.constant 800 : i32
      %dma_start3A_156 = arith.constant 0 : i32
      %dma_start3A_157 = tpu.memref_slice %arg11[%dma_start3A_155, %dma_start3A_156] : memref<1600x32xf32, #tpu.memory_space<vmem>> -> memref<200x32xf32, #tpu.memory_space<vmem>>
      %dma_start3A_158 = arith.constant 0 : i32
      %dma_start3A_159 = tpu.memref_slice %arg9[%dma_start3A_154, %dma_start3A_158] : memref<8x200xi32, #tpu.memory_space<vmem>> -> memref<1x200xi32, #tpu.memory_space<vmem>>
      %dma_start3A_160 = tpu.memref_squeeze %dma_start3A_159 : memref<1x200xi32, #tpu.memory_space<vmem>> -> memref<200xi32, #tpu.memory_space<vmem>>
      %dma_start3A_161 = arith.constant 0 : i32
      %dma_start3A_162 = arith.constant 0 : i32
      %dma_start3A_163 = tpu.memref_slice %arg4[%dma_start3A_161, %dma_start3A_162] : memref<1000000x32xf32, #tpu.memory_space<hbm>> -> memref<1000000x32xf32, #tpu.memory_space<hbm>>
      tpu.enqueue_indirect_dma source(%dma_start3A_163 : memref<1000000x32xf32, #tpu.memory_space<hbm>>) target(%dma_start3A_157 : memref<200x32xf32, #tpu.memory_space<vmem>>) offsets(%dma_start3A_160 : memref<200xi32, #tpu.memory_space<vmem>>) semaphore(%arg16 : memref<!tpu.dma_semaphore, #tpu.memory_space<semaphore_mem>>)
      %dma_start3A_164 = arith.constant 5 : i32
      %dma_start3A_165 = arith.constant 1000 : i32
      %dma_start3A_166 = arith.constant 0 : i32
      %dma_start3A_167 = tpu.memref_slice %arg11[%dma_start3A_165, %dma_start3A_166] : memref<1600x32xf32, #tpu.memory_space<vmem>> -> memref<200x32xf32, #tpu.memory_space<vmem>>
      %dma_start3A_168 = arith.constant 0 : i32
      %dma_start3A_169 = tpu.memref_slice %arg9[%dma_start3A_164, %dma_start3A_168] : memref<8x200xi32, #tpu.memory_space<vmem>> -> memref<1x200xi32, #tpu.memory_space<vmem>>
      %dma_start3A_170 = tpu.memref_squeeze %dma_start3A_169 : memref<1x200xi32, #tpu.memory_space<vmem>> -> memref<200xi32, #tpu.memory_space<vmem>>
      %dma_start3A_171 = arith.constant 0 : i32
      %dma_start3A_172 = arith.constant 0 : i32
      %dma_start3A_173 = tpu.memref_slice %arg4[%dma_start3A_171, %dma_start3A_172] : memref<1000000x32xf32, #tpu.memory_space<hbm>> -> memref<1000000x32xf32, #tpu.memory_space<hbm>>
      tpu.enqueue_indirect_dma source(%dma_start3A_173 : memref<1000000x32xf32, #tpu.memory_space<hbm>>) target(%dma_start3A_167 : memref<200x32xf32, #tpu.memory_space<vmem>>) offsets(%dma_start3A_170 : memref<200xi32, #tpu.memory_space<vmem>>) semaphore(%arg16 : memref<!tpu.dma_semaphore, #tpu.memory_space<semaphore_mem>>)
      %dma_start3A_174 = arith.constant 6 : i32
      %dma_start3A_175 = arith.constant 1200 : i32
      %dma_start3A_176 = arith.constant 0 : i32
      %dma_start3A_177 = tpu.memref_slice %arg11[%dma_start3A_175, %dma_start3A_176] : memref<1600x32xf32, #tpu.memory_space<vmem>> -> memref<200x32xf32, #tpu.memory_space<vmem>>
      %dma_start3A_178 = arith.constant 0 : i32
      %dma_start3A_179 = tpu.memref_slice %arg9[%dma_start3A_174, %dma_start3A_178] : memref<8x200xi32, #tpu.memory_space<vmem>> -> memref<1x200xi32, #tpu.memory_space<vmem>>
      %dma_start3A_180 = tpu.memref_squeeze %dma_start3A_179 : memref<1x200xi32, #tpu.memory_space<vmem>> -> memref<200xi32, #tpu.memory_space<vmem>>
      %dma_start3A_181 = arith.constant 0 : i32
      %dma_start3A_182 = arith.constant 0 : i32
      %dma_start3A_183 = tpu.memref_slice %arg4[%dma_start3A_181, %dma_start3A_182] : memref<1000000x32xf32, #tpu.memory_space<hbm>> -> memref<1000000x32xf32, #tpu.memory_space<hbm>>
      tpu.enqueue_indirect_dma source(%dma_start3A_183 : memref<1000000x32xf32, #tpu.memory_space<hbm>>) target(%dma_start3A_177 : memref<200x32xf32, #tpu.memory_space<vmem>>) offsets(%dma_start3A_180 : memref<200xi32, #tpu.memory_space<vmem>>) semaphore(%arg16 : memref<!tpu.dma_semaphore, #tpu.memory_space<semaphore_mem>>)
      %dma_start3A_184 = arith.constant 7 : i32
      %dma_start3A_185 = arith.constant 1400 : i32
      %dma_start3A_186 = arith.constant 0 : i32
      %dma_start3A_187 = tpu.memref_slice %arg11[%dma_start3A_185, %dma_start3A_186] : memref<1600x32xf32, #tpu.memory_space<vmem>> -> memref<200x32xf32, #tpu.memory_space<vmem>>
      %dma_start3A_188 = arith.constant 0 : i32
      %dma_start3A_189 = tpu.memref_slice %arg9[%dma_start3A_184, %dma_start3A_188] : memref<8x200xi32, #tpu.memory_space<vmem>> -> memref<1x200xi32, #tpu.memory_space<vmem>>
      %dma_start3A_190 = tpu.memref_squeeze %dma_start3A_189 : memref<1x200xi32, #tpu.memory_space<vmem>> -> memref<200xi32, #tpu.memory_space<vmem>>
      %dma_start3A_191 = arith.constant 0 : i32
      %dma_start3A_192 = arith.constant 0 : i32
      %dma_start3A_193 = tpu.memref_slice %arg4[%dma_start3A_191, %dma_start3A_192] : memref<1000000x32xf32, #tpu.memory_space<hbm>> -> memref<1000000x32xf32, #tpu.memory_space<hbm>>
      tpu.enqueue_indirect_dma source(%dma_start3A_193 : memref<1000000x32xf32, #tpu.memory_space<hbm>>) target(%dma_start3A_187 : memref<200x32xf32, #tpu.memory_space<vmem>>) offsets(%dma_start3A_190 : memref<200xi32, #tpu.memory_space<vmem>>) semaphore(%arg16 : memref<!tpu.dma_semaphore, #tpu.memory_space<semaphore_mem>>)
      %dma_wait3A_194 = arith.constant 0 : i32
      %dma_wait3A_195 = arith.constant 0 : i32
      %dma_wait3A_196 = tpu.memref_slice %arg4[%dma_wait3A_194, %dma_wait3A_195] : memref<1000000x32xf32, #tpu.memory_space<hbm>> -> memref<1600x32xf32, #tpu.memory_space<hbm>>
      %dma_wait3A_197 = arith.constant 0 : i32
      %dma_wait3A_198 = arith.constant 0 : i32
      %dma_wait3A_199 = tpu.memref_slice %arg4[%dma_wait3A_197, %dma_wait3A_198] : memref<1000000x32xf32, #tpu.memory_space<hbm>> -> memref<1600x32xf32, #tpu.memory_space<hbm>>
      tpu.wait_dma2 semaphore(%arg15 : memref<!tpu.dma_semaphore, #tpu.memory_space<semaphore_mem>>) src(%dma_wait3A_199 : memref<1600x32xf32, #tpu.memory_space<hbm>>) dst(%arg10 : memref<1600x32xf32, #tpu.memory_space<vmem>>)
      %broadcast_in_dim3A = arith.constant 0.000000e+00 : f32
      %broadcast_in_dim3A_200 = vector.broadcast %broadcast_in_dim3A : f32 to vector<16xf32>
      %scan3A_201 = arith.constant 0 : i32
      %scan3A_202 = arith.constant 25 : i32
      %scan3A_203 = arith.addi %scan3A_201, %scan3A_202 : i32
      %scan3A_204 = arith.constant 1 : i32
      %scan3A_205:2 = scf.for %scan3A_534 = %scan3A_201 to %scan3A_203 step %scan3A_204 iter_args(%scan3A_535 = %broadcast_in_dim3A_200, %scan3A_536 = %broadcast_in_dim3A_200) -> (vector<16xf32>, vector<16xf32>)  : i32 {
        %mul3A_537 = arith.constant 8 : i32
        %mul3A_538 = arith.muli %scan3A_534, %mul3A_537 : i32
        %add3A_539 = arith.constant 0 : i32
        %add3A_540 = arith.addi %add3A_539, %mul3A_538 : i32
        %add3A_541 = arith.constant 0 : i32
        %add3A_542 = arith.addi %add3A_540, %add3A_541 : i32
        %get3A = arith.index_cast %add3A_542 : i32 to index
        %get3A_543 = arith.constant 0 : index
        %get3A_544 = tpu.vector_load %arg10[%get3A, %get3A_543] {strides = array<i32>} : memref<1600x32xf32, #tpu.memory_space<vmem>>, vector<1x16xf32>,
        %get3A_545 = vector.shape_cast %get3A_544 : vector<1x16xf32> to vector<16xf32>
        %add3A_546 = arith.addf %scan3A_535, %get3A_545 : vector<16xf32>
        %get3A_547 = arith.index_cast %add3A_542 : i32 to index
        %get3A_548 = arith.constant 16 : index
        %get3A_549 = tpu.vector_load %arg10[%get3A_547, %get3A_548] {strides = array<i32>} : memref<1600x32xf32, #tpu.memory_space<vmem>>, vector<1x16xf32>,
        %get3A_550 = vector.shape_cast %get3A_549 : vector<1x16xf32> to vector<16xf32>
        %add3A_551 = arith.addf %scan3A_536, %get3A_550 : vector<16xf32>
        %mul3A_552 = arith.constant 8 : i32
        %mul3A_553 = arith.muli %scan3A_534, %mul3A_552 : i32
        %add3A_554 = arith.constant 0 : i32
        %add3A_555 = arith.addi %add3A_554, %mul3A_553 : i32
        %add3A_556 = arith.constant 1 : i32
        %add3A_557 = arith.addi %add3A_555, %add3A_556 : i32
        %get3A_558 = arith.index_cast %add3A_557 : i32 to index
        %get3A_559 = arith.constant 0 : index
        %get3A_560 = tpu.vector_load %arg10[%get3A_558, %get3A_559] {strides = array<i32>} : memref<1600x32xf32, #tpu.memory_space<vmem>>, vector<1x16xf32>,
        %get3A_561 = vector.shape_cast %get3A_560 : vector<1x16xf32> to vector<16xf32>
        %add3A_562 = arith.addf %add3A_546, %get3A_561 : vector<16xf32>
        %get3A_563 = arith.index_cast %add3A_557 : i32 to index
        %get3A_564 = arith.constant 16 : index
        %get3A_565 = tpu.vector_load %arg10[%get3A_563, %get3A_564] {strides = array<i32>} : memref<1600x32xf32, #tpu.memory_space<vmem>>, vector<1x16xf32>,
        %get3A_566 = vector.shape_cast %get3A_565 : vector<1x16xf32> to vector<16xf32>
        %add3A_567 = arith.addf %add3A_551, %get3A_566 : vector<16xf32>
        %mul3A_568 = arith.constant 8 : i32
        %mul3A_569 = arith.muli %scan3A_534, %mul3A_568 : i32
        %add3A_570 = arith.constant 0 : i32
        %add3A_571 = arith.addi %add3A_570, %mul3A_569 : i32
        %add3A_572 = arith.constant 2 : i32
        %add3A_573 = arith.addi %add3A_571, %add3A_572 : i32
        %get3A_574 = arith.index_cast %add3A_573 : i32 to index
        %get3A_575 = arith.constant 0 : index
        %get3A_576 = tpu.vector_load %arg10[%get3A_574, %get3A_575] {strides = array<i32>} : memref<1600x32xf32, #tpu.memory_space<vmem>>, vector<1x16xf32>,
        %get3A_577 = vector.shape_cast %get3A_576 : vector<1x16xf32> to vector<16xf32>
        %add3A_578 = arith.addf %add3A_562, %get3A_577 : vector<16xf32>
        %get3A_579 = arith.index_cast %add3A_573 : i32 to index
        %get3A_580 = arith.constant 16 : index
        %get3A_581 = tpu.vector_load %arg10[%get3A_579, %get3A_580] {strides = array<i32>} : memref<1600x32xf32, #tpu.memory_space<vmem>>, vector<1x16xf32>,
        %get3A_582 = vector.shape_cast %get3A_581 : vector<1x16xf32> to vector<16xf32>
        %add3A_583 = arith.addf %add3A_567, %get3A_582 : vector<16xf32>
        %mul3A_584 = arith.constant 8 : i32
        %mul3A_585 = arith.muli %scan3A_534, %mul3A_584 : i32
        %add3A_586 = arith.constant 0 : i32
        %add3A_587 = arith.addi %add3A_586, %mul3A_585 : i32
        %add3A_588 = arith.constant 3 : i32
        %add3A_589 = arith.addi %add3A_587, %add3A_588 : i32
        %get3A_590 = arith.index_cast %add3A_589 : i32 to index
        %get3A_591 = arith.constant 0 : index
        %get3A_592 = tpu.vector_load %arg10[%get3A_590, %get3A_591] {strides = array<i32>} : memref<1600x32xf32, #tpu.memory_space<vmem>>, vector<1x16xf32>,
        %get3A_593 = vector.shape_cast %get3A_592 : vector<1x16xf32> to vector<16xf32>
        %add3A_594 = arith.addf %add3A_578, %get3A_593 : vector<16xf32>
        %get3A_595 = arith.index_cast %add3A_589 : i32 to index
        %get3A_596 = arith.constant 16 : index
        %get3A_597 = tpu.vector_load %arg10[%get3A_595, %get3A_596] {strides = array<i32>} : memref<1600x32xf32, #tpu.memory_space<vmem>>, vector<1x16xf32>,
        %get3A_598 = vector.shape_cast %get3A_597 : vector<1x16xf32> to vector<16xf32>
        %add3A_599 = arith.addf %add3A_583, %get3A_598 : vector<16xf32>
        %mul3A_600 = arith.constant 8 : i32
        %mul3A_601 = arith.muli %scan3A_534, %mul3A_600 : i32
        %add3A_602 = arith.constant 0 : i32
        %add3A_603 = arith.addi %add3A_602, %mul3A_601 : i32
        %add3A_604 = arith.constant 4 : i32
        %add3A_605 = arith.addi %add3A_603, %add3A_604 : i32
        %get3A_606 = arith.index_cast %add3A_605 : i32 to index
        %get3A_607 = arith.constant 0 : index
        %get3A_608 = tpu.vector_load %arg10[%get3A_606, %get3A_607] {strides = array<i32>} : memref<1600x32xf32, #tpu.memory_space<vmem>>, vector<1x16xf32>,
        %get3A_609 = vector.shape_cast %get3A_608 : vector<1x16xf32> to vector<16xf32>
        %add3A_610 = arith.addf %add3A_594, %get3A_609 : vector<16xf32>
        %get3A_611 = arith.index_cast %add3A_605 : i32 to index
        %get3A_612 = arith.constant 16 : index
        %get3A_613 = tpu.vector_load %arg10[%get3A_611, %get3A_612] {strides = array<i32>} : memref<1600x32xf32, #tpu.memory_space<vmem>>, vector<1x16xf32>,
        %get3A_614 = vector.shape_cast %get3A_613 : vector<1x16xf32> to vector<16xf32>
        %add3A_615 = arith.addf %add3A_599, %get3A_614 : vector<16xf32>
        %mul3A_616 = arith.constant 8 : i32
        %mul3A_617 = arith.muli %scan3A_534, %mul3A_616 : i32
        %add3A_618 = arith.constant 0 : i32
        %add3A_619 = arith.addi %add3A_618, %mul3A_617 : i32
        %add3A_620 = arith.constant 5 : i32
        %add3A_621 = arith.addi %add3A_619, %add3A_620 : i32
        %get3A_622 = arith.index_cast %add3A_621 : i32 to index
        %get3A_623 = arith.constant 0 : index
        %get3A_624 = tpu.vector_load %arg10[%get3A_622, %get3A_623] {strides = array<i32>} : memref<1600x32xf32, #tpu.memory_space<vmem>>, vector<1x16xf32>,
        %get3A_625 = vector.shape_cast %get3A_624 : vector<1x16xf32> to vector<16xf32>
        %add3A_626 = arith.addf %add3A_610, %get3A_625 : vector<16xf32>
        %get3A_627 = arith.index_cast %add3A_621 : i32 to index
        %get3A_628 = arith.constant 16 : index
        %get3A_629 = tpu.vector_load %arg10[%get3A_627, %get3A_628] {strides = array<i32>} : memref<1600x32xf32, #tpu.memory_space<vmem>>, vector<1x16xf32>,
        %get3A_630 = vector.shape_cast %get3A_629 : vector<1x16xf32> to vector<16xf32>
        %add3A_631 = arith.addf %add3A_615, %get3A_630 : vector<16xf32>
        %mul3A_632 = arith.constant 8 : i32
        %mul3A_633 = arith.muli %scan3A_534, %mul3A_632 : i32
        %add3A_634 = arith.constant 0 : i32
        %add3A_635 = arith.addi %add3A_634, %mul3A_633 : i32
        %add3A_636 = arith.constant 6 : i32
        %add3A_637 = arith.addi %add3A_635, %add3A_636 : i32
        %get3A_638 = arith.index_cast %add3A_637 : i32 to index
        %get3A_639 = arith.constant 0 : index
        %get3A_640 = tpu.vector_load %arg10[%get3A_638, %get3A_639] {strides = array<i32>} : memref<1600x32xf32, #tpu.memory_space<vmem>>, vector<1x16xf32>,
        %get3A_641 = vector.shape_cast %get3A_640 : vector<1x16xf32> to vector<16xf32>
        %add3A_642 = arith.addf %add3A_626, %get3A_641 : vector<16xf32>
        %get3A_643 = arith.index_cast %add3A_637 : i32 to index
        %get3A_644 = arith.constant 16 : index
        %get3A_645 = tpu.vector_load %arg10[%get3A_643, %get3A_644] {strides = array<i32>} : memref<1600x32xf32, #tpu.memory_space<vmem>>, vector<1x16xf32>,
        %get3A_646 = vector.shape_cast %get3A_645 : vector<1x16xf32> to vector<16xf32>
        %add3A_647 = arith.addf %add3A_631, %get3A_646 : vector<16xf32>
        %mul3A_648 = arith.constant 8 : i32
        %mul3A_649 = arith.muli %scan3A_534, %mul3A_648 : i32
        %add3A_650 = arith.constant 0 : i32
        %add3A_651 = arith.addi %add3A_650, %mul3A_649 : i32
        %add3A_652 = arith.constant 7 : i32
        %add3A_653 = arith.addi %add3A_651, %add3A_652 : i32
        %get3A_654 = arith.index_cast %add3A_653 : i32 to index
        %get3A_655 = arith.constant 0 : index
        %get3A_656 = tpu.vector_load %arg10[%get3A_654, %get3A_655] {strides = array<i32>} : memref<1600x32xf32, #tpu.memory_space<vmem>>, vector<1x16xf32>,
        %get3A_657 = vector.shape_cast %get3A_656 : vector<1x16xf32> to vector<16xf32>
        %add3A_658 = arith.addf %add3A_642, %get3A_657 : vector<16xf32>
        %get3A_659 = arith.index_cast %add3A_653 : i32 to index
        %get3A_660 = arith.constant 16 : index
        %get3A_661 = tpu.vector_load %arg10[%get3A_659, %get3A_660] {strides = array<i32>} : memref<1600x32xf32, #tpu.memory_space<vmem>>, vector<1x16xf32>,
        %get3A_662 = vector.shape_cast %get3A_661 : vector<1x16xf32> to vector<16xf32>
        %add3A_663 = arith.addf %add3A_647, %get3A_662 : vector<16xf32>
        scf.yield %add3A_658, %add3A_663 : vector<16xf32>, vector<16xf32>
      }
      %scan3A_206 = arith.constant 25 : i32
      %swap3A = arith.constant 0 : i32
      %swap3A_207 = arith.index_cast %swap3A : i32 to index
      %swap3A_208 = arith.constant 0 : index
      %swap3A_209 = tpu.vector_load %arg12[%swap3A_207, %swap3A_208] {strides = array<i32>} : memref<8x32xf32, #tpu.memory_space<vmem>>, vector<1x16xf32>,
      %swap3A_210 = vector.shape_cast %swap3A_209 : vector<1x16xf32> to vector<16xf32>
      %swap3A_211 = vector.shape_cast %scan3A_205#0 : vector<16xf32> to vector<1x16xf32>
      tpu.vector_store %arg12[%swap3A_207, %swap3A_208], %swap3A_211 {strides = array<i32>} : memref<8x32xf32, #tpu.memory_space<vmem>>, vector<1x16xf32>,
      %swap3A_212 = arith.constant 0 : i32
      %swap3A_213 = arith.index_cast %swap3A_212 : i32 to index
      %swap3A_214 = arith.constant 16 : index
      %swap3A_215 = tpu.vector_load %arg12[%swap3A_213, %swap3A_214] {strides = array<i32>} : memref<8x32xf32, #tpu.memory_space<vmem>>, vector<1x16xf32>,
      %swap3A_216 = vector.shape_cast %swap3A_215 : vector<1x16xf32> to vector<16xf32>
      %swap3A_217 = vector.shape_cast %scan3A_205#1 : vector<16xf32> to vector<1x16xf32>
      tpu.vector_store %arg12[%swap3A_213, %swap3A_214], %swap3A_217 {strides = array<i32>} : memref<8x32xf32, #tpu.memory_space<vmem>>, vector<1x16xf32>,
      %broadcast_in_dim3A_218 = arith.constant 0.000000e+00 : f32
      %broadcast_in_dim3A_219 = vector.broadcast %broadcast_in_dim3A_218 : f32 to vector<16xf32>
      %scan3A_220 = arith.constant 0 : i32
      %scan3A_221 = arith.constant 25 : i32
      %scan3A_222 = arith.addi %scan3A_220, %scan3A_221 : i32
      %scan3A_223 = arith.constant 1 : i32
      %scan3A_224:2 = scf.for %scan3A_534 = %scan3A_220 to %scan3A_222 step %scan3A_223 iter_args(%scan3A_535 = %broadcast_in_dim3A_219, %scan3A_536 = %broadcast_in_dim3A_219) -> (vector<16xf32>, vector<16xf32>)  : i32 {
        %mul3A_537 = arith.constant 8 : i32
        %mul3A_538 = arith.muli %scan3A_534, %mul3A_537 : i32
        %add3A_539 = arith.constant 200 : i32
        %add3A_540 = arith.addi %add3A_539, %mul3A_538 : i32
        %add3A_541 = arith.constant 0 : i32
        %add3A_542 = arith.addi %add3A_540, %add3A_541 : i32
        %get3A = arith.index_cast %add3A_542 : i32 to index
        %get3A_543 = arith.constant 0 : index
        %get3A_544 = tpu.vector_load %arg10[%get3A, %get3A_543] {strides = array<i32>} : memref<1600x32xf32, #tpu.memory_space<vmem>>, vector<1x16xf32>,
        %get3A_545 = vector.shape_cast %get3A_544 : vector<1x16xf32> to vector<16xf32>
        %add3A_546 = arith.addf %scan3A_535, %get3A_545 : vector<16xf32>
        %get3A_547 = arith.index_cast %add3A_542 : i32 to index
        %get3A_548 = arith.constant 16 : index
        %get3A_549 = tpu.vector_load %arg10[%get3A_547, %get3A_548] {strides = array<i32>} : memref<1600x32xf32, #tpu.memory_space<vmem>>, vector<1x16xf32>,
        %get3A_550 = vector.shape_cast %get3A_549 : vector<1x16xf32> to vector<16xf32>
        %add3A_551 = arith.addf %scan3A_536, %get3A_550 : vector<16xf32>
        %mul3A_552 = arith.constant 8 : i32
        %mul3A_553 = arith.muli %scan3A_534, %mul3A_552 : i32
        %add3A_554 = arith.constant 200 : i32
        %add3A_555 = arith.addi %add3A_554, %mul3A_553 : i32
        %add3A_556 = arith.constant 1 : i32
        %add3A_557 = arith.addi %add3A_555, %add3A_556 : i32
        %get3A_558 = arith.index_cast %add3A_557 : i32 to index
        %get3A_559 = arith.constant 0 : index
        %get3A_560 = tpu.vector_load %arg10[%get3A_558, %get3A_559] {strides = array<i32>} : memref<1600x32xf32, #tpu.memory_space<vmem>>, vector<1x16xf32>,
        %get3A_561 = vector.shape_cast %get3A_560 : vector<1x16xf32> to vector<16xf32>
        %add3A_562 = arith.addf %add3A_546, %get3A_561 : vector<16xf32>
        %get3A_563 = arith.index_cast %add3A_557 : i32 to index
        %get3A_564 = arith.constant 16 : index
        %get3A_565 = tpu.vector_load %arg10[%get3A_563, %get3A_564] {strides = array<i32>} : memref<1600x32xf32, #tpu.memory_space<vmem>>, vector<1x16xf32>,
        %get3A_566 = vector.shape_cast %get3A_565 : vector<1x16xf32> to vector<16xf32>
        %add3A_567 = arith.addf %add3A_551, %get3A_566 : vector<16xf32>
        %mul3A_568 = arith.constant 8 : i32
        %mul3A_569 = arith.muli %scan3A_534, %mul3A_568 : i32
        %add3A_570 = arith.constant 200 : i32
        %add3A_571 = arith.addi %add3A_570, %mul3A_569 : i32
        %add3A_572 = arith.constant 2 : i32
        %add3A_573 = arith.addi %add3A_571, %add3A_572 : i32
        %get3A_574 = arith.index_cast %add3A_573 : i32 to index
        %get3A_575 = arith.constant 0 : index
        %get3A_576 = tpu.vector_load %arg10[%get3A_574, %get3A_575] {strides = array<i32>} : memref<1600x32xf32, #tpu.memory_space<vmem>>, vector<1x16xf32>,
        %get3A_577 = vector.shape_cast %get3A_576 : vector<1x16xf32> to vector<16xf32>
        %add3A_578 = arith.addf %add3A_562, %get3A_577 : vector<16xf32>
        %get3A_579 = arith.index_cast %add3A_573 : i32 to index
        %get3A_580 = arith.constant 16 : index
        %get3A_581 = tpu.vector_load %arg10[%get3A_579, %get3A_580] {strides = array<i32>} : memref<1600x32xf32, #tpu.memory_space<vmem>>, vector<1x16xf32>,
        %get3A_582 = vector.shape_cast %get3A_581 : vector<1x16xf32> to vector<16xf32>
        %add3A_583 = arith.addf %add3A_567, %get3A_582 : vector<16xf32>
        %mul3A_584 = arith.constant 8 : i32
        %mul3A_585 = arith.muli %scan3A_534, %mul3A_584 : i32
        %add3A_586 = arith.constant 200 : i32
        %add3A_587 = arith.addi %add3A_586, %mul3A_585 : i32
        %add3A_588 = arith.constant 3 : i32
        %add3A_589 = arith.addi %add3A_587, %add3A_588 : i32
        %get3A_590 = arith.index_cast %add3A_589 : i32 to index
        %get3A_591 = arith.constant 0 : index
        %get3A_592 = tpu.vector_load %arg10[%get3A_590, %get3A_591] {strides = array<i32>} : memref<1600x32xf32, #tpu.memory_space<vmem>>, vector<1x16xf32>,
        %get3A_593 = vector.shape_cast %get3A_592 : vector<1x16xf32> to vector<16xf32>
        %add3A_594 = arith.addf %add3A_578, %get3A_593 : vector<16xf32>
        %get3A_595 = arith.index_cast %add3A_589 : i32 to index
        %get3A_596 = arith.constant 16 : index
        %get3A_597 = tpu.vector_load %arg10[%get3A_595, %get3A_596] {strides = array<i32>} : memref<1600x32xf32, #tpu.memory_space<vmem>>, vector<1x16xf32>,
        %get3A_598 = vector.shape_cast %get3A_597 : vector<1x16xf32> to vector<16xf32>
        %add3A_599 = arith.addf %add3A_583, %get3A_598 : vector<16xf32>
        %mul3A_600 = arith.constant 8 : i32
        %mul3A_601 = arith.muli %scan3A_534, %mul3A_600 : i32
        %add3A_602 = arith.constant 200 : i32
        %add3A_603 = arith.addi %add3A_602, %mul3A_601 : i32
        %add3A_604 = arith.constant 4 : i32
        %add3A_605 = arith.addi %add3A_603, %add3A_604 : i32
        %get3A_606 = arith.index_cast %add3A_605 : i32 to index
        %get3A_607 = arith.constant 0 : index
        %get3A_608 = tpu.vector_load %arg10[%get3A_606, %get3A_607] {strides = array<i32>} : memref<1600x32xf32, #tpu.memory_space<vmem>>, vector<1x16xf32>,
        %get3A_609 = vector.shape_cast %get3A_608 : vector<1x16xf32> to vector<16xf32>
        %add3A_610 = arith.addf %add3A_594, %get3A_609 : vector<16xf32>
        %get3A_611 = arith.index_cast %add3A_605 : i32 to index
        %get3A_612 = arith.constant 16 : index
        %get3A_613 = tpu.vector_load %arg10[%get3A_611, %get3A_612] {strides = array<i32>} : memref<1600x32xf32, #tpu.memory_space<vmem>>, vector<1x16xf32>,
        %get3A_614 = vector.shape_cast %get3A_613 : vector<1x16xf32> to vector<16xf32>
        %add3A_615 = arith.addf %add3A_599, %get3A_614 : vector<16xf32>
        %mul3A_616 = arith.constant 8 : i32
        %mul3A_617 = arith.muli %scan3A_534, %mul3A_616 : i32
        %add3A_618 = arith.constant 200 : i32
        %add3A_619 = arith.addi %add3A_618, %mul3A_617 : i32
        %add3A_620 = arith.constant 5 : i32
        %add3A_621 = arith.addi %add3A_619, %add3A_620 : i32
        %get3A_622 = arith.index_cast %add3A_621 : i32 to index
        %get3A_623 = arith.constant 0 : index
        %get3A_624 = tpu.vector_load %arg10[%get3A_622, %get3A_623] {strides = array<i32>} : memref<1600x32xf32, #tpu.memory_space<vmem>>, vector<1x16xf32>,
        %get3A_625 = vector.shape_cast %get3A_624 : vector<1x16xf32> to vector<16xf32>
        %add3A_626 = arith.addf %add3A_610, %get3A_625 : vector<16xf32>
        %get3A_627 = arith.index_cast %add3A_621 : i32 to index
        %get3A_628 = arith.constant 16 : index
        %get3A_629 = tpu.vector_load %arg10[%get3A_627, %get3A_628] {strides = array<i32>} : memref<1600x32xf32, #tpu.memory_space<vmem>>, vector<1x16xf32>,
        %get3A_630 = vector.shape_cast %get3A_629 : vector<1x16xf32> to vector<16xf32>
        %add3A_631 = arith.addf %add3A_615, %get3A_630 : vector<16xf32>
        %mul3A_632 = arith.constant 8 : i32
        %mul3A_633 = arith.muli %scan3A_534, %mul3A_632 : i32
        %add3A_634 = arith.constant 200 : i32
        %add3A_635 = arith.addi %add3A_634, %mul3A_633 : i32
        %add3A_636 = arith.constant 6 : i32
        %add3A_637 = arith.addi %add3A_635, %add3A_636 : i32
        %get3A_638 = arith.index_cast %add3A_637 : i32 to index
        %get3A_639 = arith.constant 0 : index
        %get3A_640 = tpu.vector_load %arg10[%get3A_638, %get3A_639] {strides = array<i32>} : memref<1600x32xf32, #tpu.memory_space<vmem>>, vector<1x16xf32>,
        %get3A_641 = vector.shape_cast %get3A_640 : vector<1x16xf32> to vector<16xf32>
        %add3A_642 = arith.addf %add3A_626, %get3A_641 : vector<16xf32>
        %get3A_643 = arith.index_cast %add3A_637 : i32 to index
        %get3A_644 = arith.constant 16 : index
        %get3A_645 = tpu.vector_load %arg10[%get3A_643, %get3A_644] {strides = array<i32>} : memref<1600x32xf32, #tpu.memory_space<vmem>>, vector<1x16xf32>,
        %get3A_646 = vector.shape_cast %get3A_645 : vector<1x16xf32> to vector<16xf32>
        %add3A_647 = arith.addf %add3A_631, %get3A_646 : vector<16xf32>
        %mul3A_648 = arith.constant 8 : i32
        %mul3A_649 = arith.muli %scan3A_534, %mul3A_648 : i32
        %add3A_650 = arith.constant 200 : i32
        %add3A_651 = arith.addi %add3A_650, %mul3A_649 : i32
        %add3A_652 = arith.constant 7 : i32
        %add3A_653 = arith.addi %add3A_651, %add3A_652 : i32
        %get3A_654 = arith.index_cast %add3A_653 : i32 to index
        %get3A_655 = arith.constant 0 : index
        %get3A_656 = tpu.vector_load %arg10[%get3A_654, %get3A_655] {strides = array<i32>} : memref<1600x32xf32, #tpu.memory_space<vmem>>, vector<1x16xf32>,
        %get3A_657 = vector.shape_cast %get3A_656 : vector<1x16xf32> to vector<16xf32>
        %add3A_658 = arith.addf %add3A_642, %get3A_657 : vector<16xf32>
        %get3A_659 = arith.index_cast %add3A_653 : i32 to index
        %get3A_660 = arith.constant 16 : index
        %get3A_661 = tpu.vector_load %arg10[%get3A_659, %get3A_660] {strides = array<i32>} : memref<1600x32xf32, #tpu.memory_space<vmem>>, vector<1x16xf32>,
        %get3A_662 = vector.shape_cast %get3A_661 : vector<1x16xf32> to vector<16xf32>
        %add3A_663 = arith.addf %add3A_647, %get3A_662 : vector<16xf32>
        scf.yield %add3A_658, %add3A_663 : vector<16xf32>, vector<16xf32>
      }
      %scan3A_225 = arith.constant 25 : i32
      %swap3A_226 = arith.constant 1 : i32
      %swap3A_227 = arith.index_cast %swap3A_226 : i32 to index
      %swap3A_228 = arith.constant 0 : index
      %swap3A_229 = tpu.vector_load %arg12[%swap3A_227, %swap3A_228] {strides = array<i32>} : memref<8x32xf32, #tpu.memory_space<vmem>>, vector<1x16xf32>,
      %swap3A_230 = vector.shape_cast %swap3A_229 : vector<1x16xf32> to vector<16xf32>
      %swap3A_231 = vector.shape_cast %scan3A_224#0 : vector<16xf32> to vector<1x16xf32>
      tpu.vector_store %arg12[%swap3A_227, %swap3A_228], %swap3A_231 {strides = array<i32>} : memref<8x32xf32, #tpu.memory_space<vmem>>, vector<1x16xf32>,
      %swap3A_232 = arith.constant 1 : i32
      %swap3A_233 = arith.index_cast %swap3A_232 : i32 to index
      %swap3A_234 = arith.constant 16 : index
      %swap3A_235 = tpu.vector_load %arg12[%swap3A_233, %swap3A_234] {strides = array<i32>} : memref<8x32xf32, #tpu.memory_space<vmem>>, vector<1x16xf32>,
      %swap3A_236 = vector.shape_cast %swap3A_235 : vector<1x16xf32> to vector<16xf32>
      %swap3A_237 = vector.shape_cast %scan3A_224#1 : vector<16xf32> to vector<1x16xf32>
      tpu.vector_store %arg12[%swap3A_233, %swap3A_234], %swap3A_237 {strides = array<i32>} : memref<8x32xf32, #tpu.memory_space<vmem>>, vector<1x16xf32>,
      %broadcast_in_dim3A_238 = arith.constant 0.000000e+00 : f32
      %broadcast_in_dim3A_239 = vector.broadcast %broadcast_in_dim3A_238 : f32 to vector<16xf32>
      %scan3A_240 = arith.constant 0 : i32
      %scan3A_241 = arith.constant 25 : i32
      %scan3A_242 = arith.addi %scan3A_240, %scan3A_241 : i32
      %scan3A_243 = arith.constant 1 : i32
      %scan3A_244:2 = scf.for %scan3A_534 = %scan3A_240 to %scan3A_242 step %scan3A_243 iter_args(%scan3A_535 = %broadcast_in_dim3A_239, %scan3A_536 = %broadcast_in_dim3A_239) -> (vector<16xf32>, vector<16xf32>)  : i32 {
        %mul3A_537 = arith.constant 8 : i32
        %mul3A_538 = arith.muli %scan3A_534, %mul3A_537 : i32
        %add3A_539 = arith.constant 400 : i32
        %add3A_540 = arith.addi %add3A_539, %mul3A_538 : i32
        %add3A_541 = arith.constant 0 : i32
        %add3A_542 = arith.addi %add3A_540, %add3A_541 : i32
        %get3A = arith.index_cast %add3A_542 : i32 to index
        %get3A_543 = arith.constant 0 : index
        %get3A_544 = tpu.vector_load %arg10[%get3A, %get3A_543] {strides = array<i32>} : memref<1600x32xf32, #tpu.memory_space<vmem>>, vector<1x16xf32>,
        %get3A_545 = vector.shape_cast %get3A_544 : vector<1x16xf32> to vector<16xf32>
        %add3A_546 = arith.addf %scan3A_535, %get3A_545 : vector<16xf32>
        %get3A_547 = arith.index_cast %add3A_542 : i32 to index
        %get3A_548 = arith.constant 16 : index
        %get3A_549 = tpu.vector_load %arg10[%get3A_547, %get3A_548] {strides = array<i32>} : memref<1600x32xf32, #tpu.memory_space<vmem>>, vector<1x16xf32>,
        %get3A_550 = vector.shape_cast %get3A_549 : vector<1x16xf32> to vector<16xf32>
        %add3A_551 = arith.addf %scan3A_536, %get3A_550 : vector<16xf32>
        %mul3A_552 = arith.constant 8 : i32
        %mul3A_553 = arith.muli %scan3A_534, %mul3A_552 : i32
        %add3A_554 = arith.constant 400 : i32
        %add3A_555 = arith.addi %add3A_554, %mul3A_553 : i32
        %add3A_556 = arith.constant 1 : i32
        %add3A_557 = arith.addi %add3A_555, %add3A_556 : i32
        %get3A_558 = arith.index_cast %add3A_557 : i32 to index
        %get3A_559 = arith.constant 0 : index
        %get3A_560 = tpu.vector_load %arg10[%get3A_558, %get3A_559] {strides = array<i32>} : memref<1600x32xf32, #tpu.memory_space<vmem>>, vector<1x16xf32>,
        %get3A_561 = vector.shape_cast %get3A_560 : vector<1x16xf32> to vector<16xf32>
        %add3A_562 = arith.addf %add3A_546, %get3A_561 : vector<16xf32>
        %get3A_563 = arith.index_cast %add3A_557 : i32 to index
        %get3A_564 = arith.constant 16 : index
        %get3A_565 = tpu.vector_load %arg10[%get3A_563, %get3A_564] {strides = array<i32>} : memref<1600x32xf32, #tpu.memory_space<vmem>>, vector<1x16xf32>,
        %get3A_566 = vector.shape_cast %get3A_565 : vector<1x16xf32> to vector<16xf32>
        %add3A_567 = arith.addf %add3A_551, %get3A_566 : vector<16xf32>
        %mul3A_568 = arith.constant 8 : i32
        %mul3A_569 = arith.muli %scan3A_534, %mul3A_568 : i32
        %add3A_570 = arith.constant 400 : i32
        %add3A_571 = arith.addi %add3A_570, %mul3A_569 : i32
        %add3A_572 = arith.constant 2 : i32
        %add3A_573 = arith.addi %add3A_571, %add3A_572 : i32
        %get3A_574 = arith.index_cast %add3A_573 : i32 to index
        %get3A_575 = arith.constant 0 : index
        %get3A_576 = tpu.vector_load %arg10[%get3A_574, %get3A_575] {strides = array<i32>} : memref<1600x32xf32, #tpu.memory_space<vmem>>, vector<1x16xf32>,
        %get3A_577 = vector.shape_cast %get3A_576 : vector<1x16xf32> to vector<16xf32>
        %add3A_578 = arith.addf %add3A_562, %get3A_577 : vector<16xf32>
        %get3A_579 = arith.index_cast %add3A_573 : i32 to index
        %get3A_580 = arith.constant 16 : index
        %get3A_581 = tpu.vector_load %arg10[%get3A_579, %get3A_580] {strides = array<i32>} : memref<1600x32xf32, #tpu.memory_space<vmem>>, vector<1x16xf32>,
        %get3A_582 = vector.shape_cast %get3A_581 : vector<1x16xf32> to vector<16xf32>
        %add3A_583 = arith.addf %add3A_567, %get3A_582 : vector<16xf32>
        %mul3A_584 = arith.constant 8 : i32
        %mul3A_585 = arith.muli %scan3A_534, %mul3A_584 : i32
        %add3A_586 = arith.constant 400 : i32
        %add3A_587 = arith.addi %add3A_586, %mul3A_585 : i32
        %add3A_588 = arith.constant 3 : i32
        %add3A_589 = arith.addi %add3A_587, %add3A_588 : i32
        %get3A_590 = arith.index_cast %add3A_589 : i32 to index
        %get3A_591 = arith.constant 0 : index
        %get3A_592 = tpu.vector_load %arg10[%get3A_590, %get3A_591] {strides = array<i32>} : memref<1600x32xf32, #tpu.memory_space<vmem>>, vector<1x16xf32>,
        %get3A_593 = vector.shape_cast %get3A_592 : vector<1x16xf32> to vector<16xf32>
        %add3A_594 = arith.addf %add3A_578, %get3A_593 : vector<16xf32>
        %get3A_595 = arith.index_cast %add3A_589 : i32 to index
        %get3A_596 = arith.constant 16 : index
        %get3A_597 = tpu.vector_load %arg10[%get3A_595, %get3A_596] {strides = array<i32>} : memref<1600x32xf32, #tpu.memory_space<vmem>>, vector<1x16xf32>,
        %get3A_598 = vector.shape_cast %get3A_597 : vector<1x16xf32> to vector<16xf32>
        %add3A_599 = arith.addf %add3A_583, %get3A_598 : vector<16xf32>
        %mul3A_600 = arith.constant 8 : i32
        %mul3A_601 = arith.muli %scan3A_534, %mul3A_600 : i32
        %add3A_602 = arith.constant 400 : i32
        %add3A_603 = arith.addi %add3A_602, %mul3A_601 : i32
        %add3A_604 = arith.constant 4 : i32
        %add3A_605 = arith.addi %add3A_603, %add3A_604 : i32
        %get3A_606 = arith.index_cast %add3A_605 : i32 to index
        %get3A_607 = arith.constant 0 : index
        %get3A_608 = tpu.vector_load %arg10[%get3A_606, %get3A_607] {strides = array<i32>} : memref<1600x32xf32, #tpu.memory_space<vmem>>, vector<1x16xf32>,
        %get3A_609 = vector.shape_cast %get3A_608 : vector<1x16xf32> to vector<16xf32>
        %add3A_610 = arith.addf %add3A_594, %get3A_609 : vector<16xf32>
        %get3A_611 = arith.index_cast %add3A_605 : i32 to index
        %get3A_612 = arith.constant 16 : index
        %get3A_613 = tpu.vector_load %arg10[%get3A_611, %get3A_612] {strides = array<i32>} : memref<1600x32xf32, #tpu.memory_space<vmem>>, vector<1x16xf32>,
        %get3A_614 = vector.shape_cast %get3A_613 : vector<1x16xf32> to vector<16xf32>
        %add3A_615 = arith.addf %add3A_599, %get3A_614 : vector<16xf32>
        %mul3A_616 = arith.constant 8 : i32
        %mul3A_617 = arith.muli %scan3A_534, %mul3A_616 : i32
        %add3A_618 = arith.constant 400 : i32
        %add3A_619 = arith.addi %add3A_618, %mul3A_617 : i32
        %add3A_620 = arith.constant 5 : i32
        %add3A_621 = arith.addi %add3A_619, %add3A_620 : i32
        %get3A_622 = arith.index_cast %add3A_621 : i32 to index
        %get3A_623 = arith.constant 0 : index
        %get3A_624 = tpu.vector_load %arg10[%get3A_622, %get3A_623] {strides = array<i32>} : memref<1600x32xf32, #tpu.memory_space<vmem>>, vector<1x16xf32>,
        %get3A_625 = vector.shape_cast %get3A_624 : vector<1x16xf32> to vector<16xf32>
        %add3A_626 = arith.addf %add3A_610, %get3A_625 : vector<16xf32>
        %get3A_627 = arith.index_cast %add3A_621 : i32 to index
        %get3A_628 = arith.constant 16 : index
        %get3A_629 = tpu.vector_load %arg10[%get3A_627, %get3A_628] {strides = array<i32>} : memref<1600x32xf32, #tpu.memory_space<vmem>>, vector<1x16xf32>,
        %get3A_630 = vector.shape_cast %get3A_629 : vector<1x16xf32> to vector<16xf32>
        %add3A_631 = arith.addf %add3A_615, %get3A_630 : vector<16xf32>
        %mul3A_632 = arith.constant 8 : i32
        %mul3A_633 = arith.muli %scan3A_534, %mul3A_632 : i32
        %add3A_634 = arith.constant 400 : i32
        %add3A_635 = arith.addi %add3A_634, %mul3A_633 : i32
        %add3A_636 = arith.constant 6 : i32
        %add3A_637 = arith.addi %add3A_635, %add3A_636 : i32
        %get3A_638 = arith.index_cast %add3A_637 : i32 to index
        %get3A_639 = arith.constant 0 : index
        %get3A_640 = tpu.vector_load %arg10[%get3A_638, %get3A_639] {strides = array<i32>} : memref<1600x32xf32, #tpu.memory_space<vmem>>, vector<1x16xf32>,
        %get3A_641 = vector.shape_cast %get3A_640 : vector<1x16xf32> to vector<16xf32>
        %add3A_642 = arith.addf %add3A_626, %get3A_641 : vector<16xf32>
        %get3A_643 = arith.index_cast %add3A_637 : i32 to index
        %get3A_644 = arith.constant 16 : index
        %get3A_645 = tpu.vector_load %arg10[%get3A_643, %get3A_644] {strides = array<i32>} : memref<1600x32xf32, #tpu.memory_space<vmem>>, vector<1x16xf32>,
        %get3A_646 = vector.shape_cast %get3A_645 : vector<1x16xf32> to vector<16xf32>
        %add3A_647 = arith.addf %add3A_631, %get3A_646 : vector<16xf32>
        %mul3A_648 = arith.constant 8 : i32
        %mul3A_649 = arith.muli %scan3A_534, %mul3A_648 : i32
        %add3A_650 = arith.constant 400 : i32
        %add3A_651 = arith.addi %add3A_650, %mul3A_649 : i32
        %add3A_652 = arith.constant 7 : i32
        %add3A_653 = arith.addi %add3A_651, %add3A_652 : i32
        %get3A_654 = arith.index_cast %add3A_653 : i32 to index
        %get3A_655 = arith.constant 0 : index
        %get3A_656 = tpu.vector_load %arg10[%get3A_654, %get3A_655] {strides = array<i32>} : memref<1600x32xf32, #tpu.memory_space<vmem>>, vector<1x16xf32>,
        %get3A_657 = vector.shape_cast %get3A_656 : vector<1x16xf32> to vector<16xf32>
        %add3A_658 = arith.addf %add3A_642, %get3A_657 : vector<16xf32>
        %get3A_659 = arith.index_cast %add3A_653 : i32 to index
        %get3A_660 = arith.constant 16 : index
        %get3A_661 = tpu.vector_load %arg10[%get3A_659, %get3A_660] {strides = array<i32>} : memref<1600x32xf32, #tpu.memory_space<vmem>>, vector<1x16xf32>,
        %get3A_662 = vector.shape_cast %get3A_661 : vector<1x16xf32> to vector<16xf32>
        %add3A_663 = arith.addf %add3A_647, %get3A_662 : vector<16xf32>
        scf.yield %add3A_658, %add3A_663 : vector<16xf32>, vector<16xf32>
      }
      %scan3A_245 = arith.constant 25 : i32
      %swap3A_246 = arith.constant 2 : i32
      %swap3A_247 = arith.index_cast %swap3A_246 : i32 to index
      %swap3A_248 = arith.constant 0 : index
      %swap3A_249 = tpu.vector_load %arg12[%swap3A_247, %swap3A_248] {strides = array<i32>} : memref<8x32xf32, #tpu.memory_space<vmem>>, vector<1x16xf32>,
      %swap3A_250 = vector.shape_cast %swap3A_249 : vector<1x16xf32> to vector<16xf32>
      %swap3A_251 = vector.shape_cast %scan3A_244#0 : vector<16xf32> to vector<1x16xf32>
      tpu.vector_store %arg12[%swap3A_247, %swap3A_248], %swap3A_251 {strides = array<i32>} : memref<8x32xf32, #tpu.memory_space<vmem>>, vector<1x16xf32>,
      %swap3A_252 = arith.constant 2 : i32
      %swap3A_253 = arith.index_cast %swap3A_252 : i32 to index
      %swap3A_254 = arith.constant 16 : index
      %swap3A_255 = tpu.vector_load %arg12[%swap3A_253, %swap3A_254] {strides = array<i32>} : memref<8x32xf32, #tpu.memory_space<vmem>>, vector<1x16xf32>,
      %swap3A_256 = vector.shape_cast %swap3A_255 : vector<1x16xf32> to vector<16xf32>
      %swap3A_257 = vector.shape_cast %scan3A_244#1 : vector<16xf32> to vector<1x16xf32>
      tpu.vector_store %arg12[%swap3A_253, %swap3A_254], %swap3A_257 {strides = array<i32>} : memref<8x32xf32, #tpu.memory_space<vmem>>, vector<1x16xf32>,
      %broadcast_in_dim3A_258 = arith.constant 0.000000e+00 : f32
      %broadcast_in_dim3A_259 = vector.broadcast %broadcast_in_dim3A_258 : f32 to vector<16xf32>
      %scan3A_260 = arith.constant 0 : i32
      %scan3A_261 = arith.constant 25 : i32
      %scan3A_262 = arith.addi %scan3A_260, %scan3A_261 : i32
      %scan3A_263 = arith.constant 1 : i32
      %scan3A_264:2 = scf.for %scan3A_534 = %scan3A_260 to %scan3A_262 step %scan3A_263 iter_args(%scan3A_535 = %broadcast_in_dim3A_259, %scan3A_536 = %broadcast_in_dim3A_259) -> (vector<16xf32>, vector<16xf32>)  : i32 {
        %mul3A_537 = arith.constant 8 : i32
        %mul3A_538 = arith.muli %scan3A_534, %mul3A_537 : i32
        %add3A_539 = arith.constant 600 : i32
        %add3A_540 = arith.addi %add3A_539, %mul3A_538 : i32
        %add3A_541 = arith.constant 0 : i32
        %add3A_542 = arith.addi %add3A_540, %add3A_541 : i32
        %get3A = arith.index_cast %add3A_542 : i32 to index
        %get3A_543 = arith.constant 0 : index
        %get3A_544 = tpu.vector_load %arg10[%get3A, %get3A_543] {strides = array<i32>} : memref<1600x32xf32, #tpu.memory_space<vmem>>, vector<1x16xf32>,
        %get3A_545 = vector.shape_cast %get3A_544 : vector<1x16xf32> to vector<16xf32>
        %add3A_546 = arith.addf %scan3A_535, %get3A_545 : vector<16xf32>
        %get3A_547 = arith.index_cast %add3A_542 : i32 to index
        %get3A_548 = arith.constant 16 : index
        %get3A_549 = tpu.vector_load %arg10[%get3A_547, %get3A_548] {strides = array<i32>} : memref<1600x32xf32, #tpu.memory_space<vmem>>, vector<1x16xf32>,
        %get3A_550 = vector.shape_cast %get3A_549 : vector<1x16xf32> to vector<16xf32>
        %add3A_551 = arith.addf %scan3A_536, %get3A_550 : vector<16xf32>
        %mul3A_552 = arith.constant 8 : i32
        %mul3A_553 = arith.muli %scan3A_534, %mul3A_552 : i32
        %add3A_554 = arith.constant 600 : i32
        %add3A_555 = arith.addi %add3A_554, %mul3A_553 : i32
        %add3A_556 = arith.constant 1 : i32
        %add3A_557 = arith.addi %add3A_555, %add3A_556 : i32
        %get3A_558 = arith.index_cast %add3A_557 : i32 to index
        %get3A_559 = arith.constant 0 : index
        %get3A_560 = tpu.vector_load %arg10[%get3A_558, %get3A_559] {strides = array<i32>} : memref<1600x32xf32, #tpu.memory_space<vmem>>, vector<1x16xf32>,
        %get3A_561 = vector.shape_cast %get3A_560 : vector<1x16xf32> to vector<16xf32>
        %add3A_562 = arith.addf %add3A_546, %get3A_561 : vector<16xf32>
        %get3A_563 = arith.index_cast %add3A_557 : i32 to index
        %get3A_564 = arith.constant 16 : index
        %get3A_565 = tpu.vector_load %arg10[%get3A_563, %get3A_564] {strides = array<i32>} : memref<1600x32xf32, #tpu.memory_space<vmem>>, vector<1x16xf32>,
        %get3A_566 = vector.shape_cast %get3A_565 : vector<1x16xf32> to vector<16xf32>
        %add3A_567 = arith.addf %add3A_551, %get3A_566 : vector<16xf32>
        %mul3A_568 = arith.constant 8 : i32
        %mul3A_569 = arith.muli %scan3A_534, %mul3A_568 : i32
        %add3A_570 = arith.constant 600 : i32
        %add3A_571 = arith.addi %add3A_570, %mul3A_569 : i32
        %add3A_572 = arith.constant 2 : i32
        %add3A_573 = arith.addi %add3A_571, %add3A_572 : i32
        %get3A_574 = arith.index_cast %add3A_573 : i32 to index
        %get3A_575 = arith.constant 0 : index
        %get3A_576 = tpu.vector_load %arg10[%get3A_574, %get3A_575] {strides = array<i32>} : memref<1600x32xf32, #tpu.memory_space<vmem>>, vector<1x16xf32>,
        %get3A_577 = vector.shape_cast %get3A_576 : vector<1x16xf32> to vector<16xf32>
        %add3A_578 = arith.addf %add3A_562, %get3A_577 : vector<16xf32>
        %get3A_579 = arith.index_cast %add3A_573 : i32 to index
        %get3A_580 = arith.constant 16 : index
        %get3A_581 = tpu.vector_load %arg10[%get3A_579, %get3A_580] {strides = array<i32>} : memref<1600x32xf32, #tpu.memory_space<vmem>>, vector<1x16xf32>,
        %get3A_582 = vector.shape_cast %get3A_581 : vector<1x16xf32> to vector<16xf32>
        %add3A_583 = arith.addf %add3A_567, %get3A_582 : vector<16xf32>
        %mul3A_584 = arith.constant 8 : i32
        %mul3A_585 = arith.muli %scan3A_534, %mul3A_584 : i32
        %add3A_586 = arith.constant 600 : i32
        %add3A_587 = arith.addi %add3A_586, %mul3A_585 : i32
        %add3A_588 = arith.constant 3 : i32
        %add3A_589 = arith.addi %add3A_587, %add3A_588 : i32
        %get3A_590 = arith.index_cast %add3A_589 : i32 to index
        %get3A_591 = arith.constant 0 : index
        %get3A_592 = tpu.vector_load %arg10[%get3A_590, %get3A_591] {strides = array<i32>} : memref<1600x32xf32, #tpu.memory_space<vmem>>, vector<1x16xf32>,
        %get3A_593 = vector.shape_cast %get3A_592 : vector<1x16xf32> to vector<16xf32>
        %add3A_594 = arith.addf %add3A_578, %get3A_593 : vector<16xf32>
        %get3A_595 = arith.index_cast %add3A_589 : i32 to index
        %get3A_596 = arith.constant 16 : index
        %get3A_597 = tpu.vector_load %arg10[%get3A_595, %get3A_596] {strides = array<i32>} : memref<1600x32xf32, #tpu.memory_space<vmem>>, vector<1x16xf32>,
        %get3A_598 = vector.shape_cast %get3A_597 : vector<1x16xf32> to vector<16xf32>
        %add3A_599 = arith.addf %add3A_583, %get3A_598 : vector<16xf32>
        %mul3A_600 = arith.constant 8 : i32
        %mul3A_601 = arith.muli %scan3A_534, %mul3A_600 : i32
        %add3A_602 = arith.constant 600 : i32
        %add3A_603 = arith.addi %add3A_602, %mul3A_601 : i32
        %add3A_604 = arith.constant 4 : i32
        %add3A_605 = arith.addi %add3A_603, %add3A_604 : i32
        %get3A_606 = arith.index_cast %add3A_605 : i32 to index
        %get3A_607 = arith.constant 0 : index
        %get3A_608 = tpu.vector_load %arg10[%get3A_606, %get3A_607] {strides = array<i32>} : memref<1600x32xf32, #tpu.memory_space<vmem>>, vector<1x16xf32>,
        %get3A_609 = vector.shape_cast %get3A_608 : vector<1x16xf32> to vector<16xf32>
        %add3A_610 = arith.addf %add3A_594, %get3A_609 : vector<16xf32>
        %get3A_611 = arith.index_cast %add3A_605 : i32 to index
        %get3A_612 = arith.constant 16 : index
        %get3A_613 = tpu.vector_load %arg10[%get3A_611, %get3A_612] {strides = array<i32>} : memref<1600x32xf32, #tpu.memory_space<vmem>>, vector<1x16xf32>,
        %get3A_614 = vector.shape_cast %get3A_613 : vector<1x16xf32> to vector<16xf32>
        %add3A_615 = arith.addf %add3A_599, %get3A_614 : vector<16xf32>
        %mul3A_616 = arith.constant 8 : i32
        %mul3A_617 = arith.muli %scan3A_534, %mul3A_616 : i32
        %add3A_618 = arith.constant 600 : i32
        %add3A_619 = arith.addi %add3A_618, %mul3A_617 : i32
        %add3A_620 = arith.constant 5 : i32
        %add3A_621 = arith.addi %add3A_619, %add3A_620 : i32
        %get3A_622 = arith.index_cast %add3A_621 : i32 to index
        %get3A_623 = arith.constant 0 : index
        %get3A_624 = tpu.vector_load %arg10[%get3A_622, %get3A_623] {strides = array<i32>} : memref<1600x32xf32, #tpu.memory_space<vmem>>, vector<1x16xf32>,
        %get3A_625 = vector.shape_cast %get3A_624 : vector<1x16xf32> to vector<16xf32>
        %add3A_626 = arith.addf %add3A_610, %get3A_625 : vector<16xf32>
        %get3A_627 = arith.index_cast %add3A_621 : i32 to index
        %get3A_628 = arith.constant 16 : index
        %get3A_629 = tpu.vector_load %arg10[%get3A_627, %get3A_628] {strides = array<i32>} : memref<1600x32xf32, #tpu.memory_space<vmem>>, vector<1x16xf32>,
        %get3A_630 = vector.shape_cast %get3A_629 : vector<1x16xf32> to vector<16xf32>
        %add3A_631 = arith.addf %add3A_615, %get3A_630 : vector<16xf32>
        %mul3A_632 = arith.constant 8 : i32
        %mul3A_633 = arith.muli %scan3A_534, %mul3A_632 : i32
        %add3A_634 = arith.constant 600 : i32
        %add3A_635 = arith.addi %add3A_634, %mul3A_633 : i32
        %add3A_636 = arith.constant 6 : i32
        %add3A_637 = arith.addi %add3A_635, %add3A_636 : i32
        %get3A_638 = arith.index_cast %add3A_637 : i32 to index
        %get3A_639 = arith.constant 0 : index
        %get3A_640 = tpu.vector_load %arg10[%get3A_638, %get3A_639] {strides = array<i32>} : memref<1600x32xf32, #tpu.memory_space<vmem>>, vector<1x16xf32>,
        %get3A_641 = vector.shape_cast %get3A_640 : vector<1x16xf32> to vector<16xf32>
        %add3A_642 = arith.addf %add3A_626, %get3A_641 : vector<16xf32>
        %get3A_643 = arith.index_cast %add3A_637 : i32 to index
        %get3A_644 = arith.constant 16 : index
        %get3A_645 = tpu.vector_load %arg10[%get3A_643, %get3A_644] {strides = array<i32>} : memref<1600x32xf32, #tpu.memory_space<vmem>>, vector<1x16xf32>,
        %get3A_646 = vector.shape_cast %get3A_645 : vector<1x16xf32> to vector<16xf32>
        %add3A_647 = arith.addf %add3A_631, %get3A_646 : vector<16xf32>
        %mul3A_648 = arith.constant 8 : i32
        %mul3A_649 = arith.muli %scan3A_534, %mul3A_648 : i32
        %add3A_650 = arith.constant 600 : i32
        %add3A_651 = arith.addi %add3A_650, %mul3A_649 : i32
        %add3A_652 = arith.constant 7 : i32
        %add3A_653 = arith.addi %add3A_651, %add3A_652 : i32
        %get3A_654 = arith.index_cast %add3A_653 : i32 to index
        %get3A_655 = arith.constant 0 : index
        %get3A_656 = tpu.vector_load %arg10[%get3A_654, %get3A_655] {strides = array<i32>} : memref<1600x32xf32, #tpu.memory_space<vmem>>, vector<1x16xf32>,
        %get3A_657 = vector.shape_cast %get3A_656 : vector<1x16xf32> to vector<16xf32>
        %add3A_658 = arith.addf %add3A_642, %get3A_657 : vector<16xf32>
        %get3A_659 = arith.index_cast %add3A_653 : i32 to index
        %get3A_660 = arith.constant 16 : index
        %get3A_661 = tpu.vector_load %arg10[%get3A_659, %get3A_660] {strides = array<i32>} : memref<1600x32xf32, #tpu.memory_space<vmem>>, vector<1x16xf32>,
        %get3A_662 = vector.shape_cast %get3A_661 : vector<1x16xf32> to vector<16xf32>
        %add3A_663 = arith.addf %add3A_647, %get3A_662 : vector<16xf32>
        scf.yield %add3A_658, %add3A_663 : vector<16xf32>, vector<16xf32>
      }
      %scan3A_265 = arith.constant 25 : i32
      %swap3A_266 = arith.constant 3 : i32
      %swap3A_267 = arith.index_cast %swap3A_266 : i32 to index
      %swap3A_268 = arith.constant 0 : index
      %swap3A_269 = tpu.vector_load %arg12[%swap3A_267, %swap3A_268] {strides = array<i32>} : memref<8x32xf32, #tpu.memory_space<vmem>>, vector<1x16xf32>,
      %swap3A_270 = vector.shape_cast %swap3A_269 : vector<1x16xf32> to vector<16xf32>
      %swap3A_271 = vector.shape_cast %scan3A_264#0 : vector<16xf32> to vector<1x16xf32>
      tpu.vector_store %arg12[%swap3A_267, %swap3A_268], %swap3A_271 {strides = array<i32>} : memref<8x32xf32, #tpu.memory_space<vmem>>, vector<1x16xf32>,
      %swap3A_272 = arith.constant 3 : i32
      %swap3A_273 = arith.index_cast %swap3A_272 : i32 to index
      %swap3A_274 = arith.constant 16 : index
      %swap3A_275 = tpu.vector_load %arg12[%swap3A_273, %swap3A_274] {strides = array<i32>} : memref<8x32xf32, #tpu.memory_space<vmem>>, vector<1x16xf32>,
      %swap3A_276 = vector.shape_cast %swap3A_275 : vector<1x16xf32> to vector<16xf32>
      %swap3A_277 = vector.shape_cast %scan3A_264#1 : vector<16xf32> to vector<1x16xf32>
      tpu.vector_store %arg12[%swap3A_273, %swap3A_274], %swap3A_277 {strides = array<i32>} : memref<8x32xf32, #tpu.memory_space<vmem>>, vector<1x16xf32>,
      %broadcast_in_dim3A_278 = arith.constant 0.000000e+00 : f32
      %broadcast_in_dim3A_279 = vector.broadcast %broadcast_in_dim3A_278 : f32 to vector<16xf32>
      %scan3A_280 = arith.constant 0 : i32
      %scan3A_281 = arith.constant 25 : i32
      %scan3A_282 = arith.addi %scan3A_280, %scan3A_281 : i32
      %scan3A_283 = arith.constant 1 : i32
      %scan3A_284:2 = scf.for %scan3A_534 = %scan3A_280 to %scan3A_282 step %scan3A_283 iter_args(%scan3A_535 = %broadcast_in_dim3A_279, %scan3A_536 = %broadcast_in_dim3A_279) -> (vector<16xf32>, vector<16xf32>)  : i32 {
        %mul3A_537 = arith.constant 8 : i32
        %mul3A_538 = arith.muli %scan3A_534, %mul3A_537 : i32
        %add3A_539 = arith.constant 800 : i32
        %add3A_540 = arith.addi %add3A_539, %mul3A_538 : i32
        %add3A_541 = arith.constant 0 : i32
        %add3A_542 = arith.addi %add3A_540, %add3A_541 : i32
        %get3A = arith.index_cast %add3A_542 : i32 to index
        %get3A_543 = arith.constant 0 : index
        %get3A_544 = tpu.vector_load %arg10[%get3A, %get3A_543] {strides = array<i32>} : memref<1600x32xf32, #tpu.memory_space<vmem>>, vector<1x16xf32>,
        %get3A_545 = vector.shape_cast %get3A_544 : vector<1x16xf32> to vector<16xf32>
        %add3A_546 = arith.addf %scan3A_535, %get3A_545 : vector<16xf32>
        %get3A_547 = arith.index_cast %add3A_542 : i32 to index
        %get3A_548 = arith.constant 16 : index
        %get3A_549 = tpu.vector_load %arg10[%get3A_547, %get3A_548] {strides = array<i32>} : memref<1600x32xf32, #tpu.memory_space<vmem>>, vector<1x16xf32>,
        %get3A_550 = vector.shape_cast %get3A_549 : vector<1x16xf32> to vector<16xf32>
        %add3A_551 = arith.addf %scan3A_536, %get3A_550 : vector<16xf32>
        %mul3A_552 = arith.constant 8 : i32
        %mul3A_553 = arith.muli %scan3A_534, %mul3A_552 : i32
        %add3A_554 = arith.constant 800 : i32
        %add3A_555 = arith.addi %add3A_554, %mul3A_553 : i32
        %add3A_556 = arith.constant 1 : i32
        %add3A_557 = arith.addi %add3A_555, %add3A_556 : i32
        %get3A_558 = arith.index_cast %add3A_557 : i32 to index
        %get3A_559 = arith.constant 0 : index
        %get3A_560 = tpu.vector_load %arg10[%get3A_558, %get3A_559] {strides = array<i32>} : memref<1600x32xf32, #tpu.memory_space<vmem>>, vector<1x16xf32>,
        %get3A_561 = vector.shape_cast %get3A_560 : vector<1x16xf32> to vector<16xf32>
        %add3A_562 = arith.addf %add3A_546, %get3A_561 : vector<16xf32>
        %get3A_563 = arith.index_cast %add3A_557 : i32 to index
        %get3A_564 = arith.constant 16 : index
        %get3A_565 = tpu.vector_load %arg10[%get3A_563, %get3A_564] {strides = array<i32>} : memref<1600x32xf32, #tpu.memory_space<vmem>>, vector<1x16xf32>,
        %get3A_566 = vector.shape_cast %get3A_565 : vector<1x16xf32> to vector<16xf32>
        %add3A_567 = arith.addf %add3A_551, %get3A_566 : vector<16xf32>
        %mul3A_568 = arith.constant 8 : i32
        %mul3A_569 = arith.muli %scan3A_534, %mul3A_568 : i32
        %add3A_570 = arith.constant 800 : i32
        %add3A_571 = arith.addi %add3A_570, %mul3A_569 : i32
        %add3A_572 = arith.constant 2 : i32
        %add3A_573 = arith.addi %add3A_571, %add3A_572 : i32
        %get3A_574 = arith.index_cast %add3A_573 : i32 to index
        %get3A_575 = arith.constant 0 : index
        %get3A_576 = tpu.vector_load %arg10[%get3A_574, %get3A_575] {strides = array<i32>} : memref<1600x32xf32, #tpu.memory_space<vmem>>, vector<1x16xf32>,
        %get3A_577 = vector.shape_cast %get3A_576 : vector<1x16xf32> to vector<16xf32>
        %add3A_578 = arith.addf %add3A_562, %get3A_577 : vector<16xf32>
        %get3A_579 = arith.index_cast %add3A_573 : i32 to index
        %get3A_580 = arith.constant 16 : index
        %get3A_581 = tpu.vector_load %arg10[%get3A_579, %get3A_580] {strides = array<i32>} : memref<1600x32xf32, #tpu.memory_space<vmem>>, vector<1x16xf32>,
        %get3A_582 = vector.shape_cast %get3A_581 : vector<1x16xf32> to vector<16xf32>
        %add3A_583 = arith.addf %add3A_567, %get3A_582 : vector<16xf32>
        %mul3A_584 = arith.constant 8 : i32
        %mul3A_585 = arith.muli %scan3A_534, %mul3A_584 : i32
        %add3A_586 = arith.constant 800 : i32
        %add3A_587 = arith.addi %add3A_586, %mul3A_585 : i32
        %add3A_588 = arith.constant 3 : i32
        %add3A_589 = arith.addi %add3A_587, %add3A_588 : i32
        %get3A_590 = arith.index_cast %add3A_589 : i32 to index
        %get3A_591 = arith.constant 0 : index
        %get3A_592 = tpu.vector_load %arg10[%get3A_590, %get3A_591] {strides = array<i32>} : memref<1600x32xf32, #tpu.memory_space<vmem>>, vector<1x16xf32>,
        %get3A_593 = vector.shape_cast %get3A_592 : vector<1x16xf32> to vector<16xf32>
        %add3A_594 = arith.addf %add3A_578, %get3A_593 : vector<16xf32>
        %get3A_595 = arith.index_cast %add3A_589 : i32 to index
        %get3A_596 = arith.constant 16 : index
        %get3A_597 = tpu.vector_load %arg10[%get3A_595, %get3A_596] {strides = array<i32>} : memref<1600x32xf32, #tpu.memory_space<vmem>>, vector<1x16xf32>,
        %get3A_598 = vector.shape_cast %get3A_597 : vector<1x16xf32> to vector<16xf32>
        %add3A_599 = arith.addf %add3A_583, %get3A_598 : vector<16xf32>
        %mul3A_600 = arith.constant 8 : i32
        %mul3A_601 = arith.muli %scan3A_534, %mul3A_600 : i32
        %add3A_602 = arith.constant 800 : i32
        %add3A_603 = arith.addi %add3A_602, %mul3A_601 : i32
        %add3A_604 = arith.constant 4 : i32
        %add3A_605 = arith.addi %add3A_603, %add3A_604 : i32
        %get3A_606 = arith.index_cast %add3A_605 : i32 to index
        %get3A_607 = arith.constant 0 : index
        %get3A_608 = tpu.vector_load %arg10[%get3A_606, %get3A_607] {strides = array<i32>} : memref<1600x32xf32, #tpu.memory_space<vmem>>, vector<1x16xf32>,
        %get3A_609 = vector.shape_cast %get3A_608 : vector<1x16xf32> to vector<16xf32>
        %add3A_610 = arith.addf %add3A_594, %get3A_609 : vector<16xf32>
        %get3A_611 = arith.index_cast %add3A_605 : i32 to index
        %get3A_612 = arith.constant 16 : index
        %get3A_613 = tpu.vector_load %arg10[%get3A_611, %get3A_612] {strides = array<i32>} : memref<1600x32xf32, #tpu.memory_space<vmem>>, vector<1x16xf32>,
        %get3A_614 = vector.shape_cast %get3A_613 : vector<1x16xf32> to vector<16xf32>
        %add3A_615 = arith.addf %add3A_599, %get3A_614 : vector<16xf32>
        %mul3A_616 = arith.constant 8 : i32
        %mul3A_617 = arith.muli %scan3A_534, %mul3A_616 : i32
        %add3A_618 = arith.constant 800 : i32
        %add3A_619 = arith.addi %add3A_618, %mul3A_617 : i32
        %add3A_620 = arith.constant 5 : i32
        %add3A_621 = arith.addi %add3A_619, %add3A_620 : i32
        %get3A_622 = arith.index_cast %add3A_621 : i32 to index
        %get3A_623 = arith.constant 0 : index
        %get3A_624 = tpu.vector_load %arg10[%get3A_622, %get3A_623] {strides = array<i32>} : memref<1600x32xf32, #tpu.memory_space<vmem>>, vector<1x16xf32>,
        %get3A_625 = vector.shape_cast %get3A_624 : vector<1x16xf32> to vector<16xf32>
        %add3A_626 = arith.addf %add3A_610, %get3A_625 : vector<16xf32>
        %get3A_627 = arith.index_cast %add3A_621 : i32 to index
        %get3A_628 = arith.constant 16 : index
        %get3A_629 = tpu.vector_load %arg10[%get3A_627, %get3A_628] {strides = array<i32>} : memref<1600x32xf32, #tpu.memory_space<vmem>>, vector<1x16xf32>,
        %get3A_630 = vector.shape_cast %get3A_629 : vector<1x16xf32> to vector<16xf32>
        %add3A_631 = arith.addf %add3A_615, %get3A_630 : vector<16xf32>
        %mul3A_632 = arith.constant 8 : i32
        %mul3A_633 = arith.muli %scan3A_534, %mul3A_632 : i32
        %add3A_634 = arith.constant 800 : i32
        %add3A_635 = arith.addi %add3A_634, %mul3A_633 : i32
        %add3A_636 = arith.constant 6 : i32
        %add3A_637 = arith.addi %add3A_635, %add3A_636 : i32
        %get3A_638 = arith.index_cast %add3A_637 : i32 to index
        %get3A_639 = arith.constant 0 : index
        %get3A_640 = tpu.vector_load %arg10[%get3A_638, %get3A_639] {strides = array<i32>} : memref<1600x32xf32, #tpu.memory_space<vmem>>, vector<1x16xf32>,
        %get3A_641 = vector.shape_cast %get3A_640 : vector<1x16xf32> to vector<16xf32>
        %add3A_642 = arith.addf %add3A_626, %get3A_641 : vector<16xf32>
        %get3A_643 = arith.index_cast %add3A_637 : i32 to index
        %get3A_644 = arith.constant 16 : index
        %get3A_645 = tpu.vector_load %arg10[%get3A_643, %get3A_644] {strides = array<i32>} : memref<1600x32xf32, #tpu.memory_space<vmem>>, vector<1x16xf32>,
        %get3A_646 = vector.shape_cast %get3A_645 : vector<1x16xf32> to vector<16xf32>
        %add3A_647 = arith.addf %add3A_631, %get3A_646 : vector<16xf32>
        %mul3A_648 = arith.constant 8 : i32
        %mul3A_649 = arith.muli %scan3A_534, %mul3A_648 : i32
        %add3A_650 = arith.constant 800 : i32
        %add3A_651 = arith.addi %add3A_650, %mul3A_649 : i32
        %add3A_652 = arith.constant 7 : i32
        %add3A_653 = arith.addi %add3A_651, %add3A_652 : i32
        %get3A_654 = arith.index_cast %add3A_653 : i32 to index
        %get3A_655 = arith.constant 0 : index
        %get3A_656 = tpu.vector_load %arg10[%get3A_654, %get3A_655] {strides = array<i32>} : memref<1600x32xf32, #tpu.memory_space<vmem>>, vector<1x16xf32>,
        %get3A_657 = vector.shape_cast %get3A_656 : vector<1x16xf32> to vector<16xf32>
        %add3A_658 = arith.addf %add3A_642, %get3A_657 : vector<16xf32>
        %get3A_659 = arith.index_cast %add3A_653 : i32 to index
        %get3A_660 = arith.constant 16 : index
        %get3A_661 = tpu.vector_load %arg10[%get3A_659, %get3A_660] {strides = array<i32>} : memref<1600x32xf32, #tpu.memory_space<vmem>>, vector<1x16xf32>,
        %get3A_662 = vector.shape_cast %get3A_661 : vector<1x16xf32> to vector<16xf32>
        %add3A_663 = arith.addf %add3A_647, %get3A_662 : vector<16xf32>
        scf.yield %add3A_658, %add3A_663 : vector<16xf32>, vector<16xf32>
      }
      %scan3A_285 = arith.constant 25 : i32
      %swap3A_286 = arith.constant 4 : i32
      %swap3A_287 = arith.index_cast %swap3A_286 : i32 to index
      %swap3A_288 = arith.constant 0 : index
      %swap3A_289 = tpu.vector_load %arg12[%swap3A_287, %swap3A_288] {strides = array<i32>} : memref<8x32xf32, #tpu.memory_space<vmem>>, vector<1x16xf32>,
      %swap3A_290 = vector.shape_cast %swap3A_289 : vector<1x16xf32> to vector<16xf32>
      %swap3A_291 = vector.shape_cast %scan3A_284#0 : vector<16xf32> to vector<1x16xf32>
      tpu.vector_store %arg12[%swap3A_287, %swap3A_288], %swap3A_291 {strides = array<i32>} : memref<8x32xf32, #tpu.memory_space<vmem>>, vector<1x16xf32>,
      %swap3A_292 = arith.constant 4 : i32
      %swap3A_293 = arith.index_cast %swap3A_292 : i32 to index
      %swap3A_294 = arith.constant 16 : index
      %swap3A_295 = tpu.vector_load %arg12[%swap3A_293, %swap3A_294] {strides = array<i32>} : memref<8x32xf32, #tpu.memory_space<vmem>>, vector<1x16xf32>,
      %swap3A_296 = vector.shape_cast %swap3A_295 : vector<1x16xf32> to vector<16xf32>
      %swap3A_297 = vector.shape_cast %scan3A_284#1 : vector<16xf32> to vector<1x16xf32>
      tpu.vector_store %arg12[%swap3A_293, %swap3A_294], %swap3A_297 {strides = array<i32>} : memref<8x32xf32, #tpu.memory_space<vmem>>, vector<1x16xf32>,
      %broadcast_in_dim3A_298 = arith.constant 0.000000e+00 : f32
      %broadcast_in_dim3A_299 = vector.broadcast %broadcast_in_dim3A_298 : f32 to vector<16xf32>
      %scan3A_300 = arith.constant 0 : i32
      %scan3A_301 = arith.constant 25 : i32
      %scan3A_302 = arith.addi %scan3A_300, %scan3A_301 : i32
      %scan3A_303 = arith.constant 1 : i32
      %scan3A_304:2 = scf.for %scan3A_534 = %scan3A_300 to %scan3A_302 step %scan3A_303 iter_args(%scan3A_535 = %broadcast_in_dim3A_299, %scan3A_536 = %broadcast_in_dim3A_299) -> (vector<16xf32>, vector<16xf32>)  : i32 {
        %mul3A_537 = arith.constant 8 : i32
        %mul3A_538 = arith.muli %scan3A_534, %mul3A_537 : i32
        %add3A_539 = arith.constant 1000 : i32
        %add3A_540 = arith.addi %add3A_539, %mul3A_538 : i32
        %add3A_541 = arith.constant 0 : i32
        %add3A_542 = arith.addi %add3A_540, %add3A_541 : i32
        %get3A = arith.index_cast %add3A_542 : i32 to index
        %get3A_543 = arith.constant 0 : index
        %get3A_544 = tpu.vector_load %arg10[%get3A, %get3A_543] {strides = array<i32>} : memref<1600x32xf32, #tpu.memory_space<vmem>>, vector<1x16xf32>,
        %get3A_545 = vector.shape_cast %get3A_544 : vector<1x16xf32> to vector<16xf32>
        %add3A_546 = arith.addf %scan3A_535, %get3A_545 : vector<16xf32>
        %get3A_547 = arith.index_cast %add3A_542 : i32 to index
        %get3A_548 = arith.constant 16 : index
        %get3A_549 = tpu.vector_load %arg10[%get3A_547, %get3A_548] {strides = array<i32>} : memref<1600x32xf32, #tpu.memory_space<vmem>>, vector<1x16xf32>,
        %get3A_550 = vector.shape_cast %get3A_549 : vector<1x16xf32> to vector<16xf32>
        %add3A_551 = arith.addf %scan3A_536, %get3A_550 : vector<16xf32>
        %mul3A_552 = arith.constant 8 : i32
        %mul3A_553 = arith.muli %scan3A_534, %mul3A_552 : i32
        %add3A_554 = arith.constant 1000 : i32
        %add3A_555 = arith.addi %add3A_554, %mul3A_553 : i32
        %add3A_556 = arith.constant 1 : i32
        %add3A_557 = arith.addi %add3A_555, %add3A_556 : i32
        %get3A_558 = arith.index_cast %add3A_557 : i32 to index
        %get3A_559 = arith.constant 0 : index
        %get3A_560 = tpu.vector_load %arg10[%get3A_558, %get3A_559] {strides = array<i32>} : memref<1600x32xf32, #tpu.memory_space<vmem>>, vector<1x16xf32>,
        %get3A_561 = vector.shape_cast %get3A_560 : vector<1x16xf32> to vector<16xf32>
        %add3A_562 = arith.addf %add3A_546, %get3A_561 : vector<16xf32>
        %get3A_563 = arith.index_cast %add3A_557 : i32 to index
        %get3A_564 = arith.constant 16 : index
        %get3A_565 = tpu.vector_load %arg10[%get3A_563, %get3A_564] {strides = array<i32>} : memref<1600x32xf32, #tpu.memory_space<vmem>>, vector<1x16xf32>,
        %get3A_566 = vector.shape_cast %get3A_565 : vector<1x16xf32> to vector<16xf32>
        %add3A_567 = arith.addf %add3A_551, %get3A_566 : vector<16xf32>
        %mul3A_568 = arith.constant 8 : i32
        %mul3A_569 = arith.muli %scan3A_534, %mul3A_568 : i32
        %add3A_570 = arith.constant 1000 : i32
        %add3A_571 = arith.addi %add3A_570, %mul3A_569 : i32
        %add3A_572 = arith.constant 2 : i32
        %add3A_573 = arith.addi %add3A_571, %add3A_572 : i32
        %get3A_574 = arith.index_cast %add3A_573 : i32 to index
        %get3A_575 = arith.constant 0 : index
        %get3A_576 = tpu.vector_load %arg10[%get3A_574, %get3A_575] {strides = array<i32>} : memref<1600x32xf32, #tpu.memory_space<vmem>>, vector<1x16xf32>,
        %get3A_577 = vector.shape_cast %get3A_576 : vector<1x16xf32> to vector<16xf32>
        %add3A_578 = arith.addf %add3A_562, %get3A_577 : vector<16xf32>
        %get3A_579 = arith.index_cast %add3A_573 : i32 to index
        %get3A_580 = arith.constant 16 : index
        %get3A_581 = tpu.vector_load %arg10[%get3A_579, %get3A_580] {strides = array<i32>} : memref<1600x32xf32, #tpu.memory_space<vmem>>, vector<1x16xf32>,
        %get3A_582 = vector.shape_cast %get3A_581 : vector<1x16xf32> to vector<16xf32>
        %add3A_583 = arith.addf %add3A_567, %get3A_582 : vector<16xf32>
        %mul3A_584 = arith.constant 8 : i32
        %mul3A_585 = arith.muli %scan3A_534, %mul3A_584 : i32
        %add3A_586 = arith.constant 1000 : i32
        %add3A_587 = arith.addi %add3A_586, %mul3A_585 : i32
        %add3A_588 = arith.constant 3 : i32
        %add3A_589 = arith.addi %add3A_587, %add3A_588 : i32
        %get3A_590 = arith.index_cast %add3A_589 : i32 to index
        %get3A_591 = arith.constant 0 : index
        %get3A_592 = tpu.vector_load %arg10[%get3A_590, %get3A_591] {strides = array<i32>} : memref<1600x32xf32, #tpu.memory_space<vmem>>, vector<1x16xf32>,
        %get3A_593 = vector.shape_cast %get3A_592 : vector<1x16xf32> to vector<16xf32>
        %add3A_594 = arith.addf %add3A_578, %get3A_593 : vector<16xf32>
        %get3A_595 = arith.index_cast %add3A_589 : i32 to index
        %get3A_596 = arith.constant 16 : index
        %get3A_597 = tpu.vector_load %arg10[%get3A_595, %get3A_596] {strides = array<i32>} : memref<1600x32xf32, #tpu.memory_space<vmem>>, vector<1x16xf32>,
        %get3A_598 = vector.shape_cast %get3A_597 : vector<1x16xf32> to vector<16xf32>
        %add3A_599 = arith.addf %add3A_583, %get3A_598 : vector<16xf32>
        %mul3A_600 = arith.constant 8 : i32
        %mul3A_601 = arith.muli %scan3A_534, %mul3A_600 : i32
        %add3A_602 = arith.constant 1000 : i32
        %add3A_603 = arith.addi %add3A_602, %mul3A_601 : i32
        %add3A_604 = arith.constant 4 : i32
        %add3A_605 = arith.addi %add3A_603, %add3A_604 : i32
        %get3A_606 = arith.index_cast %add3A_605 : i32 to index
        %get3A_607 = arith.constant 0 : index
        %get3A_608 = tpu.vector_load %arg10[%get3A_606, %get3A_607] {strides = array<i32>} : memref<1600x32xf32, #tpu.memory_space<vmem>>, vector<1x16xf32>,
        %get3A_609 = vector.shape_cast %get3A_608 : vector<1x16xf32> to vector<16xf32>
        %add3A_610 = arith.addf %add3A_594, %get3A_609 : vector<16xf32>
        %get3A_611 = arith.index_cast %add3A_605 : i32 to index
        %get3A_612 = arith.constant 16 : index
        %get3A_613 = tpu.vector_load %arg10[%get3A_611, %get3A_612] {strides = array<i32>} : memref<1600x32xf32, #tpu.memory_space<vmem>>, vector<1x16xf32>,
        %get3A_614 = vector.shape_cast %get3A_613 : vector<1x16xf32> to vector<16xf32>
        %add3A_615 = arith.addf %add3A_599, %get3A_614 : vector<16xf32>
        %mul3A_616 = arith.constant 8 : i32
        %mul3A_617 = arith.muli %scan3A_534, %mul3A_616 : i32
        %add3A_618 = arith.constant 1000 : i32
        %add3A_619 = arith.addi %add3A_618, %mul3A_617 : i32
        %add3A_620 = arith.constant 5 : i32
        %add3A_621 = arith.addi %add3A_619, %add3A_620 : i32
        %get3A_622 = arith.index_cast %add3A_621 : i32 to index
        %get3A_623 = arith.constant 0 : index
        %get3A_624 = tpu.vector_load %arg10[%get3A_622, %get3A_623] {strides = array<i32>} : memref<1600x32xf32, #tpu.memory_space<vmem>>, vector<1x16xf32>,
        %get3A_625 = vector.shape_cast %get3A_624 : vector<1x16xf32> to vector<16xf32>
        %add3A_626 = arith.addf %add3A_610, %get3A_625 : vector<16xf32>
        %get3A_627 = arith.index_cast %add3A_621 : i32 to index
        %get3A_628 = arith.constant 16 : index
        %get3A_629 = tpu.vector_load %arg10[%get3A_627, %get3A_628] {strides = array<i32>} : memref<1600x32xf32, #tpu.memory_space<vmem>>, vector<1x16xf32>,
        %get3A_630 = vector.shape_cast %get3A_629 : vector<1x16xf32> to vector<16xf32>
        %add3A_631 = arith.addf %add3A_615, %get3A_630 : vector<16xf32>
        %mul3A_632 = arith.constant 8 : i32
        %mul3A_633 = arith.muli %scan3A_534, %mul3A_632 : i32
        %add3A_634 = arith.constant 1000 : i32
        %add3A_635 = arith.addi %add3A_634, %mul3A_633 : i32
        %add3A_636 = arith.constant 6 : i32
        %add3A_637 = arith.addi %add3A_635, %add3A_636 : i32
        %get3A_638 = arith.index_cast %add3A_637 : i32 to index
        %get3A_639 = arith.constant 0 : index
        %get3A_640 = tpu.vector_load %arg10[%get3A_638, %get3A_639] {strides = array<i32>} : memref<1600x32xf32, #tpu.memory_space<vmem>>, vector<1x16xf32>,
        %get3A_641 = vector.shape_cast %get3A_640 : vector<1x16xf32> to vector<16xf32>
        %add3A_642 = arith.addf %add3A_626, %get3A_641 : vector<16xf32>
        %get3A_643 = arith.index_cast %add3A_637 : i32 to index
        %get3A_644 = arith.constant 16 : index
        %get3A_645 = tpu.vector_load %arg10[%get3A_643, %get3A_644] {strides = array<i32>} : memref<1600x32xf32, #tpu.memory_space<vmem>>, vector<1x16xf32>,
        %get3A_646 = vector.shape_cast %get3A_645 : vector<1x16xf32> to vector<16xf32>
        %add3A_647 = arith.addf %add3A_631, %get3A_646 : vector<16xf32>
        %mul3A_648 = arith.constant 8 : i32
        %mul3A_649 = arith.muli %scan3A_534, %mul3A_648 : i32
        %add3A_650 = arith.constant 1000 : i32
        %add3A_651 = arith.addi %add3A_650, %mul3A_649 : i32
        %add3A_652 = arith.constant 7 : i32
        %add3A_653 = arith.addi %add3A_651, %add3A_652 : i32
        %get3A_654 = arith.index_cast %add3A_653 : i32 to index
        %get3A_655 = arith.constant 0 : index
        %get3A_656 = tpu.vector_load %arg10[%get3A_654, %get3A_655] {strides = array<i32>} : memref<1600x32xf32, #tpu.memory_space<vmem>>, vector<1x16xf32>,
        %get3A_657 = vector.shape_cast %get3A_656 : vector<1x16xf32> to vector<16xf32>
        %add3A_658 = arith.addf %add3A_642, %get3A_657 : vector<16xf32>
        %get3A_659 = arith.index_cast %add3A_653 : i32 to index
        %get3A_660 = arith.constant 16 : index
        %get3A_661 = tpu.vector_load %arg10[%get3A_659, %get3A_660] {strides = array<i32>} : memref<1600x32xf32, #tpu.memory_space<vmem>>, vector<1x16xf32>,
        %get3A_662 = vector.shape_cast %get3A_661 : vector<1x16xf32> to vector<16xf32>
        %add3A_663 = arith.addf %add3A_647, %get3A_662 : vector<16xf32>
        scf.yield %add3A_658, %add3A_663 : vector<16xf32>, vector<16xf32>
      }
      %scan3A_305 = arith.constant 25 : i32
      %swap3A_306 = arith.constant 5 : i32
      %swap3A_307 = arith.index_cast %swap3A_306 : i32 to index
      %swap3A_308 = arith.constant 0 : index
      %swap3A_309 = tpu.vector_load %arg12[%swap3A_307, %swap3A_308] {strides = array<i32>} : memref<8x32xf32, #tpu.memory_space<vmem>>, vector<1x16xf32>,
      %swap3A_310 = vector.shape_cast %swap3A_309 : vector<1x16xf32> to vector<16xf32>
      %swap3A_311 = vector.shape_cast %scan3A_304#0 : vector<16xf32> to vector<1x16xf32>
      tpu.vector_store %arg12[%swap3A_307, %swap3A_308], %swap3A_311 {strides = array<i32>} : memref<8x32xf32, #tpu.memory_space<vmem>>, vector<1x16xf32>,
      %swap3A_312 = arith.constant 5 : i32
      %swap3A_313 = arith.index_cast %swap3A_312 : i32 to index
      %swap3A_314 = arith.constant 16 : index
      %swap3A_315 = tpu.vector_load %arg12[%swap3A_313, %swap3A_314] {strides = array<i32>} : memref<8x32xf32, #tpu.memory_space<vmem>>, vector<1x16xf32>,
      %swap3A_316 = vector.shape_cast %swap3A_315 : vector<1x16xf32> to vector<16xf32>
      %swap3A_317 = vector.shape_cast %scan3A_304#1 : vector<16xf32> to vector<1x16xf32>
      tpu.vector_store %arg12[%swap3A_313, %swap3A_314], %swap3A_317 {strides = array<i32>} : memref<8x32xf32, #tpu.memory_space<vmem>>, vector<1x16xf32>,
      %broadcast_in_dim3A_318 = arith.constant 0.000000e+00 : f32
      %broadcast_in_dim3A_319 = vector.broadcast %broadcast_in_dim3A_318 : f32 to vector<16xf32>
      %scan3A_320 = arith.constant 0 : i32
      %scan3A_321 = arith.constant 25 : i32
      %scan3A_322 = arith.addi %scan3A_320, %scan3A_321 : i32
      %scan3A_323 = arith.constant 1 : i32
      %scan3A_324:2 = scf.for %scan3A_534 = %scan3A_320 to %scan3A_322 step %scan3A_323 iter_args(%scan3A_535 = %broadcast_in_dim3A_319, %scan3A_536 = %broadcast_in_dim3A_319) -> (vector<16xf32>, vector<16xf32>)  : i32 {
        %mul3A_537 = arith.constant 8 : i32
        %mul3A_538 = arith.muli %scan3A_534, %mul3A_537 : i32
        %add3A_539 = arith.constant 1200 : i32
        %add3A_540 = arith.addi %add3A_539, %mul3A_538 : i32
        %add3A_541 = arith.constant 0 : i32
        %add3A_542 = arith.addi %add3A_540, %add3A_541 : i32
        %get3A = arith.index_cast %add3A_542 : i32 to index
        %get3A_543 = arith.constant 0 : index
        %get3A_544 = tpu.vector_load %arg10[%get3A, %get3A_543] {strides = array<i32>} : memref<1600x32xf32, #tpu.memory_space<vmem>>, vector<1x16xf32>,
        %get3A_545 = vector.shape_cast %get3A_544 : vector<1x16xf32> to vector<16xf32>
        %add3A_546 = arith.addf %scan3A_535, %get3A_545 : vector<16xf32>
        %get3A_547 = arith.index_cast %add3A_542 : i32 to index
        %get3A_548 = arith.constant 16 : index
        %get3A_549 = tpu.vector_load %arg10[%get3A_547, %get3A_548] {strides = array<i32>} : memref<1600x32xf32, #tpu.memory_space<vmem>>, vector<1x16xf32>,
        %get3A_550 = vector.shape_cast %get3A_549 : vector<1x16xf32> to vector<16xf32>
        %add3A_551 = arith.addf %scan3A_536, %get3A_550 : vector<16xf32>
        %mul3A_552 = arith.constant 8 : i32
        %mul3A_553 = arith.muli %scan3A_534, %mul3A_552 : i32
        %add3A_554 = arith.constant 1200 : i32
        %add3A_555 = arith.addi %add3A_554, %mul3A_553 : i32
        %add3A_556 = arith.constant 1 : i32
        %add3A_557 = arith.addi %add3A_555, %add3A_556 : i32
        %get3A_558 = arith.index_cast %add3A_557 : i32 to index
        %get3A_559 = arith.constant 0 : index
        %get3A_560 = tpu.vector_load %arg10[%get3A_558, %get3A_559] {strides = array<i32>} : memref<1600x32xf32, #tpu.memory_space<vmem>>, vector<1x16xf32>,
        %get3A_561 = vector.shape_cast %get3A_560 : vector<1x16xf32> to vector<16xf32>
        %add3A_562 = arith.addf %add3A_546, %get3A_561 : vector<16xf32>
        %get3A_563 = arith.index_cast %add3A_557 : i32 to index
        %get3A_564 = arith.constant 16 : index
        %get3A_565 = tpu.vector_load %arg10[%get3A_563, %get3A_564] {strides = array<i32>} : memref<1600x32xf32, #tpu.memory_space<vmem>>, vector<1x16xf32>,
        %get3A_566 = vector.shape_cast %get3A_565 : vector<1x16xf32> to vector<16xf32>
        %add3A_567 = arith.addf %add3A_551, %get3A_566 : vector<16xf32>
        %mul3A_568 = arith.constant 8 : i32
        %mul3A_569 = arith.muli %scan3A_534, %mul3A_568 : i32
        %add3A_570 = arith.constant 1200 : i32
        %add3A_571 = arith.addi %add3A_570, %mul3A_569 : i32
        %add3A_572 = arith.constant 2 : i32
        %add3A_573 = arith.addi %add3A_571, %add3A_572 : i32
        %get3A_574 = arith.index_cast %add3A_573 : i32 to index
        %get3A_575 = arith.constant 0 : index
        %get3A_576 = tpu.vector_load %arg10[%get3A_574, %get3A_575] {strides = array<i32>} : memref<1600x32xf32, #tpu.memory_space<vmem>>, vector<1x16xf32>,
        %get3A_577 = vector.shape_cast %get3A_576 : vector<1x16xf32> to vector<16xf32>
        %add3A_578 = arith.addf %add3A_562, %get3A_577 : vector<16xf32>
        %get3A_579 = arith.index_cast %add3A_573 : i32 to index
        %get3A_580 = arith.constant 16 : index
        %get3A_581 = tpu.vector_load %arg10[%get3A_579, %get3A_580] {strides = array<i32>} : memref<1600x32xf32, #tpu.memory_space<vmem>>, vector<1x16xf32>,
        %get3A_582 = vector.shape_cast %get3A_581 : vector<1x16xf32> to vector<16xf32>
        %add3A_583 = arith.addf %add3A_567, %get3A_582 : vector<16xf32>
        %mul3A_584 = arith.constant 8 : i32
        %mul3A_585 = arith.muli %scan3A_534, %mul3A_584 : i32
        %add3A_586 = arith.constant 1200 : i32
        %add3A_587 = arith.addi %add3A_586, %mul3A_585 : i32
        %add3A_588 = arith.constant 3 : i32
        %add3A_589 = arith.addi %add3A_587, %add3A_588 : i32
        %get3A_590 = arith.index_cast %add3A_589 : i32 to index
        %get3A_591 = arith.constant 0 : index
        %get3A_592 = tpu.vector_load %arg10[%get3A_590, %get3A_591] {strides = array<i32>} : memref<1600x32xf32, #tpu.memory_space<vmem>>, vector<1x16xf32>,
        %get3A_593 = vector.shape_cast %get3A_592 : vector<1x16xf32> to vector<16xf32>
        %add3A_594 = arith.addf %add3A_578, %get3A_593 : vector<16xf32>
        %get3A_595 = arith.index_cast %add3A_589 : i32 to index
        %get3A_596 = arith.constant 16 : index
        %get3A_597 = tpu.vector_load %arg10[%get3A_595, %get3A_596] {strides = array<i32>} : memref<1600x32xf32, #tpu.memory_space<vmem>>, vector<1x16xf32>,
        %get3A_598 = vector.shape_cast %get3A_597 : vector<1x16xf32> to vector<16xf32>
        %add3A_599 = arith.addf %add3A_583, %get3A_598 : vector<16xf32>
        %mul3A_600 = arith.constant 8 : i32
        %mul3A_601 = arith.muli %scan3A_534, %mul3A_600 : i32
        %add3A_602 = arith.constant 1200 : i32
        %add3A_603 = arith.addi %add3A_602, %mul3A_601 : i32
        %add3A_604 = arith.constant 4 : i32
        %add3A_605 = arith.addi %add3A_603, %add3A_604 : i32
        %get3A_606 = arith.index_cast %add3A_605 : i32 to index
        %get3A_607 = arith.constant 0 : index
        %get3A_608 = tpu.vector_load %arg10[%get3A_606, %get3A_607] {strides = array<i32>} : memref<1600x32xf32, #tpu.memory_space<vmem>>, vector<1x16xf32>,
        %get3A_609 = vector.shape_cast %get3A_608 : vector<1x16xf32> to vector<16xf32>
        %add3A_610 = arith.addf %add3A_594, %get3A_609 : vector<16xf32>
        %get3A_611 = arith.index_cast %add3A_605 : i32 to index
        %get3A_612 = arith.constant 16 : index
        %get3A_613 = tpu.vector_load %arg10[%get3A_611, %get3A_612] {strides = array<i32>} : memref<1600x32xf32, #tpu.memory_space<vmem>>, vector<1x16xf32>,
        %get3A_614 = vector.shape_cast %get3A_613 : vector<1x16xf32> to vector<16xf32>
        %add3A_615 = arith.addf %add3A_599, %get3A_614 : vector<16xf32>
        %mul3A_616 = arith.constant 8 : i32
        %mul3A_617 = arith.muli %scan3A_534, %mul3A_616 : i32
        %add3A_618 = arith.constant 1200 : i32
        %add3A_619 = arith.addi %add3A_618, %mul3A_617 : i32
        %add3A_620 = arith.constant 5 : i32
        %add3A_621 = arith.addi %add3A_619, %add3A_620 : i32
        %get3A_622 = arith.index_cast %add3A_621 : i32 to index
        %get3A_623 = arith.constant 0 : index
        %get3A_624 = tpu.vector_load %arg10[%get3A_622, %get3A_623] {strides = array<i32>} : memref<1600x32xf32, #tpu.memory_space<vmem>>, vector<1x16xf32>,
        %get3A_625 = vector.shape_cast %get3A_624 : vector<1x16xf32> to vector<16xf32>
        %add3A_626 = arith.addf %add3A_610, %get3A_625 : vector<16xf32>
        %get3A_627 = arith.index_cast %add3A_621 : i32 to index
        %get3A_628 = arith.constant 16 : index
        %get3A_629 = tpu.vector_load %arg10[%get3A_627, %get3A_628] {strides = array<i32>} : memref<1600x32xf32, #tpu.memory_space<vmem>>, vector<1x16xf32>,
        %get3A_630 = vector.shape_cast %get3A_629 : vector<1x16xf32> to vector<16xf32>
        %add3A_631 = arith.addf %add3A_615, %get3A_630 : vector<16xf32>
        %mul3A_632 = arith.constant 8 : i32
        %mul3A_633 = arith.muli %scan3A_534, %mul3A_632 : i32
        %add3A_634 = arith.constant 1200 : i32
        %add3A_635 = arith.addi %add3A_634, %mul3A_633 : i32
        %add3A_636 = arith.constant 6 : i32
        %add3A_637 = arith.addi %add3A_635, %add3A_636 : i32
        %get3A_638 = arith.index_cast %add3A_637 : i32 to index
        %get3A_639 = arith.constant 0 : index
        %get3A_640 = tpu.vector_load %arg10[%get3A_638, %get3A_639] {strides = array<i32>} : memref<1600x32xf32, #tpu.memory_space<vmem>>, vector<1x16xf32>,
        %get3A_641 = vector.shape_cast %get3A_640 : vector<1x16xf32> to vector<16xf32>
        %add3A_642 = arith.addf %add3A_626, %get3A_641 : vector<16xf32>
        %get3A_643 = arith.index_cast %add3A_637 : i32 to index
        %get3A_644 = arith.constant 16 : index
        %get3A_645 = tpu.vector_load %arg10[%get3A_643, %get3A_644] {strides = array<i32>} : memref<1600x32xf32, #tpu.memory_space<vmem>>, vector<1x16xf32>,
        %get3A_646 = vector.shape_cast %get3A_645 : vector<1x16xf32> to vector<16xf32>
        %add3A_647 = arith.addf %add3A_631, %get3A_646 : vector<16xf32>
        %mul3A_648 = arith.constant 8 : i32
        %mul3A_649 = arith.muli %scan3A_534, %mul3A_648 : i32
        %add3A_650 = arith.constant 1200 : i32
        %add3A_651 = arith.addi %add3A_650, %mul3A_649 : i32
        %add3A_652 = arith.constant 7 : i32
        %add3A_653 = arith.addi %add3A_651, %add3A_652 : i32
        %get3A_654 = arith.index_cast %add3A_653 : i32 to index
        %get3A_655 = arith.constant 0 : index
        %get3A_656 = tpu.vector_load %arg10[%get3A_654, %get3A_655] {strides = array<i32>} : memref<1600x32xf32, #tpu.memory_space<vmem>>, vector<1x16xf32>,
        %get3A_657 = vector.shape_cast %get3A_656 : vector<1x16xf32> to vector<16xf32>
        %add3A_658 = arith.addf %add3A_642, %get3A_657 : vector<16xf32>
        %get3A_659 = arith.index_cast %add3A_653 : i32 to index
        %get3A_660 = arith.constant 16 : index
        %get3A_661 = tpu.vector_load %arg10[%get3A_659, %get3A_660] {strides = array<i32>} : memref<1600x32xf32, #tpu.memory_space<vmem>>, vector<1x16xf32>,
        %get3A_662 = vector.shape_cast %get3A_661 : vector<1x16xf32> to vector<16xf32>
        %add3A_663 = arith.addf %add3A_647, %get3A_662 : vector<16xf32>
        scf.yield %add3A_658, %add3A_663 : vector<16xf32>, vector<16xf32>
      }
      %scan3A_325 = arith.constant 25 : i32
      %swap3A_326 = arith.constant 6 : i32
      %swap3A_327 = arith.index_cast %swap3A_326 : i32 to index
      %swap3A_328 = arith.constant 0 : index
      %swap3A_329 = tpu.vector_load %arg12[%swap3A_327, %swap3A_328] {strides = array<i32>} : memref<8x32xf32, #tpu.memory_space<vmem>>, vector<1x16xf32>,
      %swap3A_330 = vector.shape_cast %swap3A_329 : vector<1x16xf32> to vector<16xf32>
      %swap3A_331 = vector.shape_cast %scan3A_324#0 : vector<16xf32> to vector<1x16xf32>
      tpu.vector_store %arg12[%swap3A_327, %swap3A_328], %swap3A_331 {strides = array<i32>} : memref<8x32xf32, #tpu.memory_space<vmem>>, vector<1x16xf32>,
      %swap3A_332 = arith.constant 6 : i32
      %swap3A_333 = arith.index_cast %swap3A_332 : i32 to index
      %swap3A_334 = arith.constant 16 : index
      %swap3A_335 = tpu.vector_load %arg12[%swap3A_333, %swap3A_334] {strides = array<i32>} : memref<8x32xf32, #tpu.memory_space<vmem>>, vector<1x16xf32>,
      %swap3A_336 = vector.shape_cast %swap3A_335 : vector<1x16xf32> to vector<16xf32>
      %swap3A_337 = vector.shape_cast %scan3A_324#1 : vector<16xf32> to vector<1x16xf32>
      tpu.vector_store %arg12[%swap3A_333, %swap3A_334], %swap3A_337 {strides = array<i32>} : memref<8x32xf32, #tpu.memory_space<vmem>>, vector<1x16xf32>,
      %broadcast_in_dim3A_338 = arith.constant 0.000000e+00 : f32
      %broadcast_in_dim3A_339 = vector.broadcast %broadcast_in_dim3A_338 : f32 to vector<16xf32>
      %scan3A_340 = arith.constant 0 : i32
      %scan3A_341 = arith.constant 25 : i32
      %scan3A_342 = arith.addi %scan3A_340, %scan3A_341 : i32
      %scan3A_343 = arith.constant 1 : i32
      %scan3A_344:2 = scf.for %scan3A_534 = %scan3A_340 to %scan3A_342 step %scan3A_343 iter_args(%scan3A_535 = %broadcast_in_dim3A_339, %scan3A_536 = %broadcast_in_dim3A_339) -> (vector<16xf32>, vector<16xf32>)  : i32 {
        %mul3A_537 = arith.constant 8 : i32
        %mul3A_538 = arith.muli %scan3A_534, %mul3A_537 : i32
        %add3A_539 = arith.constant 1400 : i32
        %add3A_540 = arith.addi %add3A_539, %mul3A_538 : i32
        %add3A_541 = arith.constant 0 : i32
        %add3A_542 = arith.addi %add3A_540, %add3A_541 : i32
        %get3A = arith.index_cast %add3A_542 : i32 to index
        %get3A_543 = arith.constant 0 : index
        %get3A_544 = tpu.vector_load %arg10[%get3A, %get3A_543] {strides = array<i32>} : memref<1600x32xf32, #tpu.memory_space<vmem>>, vector<1x16xf32>,
        %get3A_545 = vector.shape_cast %get3A_544 : vector<1x16xf32> to vector<16xf32>
        %add3A_546 = arith.addf %scan3A_535, %get3A_545 : vector<16xf32>
        %get3A_547 = arith.index_cast %add3A_542 : i32 to index
        %get3A_548 = arith.constant 16 : index
        %get3A_549 = tpu.vector_load %arg10[%get3A_547, %get3A_548] {strides = array<i32>} : memref<1600x32xf32, #tpu.memory_space<vmem>>, vector<1x16xf32>,
        %get3A_550 = vector.shape_cast %get3A_549 : vector<1x16xf32> to vector<16xf32>
        %add3A_551 = arith.addf %scan3A_536, %get3A_550 : vector<16xf32>
        %mul3A_552 = arith.constant 8 : i32
        %mul3A_553 = arith.muli %scan3A_534, %mul3A_552 : i32
        %add3A_554 = arith.constant 1400 : i32
        %add3A_555 = arith.addi %add3A_554, %mul3A_553 : i32
        %add3A_556 = arith.constant 1 : i32
        %add3A_557 = arith.addi %add3A_555, %add3A_556 : i32
        %get3A_558 = arith.index_cast %add3A_557 : i32 to index
        %get3A_559 = arith.constant 0 : index
        %get3A_560 = tpu.vector_load %arg10[%get3A_558, %get3A_559] {strides = array<i32>} : memref<1600x32xf32, #tpu.memory_space<vmem>>, vector<1x16xf32>,
        %get3A_561 = vector.shape_cast %get3A_560 : vector<1x16xf32> to vector<16xf32>
        %add3A_562 = arith.addf %add3A_546, %get3A_561 : vector<16xf32>
        %get3A_563 = arith.index_cast %add3A_557 : i32 to index
        %get3A_564 = arith.constant 16 : index
        %get3A_565 = tpu.vector_load %arg10[%get3A_563, %get3A_564] {strides = array<i32>} : memref<1600x32xf32, #tpu.memory_space<vmem>>, vector<1x16xf32>,
        %get3A_566 = vector.shape_cast %get3A_565 : vector<1x16xf32> to vector<16xf32>
        %add3A_567 = arith.addf %add3A_551, %get3A_566 : vector<16xf32>
        %mul3A_568 = arith.constant 8 : i32
        %mul3A_569 = arith.muli %scan3A_534, %mul3A_568 : i32
        %add3A_570 = arith.constant 1400 : i32
        %add3A_571 = arith.addi %add3A_570, %mul3A_569 : i32
        %add3A_572 = arith.constant 2 : i32
        %add3A_573 = arith.addi %add3A_571, %add3A_572 : i32
        %get3A_574 = arith.index_cast %add3A_573 : i32 to index
        %get3A_575 = arith.constant 0 : index
        %get3A_576 = tpu.vector_load %arg10[%get3A_574, %get3A_575] {strides = array<i32>} : memref<1600x32xf32, #tpu.memory_space<vmem>>, vector<1x16xf32>,
        %get3A_577 = vector.shape_cast %get3A_576 : vector<1x16xf32> to vector<16xf32>
        %add3A_578 = arith.addf %add3A_562, %get3A_577 : vector<16xf32>
        %get3A_579 = arith.index_cast %add3A_573 : i32 to index
        %get3A_580 = arith.constant 16 : index
        %get3A_581 = tpu.vector_load %arg10[%get3A_579, %get3A_580] {strides = array<i32>} : memref<1600x32xf32, #tpu.memory_space<vmem>>, vector<1x16xf32>,
        %get3A_582 = vector.shape_cast %get3A_581 : vector<1x16xf32> to vector<16xf32>
        %add3A_583 = arith.addf %add3A_567, %get3A_582 : vector<16xf32>
        %mul3A_584 = arith.constant 8 : i32
        %mul3A_585 = arith.muli %scan3A_534, %mul3A_584 : i32
        %add3A_586 = arith.constant 1400 : i32
        %add3A_587 = arith.addi %add3A_586, %mul3A_585 : i32
        %add3A_588 = arith.constant 3 : i32
        %add3A_589 = arith.addi %add3A_587, %add3A_588 : i32
        %get3A_590 = arith.index_cast %add3A_589 : i32 to index
        %get3A_591 = arith.constant 0 : index
        %get3A_592 = tpu.vector_load %arg10[%get3A_590, %get3A_591] {strides = array<i32>} : memref<1600x32xf32, #tpu.memory_space<vmem>>, vector<1x16xf32>,
        %get3A_593 = vector.shape_cast %get3A_592 : vector<1x16xf32> to vector<16xf32>
        %add3A_594 = arith.addf %add3A_578, %get3A_593 : vector<16xf32>
        %get3A_595 = arith.index_cast %add3A_589 : i32 to index
        %get3A_596 = arith.constant 16 : index
        %get3A_597 = tpu.vector_load %arg10[%get3A_595, %get3A_596] {strides = array<i32>} : memref<1600x32xf32, #tpu.memory_space<vmem>>, vector<1x16xf32>,
        %get3A_598 = vector.shape_cast %get3A_597 : vector<1x16xf32> to vector<16xf32>
        %add3A_599 = arith.addf %add3A_583, %get3A_598 : vector<16xf32>
        %mul3A_600 = arith.constant 8 : i32
        %mul3A_601 = arith.muli %scan3A_534, %mul3A_600 : i32
        %add3A_602 = arith.constant 1400 : i32
        %add3A_603 = arith.addi %add3A_602, %mul3A_601 : i32
        %add3A_604 = arith.constant 4 : i32
        %add3A_605 = arith.addi %add3A_603, %add3A_604 : i32
        %get3A_606 = arith.index_cast %add3A_605 : i32 to index
        %get3A_607 = arith.constant 0 : index
        %get3A_608 = tpu.vector_load %arg10[%get3A_606, %get3A_607] {strides = array<i32>} : memref<1600x32xf32, #tpu.memory_space<vmem>>, vector<1x16xf32>,
        %get3A_609 = vector.shape_cast %get3A_608 : vector<1x16xf32> to vector<16xf32>
        %add3A_610 = arith.addf %add3A_594, %get3A_609 : vector<16xf32>
        %get3A_611 = arith.index_cast %add3A_605 : i32 to index
        %get3A_612 = arith.constant 16 : index
        %get3A_613 = tpu.vector_load %arg10[%get3A_611, %get3A_612] {strides = array<i32>} : memref<1600x32xf32, #tpu.memory_space<vmem>>, vector<1x16xf32>,
        %get3A_614 = vector.shape_cast %get3A_613 : vector<1x16xf32> to vector<16xf32>
        %add3A_615 = arith.addf %add3A_599, %get3A_614 : vector<16xf32>
        %mul3A_616 = arith.constant 8 : i32
        %mul3A_617 = arith.muli %scan3A_534, %mul3A_616 : i32
        %add3A_618 = arith.constant 1400 : i32
        %add3A_619 = arith.addi %add3A_618, %mul3A_617 : i32
        %add3A_620 = arith.constant 5 : i32
        %add3A_621 = arith.addi %add3A_619, %add3A_620 : i32
        %get3A_622 = arith.index_cast %add3A_621 : i32 to index
        %get3A_623 = arith.constant 0 : index
        %get3A_624 = tpu.vector_load %arg10[%get3A_622, %get3A_623] {strides = array<i32>} : memref<1600x32xf32, #tpu.memory_space<vmem>>, vector<1x16xf32>,
        %get3A_625 = vector.shape_cast %get3A_624 : vector<1x16xf32> to vector<16xf32>
        %add3A_626 = arith.addf %add3A_610, %get3A_625 : vector<16xf32>
        %get3A_627 = arith.index_cast %add3A_621 : i32 to index
        %get3A_628 = arith.constant 16 : index
        %get3A_629 = tpu.vector_load %arg10[%get3A_627, %get3A_628] {strides = array<i32>} : memref<1600x32xf32, #tpu.memory_space<vmem>>, vector<1x16xf32>,
        %get3A_630 = vector.shape_cast %get3A_629 : vector<1x16xf32> to vector<16xf32>
        %add3A_631 = arith.addf %add3A_615, %get3A_630 : vector<16xf32>
        %mul3A_632 = arith.constant 8 : i32
        %mul3A_633 = arith.muli %scan3A_534, %mul3A_632 : i32
        %add3A_634 = arith.constant 1400 : i32
        %add3A_635 = arith.addi %add3A_634, %mul3A_633 : i32
        %add3A_636 = arith.constant 6 : i32
        %add3A_637 = arith.addi %add3A_635, %add3A_636 : i32
        %get3A_638 = arith.index_cast %add3A_637 : i32 to index
        %get3A_639 = arith.constant 0 : index
        %get3A_640 = tpu.vector_load %arg10[%get3A_638, %get3A_639] {strides = array<i32>} : memref<1600x32xf32, #tpu.memory_space<vmem>>, vector<1x16xf32>,
        %get3A_641 = vector.shape_cast %get3A_640 : vector<1x16xf32> to vector<16xf32>
        %add3A_642 = arith.addf %add3A_626, %get3A_641 : vector<16xf32>
        %get3A_643 = arith.index_cast %add3A_637 : i32 to index
        %get3A_644 = arith.constant 16 : index
        %get3A_645 = tpu.vector_load %arg10[%get3A_643, %get3A_644] {strides = array<i32>} : memref<1600x32xf32, #tpu.memory_space<vmem>>, vector<1x16xf32>,
        %get3A_646 = vector.shape_cast %get3A_645 : vector<1x16xf32> to vector<16xf32>
        %add3A_647 = arith.addf %add3A_631, %get3A_646 : vector<16xf32>
        %mul3A_648 = arith.constant 8 : i32
        %mul3A_649 = arith.muli %scan3A_534, %mul3A_648 : i32
        %add3A_650 = arith.constant 1400 : i32
        %add3A_651 = arith.addi %add3A_650, %mul3A_649 : i32
        %add3A_652 = arith.constant 7 : i32
        %add3A_653 = arith.addi %add3A_651, %add3A_652 : i32
        %get3A_654 = arith.index_cast %add3A_653 : i32 to index
        %get3A_655 = arith.constant 0 : index
        %get3A_656 = tpu.vector_load %arg10[%get3A_654, %get3A_655] {strides = array<i32>} : memref<1600x32xf32, #tpu.memory_space<vmem>>, vector<1x16xf32>,
        %get3A_657 = vector.shape_cast %get3A_656 : vector<1x16xf32> to vector<16xf32>
        %add3A_658 = arith.addf %add3A_642, %get3A_657 : vector<16xf32>
        %get3A_659 = arith.index_cast %add3A_653 : i32 to index
        %get3A_660 = arith.constant 16 : index
        %get3A_661 = tpu.vector_load %arg10[%get3A_659, %get3A_660] {strides = array<i32>} : memref<1600x32xf32, #tpu.memory_space<vmem>>, vector<1x16xf32>,
        %get3A_662 = vector.shape_cast %get3A_661 : vector<1x16xf32> to vector<16xf32>
        %add3A_663 = arith.addf %add3A_647, %get3A_662 : vector<16xf32>
        scf.yield %add3A_658, %add3A_663 : vector<16xf32>, vector<16xf32>
      }
      %scan3A_345 = arith.constant 25 : i32
      %swap3A_346 = arith.constant 7 : i32
      %swap3A_347 = arith.index_cast %swap3A_346 : i32 to index
      %swap3A_348 = arith.constant 0 : index
      %swap3A_349 = tpu.vector_load %arg12[%swap3A_347, %swap3A_348] {strides = array<i32>} : memref<8x32xf32, #tpu.memory_space<vmem>>, vector<1x16xf32>,
      %swap3A_350 = vector.shape_cast %swap3A_349 : vector<1x16xf32> to vector<16xf32>
      %swap3A_351 = vector.shape_cast %scan3A_344#0 : vector<16xf32> to vector<1x16xf32>
      tpu.vector_store %arg12[%swap3A_347, %swap3A_348], %swap3A_351 {strides = array<i32>} : memref<8x32xf32, #tpu.memory_space<vmem>>, vector<1x16xf32>,
      %swap3A_352 = arith.constant 7 : i32
      %swap3A_353 = arith.index_cast %swap3A_352 : i32 to index
      %swap3A_354 = arith.constant 16 : index
      %swap3A_355 = tpu.vector_load %arg12[%swap3A_353, %swap3A_354] {strides = array<i32>} : memref<8x32xf32, #tpu.memory_space<vmem>>, vector<1x16xf32>,
      %swap3A_356 = vector.shape_cast %swap3A_355 : vector<1x16xf32> to vector<16xf32>
      %swap3A_357 = vector.shape_cast %scan3A_344#1 : vector<16xf32> to vector<1x16xf32>
      tpu.vector_store %arg12[%swap3A_353, %swap3A_354], %swap3A_357 {strides = array<i32>} : memref<8x32xf32, #tpu.memory_space<vmem>>, vector<1x16xf32>,
      %mul3A_358 = arith.constant 8 : i32
      %mul3A_359 = arith.muli %mul3A_108, %mul3A_358 : i32
      %add3A_360 = arith.addi %mul3A_2, %mul3A_359 : i32
      "tpu.region"() ({
        %run_scoped3A = tpu.sem_alloc : memref<!tpu.dma_semaphore, #tpu.memory_space<semaphore_mem>>
        %dma_start3A_534 = arith.constant 0 : i32
        %dma_start3A_535 = tpu.memref_slice %arg6[%add3A_360, %dma_start3A_534] : memref<16384x32xf32, #tpu.memory_space<hbm>> -> memref<8x32xf32, #tpu.memory_space<hbm>>
        %dma_start3A_536 = arith.constant 0 : i32
        %dma_start3A_537 = tpu.memref_slice %arg6[%add3A_360, %dma_start3A_536] : memref<16384x32xf32, #tpu.memory_space<hbm>> -> memref<8x32xf32, #tpu.memory_space<hbm>>
        tpu.enqueue_dma source(%arg12 : memref<8x32xf32, #tpu.memory_space<vmem>>) target(%dma_start3A_537 : memref<8x32xf32, #tpu.memory_space<hbm>>) target_semaphore(%run_scoped3A : memref<!tpu.dma_semaphore, #tpu.memory_space<semaphore_mem>>)
        %dma_wait3A_538 = arith.constant 0 : i32
        %dma_wait3A_539 = tpu.memref_slice %arg6[%add3A_360, %dma_wait3A_538] : memref<16384x32xf32, #tpu.memory_space<hbm>> -> memref<8x32xf32, #tpu.memory_space<hbm>>
        %dma_wait3A_540 = arith.constant 0 : i32
        %dma_wait3A_541 = tpu.memref_slice %arg6[%add3A_360, %dma_wait3A_540] : memref<16384x32xf32, #tpu.memory_space<hbm>> -> memref<8x32xf32, #tpu.memory_space<hbm>>
        tpu.wait_dma2 semaphore(%run_scoped3A : memref<!tpu.dma_semaphore, #tpu.memory_space<semaphore_mem>>) src(%arg12 : memref<8x32xf32, #tpu.memory_space<vmem>>) dst(%dma_wait3A_541 : memref<8x32xf32, #tpu.memory_space<hbm>>)
        tpu.yield
      }) : () -> ()
      %lt3A = arith.constant 31 : i32
      %lt3A_361 = arith.cmpi slt, %scan3A_106, %lt3A : i32
      %convert_element_type3A = arith.extui %lt3A_361 : i1 to i32
      %cond3A = arith.constant 0 : i32
      %cond3A_362 = arith.cmpi ne, %convert_element_type3A, %cond3A : i32
      scf.if %cond3A_362 {
        %add3A_534 = arith.constant 2 : i32
        %add3A_535 = arith.addi %mul3A_108, %add3A_534 : i32
        %mul3A_536 = arith.constant 8 : i32
        %mul3A_537 = arith.muli %add3A_535, %mul3A_536 : i32
        %add3A_538 = arith.addi %mul3A_2, %mul3A_537 : i32
        "tpu.region"() ({
          %run_scoped3A = tpu.sem_alloc : memref<!tpu.dma_semaphore, #tpu.memory_space<semaphore_mem>>
          %dma_start3A_619 = arith.constant 0 : i32
          %dma_start3A_620 = tpu.memref_slice %arg2[%add3A_538, %dma_start3A_619] : memref<16384x200xi32, #tpu.memory_space<hbm>> -> memref<8x200xi32, #tpu.memory_space<hbm>>
          %dma_start3A_621 = arith.constant 0 : i32
          %dma_start3A_622 = tpu.memref_slice %arg2[%add3A_538, %dma_start3A_621] : memref<16384x200xi32, #tpu.memory_space<hbm>> -> memref<8x200xi32, #tpu.memory_space<hbm>>
          tpu.enqueue_dma source(%dma_start3A_622 : memref<8x200xi32, #tpu.memory_space<hbm>>) target(%arg8 : memref<8x200xi32, #tpu.memory_space<vmem>>) target_semaphore(%run_scoped3A : memref<!tpu.dma_semaphore, #tpu.memory_space<semaphore_mem>>)
          %dma_wait3A_623 = arith.constant 0 : i32
          %dma_wait3A_624 = tpu.memref_slice %arg2[%add3A_538, %dma_wait3A_623] : memref<16384x200xi32, #tpu.memory_space<hbm>> -> memref<8x200xi32, #tpu.memory_space<hbm>>
          %dma_wait3A_625 = arith.constant 0 : i32
          %dma_wait3A_626 = tpu.memref_slice %arg2[%add3A_538, %dma_wait3A_625] : memref<16384x200xi32, #tpu.memory_space<hbm>> -> memref<8x200xi32, #tpu.memory_space<hbm>>
          tpu.wait_dma2 semaphore(%run_scoped3A : memref<!tpu.dma_semaphore, #tpu.memory_space<semaphore_mem>>) src(%dma_wait3A_626 : memref<8x200xi32, #tpu.memory_space<hbm>>) dst(%arg8 : memref<8x200xi32, #tpu.memory_space<vmem>>)
          tpu.yield
        }) : () -> ()
        %dma_start3A_539 = arith.constant 0 : i32
        %dma_start3A_540 = arith.constant 0 : i32
        %dma_start3A_541 = arith.constant 0 : i32
        %dma_start3A_542 = tpu.memref_slice %arg10[%dma_start3A_540, %dma_start3A_541] : memref<1600x32xf32, #tpu.memory_space<vmem>> -> memref<200x32xf32, #tpu.memory_space<vmem>>
        %dma_start3A_543 = arith.constant 0 : i32
        %dma_start3A_544 = tpu.memref_slice %arg8[%dma_start3A_539, %dma_start3A_543] : memref<8x200xi32, #tpu.memory_space<vmem>> -> memref<1x200xi32, #tpu.memory_space<vmem>>
        %dma_start3A_545 = tpu.memref_squeeze %dma_start3A_544 : memref<1x200xi32, #tpu.memory_space<vmem>> -> memref<200xi32, #tpu.memory_space<vmem>>
        %dma_start3A_546 = arith.constant 0 : i32
        %dma_start3A_547 = arith.constant 0 : i32
        %dma_start3A_548 = tpu.memref_slice %arg4[%dma_start3A_546, %dma_start3A_547] : memref<1000000x32xf32, #tpu.memory_space<hbm>> -> memref<1000000x32xf32, #tpu.memory_space<hbm>>
        tpu.enqueue_indirect_dma source(%dma_start3A_548 : memref<1000000x32xf32, #tpu.memory_space<hbm>>) target(%dma_start3A_542 : memref<200x32xf32, #tpu.memory_space<vmem>>) offsets(%dma_start3A_545 : memref<200xi32, #tpu.memory_space<vmem>>) semaphore(%arg15 : memref<!tpu.dma_semaphore, #tpu.memory_space<semaphore_mem>>)
        %dma_start3A_549 = arith.constant 1 : i32
        %dma_start3A_550 = arith.constant 200 : i32
        %dma_start3A_551 = arith.constant 0 : i32
        %dma_start3A_552 = tpu.memref_slice %arg10[%dma_start3A_550, %dma_start3A_551] : memref<1600x32xf32, #tpu.memory_space<vmem>> -> memref<200x32xf32, #tpu.memory_space<vmem>>
        %dma_start3A_553 = arith.constant 0 : i32
        %dma_start3A_554 = tpu.memref_slice %arg8[%dma_start3A_549, %dma_start3A_553] : memref<8x200xi32, #tpu.memory_space<vmem>> -> memref<1x200xi32, #tpu.memory_space<vmem>>
        %dma_start3A_555 = tpu.memref_squeeze %dma_start3A_554 : memref<1x200xi32, #tpu.memory_space<vmem>> -> memref<200xi32, #tpu.memory_space<vmem>>
        %dma_start3A_556 = arith.constant 0 : i32
        %dma_start3A_557 = arith.constant 0 : i32
        %dma_start3A_558 = tpu.memref_slice %arg4[%dma_start3A_556, %dma_start3A_557] : memref<1000000x32xf32, #tpu.memory_space<hbm>> -> memref<1000000x32xf32, #tpu.memory_space<hbm>>
        tpu.enqueue_indirect_dma source(%dma_start3A_558 : memref<1000000x32xf32, #tpu.memory_space<hbm>>) target(%dma_start3A_552 : memref<200x32xf32, #tpu.memory_space<vmem>>) offsets(%dma_start3A_555 : memref<200xi32, #tpu.memory_space<vmem>>) semaphore(%arg15 : memref<!tpu.dma_semaphore, #tpu.memory_space<semaphore_mem>>)
        %dma_start3A_559 = arith.constant 2 : i32
        %dma_start3A_560 = arith.constant 400 : i32
        %dma_start3A_561 = arith.constant 0 : i32
        %dma_start3A_562 = tpu.memref_slice %arg10[%dma_start3A_560, %dma_start3A_561] : memref<1600x32xf32, #tpu.memory_space<vmem>> -> memref<200x32xf32, #tpu.memory_space<vmem>>
        %dma_start3A_563 = arith.constant 0 : i32
        %dma_start3A_564 = tpu.memref_slice %arg8[%dma_start3A_559, %dma_start3A_563] : memref<8x200xi32, #tpu.memory_space<vmem>> -> memref<1x200xi32, #tpu.memory_space<vmem>>
        %dma_start3A_565 = tpu.memref_squeeze %dma_start3A_564 : memref<1x200xi32, #tpu.memory_space<vmem>> -> memref<200xi32, #tpu.memory_space<vmem>>
        %dma_start3A_566 = arith.constant 0 : i32
        %dma_start3A_567 = arith.constant 0 : i32
        %dma_start3A_568 = tpu.memref_slice %arg4[%dma_start3A_566, %dma_start3A_567] : memref<1000000x32xf32, #tpu.memory_space<hbm>> -> memref<1000000x32xf32, #tpu.memory_space<hbm>>
        tpu.enqueue_indirect_dma source(%dma_start3A_568 : memref<1000000x32xf32, #tpu.memory_space<hbm>>) target(%dma_start3A_562 : memref<200x32xf32, #tpu.memory_space<vmem>>) offsets(%dma_start3A_565 : memref<200xi32, #tpu.memory_space<vmem>>) semaphore(%arg15 : memref<!tpu.dma_semaphore, #tpu.memory_space<semaphore_mem>>)
        %dma_start3A_569 = arith.constant 3 : i32
        %dma_start3A_570 = arith.constant 600 : i32
        %dma_start3A_571 = arith.constant 0 : i32
        %dma_start3A_572 = tpu.memref_slice %arg10[%dma_start3A_570, %dma_start3A_571] : memref<1600x32xf32, #tpu.memory_space<vmem>> -> memref<200x32xf32, #tpu.memory_space<vmem>>
        %dma_start3A_573 = arith.constant 0 : i32
        %dma_start3A_574 = tpu.memref_slice %arg8[%dma_start3A_569, %dma_start3A_573] : memref<8x200xi32, #tpu.memory_space<vmem>> -> memref<1x200xi32, #tpu.memory_space<vmem>>
        %dma_start3A_575 = tpu.memref_squeeze %dma_start3A_574 : memref<1x200xi32, #tpu.memory_space<vmem>> -> memref<200xi32, #tpu.memory_space<vmem>>
        %dma_start3A_576 = arith.constant 0 : i32
        %dma_start3A_577 = arith.constant 0 : i32
        %dma_start3A_578 = tpu.memref_slice %arg4[%dma_start3A_576, %dma_start3A_577] : memref<1000000x32xf32, #tpu.memory_space<hbm>> -> memref<1000000x32xf32, #tpu.memory_space<hbm>>
        tpu.enqueue_indirect_dma source(%dma_start3A_578 : memref<1000000x32xf32, #tpu.memory_space<hbm>>) target(%dma_start3A_572 : memref<200x32xf32, #tpu.memory_space<vmem>>) offsets(%dma_start3A_575 : memref<200xi32, #tpu.memory_space<vmem>>) semaphore(%arg15 : memref<!tpu.dma_semaphore, #tpu.memory_space<semaphore_mem>>)
        %dma_start3A_579 = arith.constant 4 : i32
        %dma_start3A_580 = arith.constant 800 : i32
        %dma_start3A_581 = arith.constant 0 : i32
        %dma_start3A_582 = tpu.memref_slice %arg10[%dma_start3A_580, %dma_start3A_581] : memref<1600x32xf32, #tpu.memory_space<vmem>> -> memref<200x32xf32, #tpu.memory_space<vmem>>
        %dma_start3A_583 = arith.constant 0 : i32
        %dma_start3A_584 = tpu.memref_slice %arg8[%dma_start3A_579, %dma_start3A_583] : memref<8x200xi32, #tpu.memory_space<vmem>> -> memref<1x200xi32, #tpu.memory_space<vmem>>
        %dma_start3A_585 = tpu.memref_squeeze %dma_start3A_584 : memref<1x200xi32, #tpu.memory_space<vmem>> -> memref<200xi32, #tpu.memory_space<vmem>>
        %dma_start3A_586 = arith.constant 0 : i32
        %dma_start3A_587 = arith.constant 0 : i32
        %dma_start3A_588 = tpu.memref_slice %arg4[%dma_start3A_586, %dma_start3A_587] : memref<1000000x32xf32, #tpu.memory_space<hbm>> -> memref<1000000x32xf32, #tpu.memory_space<hbm>>
        tpu.enqueue_indirect_dma source(%dma_start3A_588 : memref<1000000x32xf32, #tpu.memory_space<hbm>>) target(%dma_start3A_582 : memref<200x32xf32, #tpu.memory_space<vmem>>) offsets(%dma_start3A_585 : memref<200xi32, #tpu.memory_space<vmem>>) semaphore(%arg15 : memref<!tpu.dma_semaphore, #tpu.memory_space<semaphore_mem>>)
        %dma_start3A_589 = arith.constant 5 : i32
        %dma_start3A_590 = arith.constant 1000 : i32
        %dma_start3A_591 = arith.constant 0 : i32
        %dma_start3A_592 = tpu.memref_slice %arg10[%dma_start3A_590, %dma_start3A_591] : memref<1600x32xf32, #tpu.memory_space<vmem>> -> memref<200x32xf32, #tpu.memory_space<vmem>>
        %dma_start3A_593 = arith.constant 0 : i32
        %dma_start3A_594 = tpu.memref_slice %arg8[%dma_start3A_589, %dma_start3A_593] : memref<8x200xi32, #tpu.memory_space<vmem>> -> memref<1x200xi32, #tpu.memory_space<vmem>>
        %dma_start3A_595 = tpu.memref_squeeze %dma_start3A_594 : memref<1x200xi32, #tpu.memory_space<vmem>> -> memref<200xi32, #tpu.memory_space<vmem>>
        %dma_start3A_596 = arith.constant 0 : i32
        %dma_start3A_597 = arith.constant 0 : i32
        %dma_start3A_598 = tpu.memref_slice %arg4[%dma_start3A_596, %dma_start3A_597] : memref<1000000x32xf32, #tpu.memory_space<hbm>> -> memref<1000000x32xf32, #tpu.memory_space<hbm>>
        tpu.enqueue_indirect_dma source(%dma_start3A_598 : memref<1000000x32xf32, #tpu.memory_space<hbm>>) target(%dma_start3A_592 : memref<200x32xf32, #tpu.memory_space<vmem>>) offsets(%dma_start3A_595 : memref<200xi32, #tpu.memory_space<vmem>>) semaphore(%arg15 : memref<!tpu.dma_semaphore, #tpu.memory_space<semaphore_mem>>)
        %dma_start3A_599 = arith.constant 6 : i32
        %dma_start3A_600 = arith.constant 1200 : i32
        %dma_start3A_601 = arith.constant 0 : i32
        %dma_start3A_602 = tpu.memref_slice %arg10[%dma_start3A_600, %dma_start3A_601] : memref<1600x32xf32, #tpu.memory_space<vmem>> -> memref<200x32xf32, #tpu.memory_space<vmem>>
        %dma_start3A_603 = arith.constant 0 : i32
        %dma_start3A_604 = tpu.memref_slice %arg8[%dma_start3A_599, %dma_start3A_603] : memref<8x200xi32, #tpu.memory_space<vmem>> -> memref<1x200xi32, #tpu.memory_space<vmem>>
        %dma_start3A_605 = tpu.memref_squeeze %dma_start3A_604 : memref<1x200xi32, #tpu.memory_space<vmem>> -> memref<200xi32, #tpu.memory_space<vmem>>
        %dma_start3A_606 = arith.constant 0 : i32
        %dma_start3A_607 = arith.constant 0 : i32
        %dma_start3A_608 = tpu.memref_slice %arg4[%dma_start3A_606, %dma_start3A_607] : memref<1000000x32xf32, #tpu.memory_space<hbm>> -> memref<1000000x32xf32, #tpu.memory_space<hbm>>
        tpu.enqueue_indirect_dma source(%dma_start3A_608 : memref<1000000x32xf32, #tpu.memory_space<hbm>>) target(%dma_start3A_602 : memref<200x32xf32, #tpu.memory_space<vmem>>) offsets(%dma_start3A_605 : memref<200xi32, #tpu.memory_space<vmem>>) semaphore(%arg15 : memref<!tpu.dma_semaphore, #tpu.memory_space<semaphore_mem>>)
        %dma_start3A_609 = arith.constant 7 : i32
        %dma_start3A_610 = arith.constant 1400 : i32
        %dma_start3A_611 = arith.constant 0 : i32
        %dma_start3A_612 = tpu.memref_slice %arg10[%dma_start3A_610, %dma_start3A_611] : memref<1600x32xf32, #tpu.memory_space<vmem>> -> memref<200x32xf32, #tpu.memory_space<vmem>>
        %dma_start3A_613 = arith.constant 0 : i32
        %dma_start3A_614 = tpu.memref_slice %arg8[%dma_start3A_609, %dma_start3A_613] : memref<8x200xi32, #tpu.memory_space<vmem>> -> memref<1x200xi32, #tpu.memory_space<vmem>>
        %dma_start3A_615 = tpu.memref_squeeze %dma_start3A_614 : memref<1x200xi32, #tpu.memory_space<vmem>> -> memref<200xi32, #tpu.memory_space<vmem>>
        %dma_start3A_616 = arith.constant 0 : i32
        %dma_start3A_617 = arith.constant 0 : i32
        %dma_start3A_618 = tpu.memref_slice %arg4[%dma_start3A_616, %dma_start3A_617] : memref<1000000x32xf32, #tpu.memory_space<hbm>> -> memref<1000000x32xf32, #tpu.memory_space<hbm>>
        tpu.enqueue_indirect_dma source(%dma_start3A_618 : memref<1000000x32xf32, #tpu.memory_space<hbm>>) target(%dma_start3A_612 : memref<200x32xf32, #tpu.memory_space<vmem>>) offsets(%dma_start3A_615 : memref<200xi32, #tpu.memory_space<vmem>>) semaphore(%arg15 : memref<!tpu.dma_semaphore, #tpu.memory_space<semaphore_mem>>)
      } else {
      }
      %dma_wait3A_363 = arith.constant 0 : i32
      %dma_wait3A_364 = arith.constant 0 : i32
      %dma_wait3A_365 = tpu.memref_slice %arg4[%dma_wait3A_363, %dma_wait3A_364] : memref<1000000x32xf32, #tpu.memory_space<hbm>> -> memref<1600x32xf32, #tpu.memory_space<hbm>>
      %dma_wait3A_366 = arith.constant 0 : i32
      %dma_wait3A_367 = arith.constant 0 : i32
      %dma_wait3A_368 = tpu.memref_slice %arg4[%dma_wait3A_366, %dma_wait3A_367] : memref<1000000x32xf32, #tpu.memory_space<hbm>> -> memref<1600x32xf32, #tpu.memory_space<hbm>>
      tpu.wait_dma2 semaphore(%arg16 : memref<!tpu.dma_semaphore, #tpu.memory_space<semaphore_mem>>) src(%dma_wait3A_368 : memref<1600x32xf32, #tpu.memory_space<hbm>>) dst(%arg11 : memref<1600x32xf32, #tpu.memory_space<vmem>>)
      %add3A_369 = arith.constant 1 : i32
      %add3A_370 = arith.addi %mul3A_108, %add3A_369 : i32
      %broadcast_in_dim3A_371 = arith.constant 0.000000e+00 : f32
      %broadcast_in_dim3A_372 = vector.broadcast %broadcast_in_dim3A_371 : f32 to vector<16xf32>
      %scan3A_373 = arith.constant 0 : i32
      %scan3A_374 = arith.constant 25 : i32
      %scan3A_375 = arith.addi %scan3A_373, %scan3A_374 : i32
      %scan3A_376 = arith.constant 1 : i32
      %scan3A_377:2 = scf.for %scan3A_534 = %scan3A_373 to %scan3A_375 step %scan3A_376 iter_args(%scan3A_535 = %broadcast_in_dim3A_372, %scan3A_536 = %broadcast_in_dim3A_372) -> (vector<16xf32>, vector<16xf32>)  : i32 {
        %mul3A_537 = arith.constant 8 : i32
        %mul3A_538 = arith.muli %scan3A_534, %mul3A_537 : i32
        %add3A_539 = arith.constant 0 : i32
        %add3A_540 = arith.addi %add3A_539, %mul3A_538 : i32
        %add3A_541 = arith.constant 0 : i32
        %add3A_542 = arith.addi %add3A_540, %add3A_541 : i32
        %get3A = arith.index_cast %add3A_542 : i32 to index
        %get3A_543 = arith.constant 0 : index
        %get3A_544 = tpu.vector_load %arg11[%get3A, %get3A_543] {strides = array<i32>} : memref<1600x32xf32, #tpu.memory_space<vmem>>, vector<1x16xf32>,
        %get3A_545 = vector.shape_cast %get3A_544 : vector<1x16xf32> to vector<16xf32>
        %add3A_546 = arith.addf %scan3A_535, %get3A_545 : vector<16xf32>
        %get3A_547 = arith.index_cast %add3A_542 : i32 to index
        %get3A_548 = arith.constant 16 : index
        %get3A_549 = tpu.vector_load %arg11[%get3A_547, %get3A_548] {strides = array<i32>} : memref<1600x32xf32, #tpu.memory_space<vmem>>, vector<1x16xf32>,
        %get3A_550 = vector.shape_cast %get3A_549 : vector<1x16xf32> to vector<16xf32>
        %add3A_551 = arith.addf %scan3A_536, %get3A_550 : vector<16xf32>
        %mul3A_552 = arith.constant 8 : i32
        %mul3A_553 = arith.muli %scan3A_534, %mul3A_552 : i32
        %add3A_554 = arith.constant 0 : i32
        %add3A_555 = arith.addi %add3A_554, %mul3A_553 : i32
        %add3A_556 = arith.constant 1 : i32
        %add3A_557 = arith.addi %add3A_555, %add3A_556 : i32
        %get3A_558 = arith.index_cast %add3A_557 : i32 to index
        %get3A_559 = arith.constant 0 : index
        %get3A_560 = tpu.vector_load %arg11[%get3A_558, %get3A_559] {strides = array<i32>} : memref<1600x32xf32, #tpu.memory_space<vmem>>, vector<1x16xf32>,
        %get3A_561 = vector.shape_cast %get3A_560 : vector<1x16xf32> to vector<16xf32>
        %add3A_562 = arith.addf %add3A_546, %get3A_561 : vector<16xf32>
        %get3A_563 = arith.index_cast %add3A_557 : i32 to index
        %get3A_564 = arith.constant 16 : index
        %get3A_565 = tpu.vector_load %arg11[%get3A_563, %get3A_564] {strides = array<i32>} : memref<1600x32xf32, #tpu.memory_space<vmem>>, vector<1x16xf32>,
        %get3A_566 = vector.shape_cast %get3A_565 : vector<1x16xf32> to vector<16xf32>
        %add3A_567 = arith.addf %add3A_551, %get3A_566 : vector<16xf32>
        %mul3A_568 = arith.constant 8 : i32
        %mul3A_569 = arith.muli %scan3A_534, %mul3A_568 : i32
        %add3A_570 = arith.constant 0 : i32
        %add3A_571 = arith.addi %add3A_570, %mul3A_569 : i32
        %add3A_572 = arith.constant 2 : i32
        %add3A_573 = arith.addi %add3A_571, %add3A_572 : i32
        %get3A_574 = arith.index_cast %add3A_573 : i32 to index
        %get3A_575 = arith.constant 0 : index
        %get3A_576 = tpu.vector_load %arg11[%get3A_574, %get3A_575] {strides = array<i32>} : memref<1600x32xf32, #tpu.memory_space<vmem>>, vector<1x16xf32>,
        %get3A_577 = vector.shape_cast %get3A_576 : vector<1x16xf32> to vector<16xf32>
        %add3A_578 = arith.addf %add3A_562, %get3A_577 : vector<16xf32>
        %get3A_579 = arith.index_cast %add3A_573 : i32 to index
        %get3A_580 = arith.constant 16 : index
        %get3A_581 = tpu.vector_load %arg11[%get3A_579, %get3A_580] {strides = array<i32>} : memref<1600x32xf32, #tpu.memory_space<vmem>>, vector<1x16xf32>,
        %get3A_582 = vector.shape_cast %get3A_581 : vector<1x16xf32> to vector<16xf32>
        %add3A_583 = arith.addf %add3A_567, %get3A_582 : vector<16xf32>
        %mul3A_584 = arith.constant 8 : i32
        %mul3A_585 = arith.muli %scan3A_534, %mul3A_584 : i32
        %add3A_586 = arith.constant 0 : i32
        %add3A_587 = arith.addi %add3A_586, %mul3A_585 : i32
        %add3A_588 = arith.constant 3 : i32
        %add3A_589 = arith.addi %add3A_587, %add3A_588 : i32
        %get3A_590 = arith.index_cast %add3A_589 : i32 to index
        %get3A_591 = arith.constant 0 : index
        %get3A_592 = tpu.vector_load %arg11[%get3A_590, %get3A_591] {strides = array<i32>} : memref<1600x32xf32, #tpu.memory_space<vmem>>, vector<1x16xf32>,
        %get3A_593 = vector.shape_cast %get3A_592 : vector<1x16xf32> to vector<16xf32>
        %add3A_594 = arith.addf %add3A_578, %get3A_593 : vector<16xf32>
        %get3A_595 = arith.index_cast %add3A_589 : i32 to index
        %get3A_596 = arith.constant 16 : index
        %get3A_597 = tpu.vector_load %arg11[%get3A_595, %get3A_596] {strides = array<i32>} : memref<1600x32xf32, #tpu.memory_space<vmem>>, vector<1x16xf32>,
        %get3A_598 = vector.shape_cast %get3A_597 : vector<1x16xf32> to vector<16xf32>
        %add3A_599 = arith.addf %add3A_583, %get3A_598 : vector<16xf32>
        %mul3A_600 = arith.constant 8 : i32
        %mul3A_601 = arith.muli %scan3A_534, %mul3A_600 : i32
        %add3A_602 = arith.constant 0 : i32
        %add3A_603 = arith.addi %add3A_602, %mul3A_601 : i32
        %add3A_604 = arith.constant 4 : i32
        %add3A_605 = arith.addi %add3A_603, %add3A_604 : i32
        %get3A_606 = arith.index_cast %add3A_605 : i32 to index
        %get3A_607 = arith.constant 0 : index
        %get3A_608 = tpu.vector_load %arg11[%get3A_606, %get3A_607] {strides = array<i32>} : memref<1600x32xf32, #tpu.memory_space<vmem>>, vector<1x16xf32>,
        %get3A_609 = vector.shape_cast %get3A_608 : vector<1x16xf32> to vector<16xf32>
        %add3A_610 = arith.addf %add3A_594, %get3A_609 : vector<16xf32>
        %get3A_611 = arith.index_cast %add3A_605 : i32 to index
        %get3A_612 = arith.constant 16 : index
        %get3A_613 = tpu.vector_load %arg11[%get3A_611, %get3A_612] {strides = array<i32>} : memref<1600x32xf32, #tpu.memory_space<vmem>>, vector<1x16xf32>,
        %get3A_614 = vector.shape_cast %get3A_613 : vector<1x16xf32> to vector<16xf32>
        %add3A_615 = arith.addf %add3A_599, %get3A_614 : vector<16xf32>
        %mul3A_616 = arith.constant 8 : i32
        %mul3A_617 = arith.muli %scan3A_534, %mul3A_616 : i32
        %add3A_618 = arith.constant 0 : i32
        %add3A_619 = arith.addi %add3A_618, %mul3A_617 : i32
        %add3A_620 = arith.constant 5 : i32
        %add3A_621 = arith.addi %add3A_619, %add3A_620 : i32
        %get3A_622 = arith.index_cast %add3A_621 : i32 to index
        %get3A_623 = arith.constant 0 : index
        %get3A_624 = tpu.vector_load %arg11[%get3A_622, %get3A_623] {strides = array<i32>} : memref<1600x32xf32, #tpu.memory_space<vmem>>, vector<1x16xf32>,
        %get3A_625 = vector.shape_cast %get3A_624 : vector<1x16xf32> to vector<16xf32>
        %add3A_626 = arith.addf %add3A_610, %get3A_625 : vector<16xf32>
        %get3A_627 = arith.index_cast %add3A_621 : i32 to index
        %get3A_628 = arith.constant 16 : index
        %get3A_629 = tpu.vector_load %arg11[%get3A_627, %get3A_628] {strides = array<i32>} : memref<1600x32xf32, #tpu.memory_space<vmem>>, vector<1x16xf32>,
        %get3A_630 = vector.shape_cast %get3A_629 : vector<1x16xf32> to vector<16xf32>
        %add3A_631 = arith.addf %add3A_615, %get3A_630 : vector<16xf32>
        %mul3A_632 = arith.constant 8 : i32
        %mul3A_633 = arith.muli %scan3A_534, %mul3A_632 : i32
        %add3A_634 = arith.constant 0 : i32
        %add3A_635 = arith.addi %add3A_634, %mul3A_633 : i32
        %add3A_636 = arith.constant 6 : i32
        %add3A_637 = arith.addi %add3A_635, %add3A_636 : i32
        %get3A_638 = arith.index_cast %add3A_637 : i32 to index
        %get3A_639 = arith.constant 0 : index
        %get3A_640 = tpu.vector_load %arg11[%get3A_638, %get3A_639] {strides = array<i32>} : memref<1600x32xf32, #tpu.memory_space<vmem>>, vector<1x16xf32>,
        %get3A_641 = vector.shape_cast %get3A_640 : vector<1x16xf32> to vector<16xf32>
        %add3A_642 = arith.addf %add3A_626, %get3A_641 : vector<16xf32>
        %get3A_643 = arith.index_cast %add3A_637 : i32 to index
        %get3A_644 = arith.constant 16 : index
        %get3A_645 = tpu.vector_load %arg11[%get3A_643, %get3A_644] {strides = array<i32>} : memref<1600x32xf32, #tpu.memory_space<vmem>>, vector<1x16xf32>,
        %get3A_646 = vector.shape_cast %get3A_645 : vector<1x16xf32> to vector<16xf32>
        %add3A_647 = arith.addf %add3A_631, %get3A_646 : vector<16xf32>
        %mul3A_648 = arith.constant 8 : i32
        %mul3A_649 = arith.muli %scan3A_534, %mul3A_648 : i32
        %add3A_650 = arith.constant 0 : i32
        %add3A_651 = arith.addi %add3A_650, %mul3A_649 : i32
        %add3A_652 = arith.constant 7 : i32
        %add3A_653 = arith.addi %add3A_651, %add3A_652 : i32
        %get3A_654 = arith.index_cast %add3A_653 : i32 to index
        %get3A_655 = arith.constant 0 : index
        %get3A_656 = tpu.vector_load %arg11[%get3A_654, %get3A_655] {strides = array<i32>} : memref<1600x32xf32, #tpu.memory_space<vmem>>, vector<1x16xf32>,
        %get3A_657 = vector.shape_cast %get3A_656 : vector<1x16xf32> to vector<16xf32>
        %add3A_658 = arith.addf %add3A_642, %get3A_657 : vector<16xf32>
        %get3A_659 = arith.index_cast %add3A_653 : i32 to index
        %get3A_660 = arith.constant 16 : index
        %get3A_661 = tpu.vector_load %arg11[%get3A_659, %get3A_660] {strides = array<i32>} : memref<1600x32xf32, #tpu.memory_space<vmem>>, vector<1x16xf32>,
        %get3A_662 = vector.shape_cast %get3A_661 : vector<1x16xf32> to vector<16xf32>
        %add3A_663 = arith.addf %add3A_647, %get3A_662 : vector<16xf32>
        scf.yield %add3A_658, %add3A_663 : vector<16xf32>, vector<16xf32>
      }
      %scan3A_378 = arith.constant 25 : i32
      %swap3A_379 = arith.constant 0 : i32
      %swap3A_380 = arith.index_cast %swap3A_379 : i32 to index
      %swap3A_381 = arith.constant 0 : index
      %swap3A_382 = tpu.vector_load %arg12[%swap3A_380, %swap3A_381] {strides = array<i32>} : memref<8x32xf32, #tpu.memory_space<vmem>>, vector<1x16xf32>,
      %swap3A_383 = vector.shape_cast %swap3A_382 : vector<1x16xf32> to vector<16xf32>
      %swap3A_384 = vector.shape_cast %scan3A_377#0 : vector<16xf32> to vector<1x16xf32>
      tpu.vector_store %arg12[%swap3A_380, %swap3A_381], %swap3A_384 {strides = array<i32>} : memref<8x32xf32, #tpu.memory_space<vmem>>, vector<1x16xf32>,
      %swap3A_385 = arith.constant 0 : i32
      %swap3A_386 = arith.index_cast %swap3A_385 : i32 to index
      %swap3A_387 = arith.constant 16 : index
      %swap3A_388 = tpu.vector_load %arg12[%swap3A_386, %swap3A_387] {strides = array<i32>} : memref<8x32xf32, #tpu.memory_space<vmem>>, vector<1x16xf32>,
      %swap3A_389 = vector.shape_cast %swap3A_388 : vector<1x16xf32> to vector<16xf32>
      %swap3A_390 = vector.shape_cast %scan3A_377#1 : vector<16xf32> to vector<1x16xf32>
      tpu.vector_store %arg12[%swap3A_386, %swap3A_387], %swap3A_390 {strides = array<i32>} : memref<8x32xf32, #tpu.memory_space<vmem>>, vector<1x16xf32>,
      %broadcast_in_dim3A_391 = arith.constant 0.000000e+00 : f32
      %broadcast_in_dim3A_392 = vector.broadcast %broadcast_in_dim3A_391 : f32 to vector<16xf32>
      %scan3A_393 = arith.constant 0 : i32
      %scan3A_394 = arith.constant 25 : i32
      %scan3A_395 = arith.addi %scan3A_393, %scan3A_394 : i32
      %scan3A_396 = arith.constant 1 : i32
      %scan3A_397:2 = scf.for %scan3A_534 = %scan3A_393 to %scan3A_395 step %scan3A_396 iter_args(%scan3A_535 = %broadcast_in_dim3A_392, %scan3A_536 = %broadcast_in_dim3A_392) -> (vector<16xf32>, vector<16xf32>)  : i32 {
        %mul3A_537 = arith.constant 8 : i32
        %mul3A_538 = arith.muli %scan3A_534, %mul3A_537 : i32
        %add3A_539 = arith.constant 200 : i32
        %add3A_540 = arith.addi %add3A_539, %mul3A_538 : i32
        %add3A_541 = arith.constant 0 : i32
        %add3A_542 = arith.addi %add3A_540, %add3A_541 : i32
        %get3A = arith.index_cast %add3A_542 : i32 to index
        %get3A_543 = arith.constant 0 : index
        %get3A_544 = tpu.vector_load %arg11[%get3A, %get3A_543] {strides = array<i32>} : memref<1600x32xf32, #tpu.memory_space<vmem>>, vector<1x16xf32>,
        %get3A_545 = vector.shape_cast %get3A_544 : vector<1x16xf32> to vector<16xf32>
        %add3A_546 = arith.addf %scan3A_535, %get3A_545 : vector<16xf32>
        %get3A_547 = arith.index_cast %add3A_542 : i32 to index
        %get3A_548 = arith.constant 16 : index
        %get3A_549 = tpu.vector_load %arg11[%get3A_547, %get3A_548] {strides = array<i32>} : memref<1600x32xf32, #tpu.memory_space<vmem>>, vector<1x16xf32>,
        %get3A_550 = vector.shape_cast %get3A_549 : vector<1x16xf32> to vector<16xf32>
        %add3A_551 = arith.addf %scan3A_536, %get3A_550 : vector<16xf32>
        %mul3A_552 = arith.constant 8 : i32
        %mul3A_553 = arith.muli %scan3A_534, %mul3A_552 : i32
        %add3A_554 = arith.constant 200 : i32
        %add3A_555 = arith.addi %add3A_554, %mul3A_553 : i32
        %add3A_556 = arith.constant 1 : i32
        %add3A_557 = arith.addi %add3A_555, %add3A_556 : i32
        %get3A_558 = arith.index_cast %add3A_557 : i32 to index
        %get3A_559 = arith.constant 0 : index
        %get3A_560 = tpu.vector_load %arg11[%get3A_558, %get3A_559] {strides = array<i32>} : memref<1600x32xf32, #tpu.memory_space<vmem>>, vector<1x16xf32>,
        %get3A_561 = vector.shape_cast %get3A_560 : vector<1x16xf32> to vector<16xf32>
        %add3A_562 = arith.addf %add3A_546, %get3A_561 : vector<16xf32>
        %get3A_563 = arith.index_cast %add3A_557 : i32 to index
        %get3A_564 = arith.constant 16 : index
        %get3A_565 = tpu.vector_load %arg11[%get3A_563, %get3A_564] {strides = array<i32>} : memref<1600x32xf32, #tpu.memory_space<vmem>>, vector<1x16xf32>,
        %get3A_566 = vector.shape_cast %get3A_565 : vector<1x16xf32> to vector<16xf32>
        %add3A_567 = arith.addf %add3A_551, %get3A_566 : vector<16xf32>
        %mul3A_568 = arith.constant 8 : i32
        %mul3A_569 = arith.muli %scan3A_534, %mul3A_568 : i32
        %add3A_570 = arith.constant 200 : i32
        %add3A_571 = arith.addi %add3A_570, %mul3A_569 : i32
        %add3A_572 = arith.constant 2 : i32
        %add3A_573 = arith.addi %add3A_571, %add3A_572 : i32
        %get3A_574 = arith.index_cast %add3A_573 : i32 to index
        %get3A_575 = arith.constant 0 : index
        %get3A_576 = tpu.vector_load %arg11[%get3A_574, %get3A_575] {strides = array<i32>} : memref<1600x32xf32, #tpu.memory_space<vmem>>, vector<1x16xf32>,
        %get3A_577 = vector.shape_cast %get3A_576 : vector<1x16xf32> to vector<16xf32>
        %add3A_578 = arith.addf %add3A_562, %get3A_577 : vector<16xf32>
        %get3A_579 = arith.index_cast %add3A_573 : i32 to index
        %get3A_580 = arith.constant 16 : index
        %get3A_581 = tpu.vector_load %arg11[%get3A_579, %get3A_580] {strides = array<i32>} : memref<1600x32xf32, #tpu.memory_space<vmem>>, vector<1x16xf32>,
        %get3A_582 = vector.shape_cast %get3A_581 : vector<1x16xf32> to vector<16xf32>
        %add3A_583 = arith.addf %add3A_567, %get3A_582 : vector<16xf32>
        %mul3A_584 = arith.constant 8 : i32
        %mul3A_585 = arith.muli %scan3A_534, %mul3A_584 : i32
        %add3A_586 = arith.constant 200 : i32
        %add3A_587 = arith.addi %add3A_586, %mul3A_585 : i32
        %add3A_588 = arith.constant 3 : i32
        %add3A_589 = arith.addi %add3A_587, %add3A_588 : i32
        %get3A_590 = arith.index_cast %add3A_589 : i32 to index
        %get3A_591 = arith.constant 0 : index
        %get3A_592 = tpu.vector_load %arg11[%get3A_590, %get3A_591] {strides = array<i32>} : memref<1600x32xf32, #tpu.memory_space<vmem>>, vector<1x16xf32>,
        %get3A_593 = vector.shape_cast %get3A_592 : vector<1x16xf32> to vector<16xf32>
        %add3A_594 = arith.addf %add3A_578, %get3A_593 : vector<16xf32>
        %get3A_595 = arith.index_cast %add3A_589 : i32 to index
        %get3A_596 = arith.constant 16 : index
        %get3A_597 = tpu.vector_load %arg11[%get3A_595, %get3A_596] {strides = array<i32>} : memref<1600x32xf32, #tpu.memory_space<vmem>>, vector<1x16xf32>,
        %get3A_598 = vector.shape_cast %get3A_597 : vector<1x16xf32> to vector<16xf32>
        %add3A_599 = arith.addf %add3A_583, %get3A_598 : vector<16xf32>
        %mul3A_600 = arith.constant 8 : i32
        %mul3A_601 = arith.muli %scan3A_534, %mul3A_600 : i32
        %add3A_602 = arith.constant 200 : i32
        %add3A_603 = arith.addi %add3A_602, %mul3A_601 : i32
        %add3A_604 = arith.constant 4 : i32
        %add3A_605 = arith.addi %add3A_603, %add3A_604 : i32
        %get3A_606 = arith.index_cast %add3A_605 : i32 to index
        %get3A_607 = arith.constant 0 : index
        %get3A_608 = tpu.vector_load %arg11[%get3A_606, %get3A_607] {strides = array<i32>} : memref<1600x32xf32, #tpu.memory_space<vmem>>, vector<1x16xf32>,
        %get3A_609 = vector.shape_cast %get3A_608 : vector<1x16xf32> to vector<16xf32>
        %add3A_610 = arith.addf %add3A_594, %get3A_609 : vector<16xf32>
        %get3A_611 = arith.index_cast %add3A_605 : i32 to index
        %get3A_612 = arith.constant 16 : index
        %get3A_613 = tpu.vector_load %arg11[%get3A_611, %get3A_612] {strides = array<i32>} : memref<1600x32xf32, #tpu.memory_space<vmem>>, vector<1x16xf32>,
        %get3A_614 = vector.shape_cast %get3A_613 : vector<1x16xf32> to vector<16xf32>
        %add3A_615 = arith.addf %add3A_599, %get3A_614 : vector<16xf32>
        %mul3A_616 = arith.constant 8 : i32
        %mul3A_617 = arith.muli %scan3A_534, %mul3A_616 : i32
        %add3A_618 = arith.constant 200 : i32
        %add3A_619 = arith.addi %add3A_618, %mul3A_617 : i32
        %add3A_620 = arith.constant 5 : i32
        %add3A_621 = arith.addi %add3A_619, %add3A_620 : i32
        %get3A_622 = arith.index_cast %add3A_621 : i32 to index
        %get3A_623 = arith.constant 0 : index
        %get3A_624 = tpu.vector_load %arg11[%get3A_622, %get3A_623] {strides = array<i32>} : memref<1600x32xf32, #tpu.memory_space<vmem>>, vector<1x16xf32>,
        %get3A_625 = vector.shape_cast %get3A_624 : vector<1x16xf32> to vector<16xf32>
        %add3A_626 = arith.addf %add3A_610, %get3A_625 : vector<16xf32>
        %get3A_627 = arith.index_cast %add3A_621 : i32 to index
        %get3A_628 = arith.constant 16 : index
        %get3A_629 = tpu.vector_load %arg11[%get3A_627, %get3A_628] {strides = array<i32>} : memref<1600x32xf32, #tpu.memory_space<vmem>>, vector<1x16xf32>,
        %get3A_630 = vector.shape_cast %get3A_629 : vector<1x16xf32> to vector<16xf32>
        %add3A_631 = arith.addf %add3A_615, %get3A_630 : vector<16xf32>
        %mul3A_632 = arith.constant 8 : i32
        %mul3A_633 = arith.muli %scan3A_534, %mul3A_632 : i32
        %add3A_634 = arith.constant 200 : i32
        %add3A_635 = arith.addi %add3A_634, %mul3A_633 : i32
        %add3A_636 = arith.constant 6 : i32
        %add3A_637 = arith.addi %add3A_635, %add3A_636 : i32
        %get3A_638 = arith.index_cast %add3A_637 : i32 to index
        %get3A_639 = arith.constant 0 : index
        %get3A_640 = tpu.vector_load %arg11[%get3A_638, %get3A_639] {strides = array<i32>} : memref<1600x32xf32, #tpu.memory_space<vmem>>, vector<1x16xf32>,
        %get3A_641 = vector.shape_cast %get3A_640 : vector<1x16xf32> to vector<16xf32>
        %add3A_642 = arith.addf %add3A_626, %get3A_641 : vector<16xf32>
        %get3A_643 = arith.index_cast %add3A_637 : i32 to index
        %get3A_644 = arith.constant 16 : index
        %get3A_645 = tpu.vector_load %arg11[%get3A_643, %get3A_644] {strides = array<i32>} : memref<1600x32xf32, #tpu.memory_space<vmem>>, vector<1x16xf32>,
        %get3A_646 = vector.shape_cast %get3A_645 : vector<1x16xf32> to vector<16xf32>
        %add3A_647 = arith.addf %add3A_631, %get3A_646 : vector<16xf32>
        %mul3A_648 = arith.constant 8 : i32
        %mul3A_649 = arith.muli %scan3A_534, %mul3A_648 : i32
        %add3A_650 = arith.constant 200 : i32
        %add3A_651 = arith.addi %add3A_650, %mul3A_649 : i32
        %add3A_652 = arith.constant 7 : i32
        %add3A_653 = arith.addi %add3A_651, %add3A_652 : i32
        %get3A_654 = arith.index_cast %add3A_653 : i32 to index
        %get3A_655 = arith.constant 0 : index
        %get3A_656 = tpu.vector_load %arg11[%get3A_654, %get3A_655] {strides = array<i32>} : memref<1600x32xf32, #tpu.memory_space<vmem>>, vector<1x16xf32>,
        %get3A_657 = vector.shape_cast %get3A_656 : vector<1x16xf32> to vector<16xf32>
        %add3A_658 = arith.addf %add3A_642, %get3A_657 : vector<16xf32>
        %get3A_659 = arith.index_cast %add3A_653 : i32 to index
        %get3A_660 = arith.constant 16 : index
        %get3A_661 = tpu.vector_load %arg11[%get3A_659, %get3A_660] {strides = array<i32>} : memref<1600x32xf32, #tpu.memory_space<vmem>>, vector<1x16xf32>,
        %get3A_662 = vector.shape_cast %get3A_661 : vector<1x16xf32> to vector<16xf32>
        %add3A_663 = arith.addf %add3A_647, %get3A_662 : vector<16xf32>
        scf.yield %add3A_658, %add3A_663 : vector<16xf32>, vector<16xf32>
      }
      %scan3A_398 = arith.constant 25 : i32
      %swap3A_399 = arith.constant 1 : i32
      %swap3A_400 = arith.index_cast %swap3A_399 : i32 to index
      %swap3A_401 = arith.constant 0 : index
      %swap3A_402 = tpu.vector_load %arg12[%swap3A_400, %swap3A_401] {strides = array<i32>} : memref<8x32xf32, #tpu.memory_space<vmem>>, vector<1x16xf32>,
      %swap3A_403 = vector.shape_cast %swap3A_402 : vector<1x16xf32> to vector<16xf32>
      %swap3A_404 = vector.shape_cast %scan3A_397#0 : vector<16xf32> to vector<1x16xf32>
      tpu.vector_store %arg12[%swap3A_400, %swap3A_401], %swap3A_404 {strides = array<i32>} : memref<8x32xf32, #tpu.memory_space<vmem>>, vector<1x16xf32>,
      %swap3A_405 = arith.constant 1 : i32
      %swap3A_406 = arith.index_cast %swap3A_405 : i32 to index
      %swap3A_407 = arith.constant 16 : index
      %swap3A_408 = tpu.vector_load %arg12[%swap3A_406, %swap3A_407] {strides = array<i32>} : memref<8x32xf32, #tpu.memory_space<vmem>>, vector<1x16xf32>,
      %swap3A_409 = vector.shape_cast %swap3A_408 : vector<1x16xf32> to vector<16xf32>
      %swap3A_410 = vector.shape_cast %scan3A_397#1 : vector<16xf32> to vector<1x16xf32>
      tpu.vector_store %arg12[%swap3A_406, %swap3A_407], %swap3A_410 {strides = array<i32>} : memref<8x32xf32, #tpu.memory_space<vmem>>, vector<1x16xf32>,
      %broadcast_in_dim3A_411 = arith.constant 0.000000e+00 : f32
      %broadcast_in_dim3A_412 = vector.broadcast %broadcast_in_dim3A_411 : f32 to vector<16xf32>
      %scan3A_413 = arith.constant 0 : i32
      %scan3A_414 = arith.constant 25 : i32
      %scan3A_415 = arith.addi %scan3A_413, %scan3A_414 : i32
      %scan3A_416 = arith.constant 1 : i32
      %scan3A_417:2 = scf.for %scan3A_534 = %scan3A_413 to %scan3A_415 step %scan3A_416 iter_args(%scan3A_535 = %broadcast_in_dim3A_412, %scan3A_536 = %broadcast_in_dim3A_412) -> (vector<16xf32>, vector<16xf32>)  : i32 {
        %mul3A_537 = arith.constant 8 : i32
        %mul3A_538 = arith.muli %scan3A_534, %mul3A_537 : i32
        %add3A_539 = arith.constant 400 : i32
        %add3A_540 = arith.addi %add3A_539, %mul3A_538 : i32
        %add3A_541 = arith.constant 0 : i32
        %add3A_542 = arith.addi %add3A_540, %add3A_541 : i32
        %get3A = arith.index_cast %add3A_542 : i32 to index
        %get3A_543 = arith.constant 0 : index
        %get3A_544 = tpu.vector_load %arg11[%get3A, %get3A_543] {strides = array<i32>} : memref<1600x32xf32, #tpu.memory_space<vmem>>, vector<1x16xf32>,
        %get3A_545 = vector.shape_cast %get3A_544 : vector<1x16xf32> to vector<16xf32>
        %add3A_546 = arith.addf %scan3A_535, %get3A_545 : vector<16xf32>
        %get3A_547 = arith.index_cast %add3A_542 : i32 to index
        %get3A_548 = arith.constant 16 : index
        %get3A_549 = tpu.vector_load %arg11[%get3A_547, %get3A_548] {strides = array<i32>} : memref<1600x32xf32, #tpu.memory_space<vmem>>, vector<1x16xf32>,
        %get3A_550 = vector.shape_cast %get3A_549 : vector<1x16xf32> to vector<16xf32>
        %add3A_551 = arith.addf %scan3A_536, %get3A_550 : vector<16xf32>
        %mul3A_552 = arith.constant 8 : i32
        %mul3A_553 = arith.muli %scan3A_534, %mul3A_552 : i32
        %add3A_554 = arith.constant 400 : i32
        %add3A_555 = arith.addi %add3A_554, %mul3A_553 : i32
        %add3A_556 = arith.constant 1 : i32
        %add3A_557 = arith.addi %add3A_555, %add3A_556 : i32
        %get3A_558 = arith.index_cast %add3A_557 : i32 to index
        %get3A_559 = arith.constant 0 : index
        %get3A_560 = tpu.vector_load %arg11[%get3A_558, %get3A_559] {strides = array<i32>} : memref<1600x32xf32, #tpu.memory_space<vmem>>, vector<1x16xf32>,
        %get3A_561 = vector.shape_cast %get3A_560 : vector<1x16xf32> to vector<16xf32>
        %add3A_562 = arith.addf %add3A_546, %get3A_561 : vector<16xf32>
        %get3A_563 = arith.index_cast %add3A_557 : i32 to index
        %get3A_564 = arith.constant 16 : index
        %get3A_565 = tpu.vector_load %arg11[%get3A_563, %get3A_564] {strides = array<i32>} : memref<1600x32xf32, #tpu.memory_space<vmem>>, vector<1x16xf32>,
        %get3A_566 = vector.shape_cast %get3A_565 : vector<1x16xf32> to vector<16xf32>
        %add3A_567 = arith.addf %add3A_551, %get3A_566 : vector<16xf32>
        %mul3A_568 = arith.constant 8 : i32
        %mul3A_569 = arith.muli %scan3A_534, %mul3A_568 : i32
        %add3A_570 = arith.constant 400 : i32
        %add3A_571 = arith.addi %add3A_570, %mul3A_569 : i32
        %add3A_572 = arith.constant 2 : i32
        %add3A_573 = arith.addi %add3A_571, %add3A_572 : i32
        %get3A_574 = arith.index_cast %add3A_573 : i32 to index
        %get3A_575 = arith.constant 0 : index
        %get3A_576 = tpu.vector_load %arg11[%get3A_574, %get3A_575] {strides = array<i32>} : memref<1600x32xf32, #tpu.memory_space<vmem>>, vector<1x16xf32>,
        %get3A_577 = vector.shape_cast %get3A_576 : vector<1x16xf32> to vector<16xf32>
        %add3A_578 = arith.addf %add3A_562, %get3A_577 : vector<16xf32>
        %get3A_579 = arith.index_cast %add3A_573 : i32 to index
        %get3A_580 = arith.constant 16 : index
        %get3A_581 = tpu.vector_load %arg11[%get3A_579, %get3A_580] {strides = array<i32>} : memref<1600x32xf32, #tpu.memory_space<vmem>>, vector<1x16xf32>,
        %get3A_582 = vector.shape_cast %get3A_581 : vector<1x16xf32> to vector<16xf32>
        %add3A_583 = arith.addf %add3A_567, %get3A_582 : vector<16xf32>
        %mul3A_584 = arith.constant 8 : i32
        %mul3A_585 = arith.muli %scan3A_534, %mul3A_584 : i32
        %add3A_586 = arith.constant 400 : i32
        %add3A_587 = arith.addi %add3A_586, %mul3A_585 : i32
        %add3A_588 = arith.constant 3 : i32
        %add3A_589 = arith.addi %add3A_587, %add3A_588 : i32
        %get3A_590 = arith.index_cast %add3A_589 : i32 to index
        %get3A_591 = arith.constant 0 : index
        %get3A_592 = tpu.vector_load %arg11[%get3A_590, %get3A_591] {strides = array<i32>} : memref<1600x32xf32, #tpu.memory_space<vmem>>, vector<1x16xf32>,
        %get3A_593 = vector.shape_cast %get3A_592 : vector<1x16xf32> to vector<16xf32>
        %add3A_594 = arith.addf %add3A_578, %get3A_593 : vector<16xf32>
        %get3A_595 = arith.index_cast %add3A_589 : i32 to index
        %get3A_596 = arith.constant 16 : index
        %get3A_597 = tpu.vector_load %arg11[%get3A_595, %get3A_596] {strides = array<i32>} : memref<1600x32xf32, #tpu.memory_space<vmem>>, vector<1x16xf32>,
        %get3A_598 = vector.shape_cast %get3A_597 : vector<1x16xf32> to vector<16xf32>
        %add3A_599 = arith.addf %add3A_583, %get3A_598 : vector<16xf32>
        %mul3A_600 = arith.constant 8 : i32
        %mul3A_601 = arith.muli %scan3A_534, %mul3A_600 : i32
        %add3A_602 = arith.constant 400 : i32
        %add3A_603 = arith.addi %add3A_602, %mul3A_601 : i32
        %add3A_604 = arith.constant 4 : i32
        %add3A_605 = arith.addi %add3A_603, %add3A_604 : i32
        %get3A_606 = arith.index_cast %add3A_605 : i32 to index
        %get3A_607 = arith.constant 0 : index
        %get3A_608 = tpu.vector_load %arg11[%get3A_606, %get3A_607] {strides = array<i32>} : memref<1600x32xf32, #tpu.memory_space<vmem>>, vector<1x16xf32>,
        %get3A_609 = vector.shape_cast %get3A_608 : vector<1x16xf32> to vector<16xf32>
        %add3A_610 = arith.addf %add3A_594, %get3A_609 : vector<16xf32>
        %get3A_611 = arith.index_cast %add3A_605 : i32 to index
        %get3A_612 = arith.constant 16 : index
        %get3A_613 = tpu.vector_load %arg11[%get3A_611, %get3A_612] {strides = array<i32>} : memref<1600x32xf32, #tpu.memory_space<vmem>>, vector<1x16xf32>,
        %get3A_614 = vector.shape_cast %get3A_613 : vector<1x16xf32> to vector<16xf32>
        %add3A_615 = arith.addf %add3A_599, %get3A_614 : vector<16xf32>
        %mul3A_616 = arith.constant 8 : i32
        %mul3A_617 = arith.muli %scan3A_534, %mul3A_616 : i32
        %add3A_618 = arith.constant 400 : i32
        %add3A_619 = arith.addi %add3A_618, %mul3A_617 : i32
        %add3A_620 = arith.constant 5 : i32
        %add3A_621 = arith.addi %add3A_619, %add3A_620 : i32
        %get3A_622 = arith.index_cast %add3A_621 : i32 to index
        %get3A_623 = arith.constant 0 : index
        %get3A_624 = tpu.vector_load %arg11[%get3A_622, %get3A_623] {strides = array<i32>} : memref<1600x32xf32, #tpu.memory_space<vmem>>, vector<1x16xf32>,
        %get3A_625 = vector.shape_cast %get3A_624 : vector<1x16xf32> to vector<16xf32>
        %add3A_626 = arith.addf %add3A_610, %get3A_625 : vector<16xf32>
        %get3A_627 = arith.index_cast %add3A_621 : i32 to index
        %get3A_628 = arith.constant 16 : index
        %get3A_629 = tpu.vector_load %arg11[%get3A_627, %get3A_628] {strides = array<i32>} : memref<1600x32xf32, #tpu.memory_space<vmem>>, vector<1x16xf32>,
        %get3A_630 = vector.shape_cast %get3A_629 : vector<1x16xf32> to vector<16xf32>
        %add3A_631 = arith.addf %add3A_615, %get3A_630 : vector<16xf32>
        %mul3A_632 = arith.constant 8 : i32
        %mul3A_633 = arith.muli %scan3A_534, %mul3A_632 : i32
        %add3A_634 = arith.constant 400 : i32
        %add3A_635 = arith.addi %add3A_634, %mul3A_633 : i32
        %add3A_636 = arith.constant 6 : i32
        %add3A_637 = arith.addi %add3A_635, %add3A_636 : i32
        %get3A_638 = arith.index_cast %add3A_637 : i32 to index
        %get3A_639 = arith.constant 0 : index
        %get3A_640 = tpu.vector_load %arg11[%get3A_638, %get3A_639] {strides = array<i32>} : memref<1600x32xf32, #tpu.memory_space<vmem>>, vector<1x16xf32>,
        %get3A_641 = vector.shape_cast %get3A_640 : vector<1x16xf32> to vector<16xf32>
        %add3A_642 = arith.addf %add3A_626, %get3A_641 : vector<16xf32>
        %get3A_643 = arith.index_cast %add3A_637 : i32 to index
        %get3A_644 = arith.constant 16 : index
        %get3A_645 = tpu.vector_load %arg11[%get3A_643, %get3A_644] {strides = array<i32>} : memref<1600x32xf32, #tpu.memory_space<vmem>>, vector<1x16xf32>,
        %get3A_646 = vector.shape_cast %get3A_645 : vector<1x16xf32> to vector<16xf32>
        %add3A_647 = arith.addf %add3A_631, %get3A_646 : vector<16xf32>
        %mul3A_648 = arith.constant 8 : i32
        %mul3A_649 = arith.muli %scan3A_534, %mul3A_648 : i32
        %add3A_650 = arith.constant 400 : i32
        %add3A_651 = arith.addi %add3A_650, %mul3A_649 : i32
        %add3A_652 = arith.constant 7 : i32
        %add3A_653 = arith.addi %add3A_651, %add3A_652 : i32
        %get3A_654 = arith.index_cast %add3A_653 : i32 to index
        %get3A_655 = arith.constant 0 : index
        %get3A_656 = tpu.vector_load %arg11[%get3A_654, %get3A_655] {strides = array<i32>} : memref<1600x32xf32, #tpu.memory_space<vmem>>, vector<1x16xf32>,
        %get3A_657 = vector.shape_cast %get3A_656 : vector<1x16xf32> to vector<16xf32>
        %add3A_658 = arith.addf %add3A_642, %get3A_657 : vector<16xf32>
        %get3A_659 = arith.index_cast %add3A_653 : i32 to index
        %get3A_660 = arith.constant 16 : index
        %get3A_661 = tpu.vector_load %arg11[%get3A_659, %get3A_660] {strides = array<i32>} : memref<1600x32xf32, #tpu.memory_space<vmem>>, vector<1x16xf32>,
        %get3A_662 = vector.shape_cast %get3A_661 : vector<1x16xf32> to vector<16xf32>
        %add3A_663 = arith.addf %add3A_647, %get3A_662 : vector<16xf32>
        scf.yield %add3A_658, %add3A_663 : vector<16xf32>, vector<16xf32>
      }
      %scan3A_418 = arith.constant 25 : i32
      %swap3A_419 = arith.constant 2 : i32
      %swap3A_420 = arith.index_cast %swap3A_419 : i32 to index
      %swap3A_421 = arith.constant 0 : index
      %swap3A_422 = tpu.vector_load %arg12[%swap3A_420, %swap3A_421] {strides = array<i32>} : memref<8x32xf32, #tpu.memory_space<vmem>>, vector<1x16xf32>,
      %swap3A_423 = vector.shape_cast %swap3A_422 : vector<1x16xf32> to vector<16xf32>
      %swap3A_424 = vector.shape_cast %scan3A_417#0 : vector<16xf32> to vector<1x16xf32>
      tpu.vector_store %arg12[%swap3A_420, %swap3A_421], %swap3A_424 {strides = array<i32>} : memref<8x32xf32, #tpu.memory_space<vmem>>, vector<1x16xf32>,
      %swap3A_425 = arith.constant 2 : i32
      %swap3A_426 = arith.index_cast %swap3A_425 : i32 to index
      %swap3A_427 = arith.constant 16 : index
      %swap3A_428 = tpu.vector_load %arg12[%swap3A_426, %swap3A_427] {strides = array<i32>} : memref<8x32xf32, #tpu.memory_space<vmem>>, vector<1x16xf32>,
      %swap3A_429 = vector.shape_cast %swap3A_428 : vector<1x16xf32> to vector<16xf32>
      %swap3A_430 = vector.shape_cast %scan3A_417#1 : vector<16xf32> to vector<1x16xf32>
      tpu.vector_store %arg12[%swap3A_426, %swap3A_427], %swap3A_430 {strides = array<i32>} : memref<8x32xf32, #tpu.memory_space<vmem>>, vector<1x16xf32>,
      %broadcast_in_dim3A_431 = arith.constant 0.000000e+00 : f32
      %broadcast_in_dim3A_432 = vector.broadcast %broadcast_in_dim3A_431 : f32 to vector<16xf32>
      %scan3A_433 = arith.constant 0 : i32
      %scan3A_434 = arith.constant 25 : i32
      %scan3A_435 = arith.addi %scan3A_433, %scan3A_434 : i32
      %scan3A_436 = arith.constant 1 : i32
      %scan3A_437:2 = scf.for %scan3A_534 = %scan3A_433 to %scan3A_435 step %scan3A_436 iter_args(%scan3A_535 = %broadcast_in_dim3A_432, %scan3A_536 = %broadcast_in_dim3A_432) -> (vector<16xf32>, vector<16xf32>)  : i32 {
        %mul3A_537 = arith.constant 8 : i32
        %mul3A_538 = arith.muli %scan3A_534, %mul3A_537 : i32
        %add3A_539 = arith.constant 600 : i32
        %add3A_540 = arith.addi %add3A_539, %mul3A_538 : i32
        %add3A_541 = arith.constant 0 : i32
        %add3A_542 = arith.addi %add3A_540, %add3A_541 : i32
        %get3A = arith.index_cast %add3A_542 : i32 to index
        %get3A_543 = arith.constant 0 : index
        %get3A_544 = tpu.vector_load %arg11[%get3A, %get3A_543] {strides = array<i32>} : memref<1600x32xf32, #tpu.memory_space<vmem>>, vector<1x16xf32>,
        %get3A_545 = vector.shape_cast %get3A_544 : vector<1x16xf32> to vector<16xf32>
        %add3A_546 = arith.addf %scan3A_535, %get3A_545 : vector<16xf32>
        %get3A_547 = arith.index_cast %add3A_542 : i32 to index
        %get3A_548 = arith.constant 16 : index
        %get3A_549 = tpu.vector_load %arg11[%get3A_547, %get3A_548] {strides = array<i32>} : memref<1600x32xf32, #tpu.memory_space<vmem>>, vector<1x16xf32>,
        %get3A_550 = vector.shape_cast %get3A_549 : vector<1x16xf32> to vector<16xf32>
        %add3A_551 = arith.addf %scan3A_536, %get3A_550 : vector<16xf32>
        %mul3A_552 = arith.constant 8 : i32
        %mul3A_553 = arith.muli %scan3A_534, %mul3A_552 : i32
        %add3A_554 = arith.constant 600 : i32
        %add3A_555 = arith.addi %add3A_554, %mul3A_553 : i32
        %add3A_556 = arith.constant 1 : i32
        %add3A_557 = arith.addi %add3A_555, %add3A_556 : i32
        %get3A_558 = arith.index_cast %add3A_557 : i32 to index
        %get3A_559 = arith.constant 0 : index
        %get3A_560 = tpu.vector_load %arg11[%get3A_558, %get3A_559] {strides = array<i32>} : memref<1600x32xf32, #tpu.memory_space<vmem>>, vector<1x16xf32>,
        %get3A_561 = vector.shape_cast %get3A_560 : vector<1x16xf32> to vector<16xf32>
        %add3A_562 = arith.addf %add3A_546, %get3A_561 : vector<16xf32>
        %get3A_563 = arith.index_cast %add3A_557 : i32 to index
        %get3A_564 = arith.constant 16 : index
        %get3A_565 = tpu.vector_load %arg11[%get3A_563, %get3A_564] {strides = array<i32>} : memref<1600x32xf32, #tpu.memory_space<vmem>>, vector<1x16xf32>,
        %get3A_566 = vector.shape_cast %get3A_565 : vector<1x16xf32> to vector<16xf32>
        %add3A_567 = arith.addf %add3A_551, %get3A_566 : vector<16xf32>
        %mul3A_568 = arith.constant 8 : i32
        %mul3A_569 = arith.muli %scan3A_534, %mul3A_568 : i32
        %add3A_570 = arith.constant 600 : i32
        %add3A_571 = arith.addi %add3A_570, %mul3A_569 : i32
        %add3A_572 = arith.constant 2 : i32
        %add3A_573 = arith.addi %add3A_571, %add3A_572 : i32
        %get3A_574 = arith.index_cast %add3A_573 : i32 to index
        %get3A_575 = arith.constant 0 : index
        %get3A_576 = tpu.vector_load %arg11[%get3A_574, %get3A_575] {strides = array<i32>} : memref<1600x32xf32, #tpu.memory_space<vmem>>, vector<1x16xf32>,
        %get3A_577 = vector.shape_cast %get3A_576 : vector<1x16xf32> to vector<16xf32>
        %add3A_578 = arith.addf %add3A_562, %get3A_577 : vector<16xf32>
        %get3A_579 = arith.index_cast %add3A_573 : i32 to index
        %get3A_580 = arith.constant 16 : index
        %get3A_581 = tpu.vector_load %arg11[%get3A_579, %get3A_580] {strides = array<i32>} : memref<1600x32xf32, #tpu.memory_space<vmem>>, vector<1x16xf32>,
        %get3A_582 = vector.shape_cast %get3A_581 : vector<1x16xf32> to vector<16xf32>
        %add3A_583 = arith.addf %add3A_567, %get3A_582 : vector<16xf32>
        %mul3A_584 = arith.constant 8 : i32
        %mul3A_585 = arith.muli %scan3A_534, %mul3A_584 : i32
        %add3A_586 = arith.constant 600 : i32
        %add3A_587 = arith.addi %add3A_586, %mul3A_585 : i32
        %add3A_588 = arith.constant 3 : i32
        %add3A_589 = arith.addi %add3A_587, %add3A_588 : i32
        %get3A_590 = arith.index_cast %add3A_589 : i32 to index
        %get3A_591 = arith.constant 0 : index
        %get3A_592 = tpu.vector_load %arg11[%get3A_590, %get3A_591] {strides = array<i32>} : memref<1600x32xf32, #tpu.memory_space<vmem>>, vector<1x16xf32>,
        %get3A_593 = vector.shape_cast %get3A_592 : vector<1x16xf32> to vector<16xf32>
        %add3A_594 = arith.addf %add3A_578, %get3A_593 : vector<16xf32>
        %get3A_595 = arith.index_cast %add3A_589 : i32 to index
        %get3A_596 = arith.constant 16 : index
        %get3A_597 = tpu.vector_load %arg11[%get3A_595, %get3A_596] {strides = array<i32>} : memref<1600x32xf32, #tpu.memory_space<vmem>>, vector<1x16xf32>,
        %get3A_598 = vector.shape_cast %get3A_597 : vector<1x16xf32> to vector<16xf32>
        %add3A_599 = arith.addf %add3A_583, %get3A_598 : vector<16xf32>
        %mul3A_600 = arith.constant 8 : i32
        %mul3A_601 = arith.muli %scan3A_534, %mul3A_600 : i32
        %add3A_602 = arith.constant 600 : i32
        %add3A_603 = arith.addi %add3A_602, %mul3A_601 : i32
        %add3A_604 = arith.constant 4 : i32
        %add3A_605 = arith.addi %add3A_603, %add3A_604 : i32
        %get3A_606 = arith.index_cast %add3A_605 : i32 to index
        %get3A_607 = arith.constant 0 : index
        %get3A_608 = tpu.vector_load %arg11[%get3A_606, %get3A_607] {strides = array<i32>} : memref<1600x32xf32, #tpu.memory_space<vmem>>, vector<1x16xf32>,
        %get3A_609 = vector.shape_cast %get3A_608 : vector<1x16xf32> to vector<16xf32>
        %add3A_610 = arith.addf %add3A_594, %get3A_609 : vector<16xf32>
        %get3A_611 = arith.index_cast %add3A_605 : i32 to index
        %get3A_612 = arith.constant 16 : index
        %get3A_613 = tpu.vector_load %arg11[%get3A_611, %get3A_612] {strides = array<i32>} : memref<1600x32xf32, #tpu.memory_space<vmem>>, vector<1x16xf32>,
        %get3A_614 = vector.shape_cast %get3A_613 : vector<1x16xf32> to vector<16xf32>
        %add3A_615 = arith.addf %add3A_599, %get3A_614 : vector<16xf32>
        %mul3A_616 = arith.constant 8 : i32
        %mul3A_617 = arith.muli %scan3A_534, %mul3A_616 : i32
        %add3A_618 = arith.constant 600 : i32
        %add3A_619 = arith.addi %add3A_618, %mul3A_617 : i32
        %add3A_620 = arith.constant 5 : i32
        %add3A_621 = arith.addi %add3A_619, %add3A_620 : i32
        %get3A_622 = arith.index_cast %add3A_621 : i32 to index
        %get3A_623 = arith.constant 0 : index
        %get3A_624 = tpu.vector_load %arg11[%get3A_622, %get3A_623] {strides = array<i32>} : memref<1600x32xf32, #tpu.memory_space<vmem>>, vector<1x16xf32>,
        %get3A_625 = vector.shape_cast %get3A_624 : vector<1x16xf32> to vector<16xf32>
        %add3A_626 = arith.addf %add3A_610, %get3A_625 : vector<16xf32>
        %get3A_627 = arith.index_cast %add3A_621 : i32 to index
        %get3A_628 = arith.constant 16 : index
        %get3A_629 = tpu.vector_load %arg11[%get3A_627, %get3A_628] {strides = array<i32>} : memref<1600x32xf32, #tpu.memory_space<vmem>>, vector<1x16xf32>,
        %get3A_630 = vector.shape_cast %get3A_629 : vector<1x16xf32> to vector<16xf32>
        %add3A_631 = arith.addf %add3A_615, %get3A_630 : vector<16xf32>
        %mul3A_632 = arith.constant 8 : i32
        %mul3A_633 = arith.muli %scan3A_534, %mul3A_632 : i32
        %add3A_634 = arith.constant 600 : i32
        %add3A_635 = arith.addi %add3A_634, %mul3A_633 : i32
        %add3A_636 = arith.constant 6 : i32
        %add3A_637 = arith.addi %add3A_635, %add3A_636 : i32
        %get3A_638 = arith.index_cast %add3A_637 : i32 to index
        %get3A_639 = arith.constant 0 : index
        %get3A_640 = tpu.vector_load %arg11[%get3A_638, %get3A_639] {strides = array<i32>} : memref<1600x32xf32, #tpu.memory_space<vmem>>, vector<1x16xf32>,
        %get3A_641 = vector.shape_cast %get3A_640 : vector<1x16xf32> to vector<16xf32>
        %add3A_642 = arith.addf %add3A_626, %get3A_641 : vector<16xf32>
        %get3A_643 = arith.index_cast %add3A_637 : i32 to index
        %get3A_644 = arith.constant 16 : index
        %get3A_645 = tpu.vector_load %arg11[%get3A_643, %get3A_644] {strides = array<i32>} : memref<1600x32xf32, #tpu.memory_space<vmem>>, vector<1x16xf32>,
        %get3A_646 = vector.shape_cast %get3A_645 : vector<1x16xf32> to vector<16xf32>
        %add3A_647 = arith.addf %add3A_631, %get3A_646 : vector<16xf32>
        %mul3A_648 = arith.constant 8 : i32
        %mul3A_649 = arith.muli %scan3A_534, %mul3A_648 : i32
        %add3A_650 = arith.constant 600 : i32
        %add3A_651 = arith.addi %add3A_650, %mul3A_649 : i32
        %add3A_652 = arith.constant 7 : i32
        %add3A_653 = arith.addi %add3A_651, %add3A_652 : i32
        %get3A_654 = arith.index_cast %add3A_653 : i32 to index
        %get3A_655 = arith.constant 0 : index
        %get3A_656 = tpu.vector_load %arg11[%get3A_654, %get3A_655] {strides = array<i32>} : memref<1600x32xf32, #tpu.memory_space<vmem>>, vector<1x16xf32>,
        %get3A_657 = vector.shape_cast %get3A_656 : vector<1x16xf32> to vector<16xf32>
        %add3A_658 = arith.addf %add3A_642, %get3A_657 : vector<16xf32>
        %get3A_659 = arith.index_cast %add3A_653 : i32 to index
        %get3A_660 = arith.constant 16 : index
        %get3A_661 = tpu.vector_load %arg11[%get3A_659, %get3A_660] {strides = array<i32>} : memref<1600x32xf32, #tpu.memory_space<vmem>>, vector<1x16xf32>,
        %get3A_662 = vector.shape_cast %get3A_661 : vector<1x16xf32> to vector<16xf32>
        %add3A_663 = arith.addf %add3A_647, %get3A_662 : vector<16xf32>
        scf.yield %add3A_658, %add3A_663 : vector<16xf32>, vector<16xf32>
      }
      %scan3A_438 = arith.constant 25 : i32
      %swap3A_439 = arith.constant 3 : i32
      %swap3A_440 = arith.index_cast %swap3A_439 : i32 to index
      %swap3A_441 = arith.constant 0 : index
      %swap3A_442 = tpu.vector_load %arg12[%swap3A_440, %swap3A_441] {strides = array<i32>} : memref<8x32xf32, #tpu.memory_space<vmem>>, vector<1x16xf32>,
      %swap3A_443 = vector.shape_cast %swap3A_442 : vector<1x16xf32> to vector<16xf32>
      %swap3A_444 = vector.shape_cast %scan3A_437#0 : vector<16xf32> to vector<1x16xf32>
      tpu.vector_store %arg12[%swap3A_440, %swap3A_441], %swap3A_444 {strides = array<i32>} : memref<8x32xf32, #tpu.memory_space<vmem>>, vector<1x16xf32>,
      %swap3A_445 = arith.constant 3 : i32
      %swap3A_446 = arith.index_cast %swap3A_445 : i32 to index
      %swap3A_447 = arith.constant 16 : index
      %swap3A_448 = tpu.vector_load %arg12[%swap3A_446, %swap3A_447] {strides = array<i32>} : memref<8x32xf32, #tpu.memory_space<vmem>>, vector<1x16xf32>,
      %swap3A_449 = vector.shape_cast %swap3A_448 : vector<1x16xf32> to vector<16xf32>
      %swap3A_450 = vector.shape_cast %scan3A_437#1 : vector<16xf32> to vector<1x16xf32>
      tpu.vector_store %arg12[%swap3A_446, %swap3A_447], %swap3A_450 {strides = array<i32>} : memref<8x32xf32, #tpu.memory_space<vmem>>, vector<1x16xf32>,
      %broadcast_in_dim3A_451 = arith.constant 0.000000e+00 : f32
      %broadcast_in_dim3A_452 = vector.broadcast %broadcast_in_dim3A_451 : f32 to vector<16xf32>
      %scan3A_453 = arith.constant 0 : i32
      %scan3A_454 = arith.constant 25 : i32
      %scan3A_455 = arith.addi %scan3A_453, %scan3A_454 : i32
      %scan3A_456 = arith.constant 1 : i32
      %scan3A_457:2 = scf.for %scan3A_534 = %scan3A_453 to %scan3A_455 step %scan3A_456 iter_args(%scan3A_535 = %broadcast_in_dim3A_452, %scan3A_536 = %broadcast_in_dim3A_452) -> (vector<16xf32>, vector<16xf32>)  : i32 {
        %mul3A_537 = arith.constant 8 : i32
        %mul3A_538 = arith.muli %scan3A_534, %mul3A_537 : i32
        %add3A_539 = arith.constant 800 : i32
        %add3A_540 = arith.addi %add3A_539, %mul3A_538 : i32
        %add3A_541 = arith.constant 0 : i32
        %add3A_542 = arith.addi %add3A_540, %add3A_541 : i32
        %get3A = arith.index_cast %add3A_542 : i32 to index
        %get3A_543 = arith.constant 0 : index
        %get3A_544 = tpu.vector_load %arg11[%get3A, %get3A_543] {strides = array<i32>} : memref<1600x32xf32, #tpu.memory_space<vmem>>, vector<1x16xf32>,
        %get3A_545 = vector.shape_cast %get3A_544 : vector<1x16xf32> to vector<16xf32>
        %add3A_546 = arith.addf %scan3A_535, %get3A_545 : vector<16xf32>
        %get3A_547 = arith.index_cast %add3A_542 : i32 to index
        %get3A_548 = arith.constant 16 : index
        %get3A_549 = tpu.vector_load %arg11[%get3A_547, %get3A_548] {strides = array<i32>} : memref<1600x32xf32, #tpu.memory_space<vmem>>, vector<1x16xf32>,
        %get3A_550 = vector.shape_cast %get3A_549 : vector<1x16xf32> to vector<16xf32>
        %add3A_551 = arith.addf %scan3A_536, %get3A_550 : vector<16xf32>
        %mul3A_552 = arith.constant 8 : i32
        %mul3A_553 = arith.muli %scan3A_534, %mul3A_552 : i32
        %add3A_554 = arith.constant 800 : i32
        %add3A_555 = arith.addi %add3A_554, %mul3A_553 : i32
        %add3A_556 = arith.constant 1 : i32
        %add3A_557 = arith.addi %add3A_555, %add3A_556 : i32
        %get3A_558 = arith.index_cast %add3A_557 : i32 to index
        %get3A_559 = arith.constant 0 : index
        %get3A_560 = tpu.vector_load %arg11[%get3A_558, %get3A_559] {strides = array<i32>} : memref<1600x32xf32, #tpu.memory_space<vmem>>, vector<1x16xf32>,
        %get3A_561 = vector.shape_cast %get3A_560 : vector<1x16xf32> to vector<16xf32>
        %add3A_562 = arith.addf %add3A_546, %get3A_561 : vector<16xf32>
        %get3A_563 = arith.index_cast %add3A_557 : i32 to index
        %get3A_564 = arith.constant 16 : index
        %get3A_565 = tpu.vector_load %arg11[%get3A_563, %get3A_564] {strides = array<i32>} : memref<1600x32xf32, #tpu.memory_space<vmem>>, vector<1x16xf32>,
        %get3A_566 = vector.shape_cast %get3A_565 : vector<1x16xf32> to vector<16xf32>
        %add3A_567 = arith.addf %add3A_551, %get3A_566 : vector<16xf32>
        %mul3A_568 = arith.constant 8 : i32
        %mul3A_569 = arith.muli %scan3A_534, %mul3A_568 : i32
        %add3A_570 = arith.constant 800 : i32
        %add3A_571 = arith.addi %add3A_570, %mul3A_569 : i32
        %add3A_572 = arith.constant 2 : i32
        %add3A_573 = arith.addi %add3A_571, %add3A_572 : i32
        %get3A_574 = arith.index_cast %add3A_573 : i32 to index
        %get3A_575 = arith.constant 0 : index
        %get3A_576 = tpu.vector_load %arg11[%get3A_574, %get3A_575] {strides = array<i32>} : memref<1600x32xf32, #tpu.memory_space<vmem>>, vector<1x16xf32>,
        %get3A_577 = vector.shape_cast %get3A_576 : vector<1x16xf32> to vector<16xf32>
        %add3A_578 = arith.addf %add3A_562, %get3A_577 : vector<16xf32>
        %get3A_579 = arith.index_cast %add3A_573 : i32 to index
        %get3A_580 = arith.constant 16 : index
        %get3A_581 = tpu.vector_load %arg11[%get3A_579, %get3A_580] {strides = array<i32>} : memref<1600x32xf32, #tpu.memory_space<vmem>>, vector<1x16xf32>,
        %get3A_582 = vector.shape_cast %get3A_581 : vector<1x16xf32> to vector<16xf32>
        %add3A_583 = arith.addf %add3A_567, %get3A_582 : vector<16xf32>
        %mul3A_584 = arith.constant 8 : i32
        %mul3A_585 = arith.muli %scan3A_534, %mul3A_584 : i32
        %add3A_586 = arith.constant 800 : i32
        %add3A_587 = arith.addi %add3A_586, %mul3A_585 : i32
        %add3A_588 = arith.constant 3 : i32
        %add3A_589 = arith.addi %add3A_587, %add3A_588 : i32
        %get3A_590 = arith.index_cast %add3A_589 : i32 to index
        %get3A_591 = arith.constant 0 : index
        %get3A_592 = tpu.vector_load %arg11[%get3A_590, %get3A_591] {strides = array<i32>} : memref<1600x32xf32, #tpu.memory_space<vmem>>, vector<1x16xf32>,
        %get3A_593 = vector.shape_cast %get3A_592 : vector<1x16xf32> to vector<16xf32>
        %add3A_594 = arith.addf %add3A_578, %get3A_593 : vector<16xf32>
        %get3A_595 = arith.index_cast %add3A_589 : i32 to index
        %get3A_596 = arith.constant 16 : index
        %get3A_597 = tpu.vector_load %arg11[%get3A_595, %get3A_596] {strides = array<i32>} : memref<1600x32xf32, #tpu.memory_space<vmem>>, vector<1x16xf32>,
        %get3A_598 = vector.shape_cast %get3A_597 : vector<1x16xf32> to vector<16xf32>
        %add3A_599 = arith.addf %add3A_583, %get3A_598 : vector<16xf32>
        %mul3A_600 = arith.constant 8 : i32
        %mul3A_601 = arith.muli %scan3A_534, %mul3A_600 : i32
        %add3A_602 = arith.constant 800 : i32
        %add3A_603 = arith.addi %add3A_602, %mul3A_601 : i32
        %add3A_604 = arith.constant 4 : i32
        %add3A_605 = arith.addi %add3A_603, %add3A_604 : i32
        %get3A_606 = arith.index_cast %add3A_605 : i32 to index
        %get3A_607 = arith.constant 0 : index
        %get3A_608 = tpu.vector_load %arg11[%get3A_606, %get3A_607] {strides = array<i32>} : memref<1600x32xf32, #tpu.memory_space<vmem>>, vector<1x16xf32>,
        %get3A_609 = vector.shape_cast %get3A_608 : vector<1x16xf32> to vector<16xf32>
        %add3A_610 = arith.addf %add3A_594, %get3A_609 : vector<16xf32>
        %get3A_611 = arith.index_cast %add3A_605 : i32 to index
        %get3A_612 = arith.constant 16 : index
        %get3A_613 = tpu.vector_load %arg11[%get3A_611, %get3A_612] {strides = array<i32>} : memref<1600x32xf32, #tpu.memory_space<vmem>>, vector<1x16xf32>,
        %get3A_614 = vector.shape_cast %get3A_613 : vector<1x16xf32> to vector<16xf32>
        %add3A_615 = arith.addf %add3A_599, %get3A_614 : vector<16xf32>
        %mul3A_616 = arith.constant 8 : i32
        %mul3A_617 = arith.muli %scan3A_534, %mul3A_616 : i32
        %add3A_618 = arith.constant 800 : i32
        %add3A_619 = arith.addi %add3A_618, %mul3A_617 : i32
        %add3A_620 = arith.constant 5 : i32
        %add3A_621 = arith.addi %add3A_619, %add3A_620 : i32
        %get3A_622 = arith.index_cast %add3A_621 : i32 to index
        %get3A_623 = arith.constant 0 : index
        %get3A_624 = tpu.vector_load %arg11[%get3A_622, %get3A_623] {strides = array<i32>} : memref<1600x32xf32, #tpu.memory_space<vmem>>, vector<1x16xf32>,
        %get3A_625 = vector.shape_cast %get3A_624 : vector<1x16xf32> to vector<16xf32>
        %add3A_626 = arith.addf %add3A_610, %get3A_625 : vector<16xf32>
        %get3A_627 = arith.index_cast %add3A_621 : i32 to index
        %get3A_628 = arith.constant 16 : index
        %get3A_629 = tpu.vector_load %arg11[%get3A_627, %get3A_628] {strides = array<i32>} : memref<1600x32xf32, #tpu.memory_space<vmem>>, vector<1x16xf32>,
        %get3A_630 = vector.shape_cast %get3A_629 : vector<1x16xf32> to vector<16xf32>
        %add3A_631 = arith.addf %add3A_615, %get3A_630 : vector<16xf32>
        %mul3A_632 = arith.constant 8 : i32
        %mul3A_633 = arith.muli %scan3A_534, %mul3A_632 : i32
        %add3A_634 = arith.constant 800 : i32
        %add3A_635 = arith.addi %add3A_634, %mul3A_633 : i32
        %add3A_636 = arith.constant 6 : i32
        %add3A_637 = arith.addi %add3A_635, %add3A_636 : i32
        %get3A_638 = arith.index_cast %add3A_637 : i32 to index
        %get3A_639 = arith.constant 0 : index
        %get3A_640 = tpu.vector_load %arg11[%get3A_638, %get3A_639] {strides = array<i32>} : memref<1600x32xf32, #tpu.memory_space<vmem>>, vector<1x16xf32>,
        %get3A_641 = vector.shape_cast %get3A_640 : vector<1x16xf32> to vector<16xf32>
        %add3A_642 = arith.addf %add3A_626, %get3A_641 : vector<16xf32>
        %get3A_643 = arith.index_cast %add3A_637 : i32 to index
        %get3A_644 = arith.constant 16 : index
        %get3A_645 = tpu.vector_load %arg11[%get3A_643, %get3A_644] {strides = array<i32>} : memref<1600x32xf32, #tpu.memory_space<vmem>>, vector<1x16xf32>,
        %get3A_646 = vector.shape_cast %get3A_645 : vector<1x16xf32> to vector<16xf32>
        %add3A_647 = arith.addf %add3A_631, %get3A_646 : vector<16xf32>
        %mul3A_648 = arith.constant 8 : i32
        %mul3A_649 = arith.muli %scan3A_534, %mul3A_648 : i32
        %add3A_650 = arith.constant 800 : i32
        %add3A_651 = arith.addi %add3A_650, %mul3A_649 : i32
        %add3A_652 = arith.constant 7 : i32
        %add3A_653 = arith.addi %add3A_651, %add3A_652 : i32
        %get3A_654 = arith.index_cast %add3A_653 : i32 to index
        %get3A_655 = arith.constant 0 : index
        %get3A_656 = tpu.vector_load %arg11[%get3A_654, %get3A_655] {strides = array<i32>} : memref<1600x32xf32, #tpu.memory_space<vmem>>, vector<1x16xf32>,
        %get3A_657 = vector.shape_cast %get3A_656 : vector<1x16xf32> to vector<16xf32>
        %add3A_658 = arith.addf %add3A_642, %get3A_657 : vector<16xf32>
        %get3A_659 = arith.index_cast %add3A_653 : i32 to index
        %get3A_660 = arith.constant 16 : index
        %get3A_661 = tpu.vector_load %arg11[%get3A_659, %get3A_660] {strides = array<i32>} : memref<1600x32xf32, #tpu.memory_space<vmem>>, vector<1x16xf32>,
        %get3A_662 = vector.shape_cast %get3A_661 : vector<1x16xf32> to vector<16xf32>
        %add3A_663 = arith.addf %add3A_647, %get3A_662 : vector<16xf32>
        scf.yield %add3A_658, %add3A_663 : vector<16xf32>, vector<16xf32>
      }
      %scan3A_458 = arith.constant 25 : i32
      %swap3A_459 = arith.constant 4 : i32
      %swap3A_460 = arith.index_cast %swap3A_459 : i32 to index
      %swap3A_461 = arith.constant 0 : index
      %swap3A_462 = tpu.vector_load %arg12[%swap3A_460, %swap3A_461] {strides = array<i32>} : memref<8x32xf32, #tpu.memory_space<vmem>>, vector<1x16xf32>,
      %swap3A_463 = vector.shape_cast %swap3A_462 : vector<1x16xf32> to vector<16xf32>
      %swap3A_464 = vector.shape_cast %scan3A_457#0 : vector<16xf32> to vector<1x16xf32>
      tpu.vector_store %arg12[%swap3A_460, %swap3A_461], %swap3A_464 {strides = array<i32>} : memref<8x32xf32, #tpu.memory_space<vmem>>, vector<1x16xf32>,
      %swap3A_465 = arith.constant 4 : i32
      %swap3A_466 = arith.index_cast %swap3A_465 : i32 to index
      %swap3A_467 = arith.constant 16 : index
      %swap3A_468 = tpu.vector_load %arg12[%swap3A_466, %swap3A_467] {strides = array<i32>} : memref<8x32xf32, #tpu.memory_space<vmem>>, vector<1x16xf32>,
      %swap3A_469 = vector.shape_cast %swap3A_468 : vector<1x16xf32> to vector<16xf32>
      %swap3A_470 = vector.shape_cast %scan3A_457#1 : vector<16xf32> to vector<1x16xf32>
      tpu.vector_store %arg12[%swap3A_466, %swap3A_467], %swap3A_470 {strides = array<i32>} : memref<8x32xf32, #tpu.memory_space<vmem>>, vector<1x16xf32>,
      %broadcast_in_dim3A_471 = arith.constant 0.000000e+00 : f32
      %broadcast_in_dim3A_472 = vector.broadcast %broadcast_in_dim3A_471 : f32 to vector<16xf32>
      %scan3A_473 = arith.constant 0 : i32
      %scan3A_474 = arith.constant 25 : i32
      %scan3A_475 = arith.addi %scan3A_473, %scan3A_474 : i32
      %scan3A_476 = arith.constant 1 : i32
      %scan3A_477:2 = scf.for %scan3A_534 = %scan3A_473 to %scan3A_475 step %scan3A_476 iter_args(%scan3A_535 = %broadcast_in_dim3A_472, %scan3A_536 = %broadcast_in_dim3A_472) -> (vector<16xf32>, vector<16xf32>)  : i32 {
        %mul3A_537 = arith.constant 8 : i32
        %mul3A_538 = arith.muli %scan3A_534, %mul3A_537 : i32
        %add3A_539 = arith.constant 1000 : i32
        %add3A_540 = arith.addi %add3A_539, %mul3A_538 : i32
        %add3A_541 = arith.constant 0 : i32
        %add3A_542 = arith.addi %add3A_540, %add3A_541 : i32
        %get3A = arith.index_cast %add3A_542 : i32 to index
        %get3A_543 = arith.constant 0 : index
        %get3A_544 = tpu.vector_load %arg11[%get3A, %get3A_543] {strides = array<i32>} : memref<1600x32xf32, #tpu.memory_space<vmem>>, vector<1x16xf32>,
        %get3A_545 = vector.shape_cast %get3A_544 : vector<1x16xf32> to vector<16xf32>
        %add3A_546 = arith.addf %scan3A_535, %get3A_545 : vector<16xf32>
        %get3A_547 = arith.index_cast %add3A_542 : i32 to index
        %get3A_548 = arith.constant 16 : index
        %get3A_549 = tpu.vector_load %arg11[%get3A_547, %get3A_548] {strides = array<i32>} : memref<1600x32xf32, #tpu.memory_space<vmem>>, vector<1x16xf32>,
        %get3A_550 = vector.shape_cast %get3A_549 : vector<1x16xf32> to vector<16xf32>
        %add3A_551 = arith.addf %scan3A_536, %get3A_550 : vector<16xf32>
        %mul3A_552 = arith.constant 8 : i32
        %mul3A_553 = arith.muli %scan3A_534, %mul3A_552 : i32
        %add3A_554 = arith.constant 1000 : i32
        %add3A_555 = arith.addi %add3A_554, %mul3A_553 : i32
        %add3A_556 = arith.constant 1 : i32
        %add3A_557 = arith.addi %add3A_555, %add3A_556 : i32
        %get3A_558 = arith.index_cast %add3A_557 : i32 to index
        %get3A_559 = arith.constant 0 : index
        %get3A_560 = tpu.vector_load %arg11[%get3A_558, %get3A_559] {strides = array<i32>} : memref<1600x32xf32, #tpu.memory_space<vmem>>, vector<1x16xf32>,
        %get3A_561 = vector.shape_cast %get3A_560 : vector<1x16xf32> to vector<16xf32>
        %add3A_562 = arith.addf %add3A_546, %get3A_561 : vector<16xf32>
        %get3A_563 = arith.index_cast %add3A_557 : i32 to index
        %get3A_564 = arith.constant 16 : index
        %get3A_565 = tpu.vector_load %arg11[%get3A_563, %get3A_564] {strides = array<i32>} : memref<1600x32xf32, #tpu.memory_space<vmem>>, vector<1x16xf32>,
        %get3A_566 = vector.shape_cast %get3A_565 : vector<1x16xf32> to vector<16xf32>
        %add3A_567 = arith.addf %add3A_551, %get3A_566 : vector<16xf32>
        %mul3A_568 = arith.constant 8 : i32
        %mul3A_569 = arith.muli %scan3A_534, %mul3A_568 : i32
        %add3A_570 = arith.constant 1000 : i32
        %add3A_571 = arith.addi %add3A_570, %mul3A_569 : i32
        %add3A_572 = arith.constant 2 : i32
        %add3A_573 = arith.addi %add3A_571, %add3A_572 : i32
        %get3A_574 = arith.index_cast %add3A_573 : i32 to index
        %get3A_575 = arith.constant 0 : index
        %get3A_576 = tpu.vector_load %arg11[%get3A_574, %get3A_575] {strides = array<i32>} : memref<1600x32xf32, #tpu.memory_space<vmem>>, vector<1x16xf32>,
        %get3A_577 = vector.shape_cast %get3A_576 : vector<1x16xf32> to vector<16xf32>
        %add3A_578 = arith.addf %add3A_562, %get3A_577 : vector<16xf32>
        %get3A_579 = arith.index_cast %add3A_573 : i32 to index
        %get3A_580 = arith.constant 16 : index
        %get3A_581 = tpu.vector_load %arg11[%get3A_579, %get3A_580] {strides = array<i32>} : memref<1600x32xf32, #tpu.memory_space<vmem>>, vector<1x16xf32>,
        %get3A_582 = vector.shape_cast %get3A_581 : vector<1x16xf32> to vector<16xf32>
        %add3A_583 = arith.addf %add3A_567, %get3A_582 : vector<16xf32>
        %mul3A_584 = arith.constant 8 : i32
        %mul3A_585 = arith.muli %scan3A_534, %mul3A_584 : i32
        %add3A_586 = arith.constant 1000 : i32
        %add3A_587 = arith.addi %add3A_586, %mul3A_585 : i32
        %add3A_588 = arith.constant 3 : i32
        %add3A_589 = arith.addi %add3A_587, %add3A_588 : i32
        %get3A_590 = arith.index_cast %add3A_589 : i32 to index
        %get3A_591 = arith.constant 0 : index
        %get3A_592 = tpu.vector_load %arg11[%get3A_590, %get3A_591] {strides = array<i32>} : memref<1600x32xf32, #tpu.memory_space<vmem>>, vector<1x16xf32>,
        %get3A_593 = vector.shape_cast %get3A_592 : vector<1x16xf32> to vector<16xf32>
        %add3A_594 = arith.addf %add3A_578, %get3A_593 : vector<16xf32>
        %get3A_595 = arith.index_cast %add3A_589 : i32 to index
        %get3A_596 = arith.constant 16 : index
        %get3A_597 = tpu.vector_load %arg11[%get3A_595, %get3A_596] {strides = array<i32>} : memref<1600x32xf32, #tpu.memory_space<vmem>>, vector<1x16xf32>,
        %get3A_598 = vector.shape_cast %get3A_597 : vector<1x16xf32> to vector<16xf32>
        %add3A_599 = arith.addf %add3A_583, %get3A_598 : vector<16xf32>
        %mul3A_600 = arith.constant 8 : i32
        %mul3A_601 = arith.muli %scan3A_534, %mul3A_600 : i32
        %add3A_602 = arith.constant 1000 : i32
        %add3A_603 = arith.addi %add3A_602, %mul3A_601 : i32
        %add3A_604 = arith.constant 4 : i32
        %add3A_605 = arith.addi %add3A_603, %add3A_604 : i32
        %get3A_606 = arith.index_cast %add3A_605 : i32 to index
        %get3A_607 = arith.constant 0 : index
        %get3A_608 = tpu.vector_load %arg11[%get3A_606, %get3A_607] {strides = array<i32>} : memref<1600x32xf32, #tpu.memory_space<vmem>>, vector<1x16xf32>,
        %get3A_609 = vector.shape_cast %get3A_608 : vector<1x16xf32> to vector<16xf32>
        %add3A_610 = arith.addf %add3A_594, %get3A_609 : vector<16xf32>
        %get3A_611 = arith.index_cast %add3A_605 : i32 to index
        %get3A_612 = arith.constant 16 : index
        %get3A_613 = tpu.vector_load %arg11[%get3A_611, %get3A_612] {strides = array<i32>} : memref<1600x32xf32, #tpu.memory_space<vmem>>, vector<1x16xf32>,
        %get3A_614 = vector.shape_cast %get3A_613 : vector<1x16xf32> to vector<16xf32>
        %add3A_615 = arith.addf %add3A_599, %get3A_614 : vector<16xf32>
        %mul3A_616 = arith.constant 8 : i32
        %mul3A_617 = arith.muli %scan3A_534, %mul3A_616 : i32
        %add3A_618 = arith.constant 1000 : i32
        %add3A_619 = arith.addi %add3A_618, %mul3A_617 : i32
        %add3A_620 = arith.constant 5 : i32
        %add3A_621 = arith.addi %add3A_619, %add3A_620 : i32
        %get3A_622 = arith.index_cast %add3A_621 : i32 to index
        %get3A_623 = arith.constant 0 : index
        %get3A_624 = tpu.vector_load %arg11[%get3A_622, %get3A_623] {strides = array<i32>} : memref<1600x32xf32, #tpu.memory_space<vmem>>, vector<1x16xf32>,
        %get3A_625 = vector.shape_cast %get3A_624 : vector<1x16xf32> to vector<16xf32>
        %add3A_626 = arith.addf %add3A_610, %get3A_625 : vector<16xf32>
        %get3A_627 = arith.index_cast %add3A_621 : i32 to index
        %get3A_628 = arith.constant 16 : index
        %get3A_629 = tpu.vector_load %arg11[%get3A_627, %get3A_628] {strides = array<i32>} : memref<1600x32xf32, #tpu.memory_space<vmem>>, vector<1x16xf32>,
        %get3A_630 = vector.shape_cast %get3A_629 : vector<1x16xf32> to vector<16xf32>
        %add3A_631 = arith.addf %add3A_615, %get3A_630 : vector<16xf32>
        %mul3A_632 = arith.constant 8 : i32
        %mul3A_633 = arith.muli %scan3A_534, %mul3A_632 : i32
        %add3A_634 = arith.constant 1000 : i32
        %add3A_635 = arith.addi %add3A_634, %mul3A_633 : i32
        %add3A_636 = arith.constant 6 : i32
        %add3A_637 = arith.addi %add3A_635, %add3A_636 : i32
        %get3A_638 = arith.index_cast %add3A_637 : i32 to index
        %get3A_639 = arith.constant 0 : index
        %get3A_640 = tpu.vector_load %arg11[%get3A_638, %get3A_639] {strides = array<i32>} : memref<1600x32xf32, #tpu.memory_space<vmem>>, vector<1x16xf32>,
        %get3A_641 = vector.shape_cast %get3A_640 : vector<1x16xf32> to vector<16xf32>
        %add3A_642 = arith.addf %add3A_626, %get3A_641 : vector<16xf32>
        %get3A_643 = arith.index_cast %add3A_637 : i32 to index
        %get3A_644 = arith.constant 16 : index
        %get3A_645 = tpu.vector_load %arg11[%get3A_643, %get3A_644] {strides = array<i32>} : memref<1600x32xf32, #tpu.memory_space<vmem>>, vector<1x16xf32>,
        %get3A_646 = vector.shape_cast %get3A_645 : vector<1x16xf32> to vector<16xf32>
        %add3A_647 = arith.addf %add3A_631, %get3A_646 : vector<16xf32>
        %mul3A_648 = arith.constant 8 : i32
        %mul3A_649 = arith.muli %scan3A_534, %mul3A_648 : i32
        %add3A_650 = arith.constant 1000 : i32
        %add3A_651 = arith.addi %add3A_650, %mul3A_649 : i32
        %add3A_652 = arith.constant 7 : i32
        %add3A_653 = arith.addi %add3A_651, %add3A_652 : i32
        %get3A_654 = arith.index_cast %add3A_653 : i32 to index
        %get3A_655 = arith.constant 0 : index
        %get3A_656 = tpu.vector_load %arg11[%get3A_654, %get3A_655] {strides = array<i32>} : memref<1600x32xf32, #tpu.memory_space<vmem>>, vector<1x16xf32>,
        %get3A_657 = vector.shape_cast %get3A_656 : vector<1x16xf32> to vector<16xf32>
        %add3A_658 = arith.addf %add3A_642, %get3A_657 : vector<16xf32>
        %get3A_659 = arith.index_cast %add3A_653 : i32 to index
        %get3A_660 = arith.constant 16 : index
        %get3A_661 = tpu.vector_load %arg11[%get3A_659, %get3A_660] {strides = array<i32>} : memref<1600x32xf32, #tpu.memory_space<vmem>>, vector<1x16xf32>,
        %get3A_662 = vector.shape_cast %get3A_661 : vector<1x16xf32> to vector<16xf32>
        %add3A_663 = arith.addf %add3A_647, %get3A_662 : vector<16xf32>
        scf.yield %add3A_658, %add3A_663 : vector<16xf32>, vector<16xf32>
      }
      %scan3A_478 = arith.constant 25 : i32
      %swap3A_479 = arith.constant 5 : i32
      %swap3A_480 = arith.index_cast %swap3A_479 : i32 to index
      %swap3A_481 = arith.constant 0 : index
      %swap3A_482 = tpu.vector_load %arg12[%swap3A_480, %swap3A_481] {strides = array<i32>} : memref<8x32xf32, #tpu.memory_space<vmem>>, vector<1x16xf32>,
      %swap3A_483 = vector.shape_cast %swap3A_482 : vector<1x16xf32> to vector<16xf32>
      %swap3A_484 = vector.shape_cast %scan3A_477#0 : vector<16xf32> to vector<1x16xf32>
      tpu.vector_store %arg12[%swap3A_480, %swap3A_481], %swap3A_484 {strides = array<i32>} : memref<8x32xf32, #tpu.memory_space<vmem>>, vector<1x16xf32>,
      %swap3A_485 = arith.constant 5 : i32
      %swap3A_486 = arith.index_cast %swap3A_485 : i32 to index
      %swap3A_487 = arith.constant 16 : index
      %swap3A_488 = tpu.vector_load %arg12[%swap3A_486, %swap3A_487] {strides = array<i32>} : memref<8x32xf32, #tpu.memory_space<vmem>>, vector<1x16xf32>,
      %swap3A_489 = vector.shape_cast %swap3A_488 : vector<1x16xf32> to vector<16xf32>
      %swap3A_490 = vector.shape_cast %scan3A_477#1 : vector<16xf32> to vector<1x16xf32>
      tpu.vector_store %arg12[%swap3A_486, %swap3A_487], %swap3A_490 {strides = array<i32>} : memref<8x32xf32, #tpu.memory_space<vmem>>, vector<1x16xf32>,
      %broadcast_in_dim3A_491 = arith.constant 0.000000e+00 : f32
      %broadcast_in_dim3A_492 = vector.broadcast %broadcast_in_dim3A_491 : f32 to vector<16xf32>
      %scan3A_493 = arith.constant 0 : i32
      %scan3A_494 = arith.constant 25 : i32
      %scan3A_495 = arith.addi %scan3A_493, %scan3A_494 : i32
      %scan3A_496 = arith.constant 1 : i32
      %scan3A_497:2 = scf.for %scan3A_534 = %scan3A_493 to %scan3A_495 step %scan3A_496 iter_args(%scan3A_535 = %broadcast_in_dim3A_492, %scan3A_536 = %broadcast_in_dim3A_492) -> (vector<16xf32>, vector<16xf32>)  : i32 {
        %mul3A_537 = arith.constant 8 : i32
        %mul3A_538 = arith.muli %scan3A_534, %mul3A_537 : i32
        %add3A_539 = arith.constant 1200 : i32
        %add3A_540 = arith.addi %add3A_539, %mul3A_538 : i32
        %add3A_541 = arith.constant 0 : i32
        %add3A_542 = arith.addi %add3A_540, %add3A_541 : i32
        %get3A = arith.index_cast %add3A_542 : i32 to index
        %get3A_543 = arith.constant 0 : index
        %get3A_544 = tpu.vector_load %arg11[%get3A, %get3A_543] {strides = array<i32>} : memref<1600x32xf32, #tpu.memory_space<vmem>>, vector<1x16xf32>,
        %get3A_545 = vector.shape_cast %get3A_544 : vector<1x16xf32> to vector<16xf32>
        %add3A_546 = arith.addf %scan3A_535, %get3A_545 : vector<16xf32>
        %get3A_547 = arith.index_cast %add3A_542 : i32 to index
        %get3A_548 = arith.constant 16 : index
        %get3A_549 = tpu.vector_load %arg11[%get3A_547, %get3A_548] {strides = array<i32>} : memref<1600x32xf32, #tpu.memory_space<vmem>>, vector<1x16xf32>,
        %get3A_550 = vector.shape_cast %get3A_549 : vector<1x16xf32> to vector<16xf32>
        %add3A_551 = arith.addf %scan3A_536, %get3A_550 : vector<16xf32>
        %mul3A_552 = arith.constant 8 : i32
        %mul3A_553 = arith.muli %scan3A_534, %mul3A_552 : i32
        %add3A_554 = arith.constant 1200 : i32
        %add3A_555 = arith.addi %add3A_554, %mul3A_553 : i32
        %add3A_556 = arith.constant 1 : i32
        %add3A_557 = arith.addi %add3A_555, %add3A_556 : i32
        %get3A_558 = arith.index_cast %add3A_557 : i32 to index
        %get3A_559 = arith.constant 0 : index
        %get3A_560 = tpu.vector_load %arg11[%get3A_558, %get3A_559] {strides = array<i32>} : memref<1600x32xf32, #tpu.memory_space<vmem>>, vector<1x16xf32>,
        %get3A_561 = vector.shape_cast %get3A_560 : vector<1x16xf32> to vector<16xf32>
        %add3A_562 = arith.addf %add3A_546, %get3A_561 : vector<16xf32>
        %get3A_563 = arith.index_cast %add3A_557 : i32 to index
        %get3A_564 = arith.constant 16 : index
        %get3A_565 = tpu.vector_load %arg11[%get3A_563, %get3A_564] {strides = array<i32>} : memref<1600x32xf32, #tpu.memory_space<vmem>>, vector<1x16xf32>,
        %get3A_566 = vector.shape_cast %get3A_565 : vector<1x16xf32> to vector<16xf32>
        %add3A_567 = arith.addf %add3A_551, %get3A_566 : vector<16xf32>
        %mul3A_568 = arith.constant 8 : i32
        %mul3A_569 = arith.muli %scan3A_534, %mul3A_568 : i32
        %add3A_570 = arith.constant 1200 : i32
        %add3A_571 = arith.addi %add3A_570, %mul3A_569 : i32
        %add3A_572 = arith.constant 2 : i32
        %add3A_573 = arith.addi %add3A_571, %add3A_572 : i32
        %get3A_574 = arith.index_cast %add3A_573 : i32 to index
        %get3A_575 = arith.constant 0 : index
        %get3A_576 = tpu.vector_load %arg11[%get3A_574, %get3A_575] {strides = array<i32>} : memref<1600x32xf32, #tpu.memory_space<vmem>>, vector<1x16xf32>,
        %get3A_577 = vector.shape_cast %get3A_576 : vector<1x16xf32> to vector<16xf32>
        %add3A_578 = arith.addf %add3A_562, %get3A_577 : vector<16xf32>
        %get3A_579 = arith.index_cast %add3A_573 : i32 to index
        %get3A_580 = arith.constant 16 : index
        %get3A_581 = tpu.vector_load %arg11[%get3A_579, %get3A_580] {strides = array<i32>} : memref<1600x32xf32, #tpu.memory_space<vmem>>, vector<1x16xf32>,
        %get3A_582 = vector.shape_cast %get3A_581 : vector<1x16xf32> to vector<16xf32>
        %add3A_583 = arith.addf %add3A_567, %get3A_582 : vector<16xf32>
        %mul3A_584 = arith.constant 8 : i32
        %mul3A_585 = arith.muli %scan3A_534, %mul3A_584 : i32
        %add3A_586 = arith.constant 1200 : i32
        %add3A_587 = arith.addi %add3A_586, %mul3A_585 : i32
        %add3A_588 = arith.constant 3 : i32
        %add3A_589 = arith.addi %add3A_587, %add3A_588 : i32
        %get3A_590 = arith.index_cast %add3A_589 : i32 to index
        %get3A_591 = arith.constant 0 : index
        %get3A_592 = tpu.vector_load %arg11[%get3A_590, %get3A_591] {strides = array<i32>} : memref<1600x32xf32, #tpu.memory_space<vmem>>, vector<1x16xf32>,
        %get3A_593 = vector.shape_cast %get3A_592 : vector<1x16xf32> to vector<16xf32>
        %add3A_594 = arith.addf %add3A_578, %get3A_593 : vector<16xf32>
        %get3A_595 = arith.index_cast %add3A_589 : i32 to index
        %get3A_596 = arith.constant 16 : index
        %get3A_597 = tpu.vector_load %arg11[%get3A_595, %get3A_596] {strides = array<i32>} : memref<1600x32xf32, #tpu.memory_space<vmem>>, vector<1x16xf32>,
        %get3A_598 = vector.shape_cast %get3A_597 : vector<1x16xf32> to vector<16xf32>
        %add3A_599 = arith.addf %add3A_583, %get3A_598 : vector<16xf32>
        %mul3A_600 = arith.constant 8 : i32
        %mul3A_601 = arith.muli %scan3A_534, %mul3A_600 : i32
        %add3A_602 = arith.constant 1200 : i32
        %add3A_603 = arith.addi %add3A_602, %mul3A_601 : i32
        %add3A_604 = arith.constant 4 : i32
        %add3A_605 = arith.addi %add3A_603, %add3A_604 : i32
        %get3A_606 = arith.index_cast %add3A_605 : i32 to index
        %get3A_607 = arith.constant 0 : index
        %get3A_608 = tpu.vector_load %arg11[%get3A_606, %get3A_607] {strides = array<i32>} : memref<1600x32xf32, #tpu.memory_space<vmem>>, vector<1x16xf32>,
        %get3A_609 = vector.shape_cast %get3A_608 : vector<1x16xf32> to vector<16xf32>
        %add3A_610 = arith.addf %add3A_594, %get3A_609 : vector<16xf32>
        %get3A_611 = arith.index_cast %add3A_605 : i32 to index
        %get3A_612 = arith.constant 16 : index
        %get3A_613 = tpu.vector_load %arg11[%get3A_611, %get3A_612] {strides = array<i32>} : memref<1600x32xf32, #tpu.memory_space<vmem>>, vector<1x16xf32>,
        %get3A_614 = vector.shape_cast %get3A_613 : vector<1x16xf32> to vector<16xf32>
        %add3A_615 = arith.addf %add3A_599, %get3A_614 : vector<16xf32>
        %mul3A_616 = arith.constant 8 : i32
        %mul3A_617 = arith.muli %scan3A_534, %mul3A_616 : i32
        %add3A_618 = arith.constant 1200 : i32
        %add3A_619 = arith.addi %add3A_618, %mul3A_617 : i32
        %add3A_620 = arith.constant 5 : i32
        %add3A_621 = arith.addi %add3A_619, %add3A_620 : i32
        %get3A_622 = arith.index_cast %add3A_621 : i32 to index
        %get3A_623 = arith.constant 0 : index
        %get3A_624 = tpu.vector_load %arg11[%get3A_622, %get3A_623] {strides = array<i32>} : memref<1600x32xf32, #tpu.memory_space<vmem>>, vector<1x16xf32>,
        %get3A_625 = vector.shape_cast %get3A_624 : vector<1x16xf32> to vector<16xf32>
        %add3A_626 = arith.addf %add3A_610, %get3A_625 : vector<16xf32>
        %get3A_627 = arith.index_cast %add3A_621 : i32 to index
        %get3A_628 = arith.constant 16 : index
        %get3A_629 = tpu.vector_load %arg11[%get3A_627, %get3A_628] {strides = array<i32>} : memref<1600x32xf32, #tpu.memory_space<vmem>>, vector<1x16xf32>,
        %get3A_630 = vector.shape_cast %get3A_629 : vector<1x16xf32> to vector<16xf32>
        %add3A_631 = arith.addf %add3A_615, %get3A_630 : vector<16xf32>
        %mul3A_632 = arith.constant 8 : i32
        %mul3A_633 = arith.muli %scan3A_534, %mul3A_632 : i32
        %add3A_634 = arith.constant 1200 : i32
        %add3A_635 = arith.addi %add3A_634, %mul3A_633 : i32
        %add3A_636 = arith.constant 6 : i32
        %add3A_637 = arith.addi %add3A_635, %add3A_636 : i32
        %get3A_638 = arith.index_cast %add3A_637 : i32 to index
        %get3A_639 = arith.constant 0 : index
        %get3A_640 = tpu.vector_load %arg11[%get3A_638, %get3A_639] {strides = array<i32>} : memref<1600x32xf32, #tpu.memory_space<vmem>>, vector<1x16xf32>,
        %get3A_641 = vector.shape_cast %get3A_640 : vector<1x16xf32> to vector<16xf32>
        %add3A_642 = arith.addf %add3A_626, %get3A_641 : vector<16xf32>
        %get3A_643 = arith.index_cast %add3A_637 : i32 to index
        %get3A_644 = arith.constant 16 : index
        %get3A_645 = tpu.vector_load %arg11[%get3A_643, %get3A_644] {strides = array<i32>} : memref<1600x32xf32, #tpu.memory_space<vmem>>, vector<1x16xf32>,
        %get3A_646 = vector.shape_cast %get3A_645 : vector<1x16xf32> to vector<16xf32>
        %add3A_647 = arith.addf %add3A_631, %get3A_646 : vector<16xf32>
        %mul3A_648 = arith.constant 8 : i32
        %mul3A_649 = arith.muli %scan3A_534, %mul3A_648 : i32
        %add3A_650 = arith.constant 1200 : i32
        %add3A_651 = arith.addi %add3A_650, %mul3A_649 : i32
        %add3A_652 = arith.constant 7 : i32
        %add3A_653 = arith.addi %add3A_651, %add3A_652 : i32
        %get3A_654 = arith.index_cast %add3A_653 : i32 to index
        %get3A_655 = arith.constant 0 : index
        %get3A_656 = tpu.vector_load %arg11[%get3A_654, %get3A_655] {strides = array<i32>} : memref<1600x32xf32, #tpu.memory_space<vmem>>, vector<1x16xf32>,
        %get3A_657 = vector.shape_cast %get3A_656 : vector<1x16xf32> to vector<16xf32>
        %add3A_658 = arith.addf %add3A_642, %get3A_657 : vector<16xf32>
        %get3A_659 = arith.index_cast %add3A_653 : i32 to index
        %get3A_660 = arith.constant 16 : index
        %get3A_661 = tpu.vector_load %arg11[%get3A_659, %get3A_660] {strides = array<i32>} : memref<1600x32xf32, #tpu.memory_space<vmem>>, vector<1x16xf32>,
        %get3A_662 = vector.shape_cast %get3A_661 : vector<1x16xf32> to vector<16xf32>
        %add3A_663 = arith.addf %add3A_647, %get3A_662 : vector<16xf32>
        scf.yield %add3A_658, %add3A_663 : vector<16xf32>, vector<16xf32>
      }
      %scan3A_498 = arith.constant 25 : i32
      %swap3A_499 = arith.constant 6 : i32
      %swap3A_500 = arith.index_cast %swap3A_499 : i32 to index
      %swap3A_501 = arith.constant 0 : index
      %swap3A_502 = tpu.vector_load %arg12[%swap3A_500, %swap3A_501] {strides = array<i32>} : memref<8x32xf32, #tpu.memory_space<vmem>>, vector<1x16xf32>,
      %swap3A_503 = vector.shape_cast %swap3A_502 : vector<1x16xf32> to vector<16xf32>
      %swap3A_504 = vector.shape_cast %scan3A_497#0 : vector<16xf32> to vector<1x16xf32>
      tpu.vector_store %arg12[%swap3A_500, %swap3A_501], %swap3A_504 {strides = array<i32>} : memref<8x32xf32, #tpu.memory_space<vmem>>, vector<1x16xf32>,
      %swap3A_505 = arith.constant 6 : i32
      %swap3A_506 = arith.index_cast %swap3A_505 : i32 to index
      %swap3A_507 = arith.constant 16 : index
      %swap3A_508 = tpu.vector_load %arg12[%swap3A_506, %swap3A_507] {strides = array<i32>} : memref<8x32xf32, #tpu.memory_space<vmem>>, vector<1x16xf32>,
      %swap3A_509 = vector.shape_cast %swap3A_508 : vector<1x16xf32> to vector<16xf32>
      %swap3A_510 = vector.shape_cast %scan3A_497#1 : vector<16xf32> to vector<1x16xf32>
      tpu.vector_store %arg12[%swap3A_506, %swap3A_507], %swap3A_510 {strides = array<i32>} : memref<8x32xf32, #tpu.memory_space<vmem>>, vector<1x16xf32>,
      %broadcast_in_dim3A_511 = arith.constant 0.000000e+00 : f32
      %broadcast_in_dim3A_512 = vector.broadcast %broadcast_in_dim3A_511 : f32 to vector<16xf32>
      %scan3A_513 = arith.constant 0 : i32
      %scan3A_514 = arith.constant 25 : i32
      %scan3A_515 = arith.addi %scan3A_513, %scan3A_514 : i32
      %scan3A_516 = arith.constant 1 : i32
      %scan3A_517:2 = scf.for %scan3A_534 = %scan3A_513 to %scan3A_515 step %scan3A_516 iter_args(%scan3A_535 = %broadcast_in_dim3A_512, %scan3A_536 = %broadcast_in_dim3A_512) -> (vector<16xf32>, vector<16xf32>)  : i32 {
        %mul3A_537 = arith.constant 8 : i32
        %mul3A_538 = arith.muli %scan3A_534, %mul3A_537 : i32
        %add3A_539 = arith.constant 1400 : i32
        %add3A_540 = arith.addi %add3A_539, %mul3A_538 : i32
        %add3A_541 = arith.constant 0 : i32
        %add3A_542 = arith.addi %add3A_540, %add3A_541 : i32
        %get3A = arith.index_cast %add3A_542 : i32 to index
        %get3A_543 = arith.constant 0 : index
        %get3A_544 = tpu.vector_load %arg11[%get3A, %get3A_543] {strides = array<i32>} : memref<1600x32xf32, #tpu.memory_space<vmem>>, vector<1x16xf32>,
        %get3A_545 = vector.shape_cast %get3A_544 : vector<1x16xf32> to vector<16xf32>
        %add3A_546 = arith.addf %scan3A_535, %get3A_545 : vector<16xf32>
        %get3A_547 = arith.index_cast %add3A_542 : i32 to index
        %get3A_548 = arith.constant 16 : index
        %get3A_549 = tpu.vector_load %arg11[%get3A_547, %get3A_548] {strides = array<i32>} : memref<1600x32xf32, #tpu.memory_space<vmem>>, vector<1x16xf32>,
        %get3A_550 = vector.shape_cast %get3A_549 : vector<1x16xf32> to vector<16xf32>
        %add3A_551 = arith.addf %scan3A_536, %get3A_550 : vector<16xf32>
        %mul3A_552 = arith.constant 8 : i32
        %mul3A_553 = arith.muli %scan3A_534, %mul3A_552 : i32
        %add3A_554 = arith.constant 1400 : i32
        %add3A_555 = arith.addi %add3A_554, %mul3A_553 : i32
        %add3A_556 = arith.constant 1 : i32
        %add3A_557 = arith.addi %add3A_555, %add3A_556 : i32
        %get3A_558 = arith.index_cast %add3A_557 : i32 to index
        %get3A_559 = arith.constant 0 : index
        %get3A_560 = tpu.vector_load %arg11[%get3A_558, %get3A_559] {strides = array<i32>} : memref<1600x32xf32, #tpu.memory_space<vmem>>, vector<1x16xf32>,
        %get3A_561 = vector.shape_cast %get3A_560 : vector<1x16xf32> to vector<16xf32>
        %add3A_562 = arith.addf %add3A_546, %get3A_561 : vector<16xf32>
        %get3A_563 = arith.index_cast %add3A_557 : i32 to index
        %get3A_564 = arith.constant 16 : index
        %get3A_565 = tpu.vector_load %arg11[%get3A_563, %get3A_564] {strides = array<i32>} : memref<1600x32xf32, #tpu.memory_space<vmem>>, vector<1x16xf32>,
        %get3A_566 = vector.shape_cast %get3A_565 : vector<1x16xf32> to vector<16xf32>
        %add3A_567 = arith.addf %add3A_551, %get3A_566 : vector<16xf32>
        %mul3A_568 = arith.constant 8 : i32
        %mul3A_569 = arith.muli %scan3A_534, %mul3A_568 : i32
        %add3A_570 = arith.constant 1400 : i32
        %add3A_571 = arith.addi %add3A_570, %mul3A_569 : i32
        %add3A_572 = arith.constant 2 : i32
        %add3A_573 = arith.addi %add3A_571, %add3A_572 : i32
        %get3A_574 = arith.index_cast %add3A_573 : i32 to index
        %get3A_575 = arith.constant 0 : index
        %get3A_576 = tpu.vector_load %arg11[%get3A_574, %get3A_575] {strides = array<i32>} : memref<1600x32xf32, #tpu.memory_space<vmem>>, vector<1x16xf32>,
        %get3A_577 = vector.shape_cast %get3A_576 : vector<1x16xf32> to vector<16xf32>
        %add3A_578 = arith.addf %add3A_562, %get3A_577 : vector<16xf32>
        %get3A_579 = arith.index_cast %add3A_573 : i32 to index
        %get3A_580 = arith.constant 16 : index
        %get3A_581 = tpu.vector_load %arg11[%get3A_579, %get3A_580] {strides = array<i32>} : memref<1600x32xf32, #tpu.memory_space<vmem>>, vector<1x16xf32>,
        %get3A_582 = vector.shape_cast %get3A_581 : vector<1x16xf32> to vector<16xf32>
        %add3A_583 = arith.addf %add3A_567, %get3A_582 : vector<16xf32>
        %mul3A_584 = arith.constant 8 : i32
        %mul3A_585 = arith.muli %scan3A_534, %mul3A_584 : i32
        %add3A_586 = arith.constant 1400 : i32
        %add3A_587 = arith.addi %add3A_586, %mul3A_585 : i32
        %add3A_588 = arith.constant 3 : i32
        %add3A_589 = arith.addi %add3A_587, %add3A_588 : i32
        %get3A_590 = arith.index_cast %add3A_589 : i32 to index
        %get3A_591 = arith.constant 0 : index
        %get3A_592 = tpu.vector_load %arg11[%get3A_590, %get3A_591] {strides = array<i32>} : memref<1600x32xf32, #tpu.memory_space<vmem>>, vector<1x16xf32>,
        %get3A_593 = vector.shape_cast %get3A_592 : vector<1x16xf32> to vector<16xf32>
        %add3A_594 = arith.addf %add3A_578, %get3A_593 : vector<16xf32>
        %get3A_595 = arith.index_cast %add3A_589 : i32 to index
        %get3A_596 = arith.constant 16 : index
        %get3A_597 = tpu.vector_load %arg11[%get3A_595, %get3A_596] {strides = array<i32>} : memref<1600x32xf32, #tpu.memory_space<vmem>>, vector<1x16xf32>,
        %get3A_598 = vector.shape_cast %get3A_597 : vector<1x16xf32> to vector<16xf32>
        %add3A_599 = arith.addf %add3A_583, %get3A_598 : vector<16xf32>
        %mul3A_600 = arith.constant 8 : i32
        %mul3A_601 = arith.muli %scan3A_534, %mul3A_600 : i32
        %add3A_602 = arith.constant 1400 : i32
        %add3A_603 = arith.addi %add3A_602, %mul3A_601 : i32
        %add3A_604 = arith.constant 4 : i32
        %add3A_605 = arith.addi %add3A_603, %add3A_604 : i32
        %get3A_606 = arith.index_cast %add3A_605 : i32 to index
        %get3A_607 = arith.constant 0 : index
        %get3A_608 = tpu.vector_load %arg11[%get3A_606, %get3A_607] {strides = array<i32>} : memref<1600x32xf32, #tpu.memory_space<vmem>>, vector<1x16xf32>,
        %get3A_609 = vector.shape_cast %get3A_608 : vector<1x16xf32> to vector<16xf32>
        %add3A_610 = arith.addf %add3A_594, %get3A_609 : vector<16xf32>
        %get3A_611 = arith.index_cast %add3A_605 : i32 to index
        %get3A_612 = arith.constant 16 : index
        %get3A_613 = tpu.vector_load %arg11[%get3A_611, %get3A_612] {strides = array<i32>} : memref<1600x32xf32, #tpu.memory_space<vmem>>, vector<1x16xf32>,
        %get3A_614 = vector.shape_cast %get3A_613 : vector<1x16xf32> to vector<16xf32>
        %add3A_615 = arith.addf %add3A_599, %get3A_614 : vector<16xf32>
        %mul3A_616 = arith.constant 8 : i32
        %mul3A_617 = arith.muli %scan3A_534, %mul3A_616 : i32
        %add3A_618 = arith.constant 1400 : i32
        %add3A_619 = arith.addi %add3A_618, %mul3A_617 : i32
        %add3A_620 = arith.constant 5 : i32
        %add3A_621 = arith.addi %add3A_619, %add3A_620 : i32
        %get3A_622 = arith.index_cast %add3A_621 : i32 to index
        %get3A_623 = arith.constant 0 : index
        %get3A_624 = tpu.vector_load %arg11[%get3A_622, %get3A_623] {strides = array<i32>} : memref<1600x32xf32, #tpu.memory_space<vmem>>, vector<1x16xf32>,
        %get3A_625 = vector.shape_cast %get3A_624 : vector<1x16xf32> to vector<16xf32>
        %add3A_626 = arith.addf %add3A_610, %get3A_625 : vector<16xf32>
        %get3A_627 = arith.index_cast %add3A_621 : i32 to index
        %get3A_628 = arith.constant 16 : index
        %get3A_629 = tpu.vector_load %arg11[%get3A_627, %get3A_628] {strides = array<i32>} : memref<1600x32xf32, #tpu.memory_space<vmem>>, vector<1x16xf32>,
        %get3A_630 = vector.shape_cast %get3A_629 : vector<1x16xf32> to vector<16xf32>
        %add3A_631 = arith.addf %add3A_615, %get3A_630 : vector<16xf32>
        %mul3A_632 = arith.constant 8 : i32
        %mul3A_633 = arith.muli %scan3A_534, %mul3A_632 : i32
        %add3A_634 = arith.constant 1400 : i32
        %add3A_635 = arith.addi %add3A_634, %mul3A_633 : i32
        %add3A_636 = arith.constant 6 : i32
        %add3A_637 = arith.addi %add3A_635, %add3A_636 : i32
        %get3A_638 = arith.index_cast %add3A_637 : i32 to index
        %get3A_639 = arith.constant 0 : index
        %get3A_640 = tpu.vector_load %arg11[%get3A_638, %get3A_639] {strides = array<i32>} : memref<1600x32xf32, #tpu.memory_space<vmem>>, vector<1x16xf32>,
        %get3A_641 = vector.shape_cast %get3A_640 : vector<1x16xf32> to vector<16xf32>
        %add3A_642 = arith.addf %add3A_626, %get3A_641 : vector<16xf32>
        %get3A_643 = arith.index_cast %add3A_637 : i32 to index
        %get3A_644 = arith.constant 16 : index
        %get3A_645 = tpu.vector_load %arg11[%get3A_643, %get3A_644] {strides = array<i32>} : memref<1600x32xf32, #tpu.memory_space<vmem>>, vector<1x16xf32>,
        %get3A_646 = vector.shape_cast %get3A_645 : vector<1x16xf32> to vector<16xf32>
        %add3A_647 = arith.addf %add3A_631, %get3A_646 : vector<16xf32>
        %mul3A_648 = arith.constant 8 : i32
        %mul3A_649 = arith.muli %scan3A_534, %mul3A_648 : i32
        %add3A_650 = arith.constant 1400 : i32
        %add3A_651 = arith.addi %add3A_650, %mul3A_649 : i32
        %add3A_652 = arith.constant 7 : i32
        %add3A_653 = arith.addi %add3A_651, %add3A_652 : i32
        %get3A_654 = arith.index_cast %add3A_653 : i32 to index
        %get3A_655 = arith.constant 0 : index
        %get3A_656 = tpu.vector_load %arg11[%get3A_654, %get3A_655] {strides = array<i32>} : memref<1600x32xf32, #tpu.memory_space<vmem>>, vector<1x16xf32>,
        %get3A_657 = vector.shape_cast %get3A_656 : vector<1x16xf32> to vector<16xf32>
        %add3A_658 = arith.addf %add3A_642, %get3A_657 : vector<16xf32>
        %get3A_659 = arith.index_cast %add3A_653 : i32 to index
        %get3A_660 = arith.constant 16 : index
        %get3A_661 = tpu.vector_load %arg11[%get3A_659, %get3A_660] {strides = array<i32>} : memref<1600x32xf32, #tpu.memory_space<vmem>>, vector<1x16xf32>,
        %get3A_662 = vector.shape_cast %get3A_661 : vector<1x16xf32> to vector<16xf32>
        %add3A_663 = arith.addf %add3A_647, %get3A_662 : vector<16xf32>
        scf.yield %add3A_658, %add3A_663 : vector<16xf32>, vector<16xf32>
      }
      %scan3A_518 = arith.constant 25 : i32
      %swap3A_519 = arith.constant 7 : i32
      %swap3A_520 = arith.index_cast %swap3A_519 : i32 to index
      %swap3A_521 = arith.constant 0 : index
      %swap3A_522 = tpu.vector_load %arg12[%swap3A_520, %swap3A_521] {strides = array<i32>} : memref<8x32xf32, #tpu.memory_space<vmem>>, vector<1x16xf32>,
      %swap3A_523 = vector.shape_cast %swap3A_522 : vector<1x16xf32> to vector<16xf32>
      %swap3A_524 = vector.shape_cast %scan3A_517#0 : vector<16xf32> to vector<1x16xf32>
      tpu.vector_store %arg12[%swap3A_520, %swap3A_521], %swap3A_524 {strides = array<i32>} : memref<8x32xf32, #tpu.memory_space<vmem>>, vector<1x16xf32>,
      %swap3A_525 = arith.constant 7 : i32
      %swap3A_526 = arith.index_cast %swap3A_525 : i32 to index
      %swap3A_527 = arith.constant 16 : index
      %swap3A_528 = tpu.vector_load %arg12[%swap3A_526, %swap3A_527] {strides = array<i32>} : memref<8x32xf32, #tpu.memory_space<vmem>>, vector<1x16xf32>,
      %swap3A_529 = vector.shape_cast %swap3A_528 : vector<1x16xf32> to vector<16xf32>
      %swap3A_530 = vector.shape_cast %scan3A_517#1 : vector<16xf32> to vector<1x16xf32>
      tpu.vector_store %arg12[%swap3A_526, %swap3A_527], %swap3A_530 {strides = array<i32>} : memref<8x32xf32, #tpu.memory_space<vmem>>, vector<1x16xf32>,
      %mul3A_531 = arith.constant 8 : i32
      %mul3A_532 = arith.muli %add3A_370, %mul3A_531 : i32
      %add3A_533 = arith.addi %mul3A_2, %mul3A_532 : i32
      "tpu.region"() ({
        %run_scoped3A = tpu.sem_alloc : memref<!tpu.dma_semaphore, #tpu.memory_space<semaphore_mem>>
        %dma_start3A_534 = arith.constant 0 : i32
        %dma_start3A_535 = tpu.memref_slice %arg6[%add3A_533, %dma_start3A_534] : memref<16384x32xf32, #tpu.memory_space<hbm>> -> memref<8x32xf32, #tpu.memory_space<hbm>>
        %dma_start3A_536 = arith.constant 0 : i32
        %dma_start3A_537 = tpu.memref_slice %arg6[%add3A_533, %dma_start3A_536] : memref<16384x32xf32, #tpu.memory_space<hbm>> -> memref<8x32xf32, #tpu.memory_space<hbm>>
        tpu.enqueue_dma source(%arg12 : memref<8x32xf32, #tpu.memory_space<vmem>>) target(%dma_start3A_537 : memref<8x32xf32, #tpu.memory_space<hbm>>) target_semaphore(%run_scoped3A : memref<!tpu.dma_semaphore, #tpu.memory_space<semaphore_mem>>)
        %dma_wait3A_538 = arith.constant 0 : i32
        %dma_wait3A_539 = tpu.memref_slice %arg6[%add3A_533, %dma_wait3A_538] : memref<16384x32xf32, #tpu.memory_space<hbm>> -> memref<8x32xf32, #tpu.memory_space<hbm>>
        %dma_wait3A_540 = arith.constant 0 : i32
        %dma_wait3A_541 = tpu.memref_slice %arg6[%add3A_533, %dma_wait3A_540] : memref<16384x32xf32, #tpu.memory_space<hbm>> -> memref<8x32xf32, #tpu.memory_space<hbm>>
        tpu.wait_dma2 semaphore(%run_scoped3A : memref<!tpu.dma_semaphore, #tpu.memory_space<semaphore_mem>>) src(%arg12 : memref<8x32xf32, #tpu.memory_space<vmem>>) dst(%dma_wait3A_541 : memref<8x32xf32, #tpu.memory_space<hbm>>)
        tpu.yield
      }) : () -> ()
    }
    %scan3A_86 = arith.constant 32 : i32
    %add3A_87 = arith.constant 0 : i32
    %add3A_88 = arith.addi %mul3A_2, %add3A_87 : i32
    "tpu.region"() ({
      %run_scoped3A = tpu.sem_alloc : memref<!tpu.dma_semaphore, #tpu.memory_space<semaphore_mem>>
      %dma_start3A_106 = tpu.memref_slice %arg3[%add3A_88] : memref<16384xi32, #tpu.memory_space<hbm>> -> memref<256xi32, #tpu.memory_space<hbm>>
      %dma_start3A_107 = tpu.memref_slice %arg3[%add3A_88] : memref<16384xi32, #tpu.memory_space<hbm>> -> memref<256xi32, #tpu.memory_space<hbm>>
      tpu.enqueue_dma source(%dma_start3A_107 : memref<256xi32, #tpu.memory_space<hbm>>) target(%arg13 : memref<256xi32, #tpu.memory_space<vmem>>) target_semaphore(%run_scoped3A : memref<!tpu.dma_semaphore, #tpu.memory_space<semaphore_mem>>)
      %dma_wait3A_108 = tpu.memref_slice %arg3[%add3A_88] : memref<16384xi32, #tpu.memory_space<hbm>> -> memref<256xi32, #tpu.memory_space<hbm>>
      %dma_wait3A_109 = tpu.memref_slice %arg3[%add3A_88] : memref<16384xi32, #tpu.memory_space<hbm>> -> memref<256xi32, #tpu.memory_space<hbm>>
      tpu.wait_dma2 semaphore(%run_scoped3A : memref<!tpu.dma_semaphore, #tpu.memory_space<semaphore_mem>>) src(%dma_wait3A_109 : memref<256xi32, #tpu.memory_space<hbm>>) dst(%arg13 : memref<256xi32, #tpu.memory_space<vmem>>)
      tpu.yield
    }) : () -> ()
    %dma_start3A_89 = arith.constant 0 : i32
    %dma_start3A_90 = arith.constant 0 : i32
    %dma_start3A_91 = tpu.memref_slice %arg5[%dma_start3A_89, %dma_start3A_90] : memref<1000x16xf32, #tpu.memory_space<hbm>> -> memref<1000x16xf32, #tpu.memory_space<hbm>>
    tpu.enqueue_indirect_dma source(%dma_start3A_91 : memref<1000x16xf32, #tpu.memory_space<hbm>>) target(%arg14 : memref<256x16xf32, #tpu.memory_space<vmem>>) offsets(%arg13 : memref<256xi32, #tpu.memory_space<vmem>>) semaphore(%arg17 : memref<!tpu.dma_semaphore, #tpu.memory_space<semaphore_mem>>)
    %dma_wait3A = arith.constant 0 : i32
    %dma_wait3A_92 = arith.constant 0 : i32
    %dma_wait3A_93 = tpu.memref_slice %arg5[%dma_wait3A, %dma_wait3A_92] : memref<1000x16xf32, #tpu.memory_space<hbm>> -> memref<1000x16xf32, #tpu.memory_space<hbm>>
    tpu.wait_indirect_dma semaphore(%arg17 : memref<!tpu.dma_semaphore, #tpu.memory_space<semaphore_mem>>) src(%dma_wait3A_93 : memref<1000x16xf32, #tpu.memory_space<hbm>>) dst(%arg14 : memref<256x16xf32, #tpu.memory_space<vmem>>)
    %add3A_94 = arith.constant 0 : i32
    %add3A_95 = arith.addi %mul3A_2, %add3A_94 : i32
    "tpu.region"() ({
      %run_scoped3A = tpu.sem_alloc : memref<!tpu.dma_semaphore, #tpu.memory_space<semaphore_mem>>
      %dma_start3A_106 = arith.constant 0 : i32
      %dma_start3A_107 = tpu.memref_slice %arg7[%add3A_95, %dma_start3A_106] : memref<16384x16xf32, #tpu.memory_space<hbm>> -> memref<256x16xf32, #tpu.memory_space<hbm>>
      %dma_start3A_108 = arith.constant 0 : i32
      %dma_start3A_109 = tpu.memref_slice %arg7[%add3A_95, %dma_start3A_108] : memref<16384x16xf32, #tpu.memory_space<hbm>> -> memref<256x16xf32, #tpu.memory_space<hbm>>
      tpu.enqueue_dma source(%arg14 : memref<256x16xf32, #tpu.memory_space<vmem>>) target(%dma_start3A_109 : memref<256x16xf32, #tpu.memory_space<hbm>>) target_semaphore(%run_scoped3A : memref<!tpu.dma_semaphore, #tpu.memory_space<semaphore_mem>>)
      %dma_wait3A_110 = arith.constant 0 : i32
      %dma_wait3A_111 = tpu.memref_slice %arg7[%add3A_95, %dma_wait3A_110] : memref<16384x16xf32, #tpu.memory_space<hbm>> -> memref<256x16xf32, #tpu.memory_space<hbm>>
      %dma_wait3A_112 = arith.constant 0 : i32
      %dma_wait3A_113 = tpu.memref_slice %arg7[%add3A_95, %dma_wait3A_112] : memref<16384x16xf32, #tpu.memory_space<hbm>> -> memref<256x16xf32, #tpu.memory_space<hbm>>
      tpu.wait_dma2 semaphore(%run_scoped3A : memref<!tpu.dma_semaphore, #tpu.memory_space<semaphore_mem>>) src(%arg14 : memref<256x16xf32, #tpu.memory_space<vmem>>) dst(%dma_wait3A_113 : memref<256x16xf32, #tpu.memory_space<hbm>>)
      tpu.yield
    }) : () -> ()
    %add3A_96 = arith.constant 256 : i32
    %add3A_97 = arith.addi %mul3A_2, %add3A_96 : i32
    "tpu.region"() ({
      %run_scoped3A = tpu.sem_alloc : memref<!tpu.dma_semaphore, #tpu.memory_space<semaphore_mem>>
      %dma_start3A_106 = tpu.memref_slice %arg3[%add3A_97] : memref<16384xi32, #tpu.memory_space<hbm>> -> memref<256xi32, #tpu.memory_space<hbm>>
      %dma_start3A_107 = tpu.memref_slice %arg3[%add3A_97] : memref<16384xi32, #tpu.memory_space<hbm>> -> memref<256xi32, #tpu.memory_space<hbm>>
      tpu.enqueue_dma source(%dma_start3A_107 : memref<256xi32, #tpu.memory_space<hbm>>) target(%arg13 : memref<256xi32, #tpu.memory_space<vmem>>) target_semaphore(%run_scoped3A : memref<!tpu.dma_semaphore, #tpu.memory_space<semaphore_mem>>)
      %dma_wait3A_108 = tpu.memref_slice %arg3[%add3A_97] : memref<16384xi32, #tpu.memory_space<hbm>> -> memref<256xi32, #tpu.memory_space<hbm>>
      %dma_wait3A_109 = tpu.memref_slice %arg3[%add3A_97] : memref<16384xi32, #tpu.memory_space<hbm>> -> memref<256xi32, #tpu.memory_space<hbm>>
      tpu.wait_dma2 semaphore(%run_scoped3A : memref<!tpu.dma_semaphore, #tpu.memory_space<semaphore_mem>>) src(%dma_wait3A_109 : memref<256xi32, #tpu.memory_space<hbm>>) dst(%arg13 : memref<256xi32, #tpu.memory_space<vmem>>)
      tpu.yield
    }) : () -> ()
    %dma_start3A_98 = arith.constant 0 : i32
    %dma_start3A_99 = arith.constant 0 : i32
    %dma_start3A_100 = tpu.memref_slice %arg5[%dma_start3A_98, %dma_start3A_99] : memref<1000x16xf32, #tpu.memory_space<hbm>> -> memref<1000x16xf32, #tpu.memory_space<hbm>>
    tpu.enqueue_indirect_dma source(%dma_start3A_100 : memref<1000x16xf32, #tpu.memory_space<hbm>>) target(%arg14 : memref<256x16xf32, #tpu.memory_space<vmem>>) offsets(%arg13 : memref<256xi32, #tpu.memory_space<vmem>>) semaphore(%arg17 : memref<!tpu.dma_semaphore, #tpu.memory_space<semaphore_mem>>)
    %dma_wait3A_101 = arith.constant 0 : i32
    %dma_wait3A_102 = arith.constant 0 : i32
    %dma_wait3A_103 = tpu.memref_slice %arg5[%dma_wait3A_101, %dma_wait3A_102] : memref<1000x16xf32, #tpu.memory_space<hbm>> -> memref<1000x16xf32, #tpu.memory_space<hbm>>
    tpu.wait_indirect_dma semaphore(%arg17 : memref<!tpu.dma_semaphore, #tpu.memory_space<semaphore_mem>>) src(%dma_wait3A_103 : memref<1000x16xf32, #tpu.memory_space<hbm>>) dst(%arg14 : memref<256x16xf32, #tpu.memory_space<vmem>>)
    %add3A_104 = arith.constant 256 : i32
    %add3A_105 = arith.addi %mul3A_2, %add3A_104 : i32
    "tpu.region"() ({
      %run_scoped3A = tpu.sem_alloc : memref<!tpu.dma_semaphore, #tpu.memory_space<semaphore_mem>>
      %dma_start3A_106 = arith.constant 0 : i32
      %dma_start3A_107 = tpu.memref_slice %arg7[%add3A_105, %dma_start3A_106] : memref<16384x16xf32, #tpu.memory_space<hbm>> -> memref<256x16xf32, #tpu.memory_space<hbm>>
      %dma_start3A_108 = arith.constant 0 : i32
      %dma_start3A_109 = tpu.memref_slice %arg7[%add3A_105, %dma_start3A_108] : memref<16384x16xf32, #tpu.memory_space<hbm>> -> memref<256x16xf32, #tpu.memory_space<hbm>>
      tpu.enqueue_dma source(%arg14 : memref<256x16xf32, #tpu.memory_space<vmem>>) target(%dma_start3A_109 : memref<256x16xf32, #tpu.memory_space<hbm>>) target_semaphore(%run_scoped3A : memref<!tpu.dma_semaphore, #tpu.memory_space<semaphore_mem>>)
      %dma_wait3A_110 = arith.constant 0 : i32
      %dma_wait3A_111 = tpu.memref_slice %arg7[%add3A_105, %dma_wait3A_110] : memref<16384x16xf32, #tpu.memory_space<hbm>> -> memref<256x16xf32, #tpu.memory_space<hbm>>
      %dma_wait3A_112 = arith.constant 0 : i32
      %dma_wait3A_113 = tpu.memref_slice %arg7[%add3A_105, %dma_wait3A_112] : memref<16384x16xf32, #tpu.memory_space<hbm>> -> memref<256x16xf32, #tpu.memory_space<hbm>>
      tpu.wait_dma2 semaphore(%run_scoped3A : memref<!tpu.dma_semaphore, #tpu.memory_space<semaphore_mem>>) src(%arg14 : memref<256x16xf32, #tpu.memory_space<vmem>>) dst(%dma_wait3A_113 : memref<256x16xf32, #tpu.memory_space<hbm>>)
      tpu.yield
    }) : () -> ()
    return
  }
}

#map = affine_map<(d0, d1) -> (0)>
#map1 = affine_map<(d0, d1) -> (0, 0)>
module attributes {stable_mosaic.version = 14 : i64} {
  func.func @_sc_small_body(%arg0: i32, %arg1: i32, %arg2: memref<16384xi32, #tpu.memory_space<hbm>>, %arg3: memref<16384xi32, #tpu.memory_space<hbm>>, %arg4: memref<1000000x32xf32, #tpu.memory_space<hbm>>, %arg5: memref<1000000x32xf32, #tpu.memory_space<hbm>>, %arg6: memref<16384x32xf32, #tpu.memory_space<hbm>>, %arg7: memref<16384x32xf32, #tpu.memory_space<hbm>>, %arg8: memref<512xi32, #tpu.memory_space<vmem>>, %arg9: memref<512xi32, #tpu.memory_space<vmem>>, %arg10: memref<512x32xf32, #tpu.memory_space<vmem>>, %arg11: memref<512x32xf32, #tpu.memory_space<vmem>>, %arg12: memref<!tpu.dma_semaphore, #tpu.memory_space<semaphore_mem>>) attributes {dimension_semantics = [#tpu.dimension_semantics<core_parallel>, #tpu.dimension_semantics<subcore_parallel>], iteration_bounds = array<i64: 2, 16>, scalar_prefetch = 0 : i64, scratch_operands = 5 : i64, tpu.core_type = #tpu.core_type<sc_vector_subcore>, window_params = [{transform_indices = #map}, {transform_indices = #map}, {transform_indices = #map1}, {transform_indices = #map1}, {transform_indices = #map1}, {transform_indices = #map1}]} {
    %mul3A = arith.constant 2 : i32
    %mul3A_0 = arith.muli %arg1, %mul3A : i32
    %add3A = arith.addi %mul3A_0, %arg0 : i32
    %mul3A_1 = arith.constant 512 : i32
    %mul3A_2 = arith.muli %add3A, %mul3A_1 : i32
    "tpu.region"() ({
      %run_scoped3A = tpu.sem_alloc : memref<!tpu.dma_semaphore, #tpu.memory_space<semaphore_mem>>
      %dma_start3A_13 = tpu.memref_slice %arg2[%mul3A_2] : memref<16384xi32, #tpu.memory_space<hbm>> -> memref<512xi32, #tpu.memory_space<hbm>>
      %dma_start3A_14 = tpu.memref_slice %arg2[%mul3A_2] : memref<16384xi32, #tpu.memory_space<hbm>> -> memref<512xi32, #tpu.memory_space<hbm>>
      tpu.enqueue_dma source(%dma_start3A_14 : memref<512xi32, #tpu.memory_space<hbm>>) target(%arg8 : memref<512xi32, #tpu.memory_space<vmem>>) target_semaphore(%run_scoped3A : memref<!tpu.dma_semaphore, #tpu.memory_space<semaphore_mem>>)
      %dma_wait3A_15 = tpu.memref_slice %arg2[%mul3A_2] : memref<16384xi32, #tpu.memory_space<hbm>> -> memref<512xi32, #tpu.memory_space<hbm>>
      %dma_wait3A_16 = tpu.memref_slice %arg2[%mul3A_2] : memref<16384xi32, #tpu.memory_space<hbm>> -> memref<512xi32, #tpu.memory_space<hbm>>
      tpu.wait_dma2 semaphore(%run_scoped3A : memref<!tpu.dma_semaphore, #tpu.memory_space<semaphore_mem>>) src(%dma_wait3A_16 : memref<512xi32, #tpu.memory_space<hbm>>) dst(%arg8 : memref<512xi32, #tpu.memory_space<vmem>>)
      tpu.yield
    }) : () -> ()
    "tpu.region"() ({
      %run_scoped3A = tpu.sem_alloc : memref<!tpu.dma_semaphore, #tpu.memory_space<semaphore_mem>>
      %dma_start3A_13 = tpu.memref_slice %arg3[%mul3A_2] : memref<16384xi32, #tpu.memory_space<hbm>> -> memref<512xi32, #tpu.memory_space<hbm>>
      %dma_start3A_14 = tpu.memref_slice %arg3[%mul3A_2] : memref<16384xi32, #tpu.memory_space<hbm>> -> memref<512xi32, #tpu.memory_space<hbm>>
      tpu.enqueue_dma source(%dma_start3A_14 : memref<512xi32, #tpu.memory_space<hbm>>) target(%arg9 : memref<512xi32, #tpu.memory_space<vmem>>) target_semaphore(%run_scoped3A : memref<!tpu.dma_semaphore, #tpu.memory_space<semaphore_mem>>)
      %dma_wait3A_15 = tpu.memref_slice %arg3[%mul3A_2] : memref<16384xi32, #tpu.memory_space<hbm>> -> memref<512xi32, #tpu.memory_space<hbm>>
      %dma_wait3A_16 = tpu.memref_slice %arg3[%mul3A_2] : memref<16384xi32, #tpu.memory_space<hbm>> -> memref<512xi32, #tpu.memory_space<hbm>>
      tpu.wait_dma2 semaphore(%run_scoped3A : memref<!tpu.dma_semaphore, #tpu.memory_space<semaphore_mem>>) src(%dma_wait3A_16 : memref<512xi32, #tpu.memory_space<hbm>>) dst(%arg9 : memref<512xi32, #tpu.memory_space<vmem>>)
      tpu.yield
    }) : () -> ()
    %dma_start3A = arith.constant 0 : i32
    %dma_start3A_3 = arith.constant 0 : i32
    %dma_start3A_4 = tpu.memref_slice %arg4[%dma_start3A, %dma_start3A_3] : memref<1000000x32xf32, #tpu.memory_space<hbm>> -> memref<1000000x32xf32, #tpu.memory_space<hbm>>
    tpu.enqueue_indirect_dma source(%dma_start3A_4 : memref<1000000x32xf32, #tpu.memory_space<hbm>>) target(%arg10 : memref<512x32xf32, #tpu.memory_space<vmem>>) offsets(%arg8 : memref<512xi32, #tpu.memory_space<vmem>>) semaphore(%arg12 : memref<!tpu.dma_semaphore, #tpu.memory_space<semaphore_mem>>)
    %dma_start3A_5 = arith.constant 0 : i32
    %dma_start3A_6 = arith.constant 0 : i32
    %dma_start3A_7 = tpu.memref_slice %arg5[%dma_start3A_5, %dma_start3A_6] : memref<1000000x32xf32, #tpu.memory_space<hbm>> -> memref<1000000x32xf32, #tpu.memory_space<hbm>>
    tpu.enqueue_indirect_dma source(%dma_start3A_7 : memref<1000000x32xf32, #tpu.memory_space<hbm>>) target(%arg11 : memref<512x32xf32, #tpu.memory_space<vmem>>) offsets(%arg9 : memref<512xi32, #tpu.memory_space<vmem>>) semaphore(%arg12 : memref<!tpu.dma_semaphore, #tpu.memory_space<semaphore_mem>>)
    %dma_wait3A = arith.constant 0 : i32
    %dma_wait3A_8 = arith.constant 0 : i32
    %dma_wait3A_9 = tpu.memref_slice %arg4[%dma_wait3A, %dma_wait3A_8] : memref<1000000x32xf32, #tpu.memory_space<hbm>> -> memref<1000000x32xf32, #tpu.memory_space<hbm>>
    tpu.wait_indirect_dma semaphore(%arg12 : memref<!tpu.dma_semaphore, #tpu.memory_space<semaphore_mem>>) src(%dma_wait3A_9 : memref<1000000x32xf32, #tpu.memory_space<hbm>>) dst(%arg10 : memref<512x32xf32, #tpu.memory_space<vmem>>)
    %dma_wait3A_10 = arith.constant 0 : i32
    %dma_wait3A_11 = arith.constant 0 : i32
    %dma_wait3A_12 = tpu.memref_slice %arg5[%dma_wait3A_10, %dma_wait3A_11] : memref<1000000x32xf32, #tpu.memory_space<hbm>> -> memref<1000000x32xf32, #tpu.memory_space<hbm>>
    tpu.wait_indirect_dma semaphore(%arg12 : memref<!tpu.dma_semaphore, #tpu.memory_space<semaphore_mem>>) src(%dma_wait3A_12 : memref<1000000x32xf32, #tpu.memory_space<hbm>>) dst(%arg11 : memref<512x32xf32, #tpu.memory_space<vmem>>)
    "tpu.region"() ({
      %run_scoped3A = tpu.sem_alloc : memref<!tpu.dma_semaphore, #tpu.memory_space<semaphore_mem>>
      %dma_start3A_13 = arith.constant 0 : i32
      %dma_start3A_14 = tpu.memref_slice %arg6[%mul3A_2, %dma_start3A_13] : memref<16384x32xf32, #tpu.memory_space<hbm>> -> memref<512x32xf32, #tpu.memory_space<hbm>>
      %dma_start3A_15 = arith.constant 0 : i32
      %dma_start3A_16 = tpu.memref_slice %arg6[%mul3A_2, %dma_start3A_15] : memref<16384x32xf32, #tpu.memory_space<hbm>> -> memref<512x32xf32, #tpu.memory_space<hbm>>
      tpu.enqueue_dma source(%arg10 : memref<512x32xf32, #tpu.memory_space<vmem>>) target(%dma_start3A_16 : memref<512x32xf32, #tpu.memory_space<hbm>>) target_semaphore(%run_scoped3A : memref<!tpu.dma_semaphore, #tpu.memory_space<semaphore_mem>>)
      %dma_wait3A_17 = arith.constant 0 : i32
      %dma_wait3A_18 = tpu.memref_slice %arg6[%mul3A_2, %dma_wait3A_17] : memref<16384x32xf32, #tpu.memory_space<hbm>> -> memref<512x32xf32, #tpu.memory_space<hbm>>
      %dma_wait3A_19 = arith.constant 0 : i32
      %dma_wait3A_20 = tpu.memref_slice %arg6[%mul3A_2, %dma_wait3A_19] : memref<16384x32xf32, #tpu.memory_space<hbm>> -> memref<512x32xf32, #tpu.memory_space<hbm>>
      tpu.wait_dma2 semaphore(%run_scoped3A : memref<!tpu.dma_semaphore, #tpu.memory_space<semaphore_mem>>) src(%arg10 : memref<512x32xf32, #tpu.memory_space<vmem>>) dst(%dma_wait3A_20 : memref<512x32xf32, #tpu.memory_space<hbm>>)
      tpu.yield
    }) : () -> ()
    "tpu.region"() ({
      %run_scoped3A = tpu.sem_alloc : memref<!tpu.dma_semaphore, #tpu.memory_space<semaphore_mem>>
      %dma_start3A_13 = arith.constant 0 : i32
      %dma_start3A_14 = tpu.memref_slice %arg7[%mul3A_2, %dma_start3A_13] : memref<16384x32xf32, #tpu.memory_space<hbm>> -> memref<512x32xf32, #tpu.memory_space<hbm>>
      %dma_start3A_15 = arith.constant 0 : i32
      %dma_start3A_16 = tpu.memref_slice %arg7[%mul3A_2, %dma_start3A_15] : memref<16384x32xf32, #tpu.memory_space<hbm>> -> memref<512x32xf32, #tpu.memory_space<hbm>>
      tpu.enqueue_dma source(%arg11 : memref<512x32xf32, #tpu.memory_space<vmem>>) target(%dma_start3A_16 : memref<512x32xf32, #tpu.memory_space<hbm>>) target_semaphore(%run_scoped3A : memref<!tpu.dma_semaphore, #tpu.memory_space<semaphore_mem>>)
      %dma_wait3A_17 = arith.constant 0 : i32
      %dma_wait3A_18 = tpu.memref_slice %arg7[%mul3A_2, %dma_wait3A_17] : memref<16384x32xf32, #tpu.memory_space<hbm>> -> memref<512x32xf32, #tpu.memory_space<hbm>>
      %dma_wait3A_19 = arith.constant 0 : i32
      %dma_wait3A_20 = tpu.memref_slice %arg7[%mul3A_2, %dma_wait3A_19] : memref<16384x32xf32, #tpu.memory_space<hbm>> -> memref<512x32xf32, #tpu.memory_space<hbm>>
      tpu.wait_dma2 semaphore(%run_scoped3A : memref<!tpu.dma_semaphore, #tpu.memory_space<semaphore_mem>>) src(%arg11 : memref<512x32xf32, #tpu.memory_space<vmem>>) dst(%dma_wait3A_20 : memref<512x32xf32, #tpu.memory_space<hbm>>)
      tpu.yield
    }) : () -> ()
    return
  }
}

module attributes {stable_mosaic.version = 14 : i64} {
  func.func @_dense_mm(%arg0: i32, %arg1: memref<2048x64xf32, #tpu.memory_space<vmem>>, %arg2: memref<64x32xf32, #tpu.memory_space<vmem>>, %arg3: memref<1x32xf32, #tpu.memory_space<vmem>>, %arg4: memref<2048x32xf32, #tpu.memory_space<vmem>>) attributes {dimension_semantics = [#tpu.dimension_semantics<arbitrary>], iteration_bounds = array<i64: 8>, scalar_prefetch = 0 : i64, scratch_operands = 0 : i64, tpu.core_type = #tpu.core_type<tc>, window_params = [{transform_indices = @transform_0, window_bounds = array<i64: 2048, 64>}, {pipeline_mode = #tpu.pipeline_mode<synchronous>, transform_indices = @transform_1, window_bounds = array<i64: 64, 32>}, {pipeline_mode = #tpu.pipeline_mode<synchronous>, transform_indices = @transform_2, window_bounds = array<i64: 1, 32>}, {transform_indices = @transform_3, window_bounds = array<i64: 2048, 32>}]} {
    %get3A = arith.constant 0 : index
    %get3A_0 = arith.constant 0 : index
    %get3A_1 = vector.load %arg1[%get3A, %get3A_0] : memref<2048x64xf32, #tpu.memory_space<vmem>>, vector<2048x64xf32>
    %get3A_2 = arith.constant 0 : index
    %get3A_3 = arith.constant 0 : index
    %get3A_4 = vector.load %arg2[%get3A_2, %get3A_3] : memref<64x32xf32, #tpu.memory_space<vmem>>, vector<64x32xf32>
    %dot_general3A = arith.constant dense<0.000000e+00> : vector<2048x32xf32>
    %dot_general3A_5 = tpu.matmul %get3A_1, %get3A_4, %dot_general3A {dimension_numbers = #tpu.dot_dimension_numbers<[1], [0], [0], [1], [0, 0, 1, 1], [], []>, transpose_lhs_hint = false} : vector<2048x64xf32>, vector<64x32xf32>, vector<2048x32xf32> -> vector<2048x32xf32>
    %get3A_6 = arith.constant 0 : index
    %get3A_7 = arith.constant 0 : index
    %get3A_8 = vector.load %arg3[%get3A_6, %get3A_7] : memref<1x32xf32, #tpu.memory_space<vmem>>, vector<1x32xf32>
    %add3A = vector.broadcast %get3A_8 : vector<1x32xf32> to vector<2048x32xf32>
    %add3A_9 = arith.addf %dot_general3A_5, %add3A : vector<2048x32xf32>
    %swap3A = arith.constant 0 : index
    %swap3A_10 = arith.constant 0 : index
    %swap3A_11 = vector.load %arg4[%swap3A, %swap3A_10] : memref<2048x32xf32, #tpu.memory_space<vmem>>, vector<2048x32xf32>
    tpu.vector_store %arg4[%swap3A, %swap3A_10], %add3A_9 {strides = array<i32>} : memref<2048x32xf32, #tpu.memory_space<vmem>>, vector<2048x32xf32>,
    return
  }
  func.func @transform_0(%arg0: i32) -> (i32, i32) {
    %c0_i32 = arith.constant 0 : i32
    %c0_i32_0 = arith.constant 0 : i32
    return %arg0, %c0_i32 : i32, i32
  }
  func.func @transform_1(%arg0: i32) -> (i32, i32) {
    %c0_i32 = arith.constant 0 : i32
    %c0_i32_0 = arith.constant 0 : i32
    %c0_i32_1 = arith.constant 0 : i32
    return %c0_i32, %c0_i32_0 : i32, i32
  }
  func.func @transform_2(%arg0: i32) -> (i32, i32) {
    %c0_i32 = arith.constant 0 : i32
    %c0_i32_0 = arith.constant 0 : i32
    %c0_i32_1 = arith.constant 0 : i32
    return %c0_i32, %c0_i32_0 : i32, i32
  }
  func.func @transform_3(%arg0: i32) -> (i32, i32) {
    %c0_i32 = arith.constant 0 : i32
    %c0_i32_0 = arith.constant 0 : i32
    return %arg0, %c0_i32 : i32, i32
  }
}

</mosaic_0001>

<sc_bundles>
// kernel: kernel.5.cloned.1.call-start
scs
__scs_entry_jumppad:
0x0: {  	(pc) =	sbr.rel $0x88, $3  }
0x1: {  	(tag) =	ssettag $0x0;
	lr =	simm.s32 $0x1  }
0x2: {  	[smem:$0x3F95] =	sst lr;
	_ =	strace $0xD0000000  }
0x3: {  	_ = 	snop  }
0x4: {  	_ = 	snop  }
0x5: {  	_ = 	snop  }
0x6: {  	_ = 	snop  }
0x7: {  	_ = 	snop  }
__scs_overlays_trampoline_lowered:
0x8: {  	[smem:$0x3FA4] =	sst s0  }
0x9: {  	[smem:$0x3FA5] =	sst s1  }
0xa: {  	[smem:$0x3FA6] =	sst s2  }
0xb: {  	[smem:$0x3FA7] =	sst s3  }
0xc: {  	[smem:$0x3FA8] =	sst s4  }
0xd: {  	[smem:$0x3FA9] =	sst s5  }
0xe: {  	[smem:$0x3FAA] =	sst s6  }
0xf: {  	[smem:$0x3FAB] =	sst s7  }
0x10: {  	[smem:$0x3FAC] =	sst s8  }
0x11: {  	[smem:$0x3FAD] =	sst s9;
	s0 =	simm.s32 @!p0 $0x0  }
0x12: {  	s1 =	sld [smem:$0x3F93];
	s0 =	simm.s32 @p0 $0x1  }
0x13: {  	[smem:$0x3FAE] =	sst s0;
	s0 =	simm.s32 @!p1 $0x0  }
0x14: {  	s2 =	sld [smem:$0x3F92];
	s0 =	simm.s32 @p1 $0x1  }
0x15: {  	[smem:$0x3FAF] =	sst s0;
	s0 =	simm.s32 @!p2 $0x0  }
0x16: {  	s3 =	sld [smem:$0x3FDB];
	s0 =	simm.s32 @p2 $0x1  }
0x17: {  	s4 =	simm.s32 $0x1BF5;
	[smem:$0x3FB1] =	sst s0  }
0x18: {  	s0 =	sld [smem:$0x3F94];
	_ =	swait.ge [sflag:s4], $0x0  }
0x19: {  	s7 =	sld [smem:$0x3F95]  }
0x1a: {  	s8 =	sadd.s32 $0xFFFFE003, lr  }
0x1b: {  	s9 =	sadd.s32 $0xFFFFFEF7, lr;
	s5 =	simm.s32 $0xFFFFFFFF;
	p2 =	slt.u32 s8, $0xFFFFF086  }
0x1c: {  	p1 =	slt.u32 s9, $0xF7A;
	s5 =	simm.s32 @!p2 $0x0  }
0x1d: {  	s5 =	simm.s32 @p1 $0x1;
	p0 =	seq.s32 s7, s2  }
0x1e: {  	s7 =	smul.u32 @!p0 $0xF7A, s2;
	p2 =	seq.s32 @!p0 s5, $0x0  }
0x1f: {  	s9 =	smul.u32 $0xF7A, s1;
	s8 =	simm.s32 @!p0 $0x1BF5;
	p2 =	por !p2, p0  }
0x20: {  	[sflag:s8] =	ssyncset.s32 @!p0 $0xFFFFF086;
	s6 =	sadd.s32 @!p0 s3, s7;
	s7 =	simm.s32 @!p0 $0x108  }
0x21: {  	s3 =	sadd.s32 s3, s9;
	s6 =	sadd.s32 @!p0 $0x88, s6;
	s7 =	simm.s32 @p2 $0x1082  }
0x22: {  	[simem:s7], [sflag:s8] =	dma.local @!p0 [hbm:s6], $0xF7A  }
0x23: {  	s9 =	sor.u32 $0xD0000000, s2;
	s6 =	simm.s32 $0x108;
	_ =	swait.ge @!p0 [sflag:s8], $0x0  }
0x24: {  	s3 =	sadd.s32 $0x88, s3;
	s6 =	simm.s32 @!p1 $0x1082;
	[sflag:s4] =	ssyncset.s32 $0xFFFFF086  }
0x25: {  	[simem:s6], [sflag:s4] =	dma.local [hbm:s3], $0xF7A  }
0x26: {  	[smem:$0x3F95] =	sst s1;
	(tag) =	ssettag s2;
	_ =	strace s9  }
0x27: {  	s1 =	sld [smem:$0x3FA5]  }
0x28: {  	s2 =	sld [smem:$0x3FA6]  }
0x29: {  	s4 =	sld [smem:$0x3FA8]  }
0x2a: {  	p0 =	seq.s32 s5, $0x0;
	s5 =	sld [smem:$0x3FA9]  }
0x2b: {  	s6 =	sld [smem:$0x3FAA]  }
0x2c: {  	s7 =	sld [smem:$0x3FAB]  }
0x2d: {  	s3 =	simm.s32 $0x108;
	s8 =	sld [smem:$0x3FAC]  }
0x2e: {  	s3 =	simm.s32 @!p0 $0x1082;
	s9 =	sld [smem:$0x3FAD]  }
0x2f: {  	lr =	sadd.s32 s0, s3;
	s0 =	sld [smem:$0x3FA4]  }
0x30: {  	s3 =	sld [smem:$0x3FA7]  }
0x31: {  	[smem:$0x3FB0] =	sst s10  }
0x32: {  	s10 =	sld [smem:$0x3FAE];
	_ =	sdelay $0x3  }
0x33: {  	p0 =	seq.s32 s10, $0x1;
	s10 =	sld [smem:$0x3FB0];
	_ =	sdelay $0x3  }
0x34: {  	[smem:$0x3FB0] =	sst s10  }
0x35: {  	s10 =	sld [smem:$0x3FAF];
	_ =	sdelay $0x3  }
0x36: {  	p1 =	seq.s32 s10, $0x1;
	s10 =	sld [smem:$0x3FB0];
	_ =	sdelay $0x3  }
0x37: {  	[smem:$0x3FB0] =	sst s10  }
0x38: {  	s10 =	sld [smem:$0x3FB1]  }
0x39: {  	_ = 	snop;
	(pc) =	sbr.ind lr, $3  }
0x3a: {  	_ = 	snop  }
0x3b: {  	_ = 	snop  }
0x3c: {  	p2 =	seq.s32 s10, $0x1;
	s10 =	sld [smem:$0x3FB0]  }
0x3d: {  	_ =	shalt  }
0x3e: {  	_ =	shalt  }
0x3f: {  	_ =	shalt  }
0x40: {  	_ =	shalt  }
0x41: {  	_ =	shalt  }
0x42: {  	_ =	shalt  }
0x43: {  	_ =	shalt  }
0x44: {  	_ =	shalt  }
0x45: {  	_ =	shalt  }
0x46: {  	_ =	shalt  }
0x47: {  	_ =	shalt  }
0x48: {  	_ =	shalt  }
0x49: {  	_ =	shalt  }
0x4a: {  	_ =	shalt  }
0x4b: {  	_ =	shalt  }
0x4c: {  	_ =	shalt  }
0x4d: {  	_ =	shalt  }
0x4e: {  	_ =	shalt  }
0x4f: {  	_ =	shalt  }
0x50: {  	_ =	shalt  }
0x51: {  	_ =	shalt  }
0x52: {  	_ =	shalt  }
0x53: {  	_ =	shalt  }
0x54: {  	_ =	shalt  }
0x55: {  	_ =	shalt  }
0x56: {  	_ =	shalt  }
0x57: {  	_ =	shalt  }
0x58: {  	_ =	shalt  }
0x59: {  	_ =	shalt  }
0x5a: {  	_ =	shalt  }
0x5b: {  	_ =	shalt  }
0x5c: {  	_ =	shalt  }
0x5d: {  	_ =	shalt  }
0x5e: {  	_ =	shalt  }
0x5f: {  	_ =	shalt  }
0x60: {  	_ =	shalt  }
0x61: {  	_ =	shalt  }
0x62: {  	_ =	shalt  }
0x63: {  	_ =	shalt  }
0x64: {  	_ =	shalt  }
0x65: {  	_ =	shalt  }
0x66: {  	_ =	shalt  }
0x67: {  	_ =	shalt  }
0x68: {  	_ =	shalt  }
0x69: {  	_ =	shalt  }
0x6a: {  	_ =	shalt  }
0x6b: {  	_ =	shalt  }
0x6c: {  	_ =	shalt  }
0x6d: {  	_ =	shalt  }
0x6e: {  	_ =	shalt  }
0x6f: {  	_ =	shalt  }
0x70: {  	_ =	shalt  }
0x71: {  	_ =	shalt  }
0x72: {  	_ =	shalt  }
0x73: {  	_ =	shalt  }
0x74: {  	_ =	shalt  }
0x75: {  	_ =	shalt  }
0x76: {  	_ =	shalt  }
0x77: {  	_ =	shalt  }
0x78: {  	_ =	shalt  }
0x79: {  	_ =	shalt  }
0x7a: {  	_ =	shalt  }
0x7b: {  	_ =	shalt  }
0x7c: {  	_ =	shalt  }
0x7d: {  	_ =	shalt  }
0x7e: {  	_ =	shalt  }
0x7f: {  	_ =	shalt  }
0x80: {  	_ =	shalt  }
0x81: {  	_ =	shalt  }
0x82: {  	_ =	shalt  }
0x83: {  	_ =	shalt  }
0x84: {  	_ =	shalt  }
0x85: {  	_ =	shalt  }
0x86: {  	_ =	shalt  }
0x87: {  	_ =	shalt  }
.Lfunc_end0:
.L_simem_size_0:
called_computation_lowered:
.L_overlay_start_0:
0x88: {  	s2 =	sld [smem:$0x3FD9]  }
0x89: {  	s3 =	sld [smem:$0x3FFE];
	_ =	sdelay $0x1  }
0x8a: {  	s1 =	srdreg.scid  }
0x8b: {  	s0 =	sand.u32 $0x1, s1  }
0x8c: {  	s15 =	sshll.u32 s0, $0xA;
	s2 =	sadd.s32 s3, s2  }
0x8d: {  	s2 =	sadd.s32 s2, s15  }
0x8e: {  	[smem:$0x3FBC] =	sst s2  }
0x8f: {  	_ = 	snop  }
0x90: {  	s16 =	sld [smem:$0x3FD0];
	_ =	sdelay $0x2  }
0x91: {  	s4 =	simm.s32 $0xB;
	s5 =	simm.s32 $0x10;
	s2 =	sld [smem:$0x3FC5]  }
0x92: {  	[smem:s5], [sflag:s4] =	dma.local [hbm:s16], $0x1  }
0x93: {  	_ =	swait.eq [sflag:s4], $0x1  }
0x94: {  	[sflag:s4] =	ssyncset.done $0x0  }
0x95: {  	[sflag:s4] =	ssyncadd.s32 $0xFFFFFFFF  }
0x96: {  	s17 =	sld [smem:$0x10];
	(tm) =	ssettm $0x1  }
0x97: {  	s18 =	sld [smem:$0x3FFB];
	_ =	sdelay $0x3  }
0x98: {  	_ =	strace s18  }
0x99: {  	s3 =	sld [smem:$0x3FFC];
	_ =	sdelay $0x3  }
0x9a: {  	_ =	strace s3  }
0x9b: {  	s3 =	sld [smem:$0x3FFD];
	_ =	sdelay $0x3  }
0x9c: {  	_ =	strace s3  }
0x9d: {  	_ =	strace $0x8FFFFFFF  }
0x9e: {  	s19 =	sld [smem:$0x3FDB];
	_ =	sdelay $0x1  }
0x9f: {  	s20 =	simm.s32 $_scs_section_size  }
0xa0: {  	s6 =	simm.s32 $_size__tile_overlayer_lowered;
	s7 =	simm.s32 $_tile_overlayer_lowered  }
0xa1: {  	s8 =	simm.s32 $0x1BFF;
	s21 =	sshll.u32 s7, $0x1;
	s5 =	sadd.s32 s20, s19  }
0xa2: {  	s22 =	simm.s32 $0x0;
	s6 =	sshll.u32 s6, $0x1;
	s7 =	sadd.s32 s21, s5  }
0xa3: {  	[timem:s22], [sflag:s8] =	dma.local [hbm:s7], s6  }
0xa4: {  	_ =	swait.ge [sflag:s8], s6  }
0xa5: {  	s6 =	ssub.s32 $0x0, s6;
	[sflag:s8] =	ssyncset.done $0x0  }
0xa6: {  	[sflag:s8] =	ssyncadd.s32 s6;
	_ =	sdelay $0x1  }
0xa7: {  	s23 =	simm.s32 $0x1B8B  }
0xa8: {  	_ =	swait.ge [sflag:s23], $0x1  }
0xa9: {  	[sflag:s23] =	ssyncset.done $0x0  }
0xaa: {  	[sflag:s23] =	ssyncadd.s32 $0xFFFFFFFF  }
0xab: {  	s6 =	sld [smem:$0x0]  }
0xac: {  	s7 =	sand.u32 $0xFFFFFFFE, s1  }
0xad: {  	p0 =	sne.s32 s1, s7  }
0xae: {  	s7 =	sshll.u32 @p0 s7, $0xE  }
0xaf: {  	s7 =	sadd.s32 @p0 $0x11B8D, s7;
	s8 =	sshll.u32 @p0 s6, $0x11  }
0xb0: {  	s7 =	sor.u32 @p0 s8, s7  }
0xb1: {  	[sflag:s7] =	ssyncadd.remote.s32 @p0 $0x1;
	_ =	sdelay $0x1  }
0xb2: {  	s7 =	simm.s32 @p0 $0x1B8D  }
0xb3: {  	_ =	swait.eq @p0 [sflag:s7], $0x1  }
0xb4: {  	[sflag:s7] =	ssyncadd.s32 @p0 $0xFFFFFFFF  }
0xb5: {  	s8 =	sshll.u32 @!p0 s1, $0xE  }
0xb6: {  	s8 =	sor.u32 @!p0 $0x4000, s8;
	s7 =	simm.s32 @!p0 $0x1B8D  }
0xb7: {  	s6 =	sshll.u32 @!p0 s6, $0x11;
	s8 =	sadd.s32 @!p0 $0x11B8D, s8;
	_ =	swait.eq @!p0 [sflag:s7], $0x1  }
0xb8: {  	s6 =	sor.u32 @!p0 s6, s8;
	[sflag:s7] =	ssyncadd.s32 @!p0 $0xFFFFFFFF  }
0xb9: {  	s25 =	simm.s32 $0x1B8E;
	s24 =	sld [smem:$0x3FFE];
	[sflag:s6] =	ssyncadd.remote.s32 @!p0 $0x1  }
0xba: {  	s26 =	simm.s32 $execute0_lowered;
	[smem:$0x3FD2] =	sst s25  }
0xbb: {  	s7 =	sshll.u32 s26, $0x1;
	_ =	strace $0x80000049;
	[dreg:$0x1] =	wrdreg $0xFFFFFFFF  }
0xbc: {  	s28 =	simm.s32 $_size_execute0_lowered;
	s5 =	sadd.s32 s5, s7;
	[dreg:$0x0] =	wrdreg $0x0  }
0xbd: {  	s7 =	sshll.u32 s28, $0x1;
	[dreg:$0x2] =	wrdreg s5  }
0xbe: {  	[dreg:$0x3] =	wrdreg s7  }
0xbf: {  	[dreg:$0x4] =	wrdreg $0xC0  }
0xc0: {  	_ =	task [dreg:s22], $0x5FFFF  }
0xc1: {  	[dreg:$0x1] =	wrdreg $0xFFFFFFFF  }
0xc2: {  	[dreg:$0x0] =	wrdreg $0x60  }
0xc3: {  	[dreg:$0x2] =	wrdreg s24  }
0xc4: {  	[dreg:$0x3] =	wrdreg s2  }
0xc5: {  	[dreg:$0x4] =	wrdreg s17  }
0xc6: {  	[dreg:$0x5] =	wrdreg $0x9  }
0xc7: {  	_ =	task.clear_ibuf [dreg:s22], $0x6FFFF;
	_ =	strace $0x90000049  }
0xc8: {  	s29 =	simm.s32 $0x9;
	_ =	strace $0x8000004B  }
0xc9: {  	_ =	swait.ge [sflag:s29], $0x1  }
0xca: {  	[sflag:s29] =	ssyncadd.s32 $0xFFFFFFFF  }
0xcb: {  	_ =	strace $0x9000004B  }
0xcc: {  	_ =	sfence  }
0xcd: {  	s30 =	sld [smem:$0x0];
	_ =	sdelay $0x2  }
0xce: {  	s31 =	sshll.u32 s1, $0xD;
	s1 =	sshrl.u32 s1, $0x2  }
0xcf: {  	s4 =	sand.u32 $0x4000, s31;
	s1 =	sadd.s32 s1, s30  }
0xd0: {  	s0 =	sor.u32 s4, s0;
	s1 =	sshll.u32 s1, $0x11  }
0xd1: {  	s0 =	sor.u32 s1, s0  }
0xd2: {  	s0 =	sadd.s32 $0x8F2B, s0  }
0xd3: {  	[sflag:s0] =	ssyncadd.remote.s32 $0x1  }
0xd4: {  	_ =	sfence.sel $0xFFFF  }
0xd5: {  	[dreg:$0x0] =	wrdreg $0xFFFFFFFF;
	(pc) =	sbr.abs _section_cstart, $3  }
0xd6: {  	[dreg:$0x1] =	wrdreg $0xFFFFFFFF  }
0xd7: {  	_ =	task.clear_ibuf [dreg:s22], $0x2FFFF;
	_ =	strace $0x9FFFFFFF  }
0xd8: {  	(tm) =	ssettm $0x7FFFFFFF  }
0xd9: {  	_ =	shalt  }
tec
execute0_lowered:
.L_overlay_start_1:
0x0: {  	(tag) =	ssettag $0x1  }
0x1: {  	s0 =	rddreg [dreg:$0x0]  }
0x2: {  	s1 =	rddreg [dreg:$0x1]  }
0x3: {  	s9 =	rddreg [dreg:$0x2]  }
0x4: {  	s3 =	simm.s32 $0x0;
	s2 =	srdreg.scid;
	s5 =	stileid.u32  }
0x5: {  	s16 =	simm.s32 $0x4;
	s17 =	simm.s32 $0xC8;
	s19 =	simm.s32 $0x708  }
0x6: {  	s20 =	simm.s32 $0xED80;
	s28 =	simm.s32 $0xA28;
	s29 =	simm.s32 $0x15180  }
0x7: {  	s30 =	simm.s32 $0xAF0;
	s31 =	simm.s32 $0x16A80;
	s12 =	simm.s32 $0x2  }
0x8: {  	[smem:$0x7FF] =	sst s3;
	s2 =	sand.u32 $0x1, s2;
	s4 =	sadd.s32 $0x3E2800, s0  }
0x9: {  	s6 =	sshll.u32 s5, $0xA;
	s5 =	sadd.s32 $0x11E00, s0;
	s21 =	sadd.s32 $0x446800, s0  }
0xa: {  	s0 =	sadd.s32 $0x447000, s0;
	_ =	strace $0x8000004A;
	s7 =	sshll.u32 s2, $0x9  }
0xb: {  	s2 =	ssub.s32 $0x2, s2;
	[dreg:$0x4] =	wrdreg s21;
	s6 =	sor.u32 s7, s6  }
0xc: {  	s21 =	simm.s32 $0x7D0;
	s22 =	sshrl.u32 s2, $0x1;
	s8 =	smul.u32 $0x19, s6  }
0xd: {  	s2 =	ssub.s32 s2, s22;
	s23 =	sshll.u32 s6, $0x2;
	s24 =	sshrl.u32 s6, $0x3  }
0xe: {  	s25 =	sor.u32 $0x100, s6;
	s10 =	sshll.u32 s6, $0x1;
	s15 =	sor.u32 $0x8, s6  }
0xf: {  	s22 =	simm.s32 $0x10680;
	s7 =	sadd.s32 s1, s24;
	s11 =	sshrl.u32 s25, $0x3  }
0x10: {  	s10 =	sadd.s32 s0, s10;
	s26 =	smax.u32 s2, $0x1;
	s2 =	simm.s32 $0x640  }
0x11: {  	s24 =	simm.s32 $0x11F80;
	s8 =	sadd.s32 s4, s8;
	[dreg:$0x6] =	wrdreg s7  }
0x12: {  	s7 =	sshll.u32 s25, $0x1;
	[dreg:$0x7] =	wrdreg s10;
	s1 =	sadd.s32 s1, s11  }
0x13: {  	[dreg:$0xa] =	wrdreg s26;
	s25 =	simm.s32 $0x960;
	s26 =	simm.s32 $0x13880  }
0x14: {  	s10 =	simm.s32 $0x1;
	s11 =	simm.s32 $0x19C80;
	[dreg:$0x5] =	wrdreg s8  }
0x15: {  	s8 =	sadd.s32 s9, s23;
	s9 =	sor.u32 $0x10, s6;
	[dreg:$0x8] =	wrdreg s1  }
0x16: {  	s0 =	sadd.s32 s0, s7;
	s23 =	simm.s32 $0x898;
	s7 =	simm.s32 $0x18380  }
0x17: {  	s6 =	simm.s32 $0x0;
	[dreg:$0x9] =	wrdreg s0;
	s0 =	simm.s32 $0xBB8  }
.LBB2_1:
0x18: {  	[dreg:$0xb] =	wrdreg s6  }
0x19: {  	s1 =	rddreg [dreg:$0x5]  }
0x1a: {  	[tilespmem:s3], [sflag:$0x4] =	stream.linear.gather [hbm4b:s1+s3], $0x640, $0x38;
	[tilespmem:$0x1AE80] =	vst v63  }
0x1b: {  	_ =	swait.ge [sflag:s16], $0x640  }
0x1c: {  	[sflag:s16] =	ssyncset.done $0x0  }
0x1d: {  	s14 =	simm.s32 $0xC80;
	[sflag:s16] =	ssyncadd.s32 $0xFFFFF9C0  }
0x1e: {  	[tilespmem:s14], [sflag:$0x1] =	stream.indirect.gather [hbm4b:s5+s17], $0x20, s3, s17, $0xb8;
	[tilespmem:$0x1AE80] =	vst v63  }
0x1f: {  	s18 =	simm.s32 $0x2580  }
0x20: {  	[tilespmem:s18], [sflag:$0x1] =	stream.indirect.gather [hbm4b:s5+s17], $0x20, s17, s17, $0xb8;
	[tilespmem:$0x1AE80] =	vst v63  }
0x21: {  	s6 =	simm.s32 $0x190;
	s13 =	simm.s32 $0x3E80  }
0x22: {  	[tilespmem:s13], [sflag:$0x1] =	stream.indirect.gather [hbm4b:s5+s17], $0x20, s6, s17, $0xb8;
	[tilespmem:$0x1AE80] =	vst v63  }
0x23: {  	s14 =	simm.s32 $0x258;
	s18 =	simm.s32 $0x5780  }
0x24: {  	[tilespmem:s18], [sflag:$0x1] =	stream.indirect.gather [hbm4b:s5+s17], $0x20, s14, s17, $0xb8;
	[tilespmem:$0x1AE80] =	vst v63  }
0x25: {  	s6 =	simm.s32 $0x320;
	s13 =	simm.s32 $0x7080  }
0x26: {  	[tilespmem:s13], [sflag:$0x1] =	stream.indirect.gather [hbm4b:s5+s17], $0x20, s6, s17, $0xb8;
	[tilespmem:$0x1AE80] =	vst v63  }
0x27: {  	s14 =	simm.s32 $0x3E8;
	s18 =	simm.s32 $0x8980  }
0x28: {  	[tilespmem:s18], [sflag:$0x1] =	stream.indirect.gather [hbm4b:s5+s17], $0x20, s14, s17, $0xb8;
	[tilespmem:$0x1AE80] =	vst v63  }
0x29: {  	s6 =	simm.s32 $0x4B0;
	s13 =	simm.s32 $0xA280  }
0x2a: {  	[tilespmem:s13], [sflag:$0x1] =	stream.indirect.gather [hbm4b:s5+s17], $0x20, s6, s17, $0xb8;
	[tilespmem:$0x1AE80] =	vst v63  }
0x2b: {  	s14 =	simm.s32 $0x578;
	s18 =	simm.s32 $0xBB80  }
0x2c: {  	[tilespmem:s18], [sflag:$0x1] =	stream.indirect.gather [hbm4b:s5+s17], $0x20, s14, s17, $0xb8;
	[tilespmem:$0x1AE80] =	vst v63  }
0x2d: {  	s14 =	simm.s32 $0x0  }
.LBB2_2:
0x2e: {  	s13 =	sshll.u32 s14, $0x4  }
0x2f: {  	s6 =	sor.u32 s15, s13  }
0x30: {  	s1 =	smul.u32 $0x19, s6;
	_ =	sdelay $0x1  }
0x31: {  	s18 =	simm.s32 $0x0;
	s1 =	sadd.s32 s4, s1  }
0x32: {  	[tilespmem:s2], [sflag:$0x4] =	stream.linear.gather [hbm4b:s1+s18], $0x640, $0x38;
	[tilespmem:$0x1AE80] =	vst v63  }
0x33: {  	_ =	swait.ge [sflag:s16], $0x640  }
0x34: {  	[sflag:s16] =	ssyncset.done $0x0  }
0x35: {  	s18 =	simm.s32 $0xD480;
	[sflag:s16] =	ssyncadd.s32 $0xFFFFF9C0  }
0x36: {  	[tilespmem:s18], [sflag:$0x2] =	stream.indirect.gather [hbm4b:s5+s17], $0x20, s2, s17, $0xb8;
	[tilespmem:$0x1AE80] =	vst v63  }
0x37: {  	_ = 	snop  }
0x38: {  	[tilespmem:s20], [sflag:$0x2] =	stream.indirect.gather [hbm4b:s5+s17], $0x20, s19, s17, $0xb8;
	[tilespmem:$0x1AE80] =	vst v63  }
0x39: {  	_ = 	snop  }
0x3a: {  	[tilespmem:s22], [sflag:$0x2] =	stream.indirect.gather [hbm4b:s5+s17], $0x20, s21, s17, $0xb8;
	[tilespmem:$0x1AE80] =	vst v63  }
0x3b: {  	_ = 	snop  }
0x3c: {  	[tilespmem:s24], [sflag:$0x2] =	stream.indirect.gather [hbm4b:s5+s17], $0x20, s23, s17, $0xb8;
	[tilespmem:$0x1AE80] =	vst v63  }
0x3d: {  	_ = 	snop  }
0x3e: {  	[tilespmem:s26], [sflag:$0x2] =	stream.indirect.gather [hbm4b:s5+s17], $0x20, s25, s17, $0xb8;
	[tilespmem:$0x1AE80] =	vst v63  }
0x3f: {  	_ = 	snop  }
0x40: {  	[tilespmem:s29], [sflag:$0x2] =	stream.indirect.gather [hbm4b:s5+s17], $0x20, s28, s17, $0xb8;
	[tilespmem:$0x1AE80] =	vst v63  }
0x41: {  	_ = 	snop  }
0x42: {  	[tilespmem:s31], [sflag:$0x2] =	stream.indirect.gather [hbm4b:s5+s17], $0x20, s30, s17, $0xb8;
	[tilespmem:$0x1AE80] =	vst v63  }
0x43: {  	_ = 	snop  }
0x44: {  	[tilespmem:s7], [sflag:$0x2] =	stream.indirect.gather [hbm4b:s5+s17], $0x20, s0, s17, $0xb8;
	[tilespmem:$0x1AE80] =	vst v63  }
0x45: {  	_ =	swait.ge [sflag:s10], $0xC800  }
0x46: {  	[sflag:s10] =	ssyncset.done $0x0  }
0x47: {  	s18 =	simm.s32 $0x0;
	[sflag:s10] =	ssyncadd.s32 $0xFFFF3800  }
0x48: {  	v0 =	vld [tilespmem:s18+$0xC80]  }
0x49: {  	v1 =	vld [tilespmem:s18+$0xC90]  }
0x4a: {  	v2 =	vld [tilespmem:s18+$0xCA0]  }
0x4b: {  	v3 =	vld [tilespmem:s18+$0xCB0]  }
0x4c: {  	v4 =	vld [tilespmem:s18+$0xCC0]  }
0x4d: {  	v5 =	vimm.f32 $0.0e+00;
	v6 =	vld [tilespmem:s18+$0xCD0]  }
0x4e: {  	v7 =	vld [tilespmem:s18+$0xCF0];
	v0 =	vadd.f32 v0, v5;
	v1 =	vadd.f32 v1, v5  }
0x4f: {  	v5 =	vld [tilespmem:s18+$0xCE0]  }
0x50: {  	v8 =	vld [tilespmem:s18+$0xD10];
	v0 =	vadd.f32 v2, v0;
	v1 =	vadd.f32 v3, v1  }
0x51: {  	v3 =	vld [tilespmem:s18+$0xD00]  }
0x52: {  	v9 =	vld [tilespmem:s18+$0xD30];
	v0 =	vadd.f32 v4, v0;
	v1 =	vadd.f32 v6, v1  }
0x53: {  	v6 =	vld [tilespmem:s18+$0xD20]  }
0x54: {  	v2 =	vld [tilespmem:s18+$0xD50];
	v0 =	vadd.f32 v5, v0;
	v4 =	vadd.f32 v7, v1  }
0x55: {  	v1 =	vld [tilespmem:s18+$0xD40]  }
0x56: {  	v5 =	vadd.f32 v3, v0;
	v7 =	vadd.f32 v8, v4;
	v3 =	vld [tilespmem:s18+$0xD60]  }
0x57: {  	s1 =	simm.s32 $0x100;
	v4 =	vld [tilespmem:s18+$0xD70]  }
0x58: {  	v0 =	vld [tilespmem:s1+$0xC80];
	s18 =	simm.s32 $0x800;
	v6 =	vadd.f32 v6, v5;
	v5 =	vadd.f32 v9, v7  }
.LBB2_3:
0x59: {  	p0 =	sne.s32 s18, $0x6000;
	v7 =	vld [tilespmem:s1+$0xC90]  }
0x5a: {  	v8 =	vld [tilespmem:s1+$0xCA0];
	v1 =	vadd.f32 v1, v6;
	v2 =	vadd.f32 v2, v5  }
0x5b: {  	v5 =	vld [tilespmem:s1+$0xCB0]  }
0x5c: {  	v6 =	vld [tilespmem:s1+$0xCC0];
	v1 =	vadd.f32 v3, v1;
	v2 =	vadd.f32 v4, v2  }
0x5d: {  	v3 =	vld [tilespmem:s1+$0xCD0]  }
0x5e: {  	v0 =	vadd.f32 v0, v1;
	v1 =	vadd.f32 v7, v2;
	v2 =	vld [tilespmem:s1+$0xCE0]  }
0x5f: {  	v4 =	vld [tilespmem:s1+$0xCF0]  }
0x60: {  	v0 =	vadd.f32 v8, v0;
	v1 =	vadd.f32 v5, v1;
	v5 =	vld [tilespmem:s1+$0xD00]  }
0x61: {  	v7 =	vld [tilespmem:s1+$0xD10]  }
0x62: {  	v0 =	vadd.f32 v6, v0;
	v1 =	vadd.f32 v3, v1;
	v6 =	vld [tilespmem:s1+$0xD20]  }
0x63: {  	v8 =	vld [tilespmem:s1+$0xD30]  }
.Ltmp0:
0x64: {  	v0 =	vadd.f32 v2, v0;
	v3 =	vadd.f32 v4, v1;
	v1 =	vld [tilespmem:s1+$0xD40];
	(pc) =	sbr.rel @p0 .LBB2_3-.Ltmp0, $4  }
0x65: {  	v2 =	vld [tilespmem:s1+$0xD50]  }
0x66: {  	v5 =	vadd.f32 v5, v0;
	v7 =	vadd.f32 v7, v3;
	v3 =	vld [tilespmem:s1+$0xD60]  }
0x67: {  	v4 =	vld [tilespmem:s1+$0xD70];
	s1 =	sshra.s32 s18, $0x2  }
0x68: {  	s18 =	sadd.s32 $0x400, s18;
	v0 =	vld [tilespmem:s1+$0xC80];
	v6 =	vadd.f32 v6, v5;
	v5 =	vadd.f32 v8, v7  }
0x69: {  	_ = 	snop  }
0x6a: {  	v7 =	vld [tilespmem:s1+$0xC90];
	v1 =	vadd.f32 v1, v6  }
0x6b: {  	v6 =	vld [tilespmem:s1+$0xCA0];
	v2 =	vadd.f32 v2, v5  }
0x6c: {  	v5 =	vld [tilespmem:s1+$0xCB0];
	v1 =	vadd.f32 v3, v1  }
0x6d: {  	v3 =	vld [tilespmem:s1+$0xCC0];
	v2 =	vadd.f32 v4, v2  }
0x6e: {  	v4 =	vld [tilespmem:s1+$0xCD0];
	v0 =	vadd.f32 v0, v1  }
0x6f: {  	v1 =	vadd.f32 v7, v2;
	v2 =	vld [tilespmem:s1+$0xCE0]  }
0x70: {  	v7 =	vld [tilespmem:s1+$0xCF0];
	v0 =	vadd.f32 v6, v0  }
0x71: {  	v1 =	vadd.f32 v5, v1;
	v5 =	vld [tilespmem:s1+$0xD00]  }
0x72: {  	v6 =	vld [tilespmem:s1+$0xD10];
	v0 =	vadd.f32 v3, v0  }
0x73: {  	v1 =	vadd.f32 v4, v1;
	v3 =	vld [tilespmem:s1+$0xD20]  }
0x74: {  	v4 =	vld [tilespmem:s1+$0xD30];
	v0 =	vadd.f32 v2, v0  }
0x75: {  	v1 =	vadd.f32 v7, v1;
	v2 =	vld [tilespmem:s1+$0xD40]  }
0x76: {  	v7 =	vld [tilespmem:s1+$0xD50];
	v0 =	vadd.f32 v5, v0  }
0x77: {  	v1 =	vadd.f32 v6, v1;
	v5 =	vld [tilespmem:s1+$0xD60]  }
0x78: {  	v6 =	vld [tilespmem:s1+$0xD70];
	v0 =	vadd.f32 v3, v0  }
0x79: {  	v1 =	vadd.f32 v4, v1  }
0x7a: {  	v0 =	vadd.f32 v2, v0  }
0x7b: {  	v1 =	vadd.f32 v7, v1  }
0x7c: {  	v0 =	vadd.f32 v5, v0  }
0x7d: {  	v1 =	vadd.f32 v6, v1  }
0x7e: {  	[tilespmem:$0x19C80] =	vst v0  }
0x7f: {  	s18 =	simm.s32 $0x0;
	[tilespmem:$0x19C90] =	vst v1  }
0x80: {  	v0 =	vld [tilespmem:s18+$0x2580]  }
0x81: {  	v1 =	vld [tilespmem:s18+$0x2590]  }
0x82: {  	v2 =	vld [tilespmem:s18+$0x25A0]  }
0x83: {  	v3 =	vld [tilespmem:s18+$0x25B0]  }
0x84: {  	v4 =	vld [tilespmem:s18+$0x25C0]  }
0x85: {  	v5 =	vimm.f32 $0.0e+00;
	v6 =	vld [tilespmem:s18+$0x25D0]  }
0x86: {  	v7 =	vld [tilespmem:s18+$0x25F0];
	v0 =	vadd.f32 v0, v5;
	v1 =	vadd.f32 v1, v5  }
0x87: {  	v5 =	vld [tilespmem:s18+$0x25E0]  }
0x88: {  	v8 =	vld [tilespmem:s18+$0x2610];
	v0 =	vadd.f32 v2, v0;
	v1 =	vadd.f32 v3, v1  }
0x89: {  	v3 =	vld [tilespmem:s18+$0x2600]  }
0x8a: {  	v9 =	vld [tilespmem:s18+$0x2630];
	v0 =	vadd.f32 v4, v0;
	v1 =	vadd.f32 v6, v1  }
0x8b: {  	v6 =	vld [tilespmem:s18+$0x2620]  }
0x8c: {  	v2 =	vld [tilespmem:s18+$0x2650];
	v0 =	vadd.f32 v5, v0;
	v4 =	vadd.f32 v7, v1  }
0x8d: {  	v1 =	vld [tilespmem:s18+$0x2640]  }
0x8e: {  	v5 =	vadd.f32 v3, v0;
	v7 =	vadd.f32 v8, v4;
	v3 =	vld [tilespmem:s18+$0x2660]  }
0x8f: {  	s1 =	simm.s32 $0x100;
	v4 =	vld [tilespmem:s18+$0x2670]  }
0x90: {  	v0 =	vld [tilespmem:s1+$0x2580];
	s18 =	simm.s32 $0x800;
	v6 =	vadd.f32 v6, v5;
	v5 =	vadd.f32 v9, v7  }
.LBB2_5:
0x91: {  	p0 =	sne.s32 s18, $0x6000;
	v7 =	vld [tilespmem:s1+$0x2590]  }
0x92: {  	v8 =	vld [tilespmem:s1+$0x25A0];
	v1 =	vadd.f32 v1, v6;
	v2 =	vadd.f32 v2, v5  }
0x93: {  	v5 =	vld [tilespmem:s1+$0x25B0]  }
0x94: {  	v6 =	vld [tilespmem:s1+$0x25C0];
	v1 =	vadd.f32 v3, v1;
	v2 =	vadd.f32 v4, v2  }
0x95: {  	v3 =	vld [tilespmem:s1+$0x25D0]  }
0x96: {  	v0 =	vadd.f32 v0, v1;
	v1 =	vadd.f32 v7, v2;
	v2 =	vld [tilespmem:s1+$0x25E0]  }
0x97: {  	v4 =	vld [tilespmem:s1+$0x25F0]  }
0x98: {  	v0 =	vadd.f32 v8, v0;
	v1 =	vadd.f32 v5, v1;
	v5 =	vld [tilespmem:s1+$0x2600]  }
0x99: {  	v7 =	vld [tilespmem:s1+$0x2610]  }
0x9a: {  	v0 =	vadd.f32 v6, v0;
	v1 =	vadd.f32 v3, v1;
	v6 =	vld [tilespmem:s1+$0x2620]  }
0x9b: {  	v8 =	vld [tilespmem:s1+$0x2630]  }
.Ltmp1:
0x9c: {  	v0 =	vadd.f32 v2, v0;
	v3 =	vadd.f32 v4, v1;
	v1 =	vld [tilespmem:s1+$0x2640];
	(pc) =	sbr.rel @p0 .LBB2_5-.Ltmp1, $4  }
0x9d: {  	v2 =	vld [tilespmem:s1+$0x2650]  }
0x9e: {  	v5 =	vadd.f32 v5, v0;
	v7 =	vadd.f32 v7, v3;
	v3 =	vld [tilespmem:s1+$0x2660]  }
0x9f: {  	v4 =	vld [tilespmem:s1+$0x2670];
	s1 =	sshra.s32 s18, $0x2  }
0xa0: {  	s18 =	sadd.s32 $0x400, s18;
	v0 =	vld [tilespmem:s1+$0x2580];
	v6 =	vadd.f32 v6, v5;
	v5 =	vadd.f32 v8, v7  }
0xa1: {  	_ = 	snop  }
0xa2: {  	v7 =	vld [tilespmem:s1+$0x2590];
	v1 =	vadd.f32 v1, v6  }
0xa3: {  	v6 =	vld [tilespmem:s1+$0x25A0];
	v2 =	vadd.f32 v2, v5  }
0xa4: {  	v5 =	vld [tilespmem:s1+$0x25B0];
	v1 =	vadd.f32 v3, v1  }
0xa5: {  	v3 =	vld [tilespmem:s1+$0x25C0];
	v2 =	vadd.f32 v4, v2  }
0xa6: {  	v4 =	vld [tilespmem:s1+$0x25D0];
	v0 =	vadd.f32 v0, v1  }
0xa7: {  	v1 =	vadd.f32 v7, v2;
	v2 =	vld [tilespmem:s1+$0x25E0]  }
0xa8: {  	v7 =	vld [tilespmem:s1+$0x25F0];
	v0 =	vadd.f32 v6, v0  }
0xa9: {  	v1 =	vadd.f32 v5, v1;
	v5 =	vld [tilespmem:s1+$0x2600]  }
0xaa: {  	v6 =	vld [tilespmem:s1+$0x2610];
	v0 =	vadd.f32 v3, v0  }
0xab: {  	v1 =	vadd.f32 v4, v1;
	v3 =	vld [tilespmem:s1+$0x2620]  }
0xac: {  	v4 =	vld [tilespmem:s1+$0x2630];
	v0 =	vadd.f32 v2, v0  }
0xad: {  	v1 =	vadd.f32 v7, v1;
	v2 =	vld [tilespmem:s1+$0x2640]  }
0xae: {  	v7 =	vld [tilespmem:s1+$0x2650];
	v0 =	vadd.f32 v5, v0  }
0xaf: {  	v1 =	vadd.f32 v6, v1;
	v5 =	vld [tilespmem:s1+$0x2660]  }
0xb0: {  	v6 =	vld [tilespmem:s1+$0x2670];
	v0 =	vadd.f32 v3, v0  }
0xb1: {  	v1 =	vadd.f32 v4, v1  }
0xb2: {  	v0 =	vadd.f32 v2, v0  }
0xb3: {  	v1 =	vadd.f32 v7, v1  }
0xb4: {  	v0 =	vadd.f32 v5, v0  }
0xb5: {  	v1 =	vadd.f32 v6, v1  }
0xb6: {  	[tilespmem:$0x19CA0] =	vst v0  }
0xb7: {  	s18 =	simm.s32 $0x0;
	[tilespmem:$0x19CB0] =	vst v1  }
0xb8: {  	v0 =	vld [tilespmem:s18+$0x3E80]  }
0xb9: {  	v1 =	vld [tilespmem:s18+$0x3E90]  }
0xba: {  	v2 =	vld [tilespmem:s18+$0x3EA0]  }
0xbb: {  	v3 =	vld [tilespmem:s18+$0x3EB0]  }
0xbc: {  	v4 =	vld [tilespmem:s18+$0x3EC0]  }
0xbd: {  	v5 =	vimm.f32 $0.0e+00;
	v6 =	vld [tilespmem:s18+$0x3ED0]  }
0xbe: {  	v7 =	vld [tilespmem:s18+$0x3EF0];
	v0 =	vadd.f32 v0, v5;
	v1 =	vadd.f32 v1, v5  }
0xbf: {  	v5 =	vld [tilespmem:s18+$0x3EE0]  }
0xc0: {  	v8 =	vld [tilespmem:s18+$0x3F10];
	v0 =	vadd.f32 v2, v0;
	v1 =	vadd.f32 v3, v1  }
0xc1: {  	v3 =	vld [tilespmem:s18+$0x3F00]  }
0xc2: {  	v9 =	vld [tilespmem:s18+$0x3F30];
	v0 =	vadd.f32 v4, v0;
	v1 =	vadd.f32 v6, v1  }
0xc3: {  	v6 =	vld [tilespmem:s18+$0x3F20]  }
0xc4: {  	v2 =	vld [tilespmem:s18+$0x3F50];
	v0 =	vadd.f32 v5, v0;
	v4 =	vadd.f32 v7, v1  }
0xc5: {  	v1 =	vld [tilespmem:s18+$0x3F40]  }
0xc6: {  	v5 =	vadd.f32 v3, v0;
	v7 =	vadd.f32 v8, v4;
	v3 =	vld [tilespmem:s18+$0x3F60]  }
0xc7: {  	s1 =	simm.s32 $0x100;
	v4 =	vld [tilespmem:s18+$0x3F70]  }
0xc8: {  	v0 =	vld [tilespmem:s1+$0x3E80];
	s18 =	simm.s32 $0x800;
	v6 =	vadd.f32 v6, v5;
	v5 =	vadd.f32 v9, v7  }
.LBB2_7:
0xc9: {  	p0 =	sne.s32 s18, $0x6000;
	v7 =	vld [tilespmem:s1+$0x3E90]  }
0xca: {  	v8 =	vld [tilespmem:s1+$0x3EA0];
	v1 =	vadd.f32 v1, v6;
	v2 =	vadd.f32 v2, v5  }
0xcb: {  	v5 =	vld [tilespmem:s1+$0x3EB0]  }
0xcc: {  	v6 =	vld [tilespmem:s1+$0x3EC0];
	v1 =	vadd.f32 v3, v1;
	v2 =	vadd.f32 v4, v2  }
0xcd: {  	v3 =	vld [tilespmem:s1+$0x3ED0]  }
0xce: {  	v0 =	vadd.f32 v0, v1;
	v1 =	vadd.f32 v7, v2;
	v2 =	vld [tilespmem:s1+$0x3EE0]  }
0xcf: {  	v4 =	vld [tilespmem:s1+$0x3EF0]  }
0xd0: {  	v0 =	vadd.f32 v8, v0;
	v1 =	vadd.f32 v5, v1;
	v5 =	vld [tilespmem:s1+$0x3F00]  }
0xd1: {  	v7 =	vld [tilespmem:s1+$0x3F10]  }
0xd2: {  	v0 =	vadd.f32 v6, v0;
	v1 =	vadd.f32 v3, v1;
	v6 =	vld [tilespmem:s1+$0x3F20]  }
0xd3: {  	v8 =	vld [tilespmem:s1+$0x3F30]  }
.Ltmp2:
0xd4: {  	v0 =	vadd.f32 v2, v0;
	v3 =	vadd.f32 v4, v1;
	v1 =	vld [tilespmem:s1+$0x3F40];
	(pc) =	sbr.rel @p0 .LBB2_7-.Ltmp2, $4  }
0xd5: {  	v2 =	vld [tilespmem:s1+$0x3F50]  }
0xd6: {  	v5 =	vadd.f32 v5, v0;
	v7 =	vadd.f32 v7, v3;
	v3 =	vld [tilespmem:s1+$0x3F60]  }
0xd7: {  	v4 =	vld [tilespmem:s1+$0x3F70];
	s1 =	sshra.s32 s18, $0x2  }
0xd8: {  	s18 =	sadd.s32 $0x400, s18;
	v0 =	vld [tilespmem:s1+$0x3E80];
	v6 =	vadd.f32 v6, v5;
	v5 =	vadd.f32 v8, v7  }
0xd9: {  	_ = 	snop  }
0xda: {  	v7 =	vld [tilespmem:s1+$0x3E90];
	v1 =	vadd.f32 v1, v6  }
0xdb: {  	v6 =	vld [tilespmem:s1+$0x3EA0];
	v2 =	vadd.f32 v2, v5  }
0xdc: {  	v5 =	vld [tilespmem:s1+$0x3EB0];
	v1 =	vadd.f32 v3, v1  }
0xdd: {  	v3 =	vld [tilespmem:s1+$0x3EC0];
	v2 =	vadd.f32 v4, v2  }
0xde: {  	v4 =	vld [tilespmem:s1+$0x3ED0];
	v0 =	vadd.f32 v0, v1  }
0xdf: {  	v1 =	vadd.f32 v7, v2;
	v2 =	vld [tilespmem:s1+$0x3EE0]  }
0xe0: {  	v7 =	vld [tilespmem:s1+$0x3EF0];
	v0 =	vadd.f32 v6, v0  }
0xe1: {  	v1 =	vadd.f32 v5, v1;
	v5 =	vld [tilespmem:s1+$0x3F00]  }
0xe2: {  	v6 =	vld [tilespmem:s1+$0x3F10];
	v0 =	vadd.f32 v3, v0  }
0xe3: {  	v1 =	vadd.f32 v4, v1;
	v3 =	vld [tilespmem:s1+$0x3F20]  }
0xe4: {  	v4 =	vld [tilespmem:s1+$0x3F30];
	v0 =	vadd.f32 v2, v0  }
0xe5: {  	v1 =	vadd.f32 v7, v1;
	v2 =	vld [tilespmem:s1+$0x3F40]  }
0xe6: {  	v7 =	vld [tilespmem:s1+$0x3F50];
	v0 =	vadd.f32 v5, v0  }
0xe7: {  	v1 =	vadd.f32 v6, v1;
	v5 =	vld [tilespmem:s1+$0x3F60]  }
0xe8: {  	v6 =	vld [tilespmem:s1+$0x3F70];
	v0 =	vadd.f32 v3, v0  }
0xe9: {  	v1 =	vadd.f32 v4, v1  }
0xea: {  	v0 =	vadd.f32 v2, v0  }
0xeb: {  	v1 =	vadd.f32 v7, v1  }
0xec: {  	v0 =	vadd.f32 v5, v0  }
0xed: {  	v1 =	vadd.f32 v6, v1  }
0xee: {  	[tilespmem:$0x19CC0] =	vst v0  }
0xef: {  	s18 =	simm.s32 $0x0;
	[tilespmem:$0x19CD0] =	vst v1  }
0xf0: {  	v0 =	vld [tilespmem:s18+$0x5780]  }
0xf1: {  	v1 =	vld [tilespmem:s18+$0x5790]  }
0xf2: {  	v2 =	vld [tilespmem:s18+$0x57A0]  }
0xf3: {  	v3 =	vld [tilespmem:s18+$0x57B0]  }
0xf4: {  	v4 =	vld [tilespmem:s18+$0x57C0]  }
0xf5: {  	v5 =	vimm.f32 $0.0e+00;
	v6 =	vld [tilespmem:s18+$0x57D0]  }
0xf6: {  	v7 =	vld [tilespmem:s18+$0x57F0];
	v0 =	vadd.f32 v0, v5;
	v1 =	vadd.f32 v1, v5  }
0xf7: {  	v5 =	vld [tilespmem:s18+$0x57E0]  }
0xf8: {  	v8 =	vld [tilespmem:s18+$0x5810];
	v0 =	vadd.f32 v2, v0;
	v1 =	vadd.f32 v3, v1  }
0xf9: {  	v3 =	vld [tilespmem:s18+$0x5800]  }
0xfa: {  	v9 =	vld [tilespmem:s18+$0x5830];
	v0 =	vadd.f32 v4, v0;
	v1 =	vadd.f32 v6, v1  }
0xfb: {  	v6 =	vld [tilespmem:s18+$0x5820]  }
0xfc: {  	v2 =	vld [tilespmem:s18+$0x5850];
	v0 =	vadd.f32 v5, v0;
	v4 =	vadd.f32 v7, v1  }
0xfd: {  	v1 =	vld [tilespmem:s18+$0x5840]  }
0xfe: {  	v5 =	vadd.f32 v3, v0;
	v7 =	vadd.f32 v8, v4;
	v3 =	vld [tilespmem:s18+$0x5860]  }
0xff: {  	s1 =	simm.s32 $0x100;
	v4 =	vld [tilespmem:s18+$0x5870]  }
0x100: {  	v0 =	vld [tilespmem:s1+$0x5780];
	s18 =	simm.s32 $0x800;
	v6 =	vadd.f32 v6, v5;
	v5 =	vadd.f32 v9, v7  }
.LBB2_9:
0x101: {  	p0 =	sne.s32 s18, $0x6000;
	v7 =	vld [tilespmem:s1+$0x5790]  }
0x102: {  	v8 =	vld [tilespmem:s1+$0x57A0];
	v1 =	vadd.f32 v1, v6;
	v2 =	vadd.f32 v2, v5  }
0x103: {  	v5 =	vld [tilespmem:s1+$0x57B0]  }
0x104: {  	v6 =	vld [tilespmem:s1+$0x57C0];
	v1 =	vadd.f32 v3, v1;
	v2 =	vadd.f32 v4, v2  }
0x105: {  	v3 =	vld [tilespmem:s1+$0x57D0]  }
0x106: {  	v0 =	vadd.f32 v0, v1;
	v1 =	vadd.f32 v7, v2;
	v2 =	vld [tilespmem:s1+$0x57E0]  }
0x107: {  	v4 =	vld [tilespmem:s1+$0x57F0]  }
0x108: {  	v0 =	vadd.f32 v8, v0;
	v1 =	vadd.f32 v5, v1;
	v5 =	vld [tilespmem:s1+$0x5800]  }
0x109: {  	v7 =	vld [tilespmem:s1+$0x5810]  }
0x10a: {  	v0 =	vadd.f32 v6, v0;
	v1 =	vadd.f32 v3, v1;
	v6 =	vld [tilespmem:s1+$0x5820]  }
0x10b: {  	v8 =	vld [tilespmem:s1+$0x5830]  }
.Ltmp3:
0x10c: {  	v0 =	vadd.f32 v2, v0;
	v3 =	vadd.f32 v4, v1;
	v1 =	vld [tilespmem:s1+$0x5840];
	(pc) =	sbr.rel @p0 .LBB2_9-.Ltmp3, $4  }
0x10d: {  	v2 =	vld [tilespmem:s1+$0x5850]  }
0x10e: {  	v5 =	vadd.f32 v5, v0;
	v7 =	vadd.f32 v7, v3;
	v3 =	vld [tilespmem:s1+$0x5860]  }
0x10f: {  	v4 =	vld [tilespmem:s1+$0x5870];
	s1 =	sshra.s32 s18, $0x2  }
0x110: {  	s18 =	sadd.s32 $0x400, s18;
	v0 =	vld [tilespmem:s1+$0x5780];
	v6 =	vadd.f32 v6, v5;
	v5 =	vadd.f32 v8, v7  }
0x111: {  	_ = 	snop  }
0x112: {  	v7 =	vld [tilespmem:s1+$0x5790];
	v1 =	vadd.f32 v1, v6  }
0x113: {  	v6 =	vld [tilespmem:s1+$0x57A0];
	v2 =	vadd.f32 v2, v5  }
0x114: {  	v5 =	vld [tilespmem:s1+$0x57B0];
	v1 =	vadd.f32 v3, v1  }
0x115: {  	v3 =	vld [tilespmem:s1+$0x57C0];
	v2 =	vadd.f32 v4, v2  }
0x116: {  	v4 =	vld [tilespmem:s1+$0x57D0];
	v0 =	vadd.f32 v0, v1  }
0x117: {  	v1 =	vadd.f32 v7, v2;
	v2 =	vld [tilespmem:s1+$0x57E0]  }
0x118: {  	v7 =	vld [tilespmem:s1+$0x57F0];
	v0 =	vadd.f32 v6, v0  }
0x119: {  	v1 =	vadd.f32 v5, v1;
	v5 =	vld [tilespmem:s1+$0x5800]  }
0x11a: {  	v6 =	vld [tilespmem:s1+$0x5810];
	v0 =	vadd.f32 v3, v0  }
0x11b: {  	v1 =	vadd.f32 v4, v1;
	v3 =	vld [tilespmem:s1+$0x5820]  }
0x11c: {  	v4 =	vld [tilespmem:s1+$0x5830];
	v0 =	vadd.f32 v2, v0  }
0x11d: {  	v1 =	vadd.f32 v7, v1;
	v2 =	vld [tilespmem:s1+$0x5840]  }
0x11e: {  	v7 =	vld [tilespmem:s1+$0x5850];
	v0 =	vadd.f32 v5, v0  }
0x11f: {  	v1 =	vadd.f32 v6, v1;
	v5 =	vld [tilespmem:s1+$0x5860]  }
0x120: {  	v6 =	vld [tilespmem:s1+$0x5870];
	v0 =	vadd.f32 v3, v0  }
0x121: {  	v1 =	vadd.f32 v4, v1  }
0x122: {  	v0 =	vadd.f32 v2, v0  }
0x123: {  	v1 =	vadd.f32 v7, v1  }
0x124: {  	v0 =	vadd.f32 v5, v0  }
0x125: {  	v1 =	vadd.f32 v6, v1  }
0x126: {  	[tilespmem:$0x19CE0] =	vst v0  }
0x127: {  	s18 =	simm.s32 $0x0;
	[tilespmem:$0x19CF0] =	vst v1  }
0x128: {  	v0 =	vld [tilespmem:s18+$0x7080]  }
0x129: {  	v1 =	vld [tilespmem:s18+$0x7090]  }
0x12a: {  	v2 =	vld [tilespmem:s18+$0x70A0]  }
0x12b: {  	v3 =	vld [tilespmem:s18+$0x70B0]  }
0x12c: {  	v4 =	vld [tilespmem:s18+$0x70C0]  }
0x12d: {  	v5 =	vimm.f32 $0.0e+00;
	v6 =	vld [tilespmem:s18+$0x70D0]  }
0x12e: {  	v7 =	vld [tilespmem:s18+$0x70F0];
	v0 =	vadd.f32 v0, v5;
	v1 =	vadd.f32 v1, v5  }
0x12f: {  	v5 =	vld [tilespmem:s18+$0x70E0]  }
0x130: {  	v8 =	vld [tilespmem:s18+$0x7110];
	v0 =	vadd.f32 v2, v0;
	v1 =	vadd.f32 v3, v1  }
0x131: {  	v3 =	vld [tilespmem:s18+$0x7100]  }
0x132: {  	v9 =	vld [tilespmem:s18+$0x7130];
	v0 =	vadd.f32 v4, v0;
	v1 =	vadd.f32 v6, v1  }
0x133: {  	v6 =	vld [tilespmem:s18+$0x7120]  }
0x134: {  	v2 =	vld [tilespmem:s18+$0x7150];
	v0 =	vadd.f32 v5, v0;
	v4 =	vadd.f32 v7, v1  }
0x135: {  	v1 =	vld [tilespmem:s18+$0x7140]  }
0x136: {  	v5 =	vadd.f32 v3, v0;
	v7 =	vadd.f32 v8, v4;
	v3 =	vld [tilespmem:s18+$0x7160]  }
0x137: {  	s1 =	simm.s32 $0x100;
	v4 =	vld [tilespmem:s18+$0x7170]  }
0x138: {  	v0 =	vld [tilespmem:s1+$0x7080];
	s18 =	simm.s32 $0x800;
	v6 =	vadd.f32 v6, v5;
	v5 =	vadd.f32 v9, v7  }
.LBB2_11:
0x139: {  	p0 =	sne.s32 s18, $0x6000;
	v7 =	vld [tilespmem:s1+$0x7090]  }
0x13a: {  	v8 =	vld [tilespmem:s1+$0x70A0];
	v1 =	vadd.f32 v1, v6;
	v2 =	vadd.f32 v2, v5  }
0x13b: {  	v5 =	vld [tilespmem:s1+$0x70B0]  }
0x13c: {  	v6 =	vld [tilespmem:s1+$0x70C0];
	v1 =	vadd.f32 v3, v1;
	v2 =	vadd.f32 v4, v2  }
0x13d: {  	v3 =	vld [tilespmem:s1+$0x70D0]  }
0x13e: {  	v0 =	vadd.f32 v0, v1;
	v1 =	vadd.f32 v7, v2;
	v2 =	vld [tilespmem:s1+$0x70E0]  }
0x13f: {  	v4 =	vld [tilespmem:s1+$0x70F0]  }
0x140: {  	v0 =	vadd.f32 v8, v0;
	v1 =	vadd.f32 v5, v1;
	v5 =	vld [tilespmem:s1+$0x7100]  }
0x141: {  	v7 =	vld [tilespmem:s1+$0x7110]  }
0x142: {  	v0 =	vadd.f32 v6, v0;
	v1 =	vadd.f32 v3, v1;
	v6 =	vld [tilespmem:s1+$0x7120]  }
0x143: {  	v8 =	vld [tilespmem:s1+$0x7130]  }
.Ltmp4:
0x144: {  	v0 =	vadd.f32 v2, v0;
	v3 =	vadd.f32 v4, v1;
	v1 =	vld [tilespmem:s1+$0x7140];
	(pc) =	sbr.rel @p0 .LBB2_11-.Ltmp4, $4  }
0x145: {  	v2 =	vld [tilespmem:s1+$0x7150]  }
0x146: {  	v5 =	vadd.f32 v5, v0;
	v7 =	vadd.f32 v7, v3;
	v3 =	vld [tilespmem:s1+$0x7160]  }
0x147: {  	v4 =	vld [tilespmem:s1+$0x7170];
	s1 =	sshra.s32 s18, $0x2  }
0x148: {  	s18 =	sadd.s32 $0x400, s18;
	v0 =	vld [tilespmem:s1+$0x7080];
	v6 =	vadd.f32 v6, v5;
	v5 =	vadd.f32 v8, v7  }
0x149: {  	_ = 	snop  }
0x14a: {  	v7 =	vld [tilespmem:s1+$0x7090];
	v1 =	vadd.f32 v1, v6  }
0x14b: {  	v6 =	vld [tilespmem:s1+$0x70A0];
	v2 =	vadd.f32 v2, v5  }
0x14c: {  	v5 =	vld [tilespmem:s1+$0x70B0];
	v1 =	vadd.f32 v3, v1  }
0x14d: {  	v3 =	vld [tilespmem:s1+$0x70C0];
	v2 =	vadd.f32 v4, v2  }
0x14e: {  	v4 =	vld [tilespmem:s1+$0x70D0];
	v0 =	vadd.f32 v0, v1  }
0x14f: {  	v1 =	vadd.f32 v7, v2;
	v2 =	vld [tilespmem:s1+$0x70E0]  }
0x150: {  	v7 =	vld [tilespmem:s1+$0x70F0];
	v0 =	vadd.f32 v6, v0  }
0x151: {  	v1 =	vadd.f32 v5, v1;
	v5 =	vld [tilespmem:s1+$0x7100]  }
0x152: {  	v6 =	vld [tilespmem:s1+$0x7110];
	v0 =	vadd.f32 v3, v0  }
0x153: {  	v1 =	vadd.f32 v4, v1;
	v3 =	vld [tilespmem:s1+$0x7120]  }
0x154: {  	v4 =	vld [tilespmem:s1+$0x7130];
	v0 =	vadd.f32 v2, v0  }
0x155: {  	v1 =	vadd.f32 v7, v1;
	v2 =	vld [tilespmem:s1+$0x7140]  }
0x156: {  	v7 =	vld [tilespmem:s1+$0x7150];
	v0 =	vadd.f32 v5, v0  }
0x157: {  	v1 =	vadd.f32 v6, v1;
	v5 =	vld [tilespmem:s1+$0x7160]  }
0x158: {  	v6 =	vld [tilespmem:s1+$0x7170];
	v0 =	vadd.f32 v3, v0  }
0x159: {  	v1 =	vadd.f32 v4, v1  }
0x15a: {  	v0 =	vadd.f32 v2, v0  }
0x15b: {  	v1 =	vadd.f32 v7, v1  }
0x15c: {  	v0 =	vadd.f32 v5, v0  }
0x15d: {  	v1 =	vadd.f32 v6, v1  }
0x15e: {  	[tilespmem:$0x19D00] =	vst v0  }
0x15f: {  	s18 =	simm.s32 $0x0;
	[tilespmem:$0x19D10] =	vst v1  }
0x160: {  	v0 =	vld [tilespmem:s18+$0x8980]  }
0x161: {  	v1 =	vld [tilespmem:s18+$0x8990]  }
0x162: {  	v2 =	vld [tilespmem:s18+$0x89A0]  }
0x163: {  	v3 =	vld [tilespmem:s18+$0x89B0]  }
0x164: {  	v4 =	vld [tilespmem:s18+$0x89C0]  }
0x165: {  	v5 =	vimm.f32 $0.0e+00;
	v6 =	vld [tilespmem:s18+$0x89D0]  }
0x166: {  	v7 =	vld [tilespmem:s18+$0x89F0];
	v0 =	vadd.f32 v0, v5;
	v1 =	vadd.f32 v1, v5  }
0x167: {  	v5 =	vld [tilespmem:s18+$0x89E0]  }
0x168: {  	v8 =	vld [tilespmem:s18+$0x8A10];
	v0 =	vadd.f32 v2, v0;
	v1 =	vadd.f32 v3, v1  }
0x169: {  	v3 =	vld [tilespmem:s18+$0x8A00]  }
0x16a: {  	v9 =	vld [tilespmem:s18+$0x8A30];
	v0 =	vadd.f32 v4, v0;
	v1 =	vadd.f32 v6, v1  }
0x16b: {  	v6 =	vld [tilespmem:s18+$0x8A20]  }
0x16c: {  	v2 =	vld [tilespmem:s18+$0x8A50];
	v0 =	vadd.f32 v5, v0;
	v4 =	vadd.f32 v7, v1  }
0x16d: {  	v1 =	vld [tilespmem:s18+$0x8A40]  }
0x16e: {  	v5 =	vadd.f32 v3, v0;
	v7 =	vadd.f32 v8, v4;
	v3 =	vld [tilespmem:s18+$0x8A60]  }
0x16f: {  	s1 =	simm.s32 $0x100;
	v4 =	vld [tilespmem:s18+$0x8A70]  }
0x170: {  	v0 =	vld [tilespmem:s1+$0x8980];
	s18 =	simm.s32 $0x800;
	v6 =	vadd.f32 v6, v5;
	v5 =	vadd.f32 v9, v7  }
.LBB2_13:
0x171: {  	p0 =	sne.s32 s18, $0x6000;
	v7 =	vld [tilespmem:s1+$0x8990]  }
0x172: {  	v8 =	vld [tilespmem:s1+$0x89A0];
	v1 =	vadd.f32 v1, v6;
	v2 =	vadd.f32 v2, v5  }
0x173: {  	v5 =	vld [tilespmem:s1+$0x89B0]  }
0x174: {  	v6 =	vld [tilespmem:s1+$0x89C0];
	v1 =	vadd.f32 v3, v1;
	v2 =	vadd.f32 v4, v2  }
0x175: {  	v3 =	vld [tilespmem:s1+$0x89D0]  }
0x176: {  	v0 =	vadd.f32 v0, v1;
	v1 =	vadd.f32 v7, v2;
	v2 =	vld [tilespmem:s1+$0x89E0]  }
0x177: {  	v4 =	vld [tilespmem:s1+$0x89F0]  }
0x178: {  	v0 =	vadd.f32 v8, v0;
	v1 =	vadd.f32 v5, v1;
	v5 =	vld [tilespmem:s1+$0x8A00]  }
0x179: {  	v7 =	vld [tilespmem:s1+$0x8A10]  }
0x17a: {  	v0 =	vadd.f32 v6, v0;
	v1 =	vadd.f32 v3, v1;
	v6 =	vld [tilespmem:s1+$0x8A20]  }
0x17b: {  	v8 =	vld [tilespmem:s1+$0x8A30]  }
.Ltmp5:
0x17c: {  	v0 =	vadd.f32 v2, v0;
	v3 =	vadd.f32 v4, v1;
	v1 =	vld [tilespmem:s1+$0x8A40];
	(pc) =	sbr.rel @p0 .LBB2_13-.Ltmp5, $4  }
0x17d: {  	v2 =	vld [tilespmem:s1+$0x8A50]  }
0x17e: {  	v5 =	vadd.f32 v5, v0;
	v7 =	vadd.f32 v7, v3;
	v3 =	vld [tilespmem:s1+$0x8A60]  }
0x17f: {  	v4 =	vld [tilespmem:s1+$0x8A70];
	s1 =	sshra.s32 s18, $0x2  }
0x180: {  	s18 =	sadd.s32 $0x400, s18;
	v0 =	vld [tilespmem:s1+$0x8980];
	v6 =	vadd.f32 v6, v5;
	v5 =	vadd.f32 v8, v7  }
0x181: {  	_ = 	snop  }
0x182: {  	v7 =	vld [tilespmem:s1+$0x8990];
	v1 =	vadd.f32 v1, v6  }
0x183: {  	v6 =	vld [tilespmem:s1+$0x89A0];
	v2 =	vadd.f32 v2, v5  }
0x184: {  	v5 =	vld [tilespmem:s1+$0x89B0];
	v1 =	vadd.f32 v3, v1  }
0x185: {  	v3 =	vld [tilespmem:s1+$0x89C0];
	v2 =	vadd.f32 v4, v2  }
0x186: {  	v4 =	vld [tilespmem:s1+$0x89D0];
	v0 =	vadd.f32 v0, v1  }
0x187: {  	v1 =	vadd.f32 v7, v2;
	v2 =	vld [tilespmem:s1+$0x89E0]  }
0x188: {  	v7 =	vld [tilespmem:s1+$0x89F0];
	v0 =	vadd.f32 v6, v0  }
0x189: {  	v1 =	vadd.f32 v5, v1;
	v5 =	vld [tilespmem:s1+$0x8A00]  }
0x18a: {  	v6 =	vld [tilespmem:s1+$0x8A10];
	v0 =	vadd.f32 v3, v0  }
0x18b: {  	v1 =	vadd.f32 v4, v1;
	v3 =	vld [tilespmem:s1+$0x8A20]  }
0x18c: {  	v4 =	vld [tilespmem:s1+$0x8A30];
	v0 =	vadd.f32 v2, v0  }
0x18d: {  	v1 =	vadd.f32 v7, v1;
	v2 =	vld [tilespmem:s1+$0x8A40]  }
0x18e: {  	v7 =	vld [tilespmem:s1+$0x8A50];
	v0 =	vadd.f32 v5, v0  }
0x18f: {  	v1 =	vadd.f32 v6, v1;
	v5 =	vld [tilespmem:s1+$0x8A60]  }
0x190: {  	v6 =	vld [tilespmem:s1+$0x8A70];
	v0 =	vadd.f32 v3, v0  }
0x191: {  	v1 =	vadd.f32 v4, v1  }
0x192: {  	v0 =	vadd.f32 v2, v0  }
0x193: {  	v1 =	vadd.f32 v7, v1  }
0x194: {  	v0 =	vadd.f32 v5, v0  }
0x195: {  	v1 =	vadd.f32 v6, v1  }
0x196: {  	[tilespmem:$0x19D20] =	vst v0  }
0x197: {  	s18 =	simm.s32 $0x0;
	[tilespmem:$0x19D30] =	vst v1  }
0x198: {  	v0 =	vld [tilespmem:s18+$0xA280]  }
0x199: {  	v1 =	vld [tilespmem:s18+$0xA290]  }
0x19a: {  	v2 =	vld [tilespmem:s18+$0xA2A0]  }
0x19b: {  	v3 =	vld [tilespmem:s18+$0xA2B0]  }
0x19c: {  	v4 =	vld [tilespmem:s18+$0xA2C0]  }
0x19d: {  	v5 =	vimm.f32 $0.0e+00;
	v6 =	vld [tilespmem:s18+$0xA2D0]  }
0x19e: {  	v7 =	vld [tilespmem:s18+$0xA2F0];
	v0 =	vadd.f32 v0, v5;
	v1 =	vadd.f32 v1, v5  }
0x19f: {  	v5 =	vld [tilespmem:s18+$0xA2E0]  }
0x1a0: {  	v8 =	vld [tilespmem:s18+$0xA310];
	v0 =	vadd.f32 v2, v0;
	v1 =	vadd.f32 v3, v1  }
0x1a1: {  	v3 =	vld [tilespmem:s18+$0xA300]  }
0x1a2: {  	v9 =	vld [tilespmem:s18+$0xA330];
	v0 =	vadd.f32 v4, v0;
	v1 =	vadd.f32 v6, v1  }
0x1a3: {  	v6 =	vld [tilespmem:s18+$0xA320]  }
0x1a4: {  	v2 =	vld [tilespmem:s18+$0xA350];
	v0 =	vadd.f32 v5, v0;
	v4 =	vadd.f32 v7, v1  }
0x1a5: {  	v1 =	vld [tilespmem:s18+$0xA340]  }
0x1a6: {  	v5 =	vadd.f32 v3, v0;
	v7 =	vadd.f32 v8, v4;
	v3 =	vld [tilespmem:s18+$0xA360]  }
0x1a7: {  	s1 =	simm.s32 $0x100;
	v4 =	vld [tilespmem:s18+$0xA370]  }
0x1a8: {  	v0 =	vld [tilespmem:s1+$0xA280];
	s18 =	simm.s32 $0x800;
	v6 =	vadd.f32 v6, v5;
	v5 =	vadd.f32 v9, v7  }
.LBB2_15:
0x1a9: {  	p0 =	sne.s32 s18, $0x6000;
	v7 =	vld [tilespmem:s1+$0xA290]  }
0x1aa: {  	v8 =	vld [tilespmem:s1+$0xA2A0];
	v1 =	vadd.f32 v1, v6;
	v2 =	vadd.f32 v2, v5  }
0x1ab: {  	v5 =	vld [tilespmem:s1+$0xA2B0]  }
0x1ac: {  	v6 =	vld [tilespmem:s1+$0xA2C0];
	v1 =	vadd.f32 v3, v1;
	v2 =	vadd.f32 v4, v2  }
0x1ad: {  	v3 =	vld [tilespmem:s1+$0xA2D0]  }
0x1ae: {  	v0 =	vadd.f32 v0, v1;
	v1 =	vadd.f32 v7, v2;
	v2 =	vld [tilespmem:s1+$0xA2E0]  }
0x1af: {  	v4 =	vld [tilespmem:s1+$0xA2F0]  }
0x1b0: {  	v0 =	vadd.f32 v8, v0;
	v1 =	vadd.f32 v5, v1;
	v5 =	vld [tilespmem:s1+$0xA300]  }
0x1b1: {  	v7 =	vld [tilespmem:s1+$0xA310]  }
0x1b2: {  	v0 =	vadd.f32 v6, v0;
	v1 =	vadd.f32 v3, v1;
	v6 =	vld [tilespmem:s1+$0xA320]  }
0x1b3: {  	v8 =	vld [tilespmem:s1+$0xA330]  }
.Ltmp6:
0x1b4: {  	v0 =	vadd.f32 v2, v0;
	v3 =	vadd.f32 v4, v1;
	v1 =	vld [tilespmem:s1+$0xA340];
	(pc) =	sbr.rel @p0 .LBB2_15-.Ltmp6, $4  }
0x1b5: {  	v2 =	vld [tilespmem:s1+$0xA350]  }
0x1b6: {  	v5 =	vadd.f32 v5, v0;
	v7 =	vadd.f32 v7, v3;
	v3 =	vld [tilespmem:s1+$0xA360]  }
0x1b7: {  	v4 =	vld [tilespmem:s1+$0xA370];
	s1 =	sshra.s32 s18, $0x2  }
0x1b8: {  	s18 =	sadd.s32 $0x400, s18;
	v0 =	vld [tilespmem:s1+$0xA280];
	v6 =	vadd.f32 v6, v5;
	v5 =	vadd.f32 v8, v7  }
0x1b9: {  	_ = 	snop  }
0x1ba: {  	v7 =	vld [tilespmem:s1+$0xA290];
	v1 =	vadd.f32 v1, v6  }
0x1bb: {  	v6 =	vld [tilespmem:s1+$0xA2A0];
	v2 =	vadd.f32 v2, v5  }
0x1bc: {  	v5 =	vld [tilespmem:s1+$0xA2B0];
	v1 =	vadd.f32 v3, v1  }
0x1bd: {  	v3 =	vld [tilespmem:s1+$0xA2C0];
	v2 =	vadd.f32 v4, v2  }
0x1be: {  	v4 =	vld [tilespmem:s1+$0xA2D0];
	v0 =	vadd.f32 v0, v1  }
0x1bf: {  	v1 =	vadd.f32 v7, v2;
	v2 =	vld [tilespmem:s1+$0xA2E0]  }
0x1c0: {  	v7 =	vld [tilespmem:s1+$0xA2F0];
	v0 =	vadd.f32 v6, v0  }
0x1c1: {  	v1 =	vadd.f32 v5, v1;
	v5 =	vld [tilespmem:s1+$0xA300]  }
0x1c2: {  	v6 =	vld [tilespmem:s1+$0xA310];
	v0 =	vadd.f32 v3, v0  }
0x1c3: {  	v1 =	vadd.f32 v4, v1;
	v3 =	vld [tilespmem:s1+$0xA320]  }
0x1c4: {  	v4 =	vld [tilespmem:s1+$0xA330];
	v0 =	vadd.f32 v2, v0  }
0x1c5: {  	v1 =	vadd.f32 v7, v1;
	v2 =	vld [tilespmem:s1+$0xA340]  }
0x1c6: {  	v7 =	vld [tilespmem:s1+$0xA350];
	v0 =	vadd.f32 v5, v0  }
0x1c7: {  	v1 =	vadd.f32 v6, v1;
	v5 =	vld [tilespmem:s1+$0xA360]  }
0x1c8: {  	v6 =	vld [tilespmem:s1+$0xA370];
	v0 =	vadd.f32 v3, v0  }
0x1c9: {  	v1 =	vadd.f32 v4, v1  }
0x1ca: {  	v0 =	vadd.f32 v2, v0  }
0x1cb: {  	v1 =	vadd.f32 v7, v1  }
0x1cc: {  	v0 =	vadd.f32 v5, v0  }
0x1cd: {  	v1 =	vadd.f32 v6, v1  }
0x1ce: {  	[tilespmem:$0x19D40] =	vst v0  }
0x1cf: {  	s18 =	simm.s32 $0x0;
	[tilespmem:$0x19D50] =	vst v1  }
0x1d0: {  	v0 =	vld [tilespmem:s18+$0xBB80]  }
0x1d1: {  	v1 =	vld [tilespmem:s18+$0xBB90]  }
0x1d2: {  	v2 =	vld [tilespmem:s18+$0xBBA0]  }
0x1d3: {  	v3 =	vld [tilespmem:s18+$0xBBB0]  }
0x1d4: {  	v4 =	vld [tilespmem:s18+$0xBBC0]  }
0x1d5: {  	v5 =	vimm.f32 $0.0e+00;
	v6 =	vld [tilespmem:s18+$0xBBD0]  }
0x1d6: {  	v7 =	vld [tilespmem:s18+$0xBBF0];
	v0 =	vadd.f32 v0, v5;
	v1 =	vadd.f32 v1, v5  }
0x1d7: {  	v5 =	vld [tilespmem:s18+$0xBBE0]  }
0x1d8: {  	v8 =	vld [tilespmem:s18+$0xBC10];
	v0 =	vadd.f32 v2, v0;
	v1 =	vadd.f32 v3, v1  }
0x1d9: {  	v3 =	vld [tilespmem:s18+$0xBC00]  }
0x1da: {  	v9 =	vld [tilespmem:s18+$0xBC30];
	v0 =	vadd.f32 v4, v0;
	v1 =	vadd.f32 v6, v1  }
0x1db: {  	v6 =	vld [tilespmem:s18+$0xBC20]  }
0x1dc: {  	v2 =	vld [tilespmem:s18+$0xBC50];
	v0 =	vadd.f32 v5, v0;
	v4 =	vadd.f32 v7, v1  }
0x1dd: {  	v1 =	vld [tilespmem:s18+$0xBC40]  }
0x1de: {  	v5 =	vadd.f32 v3, v0;
	v7 =	vadd.f32 v8, v4;
	v3 =	vld [tilespmem:s18+$0xBC60]  }
0x1df: {  	s1 =	simm.s32 $0x100;
	v4 =	vld [tilespmem:s18+$0xBC70]  }
0x1e0: {  	v0 =	vld [tilespmem:s1+$0xBB80];
	s18 =	simm.s32 $0x800;
	v6 =	vadd.f32 v6, v5;
	v5 =	vadd.f32 v9, v7  }
.LBB2_17:
0x1e1: {  	p0 =	sne.s32 s18, $0x6000;
	v7 =	vld [tilespmem:s1+$0xBB90]  }
0x1e2: {  	v8 =	vld [tilespmem:s1+$0xBBA0];
	v1 =	vadd.f32 v1, v6;
	v2 =	vadd.f32 v2, v5  }
0x1e3: {  	v5 =	vld [tilespmem:s1+$0xBBB0]  }
0x1e4: {  	v6 =	vld [tilespmem:s1+$0xBBC0];
	v1 =	vadd.f32 v3, v1;
	v2 =	vadd.f32 v4, v2  }
0x1e5: {  	v3 =	vld [tilespmem:s1+$0xBBD0]  }
0x1e6: {  	v0 =	vadd.f32 v0, v1;
	v1 =	vadd.f32 v7, v2;
	v2 =	vld [tilespmem:s1+$0xBBE0]  }
0x1e7: {  	v4 =	vld [tilespmem:s1+$0xBBF0]  }
0x1e8: {  	v0 =	vadd.f32 v8, v0;
	v1 =	vadd.f32 v5, v1;
	v5 =	vld [tilespmem:s1+$0xBC00]  }
0x1e9: {  	v7 =	vld [tilespmem:s1+$0xBC10]  }
0x1ea: {  	v0 =	vadd.f32 v6, v0;
	v1 =	vadd.f32 v3, v1;
	v6 =	vld [tilespmem:s1+$0xBC20]  }
0x1eb: {  	v8 =	vld [tilespmem:s1+$0xBC30]  }
.Ltmp7:
0x1ec: {  	v0 =	vadd.f32 v2, v0;
	v3 =	vadd.f32 v4, v1;
	v1 =	vld [tilespmem:s1+$0xBC40];
	(pc) =	sbr.rel @p0 .LBB2_17-.Ltmp7, $4  }
0x1ed: {  	v2 =	vld [tilespmem:s1+$0xBC50]  }
0x1ee: {  	v5 =	vadd.f32 v5, v0;
	v7 =	vadd.f32 v7, v3;
	v3 =	vld [tilespmem:s1+$0xBC60]  }
0x1ef: {  	v4 =	vld [tilespmem:s1+$0xBC70];
	s1 =	sshra.s32 s18, $0x2  }
0x1f0: {  	s18 =	sadd.s32 $0x400, s18;
	v0 =	vld [tilespmem:s1+$0xBB80];
	v6 =	vadd.f32 v6, v5;
	v5 =	vadd.f32 v8, v7  }
0x1f1: {  	_ = 	snop  }
0x1f2: {  	v7 =	vld [tilespmem:s1+$0xBB90];
	v1 =	vadd.f32 v1, v6  }
0x1f3: {  	v6 =	vld [tilespmem:s1+$0xBBA0];
	v2 =	vadd.f32 v2, v5  }
0x1f4: {  	v5 =	vld [tilespmem:s1+$0xBBB0];
	v1 =	vadd.f32 v3, v1  }
0x1f5: {  	v3 =	vld [tilespmem:s1+$0xBBC0];
	v2 =	vadd.f32 v4, v2  }
0x1f6: {  	v4 =	vld [tilespmem:s1+$0xBBD0];
	v0 =	vadd.f32 v0, v1  }
0x1f7: {  	v1 =	vadd.f32 v7, v2;
	v2 =	vld [tilespmem:s1+$0xBBE0]  }
0x1f8: {  	v7 =	vld [tilespmem:s1+$0xBBF0];
	v0 =	vadd.f32 v6, v0  }
0x1f9: {  	v1 =	vadd.f32 v5, v1;
	v5 =	vld [tilespmem:s1+$0xBC00]  }
0x1fa: {  	v6 =	vld [tilespmem:s1+$0xBC10];
	v0 =	vadd.f32 v3, v0  }
0x1fb: {  	v1 =	vadd.f32 v4, v1;
	v3 =	vld [tilespmem:s1+$0xBC20]  }
0x1fc: {  	v4 =	vld [tilespmem:s1+$0xBC30];
	v0 =	vadd.f32 v2, v0  }
0x1fd: {  	v1 =	vadd.f32 v7, v1;
	v2 =	vld [tilespmem:s1+$0xBC40]  }
0x1fe: {  	v7 =	vld [tilespmem:s1+$0xBC50];
	v0 =	vadd.f32 v5, v0  }
0x1ff: {  	v1 =	vadd.f32 v6, v1;
	v5 =	vld [tilespmem:s1+$0xBC60]  }
0x200: {  	v6 =	vld [tilespmem:s1+$0xBC70];
	v0 =	vadd.f32 v3, v0  }
0x201: {  	v1 =	vadd.f32 v4, v1  }
0x202: {  	v0 =	vadd.f32 v2, v0  }
0x203: {  	v1 =	vadd.f32 v7, v1  }
0x204: {  	v0 =	vadd.f32 v5, v0  }
0x205: {  	v1 =	vadd.f32 v6, v1  }
0x206: {  	s18 =	sshll.u32 s14, $0x6;
	[tilespmem:$0x19D60] =	vst v0  }
0x207: {  	p0 =	seq.s32 s14, $0x1F;
	s1 =	sadd.s32 s18, s8;
	[tilespmem:$0x19D70] =	vst v1  }
0x208: {  	[hbm4b:s1+s3] =	stream.linear.scatter [tilespmem:s11], [sflag:$0x4], $0x100, $0x38;
	[tilespmem:$0x1AE80] =	vst v63  }
0x209: {  	s1 =	sadd.s32 @!p0 s13, s9  }
0x20a: {  	_ =	swait.ge [sflag:s16], $0x100;
	s1 =	smul.u32 @!p0 $0x19, s1  }
0x20b: {  	[sflag:s16] =	ssyncset.done $0x0  }
0x20c: {  	s13 =	simm.s32 @!p0 $0x0;
	[sflag:s16] =	ssyncadd.s32 $0xFFFFFF00;
	s1 =	sadd.s32 @!p0 s4, s1  }
0x20d: {  	[tilespmem:s13], [sflag:$0x4] =	stream.linear.gather @!p0 [hbm4b:s1+s13], $0x640, $0x38;
	[tilespmem:$0x1AE80] =	vst v63  }
0x20e: {  	s1 =	simm.s32 @!p0 $0x4  }
0x20f: {  	_ =	swait.ge @!p0 [sflag:s1], $0x640  }
0x210: {  	[sflag:s1] =	ssyncset.done @!p0 $0x0  }
0x211: {  	s18 =	simm.s32 @!p0 $0xC80;
	[sflag:s1] =	ssyncadd.s32 @!p0 $0xFFFFF9C0;
	s1 =	simm.s32 @!p0 $0xC8  }
0x212: {  	[tilespmem:s18], [sflag:$0x1] =	stream.indirect.gather @!p0 [hbm4b:s5+s1], $0x20, s13, s1, $0xb8;
	[tilespmem:$0x1AE80] =	vst v63  }
0x213: {  	s13 =	simm.s32 @!p0 $0x2580  }
0x214: {  	[tilespmem:s13], [sflag:$0x1] =	stream.indirect.gather @!p0 [hbm4b:s5+s1], $0x20, s1, s1, $0xb8;
	[tilespmem:$0x1AE80] =	vst v63  }
0x215: {  	s18 =	simm.s32 @!p0 $0x3E80;
	s13 =	simm.s32 @!p0 $0x190  }
0x216: {  	[tilespmem:s18], [sflag:$0x1] =	stream.indirect.gather @!p0 [hbm4b:s5+s1], $0x20, s13, s1, $0xb8;
	[tilespmem:$0x1AE80] =	vst v63  }
0x217: {  	s13 =	simm.s32 @!p0 $0x258;
	s18 =	simm.s32 @!p0 $0x5780  }
0x218: {  	[tilespmem:s18], [sflag:$0x1] =	stream.indirect.gather @!p0 [hbm4b:s5+s1], $0x20, s13, s1, $0xb8;
	[tilespmem:$0x1AE80] =	vst v63  }
0x219: {  	s13 =	simm.s32 @!p0 $0x320;
	s18 =	simm.s32 @!p0 $0x7080  }
0x21a: {  	[tilespmem:s18], [sflag:$0x1] =	stream.indirect.gather @!p0 [hbm4b:s5+s1], $0x20, s13, s1, $0xb8;
	[tilespmem:$0x1AE80] =	vst v63  }
0x21b: {  	s13 =	simm.s32 @!p0 $0x3E8;
	s18 =	simm.s32 @!p0 $0x8980  }
0x21c: {  	[tilespmem:s18], [sflag:$0x1] =	stream.indirect.gather @!p0 [hbm4b:s5+s1], $0x20, s13, s1, $0xb8;
	[tilespmem:$0x1AE80] =	vst v63  }
0x21d: {  	s13 =	simm.s32 @!p0 $0x4B0;
	s18 =	simm.s32 @!p0 $0xA280  }
0x21e: {  	[tilespmem:s18], [sflag:$0x1] =	stream.indirect.gather @!p0 [hbm4b:s5+s1], $0x20, s13, s1, $0xb8;
	[tilespmem:$0x1AE80] =	vst v63  }
0x21f: {  	s13 =	simm.s32 @!p0 $0x578;
	s18 =	simm.s32 @!p0 $0xBB80  }
0x220: {  	[tilespmem:s18], [sflag:$0x1] =	stream.indirect.gather @!p0 [hbm4b:s5+s1], $0x20, s13, s1, $0xb8;
	[tilespmem:$0x1AE80] =	vst v63  }
0x221: {  	_ =	swait.ge [sflag:s12], $0xC800  }
0x222: {  	[sflag:s12] =	ssyncset.done $0x0  }
0x223: {  	s18 =	simm.s32 $0x0;
	[sflag:s12] =	ssyncadd.s32 $0xFFFF3800  }
0x224: {  	v0 =	vld [tilespmem:s18+$0xD480]  }
0x225: {  	v1 =	vld [tilespmem:s18+$0xD490]  }
0x226: {  	v2 =	vld [tilespmem:s18+$0xD4A0]  }
0x227: {  	v3 =	vld [tilespmem:s18+$0xD4B0]  }
0x228: {  	v4 =	vld [tilespmem:s18+$0xD4C0]  }
0x229: {  	v5 =	vimm.f32 $0.0e+00;
	v6 =	vld [tilespmem:s18+$0xD4D0]  }
0x22a: {  	v7 =	vld [tilespmem:s18+$0xD4F0];
	v0 =	vadd.f32 v0, v5;
	v1 =	vadd.f32 v1, v5  }
0x22b: {  	v5 =	vld [tilespmem:s18+$0xD4E0]  }
0x22c: {  	v8 =	vld [tilespmem:s18+$0xD510];
	v0 =	vadd.f32 v2, v0;
	v1 =	vadd.f32 v3, v1  }
0x22d: {  	v3 =	vld [tilespmem:s18+$0xD500]  }
0x22e: {  	v9 =	vld [tilespmem:s18+$0xD530];
	v0 =	vadd.f32 v4, v0;
	v1 =	vadd.f32 v6, v1  }
0x22f: {  	v6 =	vld [tilespmem:s18+$0xD520]  }
0x230: {  	v2 =	vld [tilespmem:s18+$0xD550];
	v0 =	vadd.f32 v5, v0;
	v4 =	vadd.f32 v7, v1  }
0x231: {  	v1 =	vld [tilespmem:s18+$0xD540]  }
0x232: {  	v5 =	vadd.f32 v3, v0;
	v7 =	vadd.f32 v8, v4;
	v3 =	vld [tilespmem:s18+$0xD560]  }
0x233: {  	s1 =	simm.s32 $0x100;
	v4 =	vld [tilespmem:s18+$0xD570]  }
0x234: {  	s13 =	simm.s32 $0x800;
	v0 =	vld [tilespmem:s1+$0xD480];
	v6 =	vadd.f32 v6, v5;
	v5 =	vadd.f32 v9, v7  }
.LBB2_19:
0x235: {  	p0 =	sne.s32 s13, $0x6000;
	v7 =	vld [tilespmem:s1+$0xD490]  }
0x236: {  	v8 =	vld [tilespmem:s1+$0xD4A0];
	v1 =	vadd.f32 v1, v6;
	v2 =	vadd.f32 v2, v5  }
0x237: {  	v5 =	vld [tilespmem:s1+$0xD4B0]  }
0x238: {  	v6 =	vld [tilespmem:s1+$0xD4C0];
	v1 =	vadd.f32 v3, v1;
	v2 =	vadd.f32 v4, v2  }
0x239: {  	v3 =	vld [tilespmem:s1+$0xD4D0]  }
0x23a: {  	v0 =	vadd.f32 v0, v1;
	v1 =	vadd.f32 v7, v2;
	v2 =	vld [tilespmem:s1+$0xD4E0]  }
0x23b: {  	v4 =	vld [tilespmem:s1+$0xD4F0]  }
0x23c: {  	v0 =	vadd.f32 v8, v0;
	v1 =	vadd.f32 v5, v1;
	v5 =	vld [tilespmem:s1+$0xD500]  }
0x23d: {  	v7 =	vld [tilespmem:s1+$0xD510]  }
0x23e: {  	v0 =	vadd.f32 v6, v0;
	v1 =	vadd.f32 v3, v1;
	v6 =	vld [tilespmem:s1+$0xD520]  }
0x23f: {  	v8 =	vld [tilespmem:s1+$0xD530]  }
.Ltmp8:
0x240: {  	v0 =	vadd.f32 v2, v0;
	v3 =	vadd.f32 v4, v1;
	v1 =	vld [tilespmem:s1+$0xD540];
	(pc) =	sbr.rel @p0 .LBB2_19-.Ltmp8, $4  }
0x241: {  	v2 =	vld [tilespmem:s1+$0xD550]  }
0x242: {  	v5 =	vadd.f32 v5, v0;
	v7 =	vadd.f32 v7, v3;
	v3 =	vld [tilespmem:s1+$0xD560]  }
0x243: {  	v4 =	vld [tilespmem:s1+$0xD570];
	s1 =	sshra.s32 s13, $0x2  }
0x244: {  	s13 =	sadd.s32 $0x400, s13;
	v0 =	vld [tilespmem:s1+$0xD480];
	v6 =	vadd.f32 v6, v5;
	v5 =	vadd.f32 v8, v7  }
0x245: {  	_ = 	snop  }
0x246: {  	v7 =	vld [tilespmem:s1+$0xD490];
	v1 =	vadd.f32 v1, v6  }
0x247: {  	v6 =	vld [tilespmem:s1+$0xD4A0];
	v2 =	vadd.f32 v2, v5  }
0x248: {  	v5 =	vld [tilespmem:s1+$0xD4B0];
	v1 =	vadd.f32 v3, v1  }
0x249: {  	v3 =	vld [tilespmem:s1+$0xD4C0];
	v2 =	vadd.f32 v4, v2  }
0x24a: {  	v4 =	vld [tilespmem:s1+$0xD4D0];
	v0 =	vadd.f32 v0, v1  }
0x24b: {  	v1 =	vadd.f32 v7, v2;
	v2 =	vld [tilespmem:s1+$0xD4E0]  }
0x24c: {  	v7 =	vld [tilespmem:s1+$0xD4F0];
	v0 =	vadd.f32 v6, v0  }
0x24d: {  	v1 =	vadd.f32 v5, v1;
	v5 =	vld [tilespmem:s1+$0xD500]  }
0x24e: {  	v6 =	vld [tilespmem:s1+$0xD510];
	v0 =	vadd.f32 v3, v0  }
0x24f: {  	v1 =	vadd.f32 v4, v1;
	v3 =	vld [tilespmem:s1+$0xD520]  }
0x250: {  	v4 =	vld [tilespmem:s1+$0xD530];
	v0 =	vadd.f32 v2, v0  }
0x251: {  	v1 =	vadd.f32 v7, v1;
	v2 =	vld [tilespmem:s1+$0xD540]  }
0x252: {  	v7 =	vld [tilespmem:s1+$0xD550];
	v0 =	vadd.f32 v5, v0  }
0x253: {  	v1 =	vadd.f32 v6, v1;
	v5 =	vld [tilespmem:s1+$0xD560]  }
0x254: {  	v6 =	vld [tilespmem:s1+$0xD570];
	v0 =	vadd.f32 v3, v0  }
0x255: {  	v1 =	vadd.f32 v4, v1  }
0x256: {  	v0 =	vadd.f32 v2, v0  }
0x257: {  	v1 =	vadd.f32 v7, v1  }
0x258: {  	v0 =	vadd.f32 v5, v0  }
0x259: {  	v1 =	vadd.f32 v6, v1  }
0x25a: {  	[tilespmem:$0x19C80] =	vst v0  }
0x25b: {  	s13 =	simm.s32 $0x0;
	[tilespmem:$0x19C90] =	vst v1  }
0x25c: {  	v0 =	vld [tilespmem:s13+$0xED80]  }
0x25d: {  	v1 =	vld [tilespmem:s13+$0xED90]  }
0x25e: {  	v2 =	vld [tilespmem:s13+$0xEDA0]  }
0x25f: {  	v3 =	vld [tilespmem:s13+$0xEDB0]  }
0x260: {  	v4 =	vld [tilespmem:s13+$0xEDC0]  }
0x261: {  	v5 =	vimm.f32 $0.0e+00;
	v6 =	vld [tilespmem:s13+$0xEDD0]  }
0x262: {  	v7 =	vld [tilespmem:s13+$0xEDF0];
	v0 =	vadd.f32 v0, v5;
	v1 =	vadd.f32 v1, v5  }
0x263: {  	v5 =	vld [tilespmem:s13+$0xEDE0]  }
0x264: {  	v8 =	vld [tilespmem:s13+$0xEE10];
	v0 =	vadd.f32 v2, v0;
	v1 =	vadd.f32 v3, v1  }
0x265: {  	v3 =	vld [tilespmem:s13+$0xEE00]  }
0x266: {  	v9 =	vld [tilespmem:s13+$0xEE30];
	v0 =	vadd.f32 v4, v0;
	v1 =	vadd.f32 v6, v1  }
0x267: {  	v6 =	vld [tilespmem:s13+$0xEE20]  }
0x268: {  	v2 =	vld [tilespmem:s13+$0xEE50];
	v0 =	vadd.f32 v5, v0;
	v4 =	vadd.f32 v7, v1  }
0x269: {  	v1 =	vld [tilespmem:s13+$0xEE40]  }
0x26a: {  	v5 =	vadd.f32 v3, v0;
	v7 =	vadd.f32 v8, v4;
	v3 =	vld [tilespmem:s13+$0xEE60]  }
0x26b: {  	s1 =	simm.s32 $0x100;
	v4 =	vld [tilespmem:s13+$0xEE70]  }
0x26c: {  	v0 =	vld [tilespmem:s1+$0xED80];
	s13 =	simm.s32 $0x800;
	v6 =	vadd.f32 v6, v5;
	v5 =	vadd.f32 v9, v7  }
.LBB2_21:
0x26d: {  	p0 =	sne.s32 s13, $0x6000;
	v7 =	vld [tilespmem:s1+$0xED90]  }
0x26e: {  	v8 =	vld [tilespmem:s1+$0xEDA0];
	v1 =	vadd.f32 v1, v6;
	v2 =	vadd.f32 v2, v5  }
0x26f: {  	v5 =	vld [tilespmem:s1+$0xEDB0]  }
0x270: {  	v6 =	vld [tilespmem:s1+$0xEDC0];
	v1 =	vadd.f32 v3, v1;
	v2 =	vadd.f32 v4, v2  }
0x271: {  	v3 =	vld [tilespmem:s1+$0xEDD0]  }
0x272: {  	v0 =	vadd.f32 v0, v1;
	v1 =	vadd.f32 v7, v2;
	v2 =	vld [tilespmem:s1+$0xEDE0]  }
0x273: {  	v4 =	vld [tilespmem:s1+$0xEDF0]  }
0x274: {  	v0 =	vadd.f32 v8, v0;
	v1 =	vadd.f32 v5, v1;
	v5 =	vld [tilespmem:s1+$0xEE00]  }
0x275: {  	v7 =	vld [tilespmem:s1+$0xEE10]  }
0x276: {  	v0 =	vadd.f32 v6, v0;
	v1 =	vadd.f32 v3, v1;
	v6 =	vld [tilespmem:s1+$0xEE20]  }
0x277: {  	v8 =	vld [tilespmem:s1+$0xEE30]  }
.Ltmp9:
0x278: {  	v0 =	vadd.f32 v2, v0;
	v3 =	vadd.f32 v4, v1;
	v1 =	vld [tilespmem:s1+$0xEE40];
	(pc) =	sbr.rel @p0 .LBB2_21-.Ltmp9, $4  }
0x279: {  	v2 =	vld [tilespmem:s1+$0xEE50]  }
0x27a: {  	v5 =	vadd.f32 v5, v0;
	v7 =	vadd.f32 v7, v3;
	v3 =	vld [tilespmem:s1+$0xEE60]  }
0x27b: {  	v4 =	vld [tilespmem:s1+$0xEE70];
	s1 =	sshra.s32 s13, $0x2  }
0x27c: {  	s13 =	sadd.s32 $0x400, s13;
	v0 =	vld [tilespmem:s1+$0xED80];
	v6 =	vadd.f32 v6, v5;
	v5 =	vadd.f32 v8, v7  }
0x27d: {  	_ = 	snop  }
0x27e: {  	v7 =	vld [tilespmem:s1+$0xED90];
	v1 =	vadd.f32 v1, v6  }
0x27f: {  	v6 =	vld [tilespmem:s1+$0xEDA0];
	v2 =	vadd.f32 v2, v5  }
0x280: {  	v5 =	vld [tilespmem:s1+$0xEDB0];
	v1 =	vadd.f32 v3, v1  }
0x281: {  	v3 =	vld [tilespmem:s1+$0xEDC0];
	v2 =	vadd.f32 v4, v2  }
0x282: {  	v4 =	vld [tilespmem:s1+$0xEDD0];
	v0 =	vadd.f32 v0, v1  }
0x283: {  	v1 =	vadd.f32 v7, v2;
	v2 =	vld [tilespmem:s1+$0xEDE0]  }
0x284: {  	v7 =	vld [tilespmem:s1+$0xEDF0];
	v0 =	vadd.f32 v6, v0  }
0x285: {  	v1 =	vadd.f32 v5, v1;
	v5 =	vld [tilespmem:s1+$0xEE00]  }
0x286: {  	v6 =	vld [tilespmem:s1+$0xEE10];
	v0 =	vadd.f32 v3, v0  }
0x287: {  	v1 =	vadd.f32 v4, v1;
	v3 =	vld [tilespmem:s1+$0xEE20]  }
0x288: {  	v4 =	vld [tilespmem:s1+$0xEE30];
	v0 =	vadd.f32 v2, v0  }
0x289: {  	v1 =	vadd.f32 v7, v1;
	v2 =	vld [tilespmem:s1+$0xEE40]  }
0x28a: {  	v7 =	vld [tilespmem:s1+$0xEE50];
	v0 =	vadd.f32 v5, v0  }
0x28b: {  	v1 =	vadd.f32 v6, v1;
	v5 =	vld [tilespmem:s1+$0xEE60]  }
0x28c: {  	v6 =	vld [tilespmem:s1+$0xEE70];
	v0 =	vadd.f32 v3, v0  }
0x28d: {  	v1 =	vadd.f32 v4, v1  }
0x28e: {  	v0 =	vadd.f32 v2, v0  }
0x28f: {  	v1 =	vadd.f32 v7, v1  }
0x290: {  	v0 =	vadd.f32 v5, v0  }
0x291: {  	v1 =	vadd.f32 v6, v1  }
0x292: {  	[tilespmem:$0x19CA0] =	vst v0  }
0x293: {  	s13 =	simm.s32 $0x0;
	[tilespmem:$0x19CB0] =	vst v1  }
0x294: {  	v0 =	vld [tilespmem:s13+$0x10680]  }
0x295: {  	v1 =	vld [tilespmem:s13+$0x10690]  }
0x296: {  	v2 =	vld [tilespmem:s13+$0x106A0]  }
0x297: {  	v3 =	vld [tilespmem:s13+$0x106B0]  }
0x298: {  	v4 =	vld [tilespmem:s13+$0x106C0]  }
0x299: {  	v5 =	vimm.f32 $0.0e+00;
	v6 =	vld [tilespmem:s13+$0x106D0]  }
0x29a: {  	v7 =	vld [tilespmem:s13+$0x106F0];
	v0 =	vadd.f32 v0, v5;
	v1 =	vadd.f32 v1, v5  }
0x29b: {  	v5 =	vld [tilespmem:s13+$0x106E0]  }
0x29c: {  	v8 =	vld [tilespmem:s13+$0x10710];
	v0 =	vadd.f32 v2, v0;
	v1 =	vadd.f32 v3, v1  }
0x29d: {  	v3 =	vld [tilespmem:s13+$0x10700]  }
0x29e: {  	v9 =	vld [tilespmem:s13+$0x10730];
	v0 =	vadd.f32 v4, v0;
	v1 =	vadd.f32 v6, v1  }
0x29f: {  	v6 =	vld [tilespmem:s13+$0x10720]  }
0x2a0: {  	v2 =	vld [tilespmem:s13+$0x10750];
	v0 =	vadd.f32 v5, v0;
	v4 =	vadd.f32 v7, v1  }
0x2a1: {  	v1 =	vld [tilespmem:s13+$0x10740]  }
0x2a2: {  	v5 =	vadd.f32 v3, v0;
	v7 =	vadd.f32 v8, v4;
	v3 =	vld [tilespmem:s13+$0x10760]  }
0x2a3: {  	s1 =	simm.s32 $0x100;
	v4 =	vld [tilespmem:s13+$0x10770]  }
0x2a4: {  	v0 =	vld [tilespmem:s1+$0x10680];
	s13 =	simm.s32 $0x800;
	v6 =	vadd.f32 v6, v5;
	v5 =	vadd.f32 v9, v7  }
.LBB2_23:
0x2a5: {  	p0 =	sne.s32 s13, $0x6000;
	v7 =	vld [tilespmem:s1+$0x10690]  }
0x2a6: {  	v8 =	vld [tilespmem:s1+$0x106A0];
	v1 =	vadd.f32 v1, v6;
	v2 =	vadd.f32 v2, v5  }
0x2a7: {  	v5 =	vld [tilespmem:s1+$0x106B0]  }
0x2a8: {  	v6 =	vld [tilespmem:s1+$0x106C0];
	v1 =	vadd.f32 v3, v1;
	v2 =	vadd.f32 v4, v2  }
0x2a9: {  	v3 =	vld [tilespmem:s1+$0x106D0]  }
0x2aa: {  	v0 =	vadd.f32 v0, v1;
	v1 =	vadd.f32 v7, v2;
	v2 =	vld [tilespmem:s1+$0x106E0]  }
0x2ab: {  	v4 =	vld [tilespmem:s1+$0x106F0]  }
0x2ac: {  	v0 =	vadd.f32 v8, v0;
	v1 =	vadd.f32 v5, v1;
	v5 =	vld [tilespmem:s1+$0x10700]  }
0x2ad: {  	v7 =	vld [tilespmem:s1+$0x10710]  }
0x2ae: {  	v0 =	vadd.f32 v6, v0;
	v1 =	vadd.f32 v3, v1;
	v6 =	vld [tilespmem:s1+$0x10720]  }
0x2af: {  	v8 =	vld [tilespmem:s1+$0x10730]  }
.Ltmp10:
0x2b0: {  	v0 =	vadd.f32 v2, v0;
	v3 =	vadd.f32 v4, v1;
	v1 =	vld [tilespmem:s1+$0x10740];
	(pc) =	sbr.rel @p0 .LBB2_23-.Ltmp10, $4  }
0x2b1: {  	v2 =	vld [tilespmem:s1+$0x10750]  }
0x2b2: {  	v5 =	vadd.f32 v5, v0;
	v7 =	vadd.f32 v7, v3;
	v3 =	vld [tilespmem:s1+$0x10760]  }
0x2b3: {  	v4 =	vld [tilespmem:s1+$0x10770];
	s1 =	sshra.s32 s13, $0x2  }
0x2b4: {  	s13 =	sadd.s32 $0x400, s13;
	v0 =	vld [tilespmem:s1+$0x10680];
	v6 =	vadd.f32 v6, v5;
	v5 =	vadd.f32 v8, v7  }
0x2b5: {  	_ = 	snop  }
0x2b6: {  	v7 =	vld [tilespmem:s1+$0x10690];
	v1 =	vadd.f32 v1, v6  }
0x2b7: {  	v6 =	vld [tilespmem:s1+$0x106A0];
	v2 =	vadd.f32 v2, v5  }
0x2b8: {  	v5 =	vld [tilespmem:s1+$0x106B0];
	v1 =	vadd.f32 v3, v1  }
0x2b9: {  	v3 =	vld [tilespmem:s1+$0x106C0];
	v2 =	vadd.f32 v4, v2  }
0x2ba: {  	v4 =	vld [tilespmem:s1+$0x106D0];
	v0 =	vadd.f32 v0, v1  }
0x2bb: {  	v1 =	vadd.f32 v7, v2;
	v2 =	vld [tilespmem:s1+$0x106E0]  }
0x2bc: {  	v7 =	vld [tilespmem:s1+$0x106F0];
	v0 =	vadd.f32 v6, v0  }
0x2bd: {  	v1 =	vadd.f32 v5, v1;
	v5 =	vld [tilespmem:s1+$0x10700]  }
0x2be: {  	v6 =	vld [tilespmem:s1+$0x10710];
	v0 =	vadd.f32 v3, v0  }
0x2bf: {  	v1 =	vadd.f32 v4, v1;
	v3 =	vld [tilespmem:s1+$0x10720]  }
0x2c0: {  	v4 =	vld [tilespmem:s1+$0x10730];
	v0 =	vadd.f32 v2, v0  }
0x2c1: {  	v1 =	vadd.f32 v7, v1;
	v2 =	vld [tilespmem:s1+$0x10740]  }
0x2c2: {  	v7 =	vld [tilespmem:s1+$0x10750];
	v0 =	vadd.f32 v5, v0  }
0x2c3: {  	v1 =	vadd.f32 v6, v1;
	v5 =	vld [tilespmem:s1+$0x10760]  }
0x2c4: {  	v6 =	vld [tilespmem:s1+$0x10770];
	v0 =	vadd.f32 v3, v0  }
0x2c5: {  	v1 =	vadd.f32 v4, v1  }
0x2c6: {  	v0 =	vadd.f32 v2, v0  }
0x2c7: {  	v1 =	vadd.f32 v7, v1  }
0x2c8: {  	v0 =	vadd.f32 v5, v0  }
0x2c9: {  	v1 =	vadd.f32 v6, v1  }
0x2ca: {  	[tilespmem:$0x19CC0] =	vst v0  }
0x2cb: {  	s13 =	simm.s32 $0x0;
	[tilespmem:$0x19CD0] =	vst v1  }
0x2cc: {  	v0 =	vld [tilespmem:s13+$0x11F80]  }
0x2cd: {  	v1 =	vld [tilespmem:s13+$0x11F90]  }
0x2ce: {  	v2 =	vld [tilespmem:s13+$0x11FA0]  }
0x2cf: {  	v3 =	vld [tilespmem:s13+$0x11FB0]  }
0x2d0: {  	v4 =	vld [tilespmem:s13+$0x11FC0]  }
0x2d1: {  	v5 =	vimm.f32 $0.0e+00;
	v6 =	vld [tilespmem:s13+$0x11FD0]  }
0x2d2: {  	v7 =	vld [tilespmem:s13+$0x11FF0];
	v0 =	vadd.f32 v0, v5;
	v1 =	vadd.f32 v1, v5  }
0x2d3: {  	v5 =	vld [tilespmem:s13+$0x11FE0]  }
0x2d4: {  	v8 =	vld [tilespmem:s13+$0x12010];
	v0 =	vadd.f32 v2, v0;
	v1 =	vadd.f32 v3, v1  }
0x2d5: {  	v3 =	vld [tilespmem:s13+$0x12000]  }
0x2d6: {  	v9 =	vld [tilespmem:s13+$0x12030];
	v0 =	vadd.f32 v4, v0;
	v1 =	vadd.f32 v6, v1  }
0x2d7: {  	v6 =	vld [tilespmem:s13+$0x12020]  }
0x2d8: {  	v2 =	vld [tilespmem:s13+$0x12050];
	v0 =	vadd.f32 v5, v0;
	v4 =	vadd.f32 v7, v1  }
0x2d9: {  	v1 =	vld [tilespmem:s13+$0x12040]  }
0x2da: {  	v5 =	vadd.f32 v3, v0;
	v7 =	vadd.f32 v8, v4;
	v3 =	vld [tilespmem:s13+$0x12060]  }
0x2db: {  	s1 =	simm.s32 $0x100;
	v4 =	vld [tilespmem:s13+$0x12070]  }
0x2dc: {  	v0 =	vld [tilespmem:s1+$0x11F80];
	s13 =	simm.s32 $0x800;
	v6 =	vadd.f32 v6, v5;
	v5 =	vadd.f32 v9, v7  }
.LBB2_25:
0x2dd: {  	p0 =	sne.s32 s13, $0x6000;
	v7 =	vld [tilespmem:s1+$0x11F90]  }
0x2de: {  	v8 =	vld [tilespmem:s1+$0x11FA0];
	v1 =	vadd.f32 v1, v6;
	v2 =	vadd.f32 v2, v5  }
0x2df: {  	v5 =	vld [tilespmem:s1+$0x11FB0]  }
0x2e0: {  	v6 =	vld [tilespmem:s1+$0x11FC0];
	v1 =	vadd.f32 v3, v1;
	v2 =	vadd.f32 v4, v2  }
0x2e1: {  	v3 =	vld [tilespmem:s1+$0x11FD0]  }
0x2e2: {  	v0 =	vadd.f32 v0, v1;
	v1 =	vadd.f32 v7, v2;
	v2 =	vld [tilespmem:s1+$0x11FE0]  }
0x2e3: {  	v4 =	vld [tilespmem:s1+$0x11FF0]  }
0x2e4: {  	v0 =	vadd.f32 v8, v0;
	v1 =	vadd.f32 v5, v1;
	v5 =	vld [tilespmem:s1+$0x12000]  }
0x2e5: {  	v7 =	vld [tilespmem:s1+$0x12010]  }
0x2e6: {  	v0 =	vadd.f32 v6, v0;
	v1 =	vadd.f32 v3, v1;
	v6 =	vld [tilespmem:s1+$0x12020]  }
0x2e7: {  	v8 =	vld [tilespmem:s1+$0x12030]  }
.Ltmp11:
0x2e8: {  	v0 =	vadd.f32 v2, v0;
	v3 =	vadd.f32 v4, v1;
	v1 =	vld [tilespmem:s1+$0x12040];
	(pc) =	sbr.rel @p0 .LBB2_25-.Ltmp11, $4  }
0x2e9: {  	v2 =	vld [tilespmem:s1+$0x12050]  }
0x2ea: {  	v5 =	vadd.f32 v5, v0;
	v7 =	vadd.f32 v7, v3;
	v3 =	vld [tilespmem:s1+$0x12060]  }
0x2eb: {  	v4 =	vld [tilespmem:s1+$0x12070];
	s1 =	sshra.s32 s13, $0x2  }
0x2ec: {  	s13 =	sadd.s32 $0x400, s13;
	v0 =	vld [tilespmem:s1+$0x11F80];
	v6 =	vadd.f32 v6, v5;
	v5 =	vadd.f32 v8, v7  }
0x2ed: {  	_ = 	snop  }
0x2ee: {  	v7 =	vld [tilespmem:s1+$0x11F90];
	v1 =	vadd.f32 v1, v6  }
0x2ef: {  	v6 =	vld [tilespmem:s1+$0x11FA0];
	v2 =	vadd.f32 v2, v5  }
0x2f0: {  	v5 =	vld [tilespmem:s1+$0x11FB0];
	v1 =	vadd.f32 v3, v1  }
0x2f1: {  	v3 =	vld [tilespmem:s1+$0x11FC0];
	v2 =	vadd.f32 v4, v2  }
0x2f2: {  	v4 =	vld [tilespmem:s1+$0x11FD0];
	v0 =	vadd.f32 v0, v1  }
0x2f3: {  	v1 =	vadd.f32 v7, v2;
	v2 =	vld [tilespmem:s1+$0x11FE0]  }
0x2f4: {  	v7 =	vld [tilespmem:s1+$0x11FF0];
	v0 =	vadd.f32 v6, v0  }
0x2f5: {  	v1 =	vadd.f32 v5, v1;
	v5 =	vld [tilespmem:s1+$0x12000]  }
0x2f6: {  	v6 =	vld [tilespmem:s1+$0x12010];
	v0 =	vadd.f32 v3, v0  }
0x2f7: {  	v1 =	vadd.f32 v4, v1;
	v3 =	vld [tilespmem:s1+$0x12020]  }
0x2f8: {  	v4 =	vld [tilespmem:s1+$0x12030];
	v0 =	vadd.f32 v2, v0  }
0x2f9: {  	v1 =	vadd.f32 v7, v1;
	v2 =	vld [tilespmem:s1+$0x12040]  }
0x2fa: {  	v7 =	vld [tilespmem:s1+$0x12050];
	v0 =	vadd.f32 v5, v0  }
0x2fb: {  	v1 =	vadd.f32 v6, v1;
	v5 =	vld [tilespmem:s1+$0x12060]  }
0x2fc: {  	v6 =	vld [tilespmem:s1+$0x12070];
	v0 =	vadd.f32 v3, v0  }
0x2fd: {  	v1 =	vadd.f32 v4, v1  }
0x2fe: {  	v0 =	vadd.f32 v2, v0  }
0x2ff: {  	v1 =	vadd.f32 v7, v1  }
0x300: {  	v0 =	vadd.f32 v5, v0  }
0x301: {  	v1 =	vadd.f32 v6, v1  }
0x302: {  	[tilespmem:$0x19CE0] =	vst v0  }
0x303: {  	s13 =	simm.s32 $0x0;
	[tilespmem:$0x19CF0] =	vst v1  }
0x304: {  	v0 =	vld [tilespmem:s13+$0x13880]  }
0x305: {  	v1 =	vld [tilespmem:s13+$0x13890]  }
0x306: {  	v2 =	vld [tilespmem:s13+$0x138A0]  }
0x307: {  	v3 =	vld [tilespmem:s13+$0x138B0]  }
0x308: {  	v4 =	vld [tilespmem:s13+$0x138C0]  }
0x309: {  	v5 =	vimm.f32 $0.0e+00;
	v6 =	vld [tilespmem:s13+$0x138D0]  }
0x30a: {  	v7 =	vld [tilespmem:s13+$0x138F0];
	v0 =	vadd.f32 v0, v5;
	v1 =	vadd.f32 v1, v5  }
0x30b: {  	v5 =	vld [tilespmem:s13+$0x138E0]  }
0x30c: {  	v8 =	vld [tilespmem:s13+$0x13910];
	v0 =	vadd.f32 v2, v0;
	v1 =	vadd.f32 v3, v1  }
0x30d: {  	v3 =	vld [tilespmem:s13+$0x13900]  }
0x30e: {  	v9 =	vld [tilespmem:s13+$0x13930];
	v0 =	vadd.f32 v4, v0;
	v1 =	vadd.f32 v6, v1  }
0x30f: {  	v6 =	vld [tilespmem:s13+$0x13920]  }
0x310: {  	v2 =	vld [tilespmem:s13+$0x13950];
	v0 =	vadd.f32 v5, v0;
	v4 =	vadd.f32 v7, v1  }
0x311: {  	v1 =	vld [tilespmem:s13+$0x13940]  }
0x312: {  	v5 =	vadd.f32 v3, v0;
	v7 =	vadd.f32 v8, v4;
	v3 =	vld [tilespmem:s13+$0x13960]  }
0x313: {  	s1 =	simm.s32 $0x100;
	v4 =	vld [tilespmem:s13+$0x13970]  }
0x314: {  	v0 =	vld [tilespmem:s1+$0x13880];
	s13 =	simm.s32 $0x800;
	v6 =	vadd.f32 v6, v5;
	v5 =	vadd.f32 v9, v7  }
.LBB2_27:
0x315: {  	p0 =	sne.s32 s13, $0x6000;
	v7 =	vld [tilespmem:s1+$0x13890]  }
0x316: {  	v8 =	vld [tilespmem:s1+$0x138A0];
	v1 =	vadd.f32 v1, v6;
	v2 =	vadd.f32 v2, v5  }
0x317: {  	v5 =	vld [tilespmem:s1+$0x138B0]  }
0x318: {  	v6 =	vld [tilespmem:s1+$0x138C0];
	v1 =	vadd.f32 v3, v1;
	v2 =	vadd.f32 v4, v2  }
0x319: {  	v3 =	vld [tilespmem:s1+$0x138D0]  }
0x31a: {  	v0 =	vadd.f32 v0, v1;
	v1 =	vadd.f32 v7, v2;
	v2 =	vld [tilespmem:s1+$0x138E0]  }
0x31b: {  	v4 =	vld [tilespmem:s1+$0x138F0]  }
0x31c: {  	v0 =	vadd.f32 v8, v0;
	v1 =	vadd.f32 v5, v1;
	v5 =	vld [tilespmem:s1+$0x13900]  }
0x31d: {  	v7 =	vld [tilespmem:s1+$0x13910]  }
0x31e: {  	v0 =	vadd.f32 v6, v0;
	v1 =	vadd.f32 v3, v1;
	v6 =	vld [tilespmem:s1+$0x13920]  }
0x31f: {  	v8 =	vld [tilespmem:s1+$0x13930]  }
.Ltmp12:
0x320: {  	v0 =	vadd.f32 v2, v0;
	v3 =	vadd.f32 v4, v1;
	v1 =	vld [tilespmem:s1+$0x13940];
	(pc) =	sbr.rel @p0 .LBB2_27-.Ltmp12, $4  }
0x321: {  	v2 =	vld [tilespmem:s1+$0x13950]  }
0x322: {  	v5 =	vadd.f32 v5, v0;
	v7 =	vadd.f32 v7, v3;
	v3 =	vld [tilespmem:s1+$0x13960]  }
0x323: {  	v4 =	vld [tilespmem:s1+$0x13970];
	s1 =	sshra.s32 s13, $0x2  }
0x324: {  	s13 =	sadd.s32 $0x400, s13;
	v0 =	vld [tilespmem:s1+$0x13880];
	v6 =	vadd.f32 v6, v5;
	v5 =	vadd.f32 v8, v7  }
0x325: {  	_ = 	snop  }
0x326: {  	v7 =	vld [tilespmem:s1+$0x13890];
	v1 =	vadd.f32 v1, v6  }
0x327: {  	v6 =	vld [tilespmem:s1+$0x138A0];
	v2 =	vadd.f32 v2, v5  }
0x328: {  	v5 =	vld [tilespmem:s1+$0x138B0];
	v1 =	vadd.f32 v3, v1  }
0x329: {  	v3 =	vld [tilespmem:s1+$0x138C0];
	v2 =	vadd.f32 v4, v2  }
0x32a: {  	v4 =	vld [tilespmem:s1+$0x138D0];
	v0 =	vadd.f32 v0, v1  }
0x32b: {  	v1 =	vadd.f32 v7, v2;
	v2 =	vld [tilespmem:s1+$0x138E0]  }
0x32c: {  	v7 =	vld [tilespmem:s1+$0x138F0];
	v0 =	vadd.f32 v6, v0  }
0x32d: {  	v1 =	vadd.f32 v5, v1;
	v5 =	vld [tilespmem:s1+$0x13900]  }
0x32e: {  	v6 =	vld [tilespmem:s1+$0x13910];
	v0 =	vadd.f32 v3, v0  }
0x32f: {  	v1 =	vadd.f32 v4, v1;
	v3 =	vld [tilespmem:s1+$0x13920]  }
0x330: {  	v4 =	vld [tilespmem:s1+$0x13930];
	v0 =	vadd.f32 v2, v0  }
0x331: {  	v1 =	vadd.f32 v7, v1;
	v2 =	vld [tilespmem:s1+$0x13940]  }
0x332: {  	v7 =	vld [tilespmem:s1+$0x13950];
	v0 =	vadd.f32 v5, v0  }
0x333: {  	v1 =	vadd.f32 v6, v1;
	v5 =	vld [tilespmem:s1+$0x13960]  }
0x334: {  	v6 =	vld [tilespmem:s1+$0x13970];
	v0 =	vadd.f32 v3, v0  }
0x335: {  	v1 =	vadd.f32 v4, v1  }
0x336: {  	v0 =	vadd.f32 v2, v0  }
0x337: {  	v1 =	vadd.f32 v7, v1  }
0x338: {  	v0 =	vadd.f32 v5, v0  }
0x339: {  	v1 =	vadd.f32 v6, v1  }
0x33a: {  	[tilespmem:$0x19D00] =	vst v0  }
0x33b: {  	s13 =	simm.s32 $0x0;
	[tilespmem:$0x19D10] =	vst v1  }
0x33c: {  	v0 =	vld [tilespmem:s13+$0x15180]  }
0x33d: {  	v1 =	vld [tilespmem:s13+$0x15190]  }
0x33e: {  	v2 =	vld [tilespmem:s13+$0x151A0]  }
0x33f: {  	v3 =	vld [tilespmem:s13+$0x151B0]  }
0x340: {  	v4 =	vld [tilespmem:s13+$0x151C0]  }
0x341: {  	v5 =	vimm.f32 $0.0e+00;
	v6 =	vld [tilespmem:s13+$0x151D0]  }
0x342: {  	v7 =	vld [tilespmem:s13+$0x151F0];
	v0 =	vadd.f32 v0, v5;
	v1 =	vadd.f32 v1, v5  }
0x343: {  	v5 =	vld [tilespmem:s13+$0x151E0]  }
0x344: {  	v8 =	vld [tilespmem:s13+$0x15210];
	v0 =	vadd.f32 v2, v0;
	v1 =	vadd.f32 v3, v1  }
0x345: {  	v3 =	vld [tilespmem:s13+$0x15200]  }
0x346: {  	v9 =	vld [tilespmem:s13+$0x15230];
	v0 =	vadd.f32 v4, v0;
	v1 =	vadd.f32 v6, v1  }
0x347: {  	v6 =	vld [tilespmem:s13+$0x15220]  }
0x348: {  	v2 =	vld [tilespmem:s13+$0x15250];
	v0 =	vadd.f32 v5, v0;
	v4 =	vadd.f32 v7, v1  }
0x349: {  	v1 =	vld [tilespmem:s13+$0x15240]  }
0x34a: {  	v5 =	vadd.f32 v3, v0;
	v7 =	vadd.f32 v8, v4;
	v3 =	vld [tilespmem:s13+$0x15260]  }
0x34b: {  	s1 =	simm.s32 $0x100;
	v4 =	vld [tilespmem:s13+$0x15270]  }
0x34c: {  	v0 =	vld [tilespmem:s1+$0x15180];
	s13 =	simm.s32 $0x800;
	v6 =	vadd.f32 v6, v5;
	v5 =	vadd.f32 v9, v7  }
.LBB2_29:
0x34d: {  	p0 =	sne.s32 s13, $0x6000;
	v7 =	vld [tilespmem:s1+$0x15190]  }
0x34e: {  	v8 =	vld [tilespmem:s1+$0x151A0];
	v1 =	vadd.f32 v1, v6;
	v2 =	vadd.f32 v2, v5  }
0x34f: {  	v5 =	vld [tilespmem:s1+$0x151B0]  }
0x350: {  	v6 =	vld [tilespmem:s1+$0x151C0];
	v1 =	vadd.f32 v3, v1;
	v2 =	vadd.f32 v4, v2  }
0x351: {  	v3 =	vld [tilespmem:s1+$0x151D0]  }
0x352: {  	v0 =	vadd.f32 v0, v1;
	v1 =	vadd.f32 v7, v2;
	v2 =	vld [tilespmem:s1+$0x151E0]  }
0x353: {  	v4 =	vld [tilespmem:s1+$0x151F0]  }
0x354: {  	v0 =	vadd.f32 v8, v0;
	v1 =	vadd.f32 v5, v1;
	v5 =	vld [tilespmem:s1+$0x15200]  }
0x355: {  	v7 =	vld [tilespmem:s1+$0x15210]  }
0x356: {  	v0 =	vadd.f32 v6, v0;
	v1 =	vadd.f32 v3, v1;
	v6 =	vld [tilespmem:s1+$0x15220]  }
0x357: {  	v8 =	vld [tilespmem:s1+$0x15230]  }
.Ltmp13:
0x358: {  	v0 =	vadd.f32 v2, v0;
	v3 =	vadd.f32 v4, v1;
	v1 =	vld [tilespmem:s1+$0x15240];
	(pc) =	sbr.rel @p0 .LBB2_29-.Ltmp13, $4  }
0x359: {  	v2 =	vld [tilespmem:s1+$0x15250]  }
0x35a: {  	v5 =	vadd.f32 v5, v0;
	v7 =	vadd.f32 v7, v3;
	v3 =	vld [tilespmem:s1+$0x15260]  }
0x35b: {  	v4 =	vld [tilespmem:s1+$0x15270];
	s1 =	sshra.s32 s13, $0x2  }
0x35c: {  	s13 =	sadd.s32 $0x400, s13;
	v0 =	vld [tilespmem:s1+$0x15180];
	v6 =	vadd.f32 v6, v5;
	v5 =	vadd.f32 v8, v7  }
0x35d: {  	_ = 	snop  }
0x35e: {  	v7 =	vld [tilespmem:s1+$0x15190];
	v1 =	vadd.f32 v1, v6  }
0x35f: {  	v6 =	vld [tilespmem:s1+$0x151A0];
	v2 =	vadd.f32 v2, v5  }
0x360: {  	v5 =	vld [tilespmem:s1+$0x151B0];
	v1 =	vadd.f32 v3, v1  }
0x361: {  	v3 =	vld [tilespmem:s1+$0x151C0];
	v2 =	vadd.f32 v4, v2  }
0x362: {  	v4 =	vld [tilespmem:s1+$0x151D0];
	v0 =	vadd.f32 v0, v1  }
0x363: {  	v1 =	vadd.f32 v7, v2;
	v2 =	vld [tilespmem:s1+$0x151E0]  }
0x364: {  	v7 =	vld [tilespmem:s1+$0x151F0];
	v0 =	vadd.f32 v6, v0  }
0x365: {  	v1 =	vadd.f32 v5, v1;
	v5 =	vld [tilespmem:s1+$0x15200]  }
0x366: {  	v6 =	vld [tilespmem:s1+$0x15210];
	v0 =	vadd.f32 v3, v0  }
0x367: {  	v1 =	vadd.f32 v4, v1;
	v3 =	vld [tilespmem:s1+$0x15220]  }
0x368: {  	v4 =	vld [tilespmem:s1+$0x15230];
	v0 =	vadd.f32 v2, v0  }
0x369: {  	v1 =	vadd.f32 v7, v1;
	v2 =	vld [tilespmem:s1+$0x15240]  }
0x36a: {  	v7 =	vld [tilespmem:s1+$0x15250];
	v0 =	vadd.f32 v5, v0  }
0x36b: {  	v1 =	vadd.f32 v6, v1;
	v5 =	vld [tilespmem:s1+$0x15260]  }
0x36c: {  	v6 =	vld [tilespmem:s1+$0x15270];
	v0 =	vadd.f32 v3, v0  }
0x36d: {  	v1 =	vadd.f32 v4, v1  }
0x36e: {  	v0 =	vadd.f32 v2, v0  }
0x36f: {  	v1 =	vadd.f32 v7, v1  }
0x370: {  	v0 =	vadd.f32 v5, v0  }
0x371: {  	v1 =	vadd.f32 v6, v1  }
0x372: {  	[tilespmem:$0x19D20] =	vst v0  }
0x373: {  	s13 =	simm.s32 $0x0;
	[tilespmem:$0x19D30] =	vst v1  }
0x374: {  	v0 =	vld [tilespmem:s13+$0x16A80]  }
0x375: {  	v1 =	vld [tilespmem:s13+$0x16A90]  }
0x376: {  	v2 =	vld [tilespmem:s13+$0x16AA0]  }
0x377: {  	v3 =	vld [tilespmem:s13+$0x16AB0]  }
0x378: {  	v4 =	vld [tilespmem:s13+$0x16AC0]  }
0x379: {  	v5 =	vimm.f32 $0.0e+00;
	v6 =	vld [tilespmem:s13+$0x16AD0]  }
0x37a: {  	v7 =	vld [tilespmem:s13+$0x16AF0];
	v0 =	vadd.f32 v0, v5;
	v1 =	vadd.f32 v1, v5  }
0x37b: {  	v5 =	vld [tilespmem:s13+$0x16AE0]  }
0x37c: {  	v8 =	vld [tilespmem:s13+$0x16B10];
	v0 =	vadd.f32 v2, v0;
	v1 =	vadd.f32 v3, v1  }
0x37d: {  	v3 =	vld [tilespmem:s13+$0x16B00]  }
0x37e: {  	v9 =	vld [tilespmem:s13+$0x16B30];
	v0 =	vadd.f32 v4, v0;
	v1 =	vadd.f32 v6, v1  }
0x37f: {  	v6 =	vld [tilespmem:s13+$0x16B20]  }
0x380: {  	v2 =	vld [tilespmem:s13+$0x16B50];
	v0 =	vadd.f32 v5, v0;
	v4 =	vadd.f32 v7, v1  }
0x381: {  	v1 =	vld [tilespmem:s13+$0x16B40]  }
0x382: {  	v5 =	vadd.f32 v3, v0;
	v7 =	vadd.f32 v8, v4;
	v3 =	vld [tilespmem:s13+$0x16B60]  }
0x383: {  	s1 =	simm.s32 $0x100;
	v4 =	vld [tilespmem:s13+$0x16B70]  }
0x384: {  	v0 =	vld [tilespmem:s1+$0x16A80];
	s13 =	simm.s32 $0x800;
	v6 =	vadd.f32 v6, v5;
	v5 =	vadd.f32 v9, v7  }
.LBB2_31:
0x385: {  	p0 =	sne.s32 s13, $0x6000;
	v7 =	vld [tilespmem:s1+$0x16A90]  }
0x386: {  	v8 =	vld [tilespmem:s1+$0x16AA0];
	v1 =	vadd.f32 v1, v6;
	v2 =	vadd.f32 v2, v5  }
0x387: {  	v5 =	vld [tilespmem:s1+$0x16AB0]  }
0x388: {  	v6 =	vld [tilespmem:s1+$0x16AC0];
	v1 =	vadd.f32 v3, v1;
	v2 =	vadd.f32 v4, v2  }
0x389: {  	v3 =	vld [tilespmem:s1+$0x16AD0]  }
0x38a: {  	v0 =	vadd.f32 v0, v1;
	v1 =	vadd.f32 v7, v2;
	v2 =	vld [tilespmem:s1+$0x16AE0]  }
0x38b: {  	v4 =	vld [tilespmem:s1+$0x16AF0]  }
0x38c: {  	v0 =	vadd.f32 v8, v0;
	v1 =	vadd.f32 v5, v1;
	v5 =	vld [tilespmem:s1+$0x16B00]  }
0x38d: {  	v7 =	vld [tilespmem:s1+$0x16B10]  }
0x38e: {  	v0 =	vadd.f32 v6, v0;
	v1 =	vadd.f32 v3, v1;
	v6 =	vld [tilespmem:s1+$0x16B20]  }
0x38f: {  	v8 =	vld [tilespmem:s1+$0x16B30]  }
.Ltmp14:
0x390: {  	v0 =	vadd.f32 v2, v0;
	v3 =	vadd.f32 v4, v1;
	v1 =	vld [tilespmem:s1+$0x16B40];
	(pc) =	sbr.rel @p0 .LBB2_31-.Ltmp14, $4  }
0x391: {  	v2 =	vld [tilespmem:s1+$0x16B50]  }
0x392: {  	v5 =	vadd.f32 v5, v0;
	v7 =	vadd.f32 v7, v3;
	v3 =	vld [tilespmem:s1+$0x16B60]  }
0x393: {  	v4 =	vld [tilespmem:s1+$0x16B70];
	s1 =	sshra.s32 s13, $0x2  }
0x394: {  	s13 =	sadd.s32 $0x400, s13;
	v0 =	vld [tilespmem:s1+$0x16A80];
	v6 =	vadd.f32 v6, v5;
	v5 =	vadd.f32 v8, v7  }
0x395: {  	_ = 	snop  }
0x396: {  	v7 =	vld [tilespmem:s1+$0x16A90];
	v1 =	vadd.f32 v1, v6  }
0x397: {  	v6 =	vld [tilespmem:s1+$0x16AA0];
	v2 =	vadd.f32 v2, v5  }
0x398: {  	v5 =	vld [tilespmem:s1+$0x16AB0];
	v1 =	vadd.f32 v3, v1  }
0x399: {  	v3 =	vld [tilespmem:s1+$0x16AC0];
	v2 =	vadd.f32 v4, v2  }
0x39a: {  	v4 =	vld [tilespmem:s1+$0x16AD0];
	v0 =	vadd.f32 v0, v1  }
0x39b: {  	v1 =	vadd.f32 v7, v2;
	v2 =	vld [tilespmem:s1+$0x16AE0]  }
0x39c: {  	v7 =	vld [tilespmem:s1+$0x16AF0];
	v0 =	vadd.f32 v6, v0  }
0x39d: {  	v1 =	vadd.f32 v5, v1;
	v5 =	vld [tilespmem:s1+$0x16B00]  }
0x39e: {  	v6 =	vld [tilespmem:s1+$0x16B10];
	v0 =	vadd.f32 v3, v0  }
0x39f: {  	v1 =	vadd.f32 v4, v1;
	v3 =	vld [tilespmem:s1+$0x16B20]  }
0x3a0: {  	v4 =	vld [tilespmem:s1+$0x16B30];
	v0 =	vadd.f32 v2, v0  }
0x3a1: {  	v1 =	vadd.f32 v7, v1;
	v2 =	vld [tilespmem:s1+$0x16B40]  }
0x3a2: {  	v7 =	vld [tilespmem:s1+$0x16B50];
	v0 =	vadd.f32 v5, v0  }
0x3a3: {  	v1 =	vadd.f32 v6, v1;
	v5 =	vld [tilespmem:s1+$0x16B60]  }
0x3a4: {  	v6 =	vld [tilespmem:s1+$0x16B70];
	v0 =	vadd.f32 v3, v0  }
0x3a5: {  	v1 =	vadd.f32 v4, v1  }
0x3a6: {  	v0 =	vadd.f32 v2, v0  }
0x3a7: {  	v1 =	vadd.f32 v7, v1  }
0x3a8: {  	v0 =	vadd.f32 v5, v0  }
0x3a9: {  	v1 =	vadd.f32 v6, v1  }
0x3aa: {  	[tilespmem:$0x19D40] =	vst v0  }
0x3ab: {  	s13 =	simm.s32 $0x0;
	[tilespmem:$0x19D50] =	vst v1  }
0x3ac: {  	v0 =	vld [tilespmem:s13+$0x18380]  }
0x3ad: {  	v1 =	vld [tilespmem:s13+$0x18390]  }
0x3ae: {  	v2 =	vld [tilespmem:s13+$0x183A0]  }
0x3af: {  	v3 =	vld [tilespmem:s13+$0x183B0]  }
0x3b0: {  	v4 =	vld [tilespmem:s13+$0x183C0]  }
0x3b1: {  	v5 =	vimm.f32 $0.0e+00;
	v6 =	vld [tilespmem:s13+$0x183D0]  }
0x3b2: {  	v7 =	vld [tilespmem:s13+$0x183F0];
	v0 =	vadd.f32 v0, v5;
	v1 =	vadd.f32 v1, v5  }
0x3b3: {  	v5 =	vld [tilespmem:s13+$0x183E0]  }
0x3b4: {  	v8 =	vld [tilespmem:s13+$0x18410];
	v0 =	vadd.f32 v2, v0;
	v1 =	vadd.f32 v3, v1  }
0x3b5: {  	v3 =	vld [tilespmem:s13+$0x18400]  }
0x3b6: {  	v9 =	vld [tilespmem:s13+$0x18430];
	v0 =	vadd.f32 v4, v0;
	v1 =	vadd.f32 v6, v1  }
0x3b7: {  	v6 =	vld [tilespmem:s13+$0x18420]  }
0x3b8: {  	v2 =	vld [tilespmem:s13+$0x18450];
	v0 =	vadd.f32 v5, v0;
	v4 =	vadd.f32 v7, v1  }
0x3b9: {  	v1 =	vld [tilespmem:s13+$0x18440]  }
0x3ba: {  	v5 =	vadd.f32 v3, v0;
	v7 =	vadd.f32 v8, v4;
	v3 =	vld [tilespmem:s13+$0x18460]  }
0x3bb: {  	s1 =	simm.s32 $0x100;
	v4 =	vld [tilespmem:s13+$0x18470]  }
0x3bc: {  	v0 =	vld [tilespmem:s1+$0x18380];
	s13 =	simm.s32 $0x800;
	v6 =	vadd.f32 v6, v5;
	v5 =	vadd.f32 v9, v7  }
.LBB2_33:
0x3bd: {  	p0 =	sne.s32 s13, $0x6000;
	v7 =	vld [tilespmem:s1+$0x18390]  }
0x3be: {  	v8 =	vld [tilespmem:s1+$0x183A0];
	v1 =	vadd.f32 v1, v6;
	v2 =	vadd.f32 v2, v5  }
0x3bf: {  	v5 =	vld [tilespmem:s1+$0x183B0]  }
0x3c0: {  	v6 =	vld [tilespmem:s1+$0x183C0];
	v1 =	vadd.f32 v3, v1;
	v2 =	vadd.f32 v4, v2  }
0x3c1: {  	v3 =	vld [tilespmem:s1+$0x183D0]  }
0x3c2: {  	v0 =	vadd.f32 v0, v1;
	v1 =	vadd.f32 v7, v2;
	v2 =	vld [tilespmem:s1+$0x183E0]  }
0x3c3: {  	v4 =	vld [tilespmem:s1+$0x183F0]  }
0x3c4: {  	v0 =	vadd.f32 v8, v0;
	v1 =	vadd.f32 v5, v1;
	v5 =	vld [tilespmem:s1+$0x18400]  }
0x3c5: {  	v7 =	vld [tilespmem:s1+$0x18410]  }
0x3c6: {  	v0 =	vadd.f32 v6, v0;
	v1 =	vadd.f32 v3, v1;
	v6 =	vld [tilespmem:s1+$0x18420]  }
0x3c7: {  	v8 =	vld [tilespmem:s1+$0x18430]  }
.Ltmp15:
0x3c8: {  	v0 =	vadd.f32 v2, v0;
	v3 =	vadd.f32 v4, v1;
	v1 =	vld [tilespmem:s1+$0x18440];
	(pc) =	sbr.rel @p0 .LBB2_33-.Ltmp15, $4  }
0x3c9: {  	v2 =	vld [tilespmem:s1+$0x18450]  }
0x3ca: {  	v5 =	vadd.f32 v5, v0;
	v7 =	vadd.f32 v7, v3;
	v3 =	vld [tilespmem:s1+$0x18460]  }
0x3cb: {  	v4 =	vld [tilespmem:s1+$0x18470];
	s1 =	sshra.s32 s13, $0x2  }
0x3cc: {  	s13 =	sadd.s32 $0x400, s13;
	v0 =	vld [tilespmem:s1+$0x18380];
	v6 =	vadd.f32 v6, v5;
	v5 =	vadd.f32 v8, v7  }
0x3cd: {  	_ = 	snop  }
0x3ce: {  	v7 =	vld [tilespmem:s1+$0x18390];
	v1 =	vadd.f32 v1, v6  }
0x3cf: {  	v49 =	vld [tilespmem:s1+$0x183A0];
	v2 =	vadd.f32 v2, v5  }
0x3d0: {  	v50 =	vld [tilespmem:s1+$0x183B0];
	v1 =	vadd.f32 v3, v1  }
0x3d1: {  	v51 =	vld [tilespmem:s1+$0x183C0];
	v2 =	vadd.f32 v4, v2  }
0x3d2: {  	v52 =	vld [tilespmem:s1+$0x183D0];
	v0 =	vadd.f32 v0, v1  }
0x3d3: {  	v54 =	vld [tilespmem:s1+$0x183E0];
	v53 =	vadd.f32 v7, v2  }
0x3d4: {  	v55 =	vld [tilespmem:s1+$0x183F0];
	v0 =	vadd.f32 v49, v0  }
0x3d5: {  	v56 =	vld [tilespmem:s1+$0x18400];
	v1 =	vadd.f32 v50, v53  }
0x3d6: {  	v57 =	vld [tilespmem:s1+$0x18410];
	v0 =	vadd.f32 v51, v0  }
0x3d7: {  	v58 =	vld [tilespmem:s1+$0x18420];
	v1 =	vadd.f32 v52, v1  }
0x3d8: {  	v59 =	vld [tilespmem:s1+$0x18430];
	v0 =	vadd.f32 v54, v0  }
0x3d9: {  	v60 =	vld [tilespmem:s1+$0x18440];
	v1 =	vadd.f32 v55, v1  }
0x3da: {  	v61 =	vld [tilespmem:s1+$0x18450];
	v0 =	vadd.f32 v56, v0  }
0x3db: {  	v62 =	vld [tilespmem:s1+$0x18460];
	v1 =	vadd.f32 v57, v1  }
0x3dc: {  	v63 =	vld [tilespmem:s1+$0x18470];
	v0 =	vadd.f32 v58, v0  }
0x3dd: {  	v1 =	vadd.f32 v59, v1  }
0x3de: {  	v0 =	vadd.f32 v60, v0  }
0x3df: {  	v1 =	vadd.f32 v61, v1  }
0x3e0: {  	v0 =	vadd.f32 v62, v0  }
0x3e1: {  	s14 =	sadd.s32 $0x1, s14;
	v1 =	vadd.f32 v63, v1  }
0x3e2: {  	s13 =	sshll.u32 s6, $0x2;
	s18 =	rddreg [dreg:$0x2];
	p0 =	sne.s32 s14, $0x20;
	[tilespmem:$0x19D60] =	vst v0  }
.Ltmp16:
0x3e3: {  	s1 =	sadd.s32 s18, s13;
	[tilespmem:$0x19D70] =	vst v1;
	(pc) =	sbr.rel @p0 .LBB2_2-.Ltmp16, $4  }
0x3e4: {  	[hbm4b:s1+s3] =	stream.linear.scatter [tilespmem:s11], [sflag:$0x4], $0x100, $0x38;
	[tilespmem:$0x1AE80] =	vst v63  }
0x3e5: {  	_ =	swait.ge [sflag:s16], $0x100  }
0x3e6: {  	[sflag:s16] =	ssyncset.done $0x0  }
0x3e7: {  	[sflag:s16] =	ssyncadd.s32 $0xFFFFFF00  }
0x3e8: {  	s1 =	rddreg [dreg:$0x6];
	s13 =	simm.s32 $0x19D80  }
0x3e9: {  	[tilespmem:s13], [sflag:$0x4] =	stream.linear.gather [hbm4b:s1+s3], $0x100, $0x38;
	[tilespmem:$0x1AE80] =	vst v63  }
0x3ea: {  	_ =	swait.ge [sflag:s16], $0x100  }
0x3eb: {  	s14 =	simm.s32 $0x100;
	s18 =	simm.s32 $0x19E80;
	[sflag:s16] =	ssyncset.done $0x0  }
0x3ec: {  	s19 =	simm.s32 $0x3;
	s1 =	rddreg [dreg:$0x4];
	[sflag:s16] =	ssyncadd.s32 $0xFFFFFF00  }
0x3ed: {  	[tilespmem:s18], [sflag:$0x3] =	stream.indirect.gather [hbm4b:s1+s14], $0x10, s13, s14, $0xb8;
	[tilespmem:$0x1AE80] =	vst v63  }
0x3ee: {  	_ =	swait.ge [sflag:s19], $0x1000  }
0x3ef: {  	[sflag:s19] =	ssyncset.done $0x0  }
0x3f0: {  	s6 =	rddreg [dreg:$0x7];
	[sflag:s19] =	ssyncadd.s32 $0xFFFFF000  }
0x3f1: {  	[hbm4b:s6+s3] =	stream.linear.scatter [tilespmem:s18], [sflag:$0x4], $0x1000, $0x38;
	[tilespmem:$0x1AE80] =	vst v63  }
0x3f2: {  	_ =	swait.ge [sflag:s16], $0x1000  }
0x3f3: {  	[sflag:s16] =	ssyncset.done $0x0  }
0x3f4: {  	s6 =	rddreg [dreg:$0x8];
	[sflag:s16] =	ssyncadd.s32 $0xFFFFF000  }
0x3f5: {  	[tilespmem:s13], [sflag:$0x4] =	stream.linear.gather [hbm4b:s6+s3], $0x100, $0x38;
	[tilespmem:$0x1AE80] =	vst v63  }
0x3f6: {  	_ =	swait.ge [sflag:s16], $0x100  }
0x3f7: {  	[sflag:s16] =	ssyncset.done $0x0  }
0x3f8: {  	[sflag:s16] =	ssyncadd.s32 $0xFFFFFF00  }
0x3f9: {  	[tilespmem:s18], [sflag:$0x3] =	stream.indirect.gather [hbm4b:s1+s14], $0x10, s13, s14, $0xb8;
	[tilespmem:$0x1AE80] =	vst v63  }
0x3fa: {  	_ =	swait.ge [sflag:s19], $0x1000  }
0x3fb: {  	[sflag:s19] =	ssyncset.done $0x0  }
0x3fc: {  	s13 =	rddreg [dreg:$0x9];
	[sflag:s19] =	ssyncadd.s32 $0xFFFFF000  }
0x3fd: {  	[hbm4b:s13+s3] =	stream.linear.scatter [tilespmem:s18], [sflag:$0x4], $0x1000, $0x38;
	[tilespmem:$0x1AE80] =	vst v63  }
0x3fe: {  	_ =	swait.ge [sflag:s16], $0x1000  }
0x3ff: {  	s14 =	rddreg [dreg:$0xb]  }
0x400: {  	s18 =	rddreg [dreg:$0xa];
	s6 =	sadd.s32 $0x1, s14  }
0x401: {  	p0 =	sne.s32 s6, s18  }
.Ltmp17:
0x402: {  	_ = 	snop;
	(pc) =	sbr.rel @p0 .LBB2_1-.Ltmp17, $3  }
0x403: {  	_ =	sdelay $0x1  }
0x404: {  	[sflag:s16] =	ssyncset.done $0x0  }
0x405: {  	s19 =	simm.s32 $0x708;
	[sflag:s16] =	ssyncadd.s32 $0xFFFFF000  }
0x406: {  	_ =	sfence.sel $0x180000  }
0x407: {  	[bflag:$0x0] =	sbarrier.arrive $0xFFFF  }
0x408: {  	_ =	strace $0x9000004A  }
0x409: {  	s0 =	stileid.u32;
	[bflag:$0x2] =	sbarrier.arrive $0xFFFF  }
0x40a: {  	p0 =	sne.s32 s0, $0x0;
	s0 =	rddreg [dreg:$0x3]  }
0x40b: {  	s0 =	sadd.s32 @!p0 $0x100000, s0  }
0x40c: {  	[sflag:s0] =	ssyncadd.tile.s32 @!p0 $0x1;
	_ =	shalt  }
.Lfunc_end2:
_tile_overlayer_lowered:
.L_overlay_start_2:
0x40d: {  	(tag) =	ssettag $0x2  }
0x40e: {  	s0 =	rddreg [dreg:$0x0];
	s2 =	stileid.u32  }
0x40f: {  	s1 =	rddreg [dreg:$0x1];
	p0 =	sne.s32 s2, $0x0  }
0x410: {  	s3 =	rddreg [dreg:$0x2];
	[bflag:$0x3] =	sbarrier.arrive $0xFFFF;
	s2 =	simm.s32 @!p0 $0x1C04  }
0x411: {  	[timem:s3], [sflag:s2] =	dma.local @!p0 [hbm:s0], s1  }
0x412: {  	s0 =	simm.s32 @!p0 $0x4  }
0x413: {  	_ =	swait.ge @!p0 [sflag:s0], s1  }
0x414: {  	s1 =	ssub.s32 @!p0 $0x0, s1;
	[sflag:s0] =	ssyncset.done @!p0 $0x0  }
0x415: {  	[sflag:s0] =	ssyncadd.s32 @!p0 s1  }
0x416: {  	[bflag:$0x3] =	sbarrier.arrive $0xFFFF  }
0x417: {  	_ =	shalt  }

// kernel: kernel.8.cloned.1.call-start
scs
__scs_entry_jumppad:
0x0: {  	(pc) =	sbr.rel $0x88, $3  }
0x1: {  	(tag) =	ssettag $0x0;
	lr =	simm.s32 $0x1  }
0x2: {  	[smem:$0x3F95] =	sst lr;
	_ =	strace $0xD0000000  }
0x3: {  	_ = 	snop  }
0x4: {  	_ = 	snop  }
0x5: {  	_ = 	snop  }
0x6: {  	_ = 	snop  }
0x7: {  	_ = 	snop  }
__scs_overlays_trampoline_lowered:
0x8: {  	[smem:$0x3FA4] =	sst s0  }
0x9: {  	[smem:$0x3FA5] =	sst s1  }
0xa: {  	[smem:$0x3FA6] =	sst s2  }
0xb: {  	[smem:$0x3FA7] =	sst s3  }
0xc: {  	[smem:$0x3FA8] =	sst s4  }
0xd: {  	[smem:$0x3FA9] =	sst s5  }
0xe: {  	[smem:$0x3FAA] =	sst s6  }
0xf: {  	[smem:$0x3FAB] =	sst s7  }
0x10: {  	[smem:$0x3FAC] =	sst s8  }
0x11: {  	[smem:$0x3FAD] =	sst s9;
	s0 =	simm.s32 @!p0 $0x0  }
0x12: {  	s1 =	sld [smem:$0x3F93];
	s0 =	simm.s32 @p0 $0x1  }
0x13: {  	[smem:$0x3FAE] =	sst s0;
	s0 =	simm.s32 @!p1 $0x0  }
0x14: {  	s2 =	sld [smem:$0x3F92];
	s0 =	simm.s32 @p1 $0x1  }
0x15: {  	[smem:$0x3FAF] =	sst s0;
	s0 =	simm.s32 @!p2 $0x0  }
0x16: {  	s3 =	sld [smem:$0x3FDB];
	s0 =	simm.s32 @p2 $0x1  }
0x17: {  	s4 =	simm.s32 $0x1BF5;
	[smem:$0x3FB1] =	sst s0  }
0x18: {  	s0 =	sld [smem:$0x3F94];
	_ =	swait.ge [sflag:s4], $0x0  }
0x19: {  	s7 =	sld [smem:$0x3F95]  }
0x1a: {  	s8 =	sadd.s32 $0xFFFFE003, lr  }
0x1b: {  	s9 =	sadd.s32 $0xFFFFFEF7, lr;
	s5 =	simm.s32 $0xFFFFFFFF;
	p2 =	slt.u32 s8, $0xFFFFF086  }
0x1c: {  	p1 =	slt.u32 s9, $0xF7A;
	s5 =	simm.s32 @!p2 $0x0  }
0x1d: {  	s5 =	simm.s32 @p1 $0x1;
	p0 =	seq.s32 s7, s2  }
0x1e: {  	s7 =	smul.u32 @!p0 $0xF7A, s2;
	p2 =	seq.s32 @!p0 s5, $0x0  }
0x1f: {  	s9 =	smul.u32 $0xF7A, s1;
	s8 =	simm.s32 @!p0 $0x1BF5;
	p2 =	por !p2, p0  }
0x20: {  	[sflag:s8] =	ssyncset.s32 @!p0 $0xFFFFF086;
	s6 =	sadd.s32 @!p0 s3, s7;
	s7 =	simm.s32 @!p0 $0x108  }
0x21: {  	s3 =	sadd.s32 s3, s9;
	s6 =	sadd.s32 @!p0 $0x88, s6;
	s7 =	simm.s32 @p2 $0x1082  }
0x22: {  	[simem:s7], [sflag:s8] =	dma.local @!p0 [hbm:s6], $0xF7A  }
0x23: {  	s9 =	sor.u32 $0xD0000000, s2;
	s6 =	simm.s32 $0x108;
	_ =	swait.ge @!p0 [sflag:s8], $0x0  }
0x24: {  	s3 =	sadd.s32 $0x88, s3;
	s6 =	simm.s32 @!p1 $0x1082;
	[sflag:s4] =	ssyncset.s32 $0xFFFFF086  }
0x25: {  	[simem:s6], [sflag:s4] =	dma.local [hbm:s3], $0xF7A  }
0x26: {  	[smem:$0x3F95] =	sst s1;
	(tag) =	ssettag s2;
	_ =	strace s9  }
0x27: {  	s1 =	sld [smem:$0x3FA5]  }
0x28: {  	s2 =	sld [smem:$0x3FA6]  }
0x29: {  	s4 =	sld [smem:$0x3FA8]  }
0x2a: {  	p0 =	seq.s32 s5, $0x0;
	s5 =	sld [smem:$0x3FA9]  }
0x2b: {  	s6 =	sld [smem:$0x3FAA]  }
0x2c: {  	s7 =	sld [smem:$0x3FAB]  }
0x2d: {  	s3 =	simm.s32 $0x108;
	s8 =	sld [smem:$0x3FAC]  }
0x2e: {  	s3 =	simm.s32 @!p0 $0x1082;
	s9 =	sld [smem:$0x3FAD]  }
0x2f: {  	lr =	sadd.s32 s0, s3;
	s0 =	sld [smem:$0x3FA4]  }
0x30: {  	s3 =	sld [smem:$0x3FA7]  }
0x31: {  	[smem:$0x3FB0] =	sst s10  }
0x32: {  	s10 =	sld [smem:$0x3FAE];
	_ =	sdelay $0x3  }
0x33: {  	p0 =	seq.s32 s10, $0x1;
	s10 =	sld [smem:$0x3FB0];
	_ =	sdelay $0x3  }
0x34: {  	[smem:$0x3FB0] =	sst s10  }
0x35: {  	s10 =	sld [smem:$0x3FAF];
	_ =	sdelay $0x3  }
0x36: {  	p1 =	seq.s32 s10, $0x1;
	s10 =	sld [smem:$0x3FB0];
	_ =	sdelay $0x3  }
0x37: {  	[smem:$0x3FB0] =	sst s10  }
0x38: {  	s10 =	sld [smem:$0x3FB1]  }
0x39: {  	_ = 	snop;
	(pc) =	sbr.ind lr, $3  }
0x3a: {  	_ = 	snop  }
0x3b: {  	_ = 	snop  }
0x3c: {  	p2 =	seq.s32 s10, $0x1;
	s10 =	sld [smem:$0x3FB0]  }
0x3d: {  	_ =	shalt  }
0x3e: {  	_ =	shalt  }
0x3f: {  	_ =	shalt  }
0x40: {  	_ =	shalt  }
0x41: {  	_ =	shalt  }
0x42: {  	_ =	shalt  }
0x43: {  	_ =	shalt  }
0x44: {  	_ =	shalt  }
0x45: {  	_ =	shalt  }
0x46: {  	_ =	shalt  }
0x47: {  	_ =	shalt  }
0x48: {  	_ =	shalt  }
0x49: {  	_ =	shalt  }
0x4a: {  	_ =	shalt  }
0x4b: {  	_ =	shalt  }
0x4c: {  	_ =	shalt  }
0x4d: {  	_ =	shalt  }
0x4e: {  	_ =	shalt  }
0x4f: {  	_ =	shalt  }
0x50: {  	_ =	shalt  }
0x51: {  	_ =	shalt  }
0x52: {  	_ =	shalt  }
0x53: {  	_ =	shalt  }
0x54: {  	_ =	shalt  }
0x55: {  	_ =	shalt  }
0x56: {  	_ =	shalt  }
0x57: {  	_ =	shalt  }
0x58: {  	_ =	shalt  }
0x59: {  	_ =	shalt  }
0x5a: {  	_ =	shalt  }
0x5b: {  	_ =	shalt  }
0x5c: {  	_ =	shalt  }
0x5d: {  	_ =	shalt  }
0x5e: {  	_ =	shalt  }
0x5f: {  	_ =	shalt  }
0x60: {  	_ =	shalt  }
0x61: {  	_ =	shalt  }
0x62: {  	_ =	shalt  }
0x63: {  	_ =	shalt  }
0x64: {  	_ =	shalt  }
0x65: {  	_ =	shalt  }
0x66: {  	_ =	shalt  }
0x67: {  	_ =	shalt  }
0x68: {  	_ =	shalt  }
0x69: {  	_ =	shalt  }
0x6a: {  	_ =	shalt  }
0x6b: {  	_ =	shalt  }
0x6c: {  	_ =	shalt  }
0x6d: {  	_ =	shalt  }
0x6e: {  	_ =	shalt  }
0x6f: {  	_ =	shalt  }
0x70: {  	_ =	shalt  }
0x71: {  	_ =	shalt  }
0x72: {  	_ =	shalt  }
0x73: {  	_ =	shalt  }
0x74: {  	_ =	shalt  }
0x75: {  	_ =	shalt  }
0x76: {  	_ =	shalt  }
0x77: {  	_ =	shalt  }
0x78: {  	_ =	shalt  }
0x79: {  	_ =	shalt  }
0x7a: {  	_ =	shalt  }
0x7b: {  	_ =	shalt  }
0x7c: {  	_ =	shalt  }
0x7d: {  	_ =	shalt  }
0x7e: {  	_ =	shalt  }
0x7f: {  	_ =	shalt  }
0x80: {  	_ =	shalt  }
0x81: {  	_ =	shalt  }
0x82: {  	_ =	shalt  }
0x83: {  	_ =	shalt  }
0x84: {  	_ =	shalt  }
0x85: {  	_ =	shalt  }
0x86: {  	_ =	shalt  }
0x87: {  	_ =	shalt  }
.Lfunc_end0:
.L_simem_size_0:
called_computation.1_lowered:
.L_overlay_start_0:
0x88: {  	s2 =	sld [smem:$0x3FD9]  }
0x89: {  	s3 =	sld [smem:$0x3FFE];
	_ =	sdelay $0x1  }
0x8a: {  	s1 =	srdreg.scid  }
0x8b: {  	s0 =	sand.u32 $0x1, s1  }
0x8c: {  	s14 =	sshll.u32 s0, $0xA;
	s2 =	sadd.s32 s3, s2  }
0x8d: {  	s2 =	sadd.s32 s2, s14  }
0x8e: {  	[smem:$0x3FBC] =	sst s2  }
0x8f: {  	_ = 	snop  }
0x90: {  	s2 =	sld [smem:$0x3FD0];
	_ =	sdelay $0x1  }
0x91: {  	s15 =	sld [smem:$0x3FC9]  }
0x92: {  	s5 =	simm.s32 $0xB;
	s6 =	simm.s32 $0x10;
	s4 =	sld [smem:$0x3FC6]  }
0x93: {  	[smem:s6], [sflag:s5] =	dma.local [hbm:s2], $0x1  }
0x94: {  	_ =	swait.eq [sflag:s5], $0x1  }
0x95: {  	[sflag:s5] =	ssyncset.done $0x0  }
0x96: {  	[sflag:s5] =	ssyncadd.s32 $0xFFFFFFFF  }
0x97: {  	s16 =	sld [smem:$0x11];
	(tm) =	ssettm $0x1  }
0x98: {  	s17 =	sld [smem:$0x3FFB];
	_ =	sdelay $0x3  }
0x99: {  	_ =	strace s17  }
0x9a: {  	s5 =	sld [smem:$0x3FFC];
	_ =	sdelay $0x3  }
0x9b: {  	_ =	strace s5  }
0x9c: {  	s5 =	sld [smem:$0x3FFD];
	_ =	sdelay $0x3  }
0x9d: {  	_ =	strace s5  }
0x9e: {  	_ =	strace $0x8FFFFFFF  }
0x9f: {  	s18 =	sld [smem:$0x3FDB];
	_ =	sdelay $0x1  }
0xa0: {  	s19 =	simm.s32 $_scs_section_size  }
0xa1: {  	s7 =	simm.s32 $_size__tile_overlayer_lowered;
	s8 =	simm.s32 $_tile_overlayer_lowered  }
0xa2: {  	s22 =	simm.s32 $0x1BFF;
	s21 =	sshll.u32 s8, $0x1;
	s5 =	sadd.s32 s19, s18  }
0xa3: {  	s9 =	simm.s32 $0x0;
	s20 =	sshll.u32 s7, $0x1;
	s7 =	sadd.s32 s21, s5  }
0xa4: {  	[timem:s9], [sflag:s22] =	dma.local [hbm:s7], s20  }
0xa5: {  	_ =	swait.ge [sflag:s22], s20  }
0xa6: {  	s6 =	ssub.s32 $0x0, s20;
	[sflag:s22] =	ssyncset.done $0x0  }
0xa7: {  	[sflag:s22] =	ssyncadd.s32 s6;
	_ =	sdelay $0x1  }
0xa8: {  	s23 =	simm.s32 $0x1B8B  }
0xa9: {  	_ =	swait.ge [sflag:s23], $0x1  }
0xaa: {  	[sflag:s23] =	ssyncset.done $0x0  }
0xab: {  	s25 =	simm.s32 $0x1B8E;
	s24 =	sld [smem:$0x3FFE];
	[sflag:s23] =	ssyncadd.s32 $0xFFFFFFFF  }
0xac: {  	s26 =	simm.s32 $execute0_lowered;
	[smem:$0x3FD2] =	sst s25  }
0xad: {  	s7 =	sshll.u32 s26, $0x1;
	_ =	strace $0x80000046;
	[dreg:$0x1] =	wrdreg $0xFFFFFFFF  }
0xae: {  	s28 =	simm.s32 $_size_execute0_lowered;
	s5 =	sadd.s32 s5, s7;
	[dreg:$0x0] =	wrdreg $0x0  }
0xaf: {  	s7 =	sshll.u32 s28, $0x1;
	[dreg:$0x2] =	wrdreg s5  }
0xb0: {  	[dreg:$0x3] =	wrdreg s7  }
0xb1: {  	[dreg:$0x4] =	wrdreg $0xC0  }
0xb2: {  	_ =	task [dreg:s9], $0x5FFFF  }
0xb3: {  	[dreg:$0x1] =	wrdreg $0xFFFFFFFF  }
0xb4: {  	[dreg:$0x0] =	wrdreg $0x60  }
0xb5: {  	[dreg:$0x2] =	wrdreg s15  }
0xb6: {  	[dreg:$0x3] =	wrdreg s4  }
0xb7: {  	[dreg:$0x4] =	wrdreg s24  }
0xb8: {  	[dreg:$0x5] =	wrdreg s16  }
0xb9: {  	[dreg:$0x6] =	wrdreg $0xA  }
0xba: {  	_ =	task.clear_ibuf [dreg:s9], $0x7FFFF;
	_ =	strace $0x90000046  }
0xbb: {  	s29 =	simm.s32 $0xA;
	_ =	strace $0x80000048  }
0xbc: {  	_ =	swait.ge [sflag:s29], $0x1  }
0xbd: {  	[sflag:s29] =	ssyncadd.s32 $0xFFFFFFFF  }
0xbe: {  	_ =	strace $0x90000048  }
0xbf: {  	_ =	sfence  }
0xc0: {  	s30 =	sld [smem:$0x0];
	_ =	sdelay $0x2  }
0xc1: {  	s31 =	sshll.u32 s1, $0xD;
	s1 =	sshrl.u32 s1, $0x2  }
0xc2: {  	s3 =	sand.u32 $0x4000, s31;
	s1 =	sadd.s32 s1, s30  }
0xc3: {  	s0 =	sor.u32 s3, s0;
	s1 =	sshll.u32 s1, $0x11  }
0xc4: {  	s0 =	sor.u32 s1, s0  }
0xc5: {  	s0 =	sadd.s32 $0x8F2B, s0  }
0xc6: {  	[sflag:s0] =	ssyncadd.remote.s32 $0x1  }
0xc7: {  	_ =	sfence.sel $0xFFFF  }
0xc8: {  	[dreg:$0x0] =	wrdreg $0xFFFFFFFF;
	(pc) =	sbr.abs _section_cstart, $3  }
0xc9: {  	[dreg:$0x1] =	wrdreg $0xFFFFFFFF  }
0xca: {  	_ =	task.clear_ibuf [dreg:s9], $0x2FFFF;
	_ =	strace $0x9FFFFFFF  }
0xcb: {  	(tm) =	ssettm $0x7FFFFFFF  }
tec
execute0_lowered:
.L_overlay_start_1:
0x0: {  	(tag) =	ssettag $0x1  }
0x1: {  	s3 =	rddreg [dreg:$0x0]  }
0x2: {  	s5 =	rddreg [dreg:$0x1];
	s1 =	srdreg.scid  }
0x3: {  	s12 =	rddreg [dreg:$0x2];
	s0 =	stileid.u32;
	s13 =	sand.u32 $0x1, s1  }
0x4: {  	s14 =	rddreg [dreg:$0x3];
	s4 =	sshll.u32 s0, $0xA;
	s6 =	sshll.u32 s13, $0x9  }
0x5: {  	s2 =	simm.s32 $0x0;
	s1 =	rddreg [dreg:$0x4];
	s15 =	sor.u32 s6, s4  }
0x6: {  	[smem:$0x7FF] =	sst s2;
	s6 =	sshrl.u32 s15, $0x3  }
0x7: {  	_ =	strace $0x80000047;
	s4 =	sadd.s32 s3, s6;
	s3 =	simm.s32 $0x2  }
0x8: {  	[tilespmem:s2], [sflag:$0x2] =	stream.linear.gather [hbm4b:s4+s2], $0x200, $0x38;
	[tilespmem:$0x8400] =	vst v63  }
0x9: {  	_ =	swait.ge [sflag:s3], $0x200  }
0xa: {  	[sflag:s3] =	ssyncset.done $0x0  }
0xb: {  	s5 =	sadd.s32 s5, s6;
	s6 =	simm.s32 $0x200;
	[sflag:s3] =	ssyncadd.s32 $0xFFFFFE00  }
0xc: {  	[tilespmem:s6], [sflag:$0x2] =	stream.linear.gather [hbm4b:s5+s2], $0x200, $0x38;
	[tilespmem:$0x8400] =	vst v63  }
0xd: {  	_ =	swait.ge [sflag:s3], $0x200  }
0xe: {  	[sflag:s3] =	ssyncset.done $0x0  }
0xf: {  	s8 =	simm.s32 $0x400;
	s7 =	sadd.s32 $0x1314C00, s12;
	[sflag:s3] =	ssyncadd.s32 $0xFFFFFE00  }
0x10: {  	[tilespmem:s8], [sflag:$0x1] =	stream.indirect.gather [hbm4b:s7+s6], $0x20, s2, s6, $0xb8;
	[tilespmem:$0x8400] =	vst v63  }
0x11: {  	s10 =	simm.s32 $0x4400;
	s11 =	simm.s32 $0x1;
	s9 =	sadd.s32 $0xF44200, s12  }
0x12: {  	[tilespmem:s10], [sflag:$0x1] =	stream.indirect.gather [hbm4b:s9+s6], $0x20, s6, s6, $0xb8;
	[tilespmem:$0x8400] =	vst v63  }
0x13: {  	_ =	swait.ge [sflag:s11], $0x4000  }
0x14: {  	[sflag:s11] =	ssyncset.done $0x0  }
0x15: {  	s13 =	ssub.s32 $0x2, s13;
	[sflag:s11] =	ssyncadd.s32 $0xFFFFC000  }
0x16: {  	s16 =	sshrl.u32 s13, $0x1;
	s15 =	sshll.u32 s15, $0x2;
	_ =	swait.ge [sflag:s11], $0x4000  }
0x17: {  	s16 =	ssub.s32 s13, s16;
	s12 =	sadd.s32 s15, s12;
	[sflag:s11] =	ssyncset.done $0x0  }
0x18: {  	s31 =	smax.u32 s16, $0x1;
	s12 =	sadd.s32 $0x1E00, s12;
	[sflag:s11] =	ssyncadd.s32 $0xFFFFC000  }
0x19: {  	[hbm4b:s12+s2] =	stream.linear.scatter [tilespmem:s8], [sflag:$0x2], $0x4000, $0x38;
	[tilespmem:$0x8400] =	vst v63  }
0x1a: {  	p0 =	sne.s32 s31, $0x1;
	_ =	swait.ge [sflag:s3], $0x4000  }
.Ltmp0:
0x1b: {  	[sflag:s3] =	ssyncset.done $0x0;
	(pc) =	sbr.rel @!p0 .LBB2_2-.Ltmp0, $4  }
0x1c: {  	s13 =	sadd.s32 s14, s15;
	[sflag:s3] =	ssyncadd.s32 $0xFFFFC000  }
0x1d: {  	[hbm4b:s13+s2] =	stream.linear.scatter [tilespmem:s10], [sflag:$0x2], $0x4000, $0x38;
	[tilespmem:$0x8400] =	vst v63  }
0x1e: {  	_ =	swait.ge [sflag:s3], $0x4000  }
0x1f: {  	s14 =	sadd.s32 $0xFFFFFFFF, s31;
	[sflag:s3] =	ssyncset.done $0x0  }
.LBB2_1:
0x20: {  	p0 =	sne.s32 s14, $0x1;
	s14 =	sadd.s32 $0xFFFFFFFF, s14;
	[sflag:s3] =	ssyncadd.s32 $0xFFFFC000  }
0x21: {  	[tilespmem:s2], [sflag:$0x2] =	stream.linear.gather [hbm4b:s4+s2], $0x200, $0x38;
	[tilespmem:$0x8400] =	vst v63  }
0x22: {  	_ =	swait.ge [sflag:s3], $0x200  }
0x23: {  	[sflag:s3] =	ssyncset.done $0x0  }
0x24: {  	[sflag:s3] =	ssyncadd.s32 $0xFFFFFE00  }
0x25: {  	[tilespmem:s6], [sflag:$0x2] =	stream.linear.gather [hbm4b:s5+s2], $0x200, $0x38;
	[tilespmem:$0x8400] =	vst v63  }
0x26: {  	_ =	swait.ge [sflag:s3], $0x200  }
0x27: {  	[sflag:s3] =	ssyncset.done $0x0  }
0x28: {  	[sflag:s3] =	ssyncadd.s32 $0xFFFFFE00  }
0x29: {  	[tilespmem:s8], [sflag:$0x1] =	stream.indirect.gather [hbm4b:s7+s6], $0x20, s2, s6, $0xb8;
	[tilespmem:$0x8400] =	vst v63  }
0x2a: {  	_ = 	snop  }
0x2b: {  	[tilespmem:s10], [sflag:$0x1] =	stream.indirect.gather [hbm4b:s9+s6], $0x20, s6, s6, $0xb8;
	[tilespmem:$0x8400] =	vst v63  }
0x2c: {  	_ =	swait.ge [sflag:s11], $0x4000  }
0x2d: {  	[sflag:s11] =	ssyncset.done $0x0  }
0x2e: {  	[sflag:s11] =	ssyncadd.s32 $0xFFFFC000  }
0x2f: {  	_ =	swait.ge [sflag:s11], $0x4000  }
0x30: {  	[sflag:s11] =	ssyncset.done $0x0  }
0x31: {  	[sflag:s11] =	ssyncadd.s32 $0xFFFFC000  }
0x32: {  	[hbm4b:s12+s2] =	stream.linear.scatter [tilespmem:s8], [sflag:$0x2], $0x4000, $0x38;
	[tilespmem:$0x8400] =	vst v63  }
0x33: {  	_ =	swait.ge [sflag:s3], $0x4000  }
.Ltmp1:
0x34: {  	[sflag:s3] =	ssyncset.done $0x0;
	(pc) =	sbr.rel @p0 .LBB2_1-.Ltmp1, $4  }
0x35: {  	[sflag:s3] =	ssyncadd.s32 $0xFFFFC000  }
0x36: {  	[hbm4b:s13+s2] =	stream.linear.scatter [tilespmem:s10], [sflag:$0x2], $0x4000, $0x38;
	[tilespmem:$0x8400] =	vst v63  }
0x37: {  	_ =	swait.ge [sflag:s3], $0x4000  }
0x38: {  	[sflag:s3] =	ssyncset.done $0x0  }
.LBB2_2:
0x39: {  	[sflag:s3] =	ssyncadd.s32 $0xFFFFC000  }
0x3a: {  	_ =	sfence.sel $0x180000  }
0x3b: {  	[bflag:$0x0] =	sbarrier.arrive $0xFFFF  }
0x3c: {  	p0 =	sne.s32 s0, $0x0;
	_ =	strace $0x90000047  }
0x3d: {  	s0 =	sadd.s32 @!p0 $0x100000, s1;
	[bflag:$0x2] =	sbarrier.arrive $0xFFFF  }
0x3e: {  	[sflag:s0] =	ssyncadd.tile.s32 @!p0 $0x1;
	_ =	shalt  }
.Lfunc_end2:
_tile_overlayer_lowered:
.L_overlay_start_2:
0x3f: {  	(tag) =	ssettag $0x2  }
0x40: {  	s0 =	rddreg [dreg:$0x0];
	s2 =	stileid.u32  }
0x41: {  	s1 =	rddreg [dreg:$0x1];
	p0 =	sne.s32 s2, $0x0  }
0x42: {  	s3 =	rddreg [dreg:$0x2];
	[bflag:$0x3] =	sbarrier.arrive $0xFFFF;
	s2 =	simm.s32 @!p0 $0x1C02  }
0x43: {  	[timem:s3], [sflag:s2] =	dma.local @!p0 [hbm:s0], s1  }
0x44: {  	s0 =	simm.s32 @!p0 $0x2  }
0x45: {  	_ =	swait.ge @!p0 [sflag:s0], s1  }
0x46: {  	s1 =	ssub.s32 @!p0 $0x0, s1;
	[sflag:s0] =	ssyncset.done @!p0 $0x0  }
0x47: {  	[sflag:s0] =	ssyncadd.s32 @!p0 s1  }
0x48: {  	[bflag:$0x3] =	sbarrier.arrive $0xFFFF  }
0x49: {  	_ =	shalt  }

</sc_bundles>
